<compile_context>
chip_gen: v7x
topology: tpu7x:2x2x1
jax: 0.10.2.dev20260603
libtpu: 0.0.44.dev20260713+nightly
codegen_flags: <defaults>
</compile_context>

<pallas_src>
import functools

import jax
import jax.numpy as jnp
from jax import lax
from jax.experimental import pallas as pl
from jax.experimental.pallas import tpu as pltpu
from jax.experimental.pallas import tpu_sc as plsc

M = 64
N = 64
B = 128
FLAT = M * N
NW = 32
SPW = B // NW
MP = 65
PFLAT = M * MP



def _mm_body(x_ref, w_ref, b_ref, o_ref):
    o_ref[...] = jnp.dot(
        x_ref[...], w_ref[...],
        preferred_element_type=jnp.float32,
    ) + b_ref[...]


def _matmul(x, W, b2d):
    NB = 8
    BN = FLAT // NB
    return pl.pallas_call(
        _mm_body,
        grid=(NB,),
        in_specs=[
            pl.BlockSpec((B, FLAT), lambda n: (0, 0)),
            pl.BlockSpec((FLAT, BN), lambda n: (0, n)),
            pl.BlockSpec((1, BN), lambda n: (0, n)),
        ],
        out_specs=pl.BlockSpec((B, BN), lambda n: (0, n)),
        out_shape=jax.ShapeDtypeStruct((B, FLAT), jnp.float32),
    )(x, W, b2d)



def _ce(ak, av, bk, bv):
    m = ak <= bk
    return (jnp.where(m, ak, bk), jnp.where(m, av, bv),
            jnp.where(m, bk, ak), jnp.where(m, bv, av))


def _mid32(s):
    lok, lov, hik, hiv = _ce(s[0][0], s[0][1], s[1][0], s[1][1])
    a0 = plsc.sort_key_val(lok, lov)
    a1 = plsc.sort_key_val(hik, hiv)
    lok, lov, hik, hiv = _ce(s[2][0], s[2][1], s[3][0], s[3][1])
    bd0 = plsc.sort_key_val(hik, hiv, descending=True)
    bd1 = plsc.sort_key_val(lok, lov, descending=True)
    return (a0, a1, bd0, bd1)


def _last32(mid):
    a0, a1, bd0, bd1 = mid
    l0k, l0v, h0k, h0v = _ce(a0[0], a0[1], bd0[0], bd0[1])
    l1k, l1v, h1k, h1v = _ce(a1[0], a1[1], bd1[0], bd1[1])
    llk, llv, lhk, lhv = _ce(l0k, l0v, l1k, l1v)
    hlk, hlv, hhk, hhv = _ce(h0k, h0v, h1k, h1v)
    outs = [plsc.sort_key_val(llk, llv), plsc.sort_key_val(lhk, lhv),
            plsc.sort_key_val(hlk, hlv), plsc.sort_key_val(hhk, hhv)]
    return [o[1] for o in outs]


def _finish64(s):
    return _last32(_mid32(s))


_SC_SCRATCH = [
    pltpu.VMEM((FLAT,), jnp.float32),
    pltpu.VMEM((FLAT,), jnp.float32),
    pltpu.VMEM((FLAT,), jnp.float32),
    pltpu.VMEM((FLAT,), jnp.float32),
    pltpu.VMEM((PFLAT,), jnp.float32),
    pltpu.VMEM((PFLAT,), jnp.int32),
    pltpu.VMEM((M, MP), jnp.float32),
    pltpu.VMEM((M, MP), jnp.float32),
    pltpu.SemaphoreType.DMA,
    pltpu.SemaphoreType.DMA,
    pltpu.SemaphoreType.DMA,
    pltpu.SemaphoreType.DMA,
]


def _sc_body(o_hbm, in_hbm, out_hbm,
             o_v0, o_v1, in_v0, in_v1, o_p, sx_p, res_p0, res_p1,
             sem_i0, sem_i1, sem_o0, sem_o1):
    wid = lax.axis_index("s") * 2 + lax.axis_index("c")
    iota = lax.iota(jnp.int32, 16)
    iotas = [iota + 16 * c for c in range(4)]
    o_vs = [o_v0, o_v1]
    in_vs = [in_v0, in_v1]
    res_ps = [res_p0, res_p1]
    sem_is = [sem_i0, sem_i1]
    sem_os = [sem_o0, sem_o1]
    s0 = wid * SPW

    def start_in(i, b):
        pltpu.async_copy(o_hbm.at[pl.ds((s0 + i) * FLAT, FLAT)],
                         o_vs[b], sem_is[b])
        pltpu.async_copy(in_hbm.at[pl.ds((s0 + i) * FLAT, FLAT)],
                         in_vs[b], sem_is[b])

    def wait_in(b):
        pltpu.make_async_copy(o_hbm.at[pl.ds(0, FLAT)], o_vs[b],
                              sem_is[b]).wait()
        pltpu.make_async_copy(in_hbm.at[pl.ds(0, FLAT)], in_vs[b],
                              sem_is[b]).wait()

    start_in(0, 0)

    for i in range(SPW):
        b = i % 2
        if i + 1 < SPW:
            start_in(i + 1, 1 - b)
        wait_in(b)
        o_v = o_vs[b]
        in_v = in_vs[b]
        res_p = res_ps[b]
        if i >= 2:
            pltpu.make_async_copy(
                res_p.at[:, pl.ds(0, M)],
                out_hbm.at[pl.ds(0, M)], sem_os[b]).wait()

        def init_row(r):
            ks = [o_v[pl.ds(r * 64 + 16 * c, 16)] for c in range(4)]
            for c in range(4):
                o_p[pl.ds(r * 65 + 16 * c, 16)] = ks[c]
            return tuple(plsc.sort_key_val(ks[c], iotas[c], descending=(c % 2 == 1))
                         for c in range(4))

        def finish_row(r, s):
            perm = _finish64(list(s))
            for c in range(4):
                sx_p[pl.ds(r * 65 + 16 * c, 16)] = perm[c]

        def row_body(r, carry):
            nxt = init_row(r + 1)
            finish_row(r, carry)
            return nxt
        rlast = lax.fori_loop(0, 63, row_body, init_row(0))
        finish_row(63, rlast)

        iota65 = [(iota + 16 * c) * 65 for c in range(4)]

        def init_sorts(j):
            ks = [plsc.load_gather(o_p, [iota65[c] + j]) for c in range(4)]
            return tuple(plsc.sort_key_val(ks[c], iotas[c], descending=(c % 2 == 1))
                         for c in range(4))

        def tail_col(j, mid):
            perm = _last32(mid)
            jv = iota * 0 + j
            for c in range(4):
                cc = plsc.load_gather(sx_p, [perm[c] * 65 + j])
                val = plsc.load_gather(in_v, [perm[c] * 64 + cc])
                plsc.store_scatter(res_p, [iotas[c], jv], val)

        def col_body(j, carry):
            s_next, mid_cur = carry
            s_new = init_sorts(j + 2)
            mid_next = _mid32(s_next)
            tail_col(j, mid_cur)
            return (s_new, mid_next)
        c0 = (init_sorts(1), _mid32(init_sorts(0)))
        s_last, mid_62 = lax.fori_loop(0, 62, col_body, c0)
        tail_col(62, mid_62)
        tail_col(63, _mid32(s_last))

        pltpu.async_copy(res_p.at[:, pl.ds(0, M)],
                         out_hbm.at[pl.ds((s0 + i) * M, M)], sem_os[b])

    for i in (SPW - 2, SPW - 1):
        b = i % 2
        pltpu.make_async_copy(res_ps[b].at[:, pl.ds(0, M)],
                              out_hbm.at[pl.ds(0, M)], sem_os[b]).wait()


_sc_permute = functools.partial(
    pl.kernel,
    out_type=jax.ShapeDtypeStruct((B * M, N), jnp.float32),
    mesh=plsc.VectorSubcoreMesh(
        core_axis_name="c", subcore_axis_name="s", num_cores=2, num_subcores=16),
    compiler_params=pltpu.CompilerParams(
        needs_layout_passes=False, use_tc_tiling_on_sc=False),
    scratch_types=_SC_SCRATCH,
)(_sc_body)


def kernel(input, W, b):
    x = jnp.reshape(input.astype(jnp.float32), (B, FLAT))
    o = _matmul(x, W, jnp.reshape(b, (1, FLAT)))
    res = _sc_permute(jnp.reshape(o, (B * FLAT,)), jnp.reshape(x, (B * FLAT,)))
    return jnp.reshape(res, (B, M, N))

# --- scband reference (transcript-rebuilt; emitter-appended) ---
"""Pipeline reference for scband-flat-nnmatrix-permuter-90615220011247 (READ-ONLY COPY).

The authoritative reference and input builder live on the scoring server;
editing this copy changes nothing except your own understanding.
"""

import jax, jax.numpy as jnp
import numpy as np

M = 64
N = 64
B = 128
FLAT = M * N


def setup_inputs(seed: int = 0) -> dict:
    key = jax.random.key(seed)
    k1, k2, k3 = jax.random.split(key, 3)
    inp = jax.random.normal(k1, (B, M, N), dtype=jnp.float32)
    W = jax.random.normal(k2, (FLAT, FLAT), dtype=jnp.float32) * (1.0 / np.sqrt(FLAT))
    b = jax.random.normal(k3, (FLAT,), dtype=jnp.float32) * 0.01
    return {"input": inp, "W": W, "b": b}


def sort_inputs_by_output_block(inputs, outputs):
    sort_x = jnp.argsort(outputs, axis=-1)
    sort_y = jnp.argsort(outputs, axis=-2)
    inner = jnp.take_along_axis(inputs, sort_x, axis=-1)
    return jnp.take_along_axis(inner, sort_y, axis=-2)


def reference(input, W, b):
    # flatten last two dims, apply vector_function (Linear), reshape back
    flat_input = jnp.reshape(input.astype(jnp.float32), input.shape[:-2] + (-1,))
    forward = flat_input @ W + b
    outputs = jnp.reshape(forward, input.shape)
    return sort_inputs_by_output_block(input, outputs)

if __name__ == "__main__":
    import jax
    _d = setup_inputs()
    print(jax.jit(kernel)(*tuple(_d.values())))

</pallas_src>

<mosaic_0001>
#map = affine_map<(d0, d1) -> (0)>
#map1 = affine_map<(d0, d1) -> (0, 0)>
module attributes {stable_mosaic.version = 14 : i64} {
  func.func @_sc_body(%arg0: i32, %arg1: i32, %arg2: memref<524288xf32, #tpu.memory_space<hbm>>, %arg3: memref<524288xf32, #tpu.memory_space<hbm>>, %arg4: memref<8192x64xf32, #tpu.memory_space<hbm>>, %arg5: memref<4096xf32, #tpu.memory_space<vmem>>, %arg6: memref<4096xf32, #tpu.memory_space<vmem>>, %arg7: memref<4096xf32, #tpu.memory_space<vmem>>, %arg8: memref<4096xf32, #tpu.memory_space<vmem>>, %arg9: memref<4160xf32, #tpu.memory_space<vmem>>, %arg10: memref<4160xi32, #tpu.memory_space<vmem>>, %arg11: memref<64x65xf32, #tpu.memory_space<vmem>>, %arg12: memref<64x65xf32, #tpu.memory_space<vmem>>, %arg13: memref<!tpu.dma_semaphore, #tpu.memory_space<semaphore_mem>>, %arg14: memref<!tpu.dma_semaphore, #tpu.memory_space<semaphore_mem>>, %arg15: memref<!tpu.dma_semaphore, #tpu.memory_space<semaphore_mem>>, %arg16: memref<!tpu.dma_semaphore, #tpu.memory_space<semaphore_mem>>) attributes {dimension_semantics = [#tpu.dimension_semantics<core_parallel>, #tpu.dimension_semantics<subcore_parallel>], iteration_bounds = array<i64: 2, 16>, scalar_prefetch = 0 : i64, scratch_operands = 12 : i64, tpu.core_type = #tpu.core_type<sc_vector_subcore>, window_params = [{transform_indices = #map}, {transform_indices = #map}, {transform_indices = #map1}]} {
    %mul3A = arith.constant 2 : i32
    %mul3A_0 = arith.muli %arg1, %mul3A : i32
    %add3A = arith.addi %mul3A_0, %arg0 : i32
    %iota3A = tpu.iota {dimensions = array<i32: 0>} : vector<16xi32>
    %add3A_1 = arith.constant 0 : i32
    %add3A_2 = vector.broadcast %add3A_1 : i32 to vector<16xi32>
    %add3A_3 = arith.addi %iota3A, %add3A_2 : vector<16xi32>
    %add3A_4 = arith.constant 16 : i32
    %add3A_5 = vector.broadcast %add3A_4 : i32 to vector<16xi32>
    %add3A_6 = arith.addi %iota3A, %add3A_5 : vector<16xi32>
    %add3A_7 = arith.constant 32 : i32
    %add3A_8 = vector.broadcast %add3A_7 : i32 to vector<16xi32>
    %add3A_9 = arith.addi %iota3A, %add3A_8 : vector<16xi32>
    %add3A_10 = arith.constant 48 : i32
    %add3A_11 = vector.broadcast %add3A_10 : i32 to vector<16xi32>
    %add3A_12 = arith.addi %iota3A, %add3A_11 : vector<16xi32>
    %mul3A_13 = arith.constant 4 : i32
    %mul3A_14 = arith.muli %add3A, %mul3A_13 : i32
    %add3A_15 = arith.constant 0 : i32
    %add3A_16 = arith.addi %mul3A_14, %add3A_15 : i32
    %mul3A_17 = arith.constant 4096 : i32
    %mul3A_18 = arith.muli %add3A_16, %mul3A_17 : i32
    %dma_start3A = tpu.memref_slice %arg2[%mul3A_18] : memref<524288xf32, #tpu.memory_space<hbm>> -> memref<4096xf32, #tpu.memory_space<hbm>>
    %dma_start3A_19 = tpu.memref_slice %arg2[%mul3A_18] : memref<524288xf32, #tpu.memory_space<hbm>> -> memref<4096xf32, #tpu.memory_space<hbm>>
    tpu.enqueue_dma source(%dma_start3A_19 : memref<4096xf32, #tpu.memory_space<hbm>>) target(%arg5 : memref<4096xf32, #tpu.memory_space<vmem>>) target_semaphore(%arg13 : memref<!tpu.dma_semaphore, #tpu.memory_space<semaphore_mem>>)
    %add3A_20 = arith.constant 0 : i32
    %add3A_21 = arith.addi %mul3A_14, %add3A_20 : i32
    %mul3A_22 = arith.constant 4096 : i32
    %mul3A_23 = arith.muli %add3A_21, %mul3A_22 : i32
    %dma_start3A_24 = tpu.memref_slice %arg3[%mul3A_23] : memref<524288xf32, #tpu.memory_space<hbm>> -> memref<4096xf32, #tpu.memory_space<hbm>>
    %dma_start3A_25 = tpu.memref_slice %arg3[%mul3A_23] : memref<524288xf32, #tpu.memory_space<hbm>> -> memref<4096xf32, #tpu.memory_space<hbm>>
    tpu.enqueue_dma source(%dma_start3A_25 : memref<4096xf32, #tpu.memory_space<hbm>>) target(%arg7 : memref<4096xf32, #tpu.memory_space<vmem>>) target_semaphore(%arg13 : memref<!tpu.dma_semaphore, #tpu.memory_space<semaphore_mem>>)
    %add3A_26 = arith.constant 1 : i32
    %add3A_27 = arith.addi %mul3A_14, %add3A_26 : i32
    %mul3A_28 = arith.constant 4096 : i32
    %mul3A_29 = arith.muli %add3A_27, %mul3A_28 : i32
    %dma_start3A_30 = tpu.memref_slice %arg2[%mul3A_29] : memref<524288xf32, #tpu.memory_space<hbm>> -> memref<4096xf32, #tpu.memory_space<hbm>>
    %dma_start3A_31 = tpu.memref_slice %arg2[%mul3A_29] : memref<524288xf32, #tpu.memory_space<hbm>> -> memref<4096xf32, #tpu.memory_space<hbm>>
    tpu.enqueue_dma source(%dma_start3A_31 : memref<4096xf32, #tpu.memory_space<hbm>>) target(%arg6 : memref<4096xf32, #tpu.memory_space<vmem>>) target_semaphore(%arg14 : memref<!tpu.dma_semaphore, #tpu.memory_space<semaphore_mem>>)
    %add3A_32 = arith.constant 1 : i32
    %add3A_33 = arith.addi %mul3A_14, %add3A_32 : i32
    %mul3A_34 = arith.constant 4096 : i32
    %mul3A_35 = arith.muli %add3A_33, %mul3A_34 : i32
    %dma_start3A_36 = tpu.memref_slice %arg3[%mul3A_35] : memref<524288xf32, #tpu.memory_space<hbm>> -> memref<4096xf32, #tpu.memory_space<hbm>>
    %dma_start3A_37 = tpu.memref_slice %arg3[%mul3A_35] : memref<524288xf32, #tpu.memory_space<hbm>> -> memref<4096xf32, #tpu.memory_space<hbm>>
    tpu.enqueue_dma source(%dma_start3A_37 : memref<4096xf32, #tpu.memory_space<hbm>>) target(%arg8 : memref<4096xf32, #tpu.memory_space<vmem>>) target_semaphore(%arg14 : memref<!tpu.dma_semaphore, #tpu.memory_space<semaphore_mem>>)
    %dma_wait3A = arith.constant 0 : i32
    %dma_wait3A_38 = tpu.memref_slice %arg2[%dma_wait3A] : memref<524288xf32, #tpu.memory_space<hbm>> -> memref<4096xf32, #tpu.memory_space<hbm>>
    %dma_wait3A_39 = arith.constant 0 : i32
    %dma_wait3A_40 = tpu.memref_slice %arg2[%dma_wait3A_39] : memref<524288xf32, #tpu.memory_space<hbm>> -> memref<4096xf32, #tpu.memory_space<hbm>>
    tpu.wait_dma2 semaphore(%arg13 : memref<!tpu.dma_semaphore, #tpu.memory_space<semaphore_mem>>) src(%dma_wait3A_40 : memref<4096xf32, #tpu.memory_space<hbm>>) dst(%arg5 : memref<4096xf32, #tpu.memory_space<vmem>>)
    %dma_wait3A_41 = arith.constant 0 : i32
    %dma_wait3A_42 = tpu.memref_slice %arg3[%dma_wait3A_41] : memref<524288xf32, #tpu.memory_space<hbm>> -> memref<4096xf32, #tpu.memory_space<hbm>>
    %dma_wait3A_43 = arith.constant 0 : i32
    %dma_wait3A_44 = tpu.memref_slice %arg3[%dma_wait3A_43] : memref<524288xf32, #tpu.memory_space<hbm>> -> memref<4096xf32, #tpu.memory_space<hbm>>
    tpu.wait_dma2 semaphore(%arg13 : memref<!tpu.dma_semaphore, #tpu.memory_space<semaphore_mem>>) src(%dma_wait3A_44 : memref<4096xf32, #tpu.memory_space<hbm>>) dst(%arg7 : memref<4096xf32, #tpu.memory_space<vmem>>)
    %get3A = arith.constant 0 : index
    %get3A_45 = tpu.vector_load %arg5[%get3A] {strides = array<i32>} : memref<4096xf32, #tpu.memory_space<vmem>>, vector<16xf32>,
    %get3A_46 = arith.constant 16 : index
    %get3A_47 = tpu.vector_load %arg5[%get3A_46] {strides = array<i32>} : memref<4096xf32, #tpu.memory_space<vmem>>, vector<16xf32>,
    %get3A_48 = arith.constant 32 : index
    %get3A_49 = tpu.vector_load %arg5[%get3A_48] {strides = array<i32>} : memref<4096xf32, #tpu.memory_space<vmem>>, vector<16xf32>,
    %get3A_50 = arith.constant 48 : index
    %get3A_51 = tpu.vector_load %arg5[%get3A_50] {strides = array<i32>} : memref<4096xf32, #tpu.memory_space<vmem>>, vector<16xf32>,
    %swap3A = arith.constant 0 : index
    %swap3A_52 = tpu.vector_load %arg9[%swap3A] {strides = array<i32>} : memref<4160xf32, #tpu.memory_space<vmem>>, vector<16xf32>,
    tpu.vector_store %arg9[%swap3A], %get3A_45 {strides = array<i32>} : memref<4160xf32, #tpu.memory_space<vmem>>, vector<16xf32>,
    %swap3A_53 = arith.constant 16 : index
    %swap3A_54 = tpu.vector_load %arg9[%swap3A_53] {strides = array<i32>} : memref<4160xf32, #tpu.memory_space<vmem>>, vector<16xf32>,
    tpu.vector_store %arg9[%swap3A_53], %get3A_47 {strides = array<i32>} : memref<4160xf32, #tpu.memory_space<vmem>>, vector<16xf32>,
    %swap3A_55 = arith.constant 32 : index
    %swap3A_56 = tpu.vector_load %arg9[%swap3A_55] {strides = array<i32>} : memref<4160xf32, #tpu.memory_space<vmem>>, vector<16xf32>,
    tpu.vector_store %arg9[%swap3A_55], %get3A_49 {strides = array<i32>} : memref<4160xf32, #tpu.memory_space<vmem>>, vector<16xf32>,
    %swap3A_57 = arith.constant 48 : index
    %swap3A_58 = tpu.vector_load %arg9[%swap3A_57] {strides = array<i32>} : memref<4160xf32, #tpu.memory_space<vmem>>, vector<16xf32>,
    tpu.vector_store %arg9[%swap3A_57], %get3A_51 {strides = array<i32>} : memref<4160xf32, #tpu.memory_space<vmem>>, vector<16xf32>,
    %masked_sort3A = arith.constant dense<true> : vector<16xi1>
    %masked_sort3A_59, %masked_sort3A_60, %masked_sort3A_61 = tpu.sort %get3A_45, %add3A_3 masked %masked_sort3A : (vector<16xf32>, vector<16xi32>, vector<16xi1>) -> (vector<16xi1>, vector<16xf32>, vector<16xi32>)
    %masked_sort3A_62 = arith.constant dense<true> : vector<16xi1>
    %masked_sort3A_63, %masked_sort3A_64, %masked_sort3A_65 = tpu.sort %get3A_47, %add3A_6 masked %masked_sort3A_62 {descending = true} : (vector<16xf32>, vector<16xi32>, vector<16xi1>) -> (vector<16xi1>, vector<16xf32>, vector<16xi32>)
    %masked_sort3A_66 = arith.constant dense<true> : vector<16xi1>
    %masked_sort3A_67, %masked_sort3A_68, %masked_sort3A_69 = tpu.sort %get3A_49, %add3A_9 masked %masked_sort3A_66 : (vector<16xf32>, vector<16xi32>, vector<16xi1>) -> (vector<16xi1>, vector<16xf32>, vector<16xi32>)
    %masked_sort3A_70 = arith.constant dense<true> : vector<16xi1>
    %masked_sort3A_71, %masked_sort3A_72, %masked_sort3A_73 = tpu.sort %get3A_51, %add3A_12 masked %masked_sort3A_70 {descending = true} : (vector<16xf32>, vector<16xi32>, vector<16xi1>) -> (vector<16xi1>, vector<16xf32>, vector<16xi32>)
    %scan3A = arith.constant 0 : i32
    %scan3A_74 = arith.constant 63 : i32
    %scan3A_75 = arith.addi %scan3A, %scan3A_74 : i32
    %scan3A_76 = arith.constant 1 : i32
    %scan3A_77:8 = scf.for %scan3A_1926 = %scan3A to %scan3A_75 step %scan3A_76 iter_args(%scan3A_1927 = %masked_sort3A_60, %scan3A_1928 = %masked_sort3A_61, %scan3A_1929 = %masked_sort3A_64, %scan3A_1930 = %masked_sort3A_65, %scan3A_1931 = %masked_sort3A_68, %scan3A_1932 = %masked_sort3A_69, %scan3A_1933 = %masked_sort3A_72, %scan3A_1934 = %masked_sort3A_73) -> (vector<16xf32>, vector<16xi32>, vector<16xf32>, vector<16xi32>, vector<16xf32>, vector<16xi32>, vector<16xf32>, vector<16xi32>)  : i32 {
      %add3A_1935 = arith.constant 1 : i32
      %add3A_1936 = arith.addi %scan3A_1926, %add3A_1935 : i32
      %mul3A_1937 = arith.constant 64 : i32
      %mul3A_1938 = arith.muli %add3A_1936, %mul3A_1937 : i32
      %add3A_1939 = arith.constant 0 : i32
      %add3A_1940 = arith.addi %mul3A_1938, %add3A_1939 : i32
      %get3A_1941 = arith.index_cast %add3A_1940 : i32 to index
      %get3A_1942 = tpu.vector_load %arg5[%get3A_1941] {strides = array<i32>} : memref<4096xf32, #tpu.memory_space<vmem>>, vector<16xf32>,
      %mul3A_1943 = arith.constant 64 : i32
      %mul3A_1944 = arith.muli %add3A_1936, %mul3A_1943 : i32
      %add3A_1945 = arith.constant 16 : i32
      %add3A_1946 = arith.addi %mul3A_1944, %add3A_1945 : i32
      %get3A_1947 = arith.index_cast %add3A_1946 : i32 to index
      %get3A_1948 = tpu.vector_load %arg5[%get3A_1947] {strides = array<i32>} : memref<4096xf32, #tpu.memory_space<vmem>>, vector<16xf32>,
      %mul3A_1949 = arith.constant 64 : i32
      %mul3A_1950 = arith.muli %add3A_1936, %mul3A_1949 : i32
      %add3A_1951 = arith.constant 32 : i32
      %add3A_1952 = arith.addi %mul3A_1950, %add3A_1951 : i32
      %get3A_1953 = arith.index_cast %add3A_1952 : i32 to index
      %get3A_1954 = tpu.vector_load %arg5[%get3A_1953] {strides = array<i32>} : memref<4096xf32, #tpu.memory_space<vmem>>, vector<16xf32>,
      %mul3A_1955 = arith.constant 64 : i32
      %mul3A_1956 = arith.muli %add3A_1936, %mul3A_1955 : i32
      %add3A_1957 = arith.constant 48 : i32
      %add3A_1958 = arith.addi %mul3A_1956, %add3A_1957 : i32
      %get3A_1959 = arith.index_cast %add3A_1958 : i32 to index
      %get3A_1960 = tpu.vector_load %arg5[%get3A_1959] {strides = array<i32>} : memref<4096xf32, #tpu.memory_space<vmem>>, vector<16xf32>,
      %mul3A_1961 = arith.constant 65 : i32
      %mul3A_1962 = arith.muli %add3A_1936, %mul3A_1961 : i32
      %add3A_1963 = arith.constant 0 : i32
      %add3A_1964 = arith.addi %mul3A_1962, %add3A_1963 : i32
      %swap3A_1965 = arith.index_cast %add3A_1964 : i32 to index
      %swap3A_1966 = tpu.vector_load %arg9[%swap3A_1965] {strides = array<i32>} : memref<4160xf32, #tpu.memory_space<vmem>>, vector<16xf32>,
      tpu.vector_store %arg9[%swap3A_1965], %get3A_1942 {strides = array<i32>} : memref<4160xf32, #tpu.memory_space<vmem>>, vector<16xf32>,
      %mul3A_1967 = arith.constant 65 : i32
      %mul3A_1968 = arith.muli %add3A_1936, %mul3A_1967 : i32
      %add3A_1969 = arith.constant 16 : i32
      %add3A_1970 = arith.addi %mul3A_1968, %add3A_1969 : i32
      %swap3A_1971 = arith.index_cast %add3A_1970 : i32 to index
      %swap3A_1972 = tpu.vector_load %arg9[%swap3A_1971] {strides = array<i32>} : memref<4160xf32, #tpu.memory_space<vmem>>, vector<16xf32>,
      tpu.vector_store %arg9[%swap3A_1971], %get3A_1948 {strides = array<i32>} : memref<4160xf32, #tpu.memory_space<vmem>>, vector<16xf32>,
      %mul3A_1973 = arith.constant 65 : i32
      %mul3A_1974 = arith.muli %add3A_1936, %mul3A_1973 : i32
      %add3A_1975 = arith.constant 32 : i32
      %add3A_1976 = arith.addi %mul3A_1974, %add3A_1975 : i32
      %swap3A_1977 = arith.index_cast %add3A_1976 : i32 to index
      %swap3A_1978 = tpu.vector_load %arg9[%swap3A_1977] {strides = array<i32>} : memref<4160xf32, #tpu.memory_space<vmem>>, vector<16xf32>,
      tpu.vector_store %arg9[%swap3A_1977], %get3A_1954 {strides = array<i32>} : memref<4160xf32, #tpu.memory_space<vmem>>, vector<16xf32>,
      %mul3A_1979 = arith.constant 65 : i32
      %mul3A_1980 = arith.muli %add3A_1936, %mul3A_1979 : i32
      %add3A_1981 = arith.constant 48 : i32
      %add3A_1982 = arith.addi %mul3A_1980, %add3A_1981 : i32
      %swap3A_1983 = arith.index_cast %add3A_1982 : i32 to index
      %swap3A_1984 = tpu.vector_load %arg9[%swap3A_1983] {strides = array<i32>} : memref<4160xf32, #tpu.memory_space<vmem>>, vector<16xf32>,
      tpu.vector_store %arg9[%swap3A_1983], %get3A_1960 {strides = array<i32>} : memref<4160xf32, #tpu.memory_space<vmem>>, vector<16xf32>,
      %masked_sort3A_1985 = arith.constant dense<true> : vector<16xi1>
      %masked_sort3A_1986, %masked_sort3A_1987, %masked_sort3A_1988 = tpu.sort %get3A_1942, %add3A_3 masked %masked_sort3A_1985 : (vector<16xf32>, vector<16xi32>, vector<16xi1>) -> (vector<16xi1>, vector<16xf32>, vector<16xi32>)
      %masked_sort3A_1989 = arith.constant dense<true> : vector<16xi1>
      %masked_sort3A_1990, %masked_sort3A_1991, %masked_sort3A_1992 = tpu.sort %get3A_1948, %add3A_6 masked %masked_sort3A_1989 {descending = true} : (vector<16xf32>, vector<16xi32>, vector<16xi1>) -> (vector<16xi1>, vector<16xf32>, vector<16xi32>)
      %masked_sort3A_1993 = arith.constant dense<true> : vector<16xi1>
      %masked_sort3A_1994, %masked_sort3A_1995, %masked_sort3A_1996 = tpu.sort %get3A_1954, %add3A_9 masked %masked_sort3A_1993 : (vector<16xf32>, vector<16xi32>, vector<16xi1>) -> (vector<16xi1>, vector<16xf32>, vector<16xi32>)
      %masked_sort3A_1997 = arith.constant dense<true> : vector<16xi1>
      %masked_sort3A_1998, %masked_sort3A_1999, %masked_sort3A_2000 = tpu.sort %get3A_1960, %add3A_12 masked %masked_sort3A_1997 {descending = true} : (vector<16xf32>, vector<16xi32>, vector<16xi1>) -> (vector<16xi1>, vector<16xf32>, vector<16xi32>)
      %le3A_2001 = arith.cmpf ole, %scan3A_1927, %scan3A_1929 : vector<16xf32>
      %select_n3A_2002 = arith.select %le3A_2001, %scan3A_1927, %scan3A_1929 : vector<16xi1>, vector<16xf32>
      %select_n3A_2003 = arith.select %le3A_2001, %scan3A_1928, %scan3A_1930 : vector<16xi1>, vector<16xi32>
      %select_n3A_2004 = arith.select %le3A_2001, %scan3A_1929, %scan3A_1927 : vector<16xi1>, vector<16xf32>
      %select_n3A_2005 = arith.select %le3A_2001, %scan3A_1930, %scan3A_1928 : vector<16xi1>, vector<16xi32>
      %masked_sort3A_2006 = arith.constant dense<true> : vector<16xi1>
      %masked_sort3A_2007, %masked_sort3A_2008, %masked_sort3A_2009 = tpu.sort %select_n3A_2002, %select_n3A_2003 masked %masked_sort3A_2006 : (vector<16xf32>, vector<16xi32>, vector<16xi1>) -> (vector<16xi1>, vector<16xf32>, vector<16xi32>)
      %masked_sort3A_2010 = arith.constant dense<true> : vector<16xi1>
      %masked_sort3A_2011, %masked_sort3A_2012, %masked_sort3A_2013 = tpu.sort %select_n3A_2004, %select_n3A_2005 masked %masked_sort3A_2010 : (vector<16xf32>, vector<16xi32>, vector<16xi1>) -> (vector<16xi1>, vector<16xf32>, vector<16xi32>)
      %le3A_2014 = arith.cmpf ole, %scan3A_1931, %scan3A_1933 : vector<16xf32>
      %select_n3A_2015 = arith.select %le3A_2014, %scan3A_1931, %scan3A_1933 : vector<16xi1>, vector<16xf32>
      %select_n3A_2016 = arith.select %le3A_2014, %scan3A_1932, %scan3A_1934 : vector<16xi1>, vector<16xi32>
      %select_n3A_2017 = arith.select %le3A_2014, %scan3A_1933, %scan3A_1931 : vector<16xi1>, vector<16xf32>
      %select_n3A_2018 = arith.select %le3A_2014, %scan3A_1934, %scan3A_1932 : vector<16xi1>, vector<16xi32>
      %masked_sort3A_2019 = arith.constant dense<true> : vector<16xi1>
      %masked_sort3A_2020, %masked_sort3A_2021, %masked_sort3A_2022 = tpu.sort %select_n3A_2017, %select_n3A_2018 masked %masked_sort3A_2019 {descending = true} : (vector<16xf32>, vector<16xi32>, vector<16xi1>) -> (vector<16xi1>, vector<16xf32>, vector<16xi32>)
      %masked_sort3A_2023 = arith.constant dense<true> : vector<16xi1>
      %masked_sort3A_2024, %masked_sort3A_2025, %masked_sort3A_2026 = tpu.sort %select_n3A_2015, %select_n3A_2016 masked %masked_sort3A_2023 {descending = true} : (vector<16xf32>, vector<16xi32>, vector<16xi1>) -> (vector<16xi1>, vector<16xf32>, vector<16xi32>)
      %le3A_2027 = arith.cmpf ole, %masked_sort3A_2008, %masked_sort3A_2021 : vector<16xf32>
      %select_n3A_2028 = arith.select %le3A_2027, %masked_sort3A_2008, %masked_sort3A_2021 : vector<16xi1>, vector<16xf32>
      %select_n3A_2029 = arith.select %le3A_2027, %masked_sort3A_2009, %masked_sort3A_2022 : vector<16xi1>, vector<16xi32>
      %select_n3A_2030 = arith.select %le3A_2027, %masked_sort3A_2021, %masked_sort3A_2008 : vector<16xi1>, vector<16xf32>
      %select_n3A_2031 = arith.select %le3A_2027, %masked_sort3A_2022, %masked_sort3A_2009 : vector<16xi1>, vector<16xi32>
      %le3A_2032 = arith.cmpf ole, %masked_sort3A_2012, %masked_sort3A_2025 : vector<16xf32>
      %select_n3A_2033 = arith.select %le3A_2032, %masked_sort3A_2012, %masked_sort3A_2025 : vector<16xi1>, vector<16xf32>
      %select_n3A_2034 = arith.select %le3A_2032, %masked_sort3A_2013, %masked_sort3A_2026 : vector<16xi1>, vector<16xi32>
      %select_n3A_2035 = arith.select %le3A_2032, %masked_sort3A_2025, %masked_sort3A_2012 : vector<16xi1>, vector<16xf32>
      %select_n3A_2036 = arith.select %le3A_2032, %masked_sort3A_2026, %masked_sort3A_2013 : vector<16xi1>, vector<16xi32>
      %le3A_2037 = arith.cmpf ole, %select_n3A_2028, %select_n3A_2033 : vector<16xf32>
      %select_n3A_2038 = arith.select %le3A_2037, %select_n3A_2028, %select_n3A_2033 : vector<16xi1>, vector<16xf32>
      %select_n3A_2039 = arith.select %le3A_2037, %select_n3A_2029, %select_n3A_2034 : vector<16xi1>, vector<16xi32>
      %select_n3A_2040 = arith.select %le3A_2037, %select_n3A_2033, %select_n3A_2028 : vector<16xi1>, vector<16xf32>
      %select_n3A_2041 = arith.select %le3A_2037, %select_n3A_2034, %select_n3A_2029 : vector<16xi1>, vector<16xi32>
      %le3A_2042 = arith.cmpf ole, %select_n3A_2030, %select_n3A_2035 : vector<16xf32>
      %select_n3A_2043 = arith.select %le3A_2042, %select_n3A_2030, %select_n3A_2035 : vector<16xi1>, vector<16xf32>
      %select_n3A_2044 = arith.select %le3A_2042, %select_n3A_2031, %select_n3A_2036 : vector<16xi1>, vector<16xi32>
      %select_n3A_2045 = arith.select %le3A_2042, %select_n3A_2035, %select_n3A_2030 : vector<16xi1>, vector<16xf32>
      %select_n3A_2046 = arith.select %le3A_2042, %select_n3A_2036, %select_n3A_2031 : vector<16xi1>, vector<16xi32>
      %masked_sort3A_2047 = arith.constant dense<true> : vector<16xi1>
      %masked_sort3A_2048, %masked_sort3A_2049, %masked_sort3A_2050 = tpu.sort %select_n3A_2038, %select_n3A_2039 masked %masked_sort3A_2047 : (vector<16xf32>, vector<16xi32>, vector<16xi1>) -> (vector<16xi1>, vector<16xf32>, vector<16xi32>)
      %masked_sort3A_2051 = arith.constant dense<true> : vector<16xi1>
      %masked_sort3A_2052, %masked_sort3A_2053, %masked_sort3A_2054 = tpu.sort %select_n3A_2040, %select_n3A_2041 masked %masked_sort3A_2051 : (vector<16xf32>, vector<16xi32>, vector<16xi1>) -> (vector<16xi1>, vector<16xf32>, vector<16xi32>)
      %masked_sort3A_2055 = arith.constant dense<true> : vector<16xi1>
      %masked_sort3A_2056, %masked_sort3A_2057, %masked_sort3A_2058 = tpu.sort %select_n3A_2043, %select_n3A_2044 masked %masked_sort3A_2055 : (vector<16xf32>, vector<16xi32>, vector<16xi1>) -> (vector<16xi1>, vector<16xf32>, vector<16xi32>)
      %masked_sort3A_2059 = arith.constant dense<true> : vector<16xi1>
      %masked_sort3A_2060, %masked_sort3A_2061, %masked_sort3A_2062 = tpu.sort %select_n3A_2045, %select_n3A_2046 masked %masked_sort3A_2059 : (vector<16xf32>, vector<16xi32>, vector<16xi1>) -> (vector<16xi1>, vector<16xf32>, vector<16xi32>)
      %mul3A_2063 = arith.constant 65 : i32
      %mul3A_2064 = arith.muli %scan3A_1926, %mul3A_2063 : i32
      %add3A_2065 = arith.constant 0 : i32
      %add3A_2066 = arith.addi %mul3A_2064, %add3A_2065 : i32
      %swap3A_2067 = arith.index_cast %add3A_2066 : i32 to index
      %swap3A_2068 = tpu.vector_load %arg10[%swap3A_2067] {strides = array<i32>} : memref<4160xi32, #tpu.memory_space<vmem>>, vector<16xi32>,
      tpu.vector_store %arg10[%swap3A_2067], %masked_sort3A_2050 {strides = array<i32>} : memref<4160xi32, #tpu.memory_space<vmem>>, vector<16xi32>,
      %mul3A_2069 = arith.constant 65 : i32
      %mul3A_2070 = arith.muli %scan3A_1926, %mul3A_2069 : i32
      %add3A_2071 = arith.constant 16 : i32
      %add3A_2072 = arith.addi %mul3A_2070, %add3A_2071 : i32
      %swap3A_2073 = arith.index_cast %add3A_2072 : i32 to index
      %swap3A_2074 = tpu.vector_load %arg10[%swap3A_2073] {strides = array<i32>} : memref<4160xi32, #tpu.memory_space<vmem>>, vector<16xi32>,
      tpu.vector_store %arg10[%swap3A_2073], %masked_sort3A_2054 {strides = array<i32>} : memref<4160xi32, #tpu.memory_space<vmem>>, vector<16xi32>,
      %mul3A_2075 = arith.constant 65 : i32
      %mul3A_2076 = arith.muli %scan3A_1926, %mul3A_2075 : i32
      %add3A_2077 = arith.constant 32 : i32
      %add3A_2078 = arith.addi %mul3A_2076, %add3A_2077 : i32
      %swap3A_2079 = arith.index_cast %add3A_2078 : i32 to index
      %swap3A_2080 = tpu.vector_load %arg10[%swap3A_2079] {strides = array<i32>} : memref<4160xi32, #tpu.memory_space<vmem>>, vector<16xi32>,
      tpu.vector_store %arg10[%swap3A_2079], %masked_sort3A_2058 {strides = array<i32>} : memref<4160xi32, #tpu.memory_space<vmem>>, vector<16xi32>,
      %mul3A_2081 = arith.constant 65 : i32
      %mul3A_2082 = arith.muli %scan3A_1926, %mul3A_2081 : i32
      %add3A_2083 = arith.constant 48 : i32
      %add3A_2084 = arith.addi %mul3A_2082, %add3A_2083 : i32
      %swap3A_2085 = arith.index_cast %add3A_2084 : i32 to index
      %swap3A_2086 = tpu.vector_load %arg10[%swap3A_2085] {strides = array<i32>} : memref<4160xi32, #tpu.memory_space<vmem>>, vector<16xi32>,
      tpu.vector_store %arg10[%swap3A_2085], %masked_sort3A_2062 {strides = array<i32>} : memref<4160xi32, #tpu.memory_space<vmem>>, vector<16xi32>,
      scf.yield %masked_sort3A_1987, %masked_sort3A_1988, %masked_sort3A_1991, %masked_sort3A_1992, %masked_sort3A_1995, %masked_sort3A_1996, %masked_sort3A_1999, %masked_sort3A_2000 : vector<16xf32>, vector<16xi32>, vector<16xf32>, vector<16xi32>, vector<16xf32>, vector<16xi32>, vector<16xf32>, vector<16xi32>
    }
    %scan3A_78 = arith.constant 63 : i32
    %le3A = arith.cmpf ole, %scan3A_77#0, %scan3A_77#2 : vector<16xf32>
    %select_n3A = arith.select %le3A, %scan3A_77#0, %scan3A_77#2 : vector<16xi1>, vector<16xf32>
    %select_n3A_79 = arith.select %le3A, %scan3A_77#1, %scan3A_77#3 : vector<16xi1>, vector<16xi32>
    %select_n3A_80 = arith.select %le3A, %scan3A_77#2, %scan3A_77#0 : vector<16xi1>, vector<16xf32>
    %select_n3A_81 = arith.select %le3A, %scan3A_77#3, %scan3A_77#1 : vector<16xi1>, vector<16xi32>
    %masked_sort3A_82 = arith.constant dense<true> : vector<16xi1>
    %masked_sort3A_83, %masked_sort3A_84, %masked_sort3A_85 = tpu.sort %select_n3A, %select_n3A_79 masked %masked_sort3A_82 : (vector<16xf32>, vector<16xi32>, vector<16xi1>) -> (vector<16xi1>, vector<16xf32>, vector<16xi32>)
    %masked_sort3A_86 = arith.constant dense<true> : vector<16xi1>
    %masked_sort3A_87, %masked_sort3A_88, %masked_sort3A_89 = tpu.sort %select_n3A_80, %select_n3A_81 masked %masked_sort3A_86 : (vector<16xf32>, vector<16xi32>, vector<16xi1>) -> (vector<16xi1>, vector<16xf32>, vector<16xi32>)
    %le3A_90 = arith.cmpf ole, %scan3A_77#4, %scan3A_77#6 : vector<16xf32>
    %select_n3A_91 = arith.select %le3A_90, %scan3A_77#4, %scan3A_77#6 : vector<16xi1>, vector<16xf32>
    %select_n3A_92 = arith.select %le3A_90, %scan3A_77#5, %scan3A_77#7 : vector<16xi1>, vector<16xi32>
    %select_n3A_93 = arith.select %le3A_90, %scan3A_77#6, %scan3A_77#4 : vector<16xi1>, vector<16xf32>
    %select_n3A_94 = arith.select %le3A_90, %scan3A_77#7, %scan3A_77#5 : vector<16xi1>, vector<16xi32>
    %masked_sort3A_95 = arith.constant dense<true> : vector<16xi1>
    %masked_sort3A_96, %masked_sort3A_97, %masked_sort3A_98 = tpu.sort %select_n3A_93, %select_n3A_94 masked %masked_sort3A_95 {descending = true} : (vector<16xf32>, vector<16xi32>, vector<16xi1>) -> (vector<16xi1>, vector<16xf32>, vector<16xi32>)
    %masked_sort3A_99 = arith.constant dense<true> : vector<16xi1>
    %masked_sort3A_100, %masked_sort3A_101, %masked_sort3A_102 = tpu.sort %select_n3A_91, %select_n3A_92 masked %masked_sort3A_99 {descending = true} : (vector<16xf32>, vector<16xi32>, vector<16xi1>) -> (vector<16xi1>, vector<16xf32>, vector<16xi32>)
    %le3A_103 = arith.cmpf ole, %masked_sort3A_84, %masked_sort3A_97 : vector<16xf32>
    %select_n3A_104 = arith.select %le3A_103, %masked_sort3A_84, %masked_sort3A_97 : vector<16xi1>, vector<16xf32>
    %select_n3A_105 = arith.select %le3A_103, %masked_sort3A_85, %masked_sort3A_98 : vector<16xi1>, vector<16xi32>
    %select_n3A_106 = arith.select %le3A_103, %masked_sort3A_97, %masked_sort3A_84 : vector<16xi1>, vector<16xf32>
    %select_n3A_107 = arith.select %le3A_103, %masked_sort3A_98, %masked_sort3A_85 : vector<16xi1>, vector<16xi32>
    %le3A_108 = arith.cmpf ole, %masked_sort3A_88, %masked_sort3A_101 : vector<16xf32>
    %select_n3A_109 = arith.select %le3A_108, %masked_sort3A_88, %masked_sort3A_101 : vector<16xi1>, vector<16xf32>
    %select_n3A_110 = arith.select %le3A_108, %masked_sort3A_89, %masked_sort3A_102 : vector<16xi1>, vector<16xi32>
    %select_n3A_111 = arith.select %le3A_108, %masked_sort3A_101, %masked_sort3A_88 : vector<16xi1>, vector<16xf32>
    %select_n3A_112 = arith.select %le3A_108, %masked_sort3A_102, %masked_sort3A_89 : vector<16xi1>, vector<16xi32>
    %le3A_113 = arith.cmpf ole, %select_n3A_104, %select_n3A_109 : vector<16xf32>
    %select_n3A_114 = arith.select %le3A_113, %select_n3A_104, %select_n3A_109 : vector<16xi1>, vector<16xf32>
    %select_n3A_115 = arith.select %le3A_113, %select_n3A_105, %select_n3A_110 : vector<16xi1>, vector<16xi32>
    %select_n3A_116 = arith.select %le3A_113, %select_n3A_109, %select_n3A_104 : vector<16xi1>, vector<16xf32>
    %select_n3A_117 = arith.select %le3A_113, %select_n3A_110, %select_n3A_105 : vector<16xi1>, vector<16xi32>
    %le3A_118 = arith.cmpf ole, %select_n3A_106, %select_n3A_111 : vector<16xf32>
    %select_n3A_119 = arith.select %le3A_118, %select_n3A_106, %select_n3A_111 : vector<16xi1>, vector<16xf32>
    %select_n3A_120 = arith.select %le3A_118, %select_n3A_107, %select_n3A_112 : vector<16xi1>, vector<16xi32>
    %select_n3A_121 = arith.select %le3A_118, %select_n3A_111, %select_n3A_106 : vector<16xi1>, vector<16xf32>
    %select_n3A_122 = arith.select %le3A_118, %select_n3A_112, %select_n3A_107 : vector<16xi1>, vector<16xi32>
    %masked_sort3A_123 = arith.constant dense<true> : vector<16xi1>
    %masked_sort3A_124, %masked_sort3A_125, %masked_sort3A_126 = tpu.sort %select_n3A_114, %select_n3A_115 masked %masked_sort3A_123 : (vector<16xf32>, vector<16xi32>, vector<16xi1>) -> (vector<16xi1>, vector<16xf32>, vector<16xi32>)
    %masked_sort3A_127 = arith.constant dense<true> : vector<16xi1>
    %masked_sort3A_128, %masked_sort3A_129, %masked_sort3A_130 = tpu.sort %select_n3A_116, %select_n3A_117 masked %masked_sort3A_127 : (vector<16xf32>, vector<16xi32>, vector<16xi1>) -> (vector<16xi1>, vector<16xf32>, vector<16xi32>)
    %masked_sort3A_131 = arith.constant dense<true> : vector<16xi1>
    %masked_sort3A_132, %masked_sort3A_133, %masked_sort3A_134 = tpu.sort %select_n3A_119, %select_n3A_120 masked %masked_sort3A_131 : (vector<16xf32>, vector<16xi32>, vector<16xi1>) -> (vector<16xi1>, vector<16xf32>, vector<16xi32>)
    %masked_sort3A_135 = arith.constant dense<true> : vector<16xi1>
    %masked_sort3A_136, %masked_sort3A_137, %masked_sort3A_138 = tpu.sort %select_n3A_121, %select_n3A_122 masked %masked_sort3A_135 : (vector<16xf32>, vector<16xi32>, vector<16xi1>) -> (vector<16xi1>, vector<16xf32>, vector<16xi32>)
    %swap3A_139 = arith.constant 4095 : index
    %swap3A_140 = tpu.vector_load %arg10[%swap3A_139] {strides = array<i32>} : memref<4160xi32, #tpu.memory_space<vmem>>, vector<16xi32>,
    tpu.vector_store %arg10[%swap3A_139], %masked_sort3A_126 {strides = array<i32>} : memref<4160xi32, #tpu.memory_space<vmem>>, vector<16xi32>,
    %swap3A_141 = arith.constant 4111 : index
    %swap3A_142 = tpu.vector_load %arg10[%swap3A_141] {strides = array<i32>} : memref<4160xi32, #tpu.memory_space<vmem>>, vector<16xi32>,
    tpu.vector_store %arg10[%swap3A_141], %masked_sort3A_130 {strides = array<i32>} : memref<4160xi32, #tpu.memory_space<vmem>>, vector<16xi32>,
    %swap3A_143 = arith.constant 4127 : index
    %swap3A_144 = tpu.vector_load %arg10[%swap3A_143] {strides = array<i32>} : memref<4160xi32, #tpu.memory_space<vmem>>, vector<16xi32>,
    tpu.vector_store %arg10[%swap3A_143], %masked_sort3A_134 {strides = array<i32>} : memref<4160xi32, #tpu.memory_space<vmem>>, vector<16xi32>,
    %swap3A_145 = arith.constant 4143 : index
    %swap3A_146 = tpu.vector_load %arg10[%swap3A_145] {strides = array<i32>} : memref<4160xi32, #tpu.memory_space<vmem>>, vector<16xi32>,
    tpu.vector_store %arg10[%swap3A_145], %masked_sort3A_138 {strides = array<i32>} : memref<4160xi32, #tpu.memory_space<vmem>>, vector<16xi32>,
    %add3A_147 = arith.constant 0 : i32
    %add3A_148 = vector.broadcast %add3A_147 : i32 to vector<16xi32>
    %add3A_149 = arith.addi %iota3A, %add3A_148 : vector<16xi32>
    %mul3A_150 = arith.constant 65 : i32
    %mul3A_151 = vector.broadcast %mul3A_150 : i32 to vector<16xi32>
    %mul3A_152 = arith.muli %add3A_149, %mul3A_151 : vector<16xi32>
    %add3A_153 = arith.constant 16 : i32
    %add3A_154 = vector.broadcast %add3A_153 : i32 to vector<16xi32>
    %add3A_155 = arith.addi %iota3A, %add3A_154 : vector<16xi32>
    %mul3A_156 = arith.constant 65 : i32
    %mul3A_157 = vector.broadcast %mul3A_156 : i32 to vector<16xi32>
    %mul3A_158 = arith.muli %add3A_155, %mul3A_157 : vector<16xi32>
    %add3A_159 = arith.constant 32 : i32
    %add3A_160 = vector.broadcast %add3A_159 : i32 to vector<16xi32>
    %add3A_161 = arith.addi %iota3A, %add3A_160 : vector<16xi32>
    %mul3A_162 = arith.constant 65 : i32
    %mul3A_163 = vector.broadcast %mul3A_162 : i32 to vector<16xi32>
    %mul3A_164 = arith.muli %add3A_161, %mul3A_163 : vector<16xi32>
    %add3A_165 = arith.constant 48 : i32
    %add3A_166 = vector.broadcast %add3A_165 : i32 to vector<16xi32>
    %add3A_167 = arith.addi %iota3A, %add3A_166 : vector<16xi32>
    %mul3A_168 = arith.constant 65 : i32
    %mul3A_169 = vector.broadcast %mul3A_168 : i32 to vector<16xi32>
    %mul3A_170 = arith.muli %add3A_167, %mul3A_169 : vector<16xi32>
    %add3A_171 = arith.constant 1 : i32
    %add3A_172 = vector.broadcast %add3A_171 : i32 to vector<16xi32>
    %add3A_173 = arith.addi %mul3A_152, %add3A_172 : vector<16xi32>
    %gather3A = tpu.vector_load_idx %arg9[%add3A_173] : memref<4160xf32, #tpu.memory_space<vmem>>[vector<16xi32>], vector<16xf32>,
    %add3A_174 = arith.constant 1 : i32
    %add3A_175 = vector.broadcast %add3A_174 : i32 to vector<16xi32>
    %add3A_176 = arith.addi %mul3A_158, %add3A_175 : vector<16xi32>
    %gather3A_177 = tpu.vector_load_idx %arg9[%add3A_176] : memref<4160xf32, #tpu.memory_space<vmem>>[vector<16xi32>], vector<16xf32>,
    %add3A_178 = arith.constant 1 : i32
    %add3A_179 = vector.broadcast %add3A_178 : i32 to vector<16xi32>
    %add3A_180 = arith.addi %mul3A_164, %add3A_179 : vector<16xi32>
    %gather3A_181 = tpu.vector_load_idx %arg9[%add3A_180] : memref<4160xf32, #tpu.memory_space<vmem>>[vector<16xi32>], vector<16xf32>,
    %add3A_182 = arith.constant 1 : i32
    %add3A_183 = vector.broadcast %add3A_182 : i32 to vector<16xi32>
    %add3A_184 = arith.addi %mul3A_170, %add3A_183 : vector<16xi32>
    %gather3A_185 = tpu.vector_load_idx %arg9[%add3A_184] : memref<4160xf32, #tpu.memory_space<vmem>>[vector<16xi32>], vector<16xf32>,
    %masked_sort3A_186 = arith.constant dense<true> : vector<16xi1>
    %masked_sort3A_187, %masked_sort3A_188, %masked_sort3A_189 = tpu.sort %gather3A, %add3A_3 masked %masked_sort3A_186 : (vector<16xf32>, vector<16xi32>, vector<16xi1>) -> (vector<16xi1>, vector<16xf32>, vector<16xi32>)
    %masked_sort3A_190 = arith.constant dense<true> : vector<16xi1>
    %masked_sort3A_191, %masked_sort3A_192, %masked_sort3A_193 = tpu.sort %gather3A_177, %add3A_6 masked %masked_sort3A_190 {descending = true} : (vector<16xf32>, vector<16xi32>, vector<16xi1>) -> (vector<16xi1>, vector<16xf32>, vector<16xi32>)
    %masked_sort3A_194 = arith.constant dense<true> : vector<16xi1>
    %masked_sort3A_195, %masked_sort3A_196, %masked_sort3A_197 = tpu.sort %gather3A_181, %add3A_9 masked %masked_sort3A_194 : (vector<16xf32>, vector<16xi32>, vector<16xi1>) -> (vector<16xi1>, vector<16xf32>, vector<16xi32>)
    %masked_sort3A_198 = arith.constant dense<true> : vector<16xi1>
    %masked_sort3A_199, %masked_sort3A_200, %masked_sort3A_201 = tpu.sort %gather3A_185, %add3A_12 masked %masked_sort3A_198 {descending = true} : (vector<16xf32>, vector<16xi32>, vector<16xi1>) -> (vector<16xi1>, vector<16xf32>, vector<16xi32>)
    %add3A_202 = arith.constant 0 : i32
    %add3A_203 = vector.broadcast %add3A_202 : i32 to vector<16xi32>
    %add3A_204 = arith.addi %mul3A_152, %add3A_203 : vector<16xi32>
    %gather3A_205 = tpu.vector_load_idx %arg9[%add3A_204] : memref<4160xf32, #tpu.memory_space<vmem>>[vector<16xi32>], vector<16xf32>,
    %add3A_206 = arith.constant 0 : i32
    %add3A_207 = vector.broadcast %add3A_206 : i32 to vector<16xi32>
    %add3A_208 = arith.addi %mul3A_158, %add3A_207 : vector<16xi32>
    %gather3A_209 = tpu.vector_load_idx %arg9[%add3A_208] : memref<4160xf32, #tpu.memory_space<vmem>>[vector<16xi32>], vector<16xf32>,
    %add3A_210 = arith.constant 0 : i32
    %add3A_211 = vector.broadcast %add3A_210 : i32 to vector<16xi32>
    %add3A_212 = arith.addi %mul3A_164, %add3A_211 : vector<16xi32>
    %gather3A_213 = tpu.vector_load_idx %arg9[%add3A_212] : memref<4160xf32, #tpu.memory_space<vmem>>[vector<16xi32>], vector<16xf32>,
    %add3A_214 = arith.constant 0 : i32
    %add3A_215 = vector.broadcast %add3A_214 : i32 to vector<16xi32>
    %add3A_216 = arith.addi %mul3A_170, %add3A_215 : vector<16xi32>
    %gather3A_217 = tpu.vector_load_idx %arg9[%add3A_216] : memref<4160xf32, #tpu.memory_space<vmem>>[vector<16xi32>], vector<16xf32>,
    %masked_sort3A_218 = arith.constant dense<true> : vector<16xi1>
    %masked_sort3A_219, %masked_sort3A_220, %masked_sort3A_221 = tpu.sort %gather3A_205, %add3A_3 masked %masked_sort3A_218 : (vector<16xf32>, vector<16xi32>, vector<16xi1>) -> (vector<16xi1>, vector<16xf32>, vector<16xi32>)
    %masked_sort3A_222 = arith.constant dense<true> : vector<16xi1>
    %masked_sort3A_223, %masked_sort3A_224, %masked_sort3A_225 = tpu.sort %gather3A_209, %add3A_6 masked %masked_sort3A_222 {descending = true} : (vector<16xf32>, vector<16xi32>, vector<16xi1>) -> (vector<16xi1>, vector<16xf32>, vector<16xi32>)
    %masked_sort3A_226 = arith.constant dense<true> : vector<16xi1>
    %masked_sort3A_227, %masked_sort3A_228, %masked_sort3A_229 = tpu.sort %gather3A_213, %add3A_9 masked %masked_sort3A_226 : (vector<16xf32>, vector<16xi32>, vector<16xi1>) -> (vector<16xi1>, vector<16xf32>, vector<16xi32>)
    %masked_sort3A_230 = arith.constant dense<true> : vector<16xi1>
    %masked_sort3A_231, %masked_sort3A_232, %masked_sort3A_233 = tpu.sort %gather3A_217, %add3A_12 masked %masked_sort3A_230 {descending = true} : (vector<16xf32>, vector<16xi32>, vector<16xi1>) -> (vector<16xi1>, vector<16xf32>, vector<16xi32>)
    %le3A_234 = arith.cmpf ole, %masked_sort3A_220, %masked_sort3A_224 : vector<16xf32>
    %select_n3A_235 = arith.select %le3A_234, %masked_sort3A_220, %masked_sort3A_224 : vector<16xi1>, vector<16xf32>
    %select_n3A_236 = arith.select %le3A_234, %masked_sort3A_221, %masked_sort3A_225 : vector<16xi1>, vector<16xi32>
    %select_n3A_237 = arith.select %le3A_234, %masked_sort3A_224, %masked_sort3A_220 : vector<16xi1>, vector<16xf32>
    %select_n3A_238 = arith.select %le3A_234, %masked_sort3A_225, %masked_sort3A_221 : vector<16xi1>, vector<16xi32>
    %masked_sort3A_239 = arith.constant dense<true> : vector<16xi1>
    %masked_sort3A_240, %masked_sort3A_241, %masked_sort3A_242 = tpu.sort %select_n3A_235, %select_n3A_236 masked %masked_sort3A_239 : (vector<16xf32>, vector<16xi32>, vector<16xi1>) -> (vector<16xi1>, vector<16xf32>, vector<16xi32>)
    %masked_sort3A_243 = arith.constant dense<true> : vector<16xi1>
    %masked_sort3A_244, %masked_sort3A_245, %masked_sort3A_246 = tpu.sort %select_n3A_237, %select_n3A_238 masked %masked_sort3A_243 : (vector<16xf32>, vector<16xi32>, vector<16xi1>) -> (vector<16xi1>, vector<16xf32>, vector<16xi32>)
    %le3A_247 = arith.cmpf ole, %masked_sort3A_228, %masked_sort3A_232 : vector<16xf32>
    %select_n3A_248 = arith.select %le3A_247, %masked_sort3A_228, %masked_sort3A_232 : vector<16xi1>, vector<16xf32>
    %select_n3A_249 = arith.select %le3A_247, %masked_sort3A_229, %masked_sort3A_233 : vector<16xi1>, vector<16xi32>
    %select_n3A_250 = arith.select %le3A_247, %masked_sort3A_232, %masked_sort3A_228 : vector<16xi1>, vector<16xf32>
    %select_n3A_251 = arith.select %le3A_247, %masked_sort3A_233, %masked_sort3A_229 : vector<16xi1>, vector<16xi32>
    %masked_sort3A_252 = arith.constant dense<true> : vector<16xi1>
    %masked_sort3A_253, %masked_sort3A_254, %masked_sort3A_255 = tpu.sort %select_n3A_250, %select_n3A_251 masked %masked_sort3A_252 {descending = true} : (vector<16xf32>, vector<16xi32>, vector<16xi1>) -> (vector<16xi1>, vector<16xf32>, vector<16xi32>)
    %masked_sort3A_256 = arith.constant dense<true> : vector<16xi1>
    %masked_sort3A_257, %masked_sort3A_258, %masked_sort3A_259 = tpu.sort %select_n3A_248, %select_n3A_249 masked %masked_sort3A_256 {descending = true} : (vector<16xf32>, vector<16xi32>, vector<16xi1>) -> (vector<16xi1>, vector<16xf32>, vector<16xi32>)
    %scan3A_260 = arith.constant 0 : i32
    %scan3A_261 = arith.constant 62 : i32
    %scan3A_262 = arith.addi %scan3A_260, %scan3A_261 : i32
    %scan3A_263 = arith.constant 1 : i32
    %scan3A_264:16 = scf.for %scan3A_1926 = %scan3A_260 to %scan3A_262 step %scan3A_263 iter_args(%scan3A_1927 = %masked_sort3A_188, %scan3A_1928 = %masked_sort3A_189, %scan3A_1929 = %masked_sort3A_192, %scan3A_1930 = %masked_sort3A_193, %scan3A_1931 = %masked_sort3A_196, %scan3A_1932 = %masked_sort3A_197, %scan3A_1933 = %masked_sort3A_200, %scan3A_1934 = %masked_sort3A_201, %scan3A_1935 = %masked_sort3A_241, %scan3A_1936 = %masked_sort3A_242, %scan3A_1937 = %masked_sort3A_245, %scan3A_1938 = %masked_sort3A_246, %scan3A_1939 = %masked_sort3A_254, %scan3A_1940 = %masked_sort3A_255, %scan3A_1941 = %masked_sort3A_258, %scan3A_1942 = %masked_sort3A_259) -> (vector<16xf32>, vector<16xi32>, vector<16xf32>, vector<16xi32>, vector<16xf32>, vector<16xi32>, vector<16xf32>, vector<16xi32>, vector<16xf32>, vector<16xi32>, vector<16xf32>, vector<16xi32>, vector<16xf32>, vector<16xi32>, vector<16xf32>, vector<16xi32>)  : i32 {
      %add3A_1943 = arith.constant 2 : i32
      %add3A_1944 = arith.addi %scan3A_1926, %add3A_1943 : i32
      %add3A_1945 = vector.broadcast %add3A_1944 : i32 to vector<16xi32>
      %add3A_1946 = arith.addi %mul3A_152, %add3A_1945 : vector<16xi32>
      %gather3A_1947 = tpu.vector_load_idx %arg9[%add3A_1946] : memref<4160xf32, #tpu.memory_space<vmem>>[vector<16xi32>], vector<16xf32>,
      %add3A_1948 = vector.broadcast %add3A_1944 : i32 to vector<16xi32>
      %add3A_1949 = arith.addi %mul3A_158, %add3A_1948 : vector<16xi32>
      %gather3A_1950 = tpu.vector_load_idx %arg9[%add3A_1949] : memref<4160xf32, #tpu.memory_space<vmem>>[vector<16xi32>], vector<16xf32>,
      %add3A_1951 = vector.broadcast %add3A_1944 : i32 to vector<16xi32>
      %add3A_1952 = arith.addi %mul3A_164, %add3A_1951 : vector<16xi32>
      %gather3A_1953 = tpu.vector_load_idx %arg9[%add3A_1952] : memref<4160xf32, #tpu.memory_space<vmem>>[vector<16xi32>], vector<16xf32>,
      %add3A_1954 = vector.broadcast %add3A_1944 : i32 to vector<16xi32>
      %add3A_1955 = arith.addi %mul3A_170, %add3A_1954 : vector<16xi32>
      %gather3A_1956 = tpu.vector_load_idx %arg9[%add3A_1955] : memref<4160xf32, #tpu.memory_space<vmem>>[vector<16xi32>], vector<16xf32>,
      %masked_sort3A_1957 = arith.constant dense<true> : vector<16xi1>
      %masked_sort3A_1958, %masked_sort3A_1959, %masked_sort3A_1960 = tpu.sort %gather3A_1947, %add3A_3 masked %masked_sort3A_1957 : (vector<16xf32>, vector<16xi32>, vector<16xi1>) -> (vector<16xi1>, vector<16xf32>, vector<16xi32>)
      %masked_sort3A_1961 = arith.constant dense<true> : vector<16xi1>
      %masked_sort3A_1962, %masked_sort3A_1963, %masked_sort3A_1964 = tpu.sort %gather3A_1950, %add3A_6 masked %masked_sort3A_1961 {descending = true} : (vector<16xf32>, vector<16xi32>, vector<16xi1>) -> (vector<16xi1>, vector<16xf32>, vector<16xi32>)
      %masked_sort3A_1965 = arith.constant dense<true> : vector<16xi1>
      %masked_sort3A_1966, %masked_sort3A_1967, %masked_sort3A_1968 = tpu.sort %gather3A_1953, %add3A_9 masked %masked_sort3A_1965 : (vector<16xf32>, vector<16xi32>, vector<16xi1>) -> (vector<16xi1>, vector<16xf32>, vector<16xi32>)
      %masked_sort3A_1969 = arith.constant dense<true> : vector<16xi1>
      %masked_sort3A_1970, %masked_sort3A_1971, %masked_sort3A_1972 = tpu.sort %gather3A_1956, %add3A_12 masked %masked_sort3A_1969 {descending = true} : (vector<16xf32>, vector<16xi32>, vector<16xi1>) -> (vector<16xi1>, vector<16xf32>, vector<16xi32>)
      %le3A_1973 = arith.cmpf ole, %scan3A_1927, %scan3A_1929 : vector<16xf32>
      %select_n3A_1974 = arith.select %le3A_1973, %scan3A_1927, %scan3A_1929 : vector<16xi1>, vector<16xf32>
      %select_n3A_1975 = arith.select %le3A_1973, %scan3A_1928, %scan3A_1930 : vector<16xi1>, vector<16xi32>
      %select_n3A_1976 = arith.select %le3A_1973, %scan3A_1929, %scan3A_1927 : vector<16xi1>, vector<16xf32>
      %select_n3A_1977 = arith.select %le3A_1973, %scan3A_1930, %scan3A_1928 : vector<16xi1>, vector<16xi32>
      %masked_sort3A_1978 = arith.constant dense<true> : vector<16xi1>
      %masked_sort3A_1979, %masked_sort3A_1980, %masked_sort3A_1981 = tpu.sort %select_n3A_1974, %select_n3A_1975 masked %masked_sort3A_1978 : (vector<16xf32>, vector<16xi32>, vector<16xi1>) -> (vector<16xi1>, vector<16xf32>, vector<16xi32>)
      %masked_sort3A_1982 = arith.constant dense<true> : vector<16xi1>
      %masked_sort3A_1983, %masked_sort3A_1984, %masked_sort3A_1985 = tpu.sort %select_n3A_1976, %select_n3A_1977 masked %masked_sort3A_1982 : (vector<16xf32>, vector<16xi32>, vector<16xi1>) -> (vector<16xi1>, vector<16xf32>, vector<16xi32>)
      %le3A_1986 = arith.cmpf ole, %scan3A_1931, %scan3A_1933 : vector<16xf32>
      %select_n3A_1987 = arith.select %le3A_1986, %scan3A_1931, %scan3A_1933 : vector<16xi1>, vector<16xf32>
      %select_n3A_1988 = arith.select %le3A_1986, %scan3A_1932, %scan3A_1934 : vector<16xi1>, vector<16xi32>
      %select_n3A_1989 = arith.select %le3A_1986, %scan3A_1933, %scan3A_1931 : vector<16xi1>, vector<16xf32>
      %select_n3A_1990 = arith.select %le3A_1986, %scan3A_1934, %scan3A_1932 : vector<16xi1>, vector<16xi32>
      %masked_sort3A_1991 = arith.constant dense<true> : vector<16xi1>
      %masked_sort3A_1992, %masked_sort3A_1993, %masked_sort3A_1994 = tpu.sort %select_n3A_1989, %select_n3A_1990 masked %masked_sort3A_1991 {descending = true} : (vector<16xf32>, vector<16xi32>, vector<16xi1>) -> (vector<16xi1>, vector<16xf32>, vector<16xi32>)
      %masked_sort3A_1995 = arith.constant dense<true> : vector<16xi1>
      %masked_sort3A_1996, %masked_sort3A_1997, %masked_sort3A_1998 = tpu.sort %select_n3A_1987, %select_n3A_1988 masked %masked_sort3A_1995 {descending = true} : (vector<16xf32>, vector<16xi32>, vector<16xi1>) -> (vector<16xi1>, vector<16xf32>, vector<16xi32>)
      %le3A_1999 = arith.cmpf ole, %scan3A_1935, %scan3A_1939 : vector<16xf32>
      %select_n3A_2000 = arith.select %le3A_1999, %scan3A_1935, %scan3A_1939 : vector<16xi1>, vector<16xf32>
      %select_n3A_2001 = arith.select %le3A_1999, %scan3A_1936, %scan3A_1940 : vector<16xi1>, vector<16xi32>
      %select_n3A_2002 = arith.select %le3A_1999, %scan3A_1939, %scan3A_1935 : vector<16xi1>, vector<16xf32>
      %select_n3A_2003 = arith.select %le3A_1999, %scan3A_1940, %scan3A_1936 : vector<16xi1>, vector<16xi32>
      %le3A_2004 = arith.cmpf ole, %scan3A_1937, %scan3A_1941 : vector<16xf32>
      %select_n3A_2005 = arith.select %le3A_2004, %scan3A_1937, %scan3A_1941 : vector<16xi1>, vector<16xf32>
      %select_n3A_2006 = arith.select %le3A_2004, %scan3A_1938, %scan3A_1942 : vector<16xi1>, vector<16xi32>
      %select_n3A_2007 = arith.select %le3A_2004, %scan3A_1941, %scan3A_1937 : vector<16xi1>, vector<16xf32>
      %select_n3A_2008 = arith.select %le3A_2004, %scan3A_1942, %scan3A_1938 : vector<16xi1>, vector<16xi32>
      %le3A_2009 = arith.cmpf ole, %select_n3A_2000, %select_n3A_2005 : vector<16xf32>
      %select_n3A_2010 = arith.select %le3A_2009, %select_n3A_2000, %select_n3A_2005 : vector<16xi1>, vector<16xf32>
      %select_n3A_2011 = arith.select %le3A_2009, %select_n3A_2001, %select_n3A_2006 : vector<16xi1>, vector<16xi32>
      %select_n3A_2012 = arith.select %le3A_2009, %select_n3A_2005, %select_n3A_2000 : vector<16xi1>, vector<16xf32>
      %select_n3A_2013 = arith.select %le3A_2009, %select_n3A_2006, %select_n3A_2001 : vector<16xi1>, vector<16xi32>
      %le3A_2014 = arith.cmpf ole, %select_n3A_2002, %select_n3A_2007 : vector<16xf32>
      %select_n3A_2015 = arith.select %le3A_2014, %select_n3A_2002, %select_n3A_2007 : vector<16xi1>, vector<16xf32>
      %select_n3A_2016 = arith.select %le3A_2014, %select_n3A_2003, %select_n3A_2008 : vector<16xi1>, vector<16xi32>
      %select_n3A_2017 = arith.select %le3A_2014, %select_n3A_2007, %select_n3A_2002 : vector<16xi1>, vector<16xf32>
      %select_n3A_2018 = arith.select %le3A_2014, %select_n3A_2008, %select_n3A_2003 : vector<16xi1>, vector<16xi32>
      %masked_sort3A_2019 = arith.constant dense<true> : vector<16xi1>
      %masked_sort3A_2020, %masked_sort3A_2021, %masked_sort3A_2022 = tpu.sort %select_n3A_2010, %select_n3A_2011 masked %masked_sort3A_2019 : (vector<16xf32>, vector<16xi32>, vector<16xi1>) -> (vector<16xi1>, vector<16xf32>, vector<16xi32>)
      %masked_sort3A_2023 = arith.constant dense<true> : vector<16xi1>
      %masked_sort3A_2024, %masked_sort3A_2025, %masked_sort3A_2026 = tpu.sort %select_n3A_2012, %select_n3A_2013 masked %masked_sort3A_2023 : (vector<16xf32>, vector<16xi32>, vector<16xi1>) -> (vector<16xi1>, vector<16xf32>, vector<16xi32>)
      %masked_sort3A_2027 = arith.constant dense<true> : vector<16xi1>
      %masked_sort3A_2028, %masked_sort3A_2029, %masked_sort3A_2030 = tpu.sort %select_n3A_2015, %select_n3A_2016 masked %masked_sort3A_2027 : (vector<16xf32>, vector<16xi32>, vector<16xi1>) -> (vector<16xi1>, vector<16xf32>, vector<16xi32>)
      %masked_sort3A_2031 = arith.constant dense<true> : vector<16xi1>
      %masked_sort3A_2032, %masked_sort3A_2033, %masked_sort3A_2034 = tpu.sort %select_n3A_2017, %select_n3A_2018 masked %masked_sort3A_2031 : (vector<16xf32>, vector<16xi32>, vector<16xi1>) -> (vector<16xi1>, vector<16xf32>, vector<16xi32>)
      %mul3A_2035 = arith.constant 0 : i32
      %mul3A_2036 = vector.broadcast %mul3A_2035 : i32 to vector<16xi32>
      %mul3A_2037 = arith.muli %iota3A, %mul3A_2036 : vector<16xi32>
      %add3A_2038 = vector.broadcast %scan3A_1926 : i32 to vector<16xi32>
      %add3A_2039 = arith.addi %mul3A_2037, %add3A_2038 : vector<16xi32>
      %mul3A_2040 = arith.constant 65 : i32
      %mul3A_2041 = vector.broadcast %mul3A_2040 : i32 to vector<16xi32>
      %mul3A_2042 = arith.muli %masked_sort3A_2022, %mul3A_2041 : vector<16xi32>
      %add3A_2043 = vector.broadcast %scan3A_1926 : i32 to vector<16xi32>
      %add3A_2044 = arith.addi %mul3A_2042, %add3A_2043 : vector<16xi32>
      %gather3A_2045 = tpu.vector_load_idx %arg10[%add3A_2044] : memref<4160xi32, #tpu.memory_space<vmem>>[vector<16xi32>], vector<16xi32>,
      %mul3A_2046 = arith.constant 64 : i32
      %mul3A_2047 = vector.broadcast %mul3A_2046 : i32 to vector<16xi32>
      %mul3A_2048 = arith.muli %masked_sort3A_2022, %mul3A_2047 : vector<16xi32>
      %add3A_2049 = arith.addi %mul3A_2048, %gather3A_2045 : vector<16xi32>
      %gather3A_2050 = tpu.vector_load_idx %arg7[%add3A_2049] : memref<4096xf32, #tpu.memory_space<vmem>>[vector<16xi32>], vector<16xf32>,
      tpu.vector_store_idx %arg11[%add3A_3, %add3A_2039], %gather3A_2050 : memref<64x65xf32, #tpu.memory_space<vmem>>[vector<16xi32>, vector<16xi32>], vector<16xf32>,
      %mul3A_2051 = arith.constant 65 : i32
      %mul3A_2052 = vector.broadcast %mul3A_2051 : i32 to vector<16xi32>
      %mul3A_2053 = arith.muli %masked_sort3A_2026, %mul3A_2052 : vector<16xi32>
      %add3A_2054 = vector.broadcast %scan3A_1926 : i32 to vector<16xi32>
      %add3A_2055 = arith.addi %mul3A_2053, %add3A_2054 : vector<16xi32>
      %gather3A_2056 = tpu.vector_load_idx %arg10[%add3A_2055] : memref<4160xi32, #tpu.memory_space<vmem>>[vector<16xi32>], vector<16xi32>,
      %mul3A_2057 = arith.constant 64 : i32
      %mul3A_2058 = vector.broadcast %mul3A_2057 : i32 to vector<16xi32>
      %mul3A_2059 = arith.muli %masked_sort3A_2026, %mul3A_2058 : vector<16xi32>
      %add3A_2060 = arith.addi %mul3A_2059, %gather3A_2056 : vector<16xi32>
      %gather3A_2061 = tpu.vector_load_idx %arg7[%add3A_2060] : memref<4096xf32, #tpu.memory_space<vmem>>[vector<16xi32>], vector<16xf32>,
      tpu.vector_store_idx %arg11[%add3A_6, %add3A_2039], %gather3A_2061 : memref<64x65xf32, #tpu.memory_space<vmem>>[vector<16xi32>, vector<16xi32>], vector<16xf32>,
      %mul3A_2062 = arith.constant 65 : i32
      %mul3A_2063 = vector.broadcast %mul3A_2062 : i32 to vector<16xi32>
      %mul3A_2064 = arith.muli %masked_sort3A_2030, %mul3A_2063 : vector<16xi32>
      %add3A_2065 = vector.broadcast %scan3A_1926 : i32 to vector<16xi32>
      %add3A_2066 = arith.addi %mul3A_2064, %add3A_2065 : vector<16xi32>
      %gather3A_2067 = tpu.vector_load_idx %arg10[%add3A_2066] : memref<4160xi32, #tpu.memory_space<vmem>>[vector<16xi32>], vector<16xi32>,
      %mul3A_2068 = arith.constant 64 : i32
      %mul3A_2069 = vector.broadcast %mul3A_2068 : i32 to vector<16xi32>
      %mul3A_2070 = arith.muli %masked_sort3A_2030, %mul3A_2069 : vector<16xi32>
      %add3A_2071 = arith.addi %mul3A_2070, %gather3A_2067 : vector<16xi32>
      %gather3A_2072 = tpu.vector_load_idx %arg7[%add3A_2071] : memref<4096xf32, #tpu.memory_space<vmem>>[vector<16xi32>], vector<16xf32>,
      tpu.vector_store_idx %arg11[%add3A_9, %add3A_2039], %gather3A_2072 : memref<64x65xf32, #tpu.memory_space<vmem>>[vector<16xi32>, vector<16xi32>], vector<16xf32>,
      %mul3A_2073 = arith.constant 65 : i32
      %mul3A_2074 = vector.broadcast %mul3A_2073 : i32 to vector<16xi32>
      %mul3A_2075 = arith.muli %masked_sort3A_2034, %mul3A_2074 : vector<16xi32>
      %add3A_2076 = vector.broadcast %scan3A_1926 : i32 to vector<16xi32>
      %add3A_2077 = arith.addi %mul3A_2075, %add3A_2076 : vector<16xi32>
      %gather3A_2078 = tpu.vector_load_idx %arg10[%add3A_2077] : memref<4160xi32, #tpu.memory_space<vmem>>[vector<16xi32>], vector<16xi32>,
      %mul3A_2079 = arith.constant 64 : i32
      %mul3A_2080 = vector.broadcast %mul3A_2079 : i32 to vector<16xi32>
      %mul3A_2081 = arith.muli %masked_sort3A_2034, %mul3A_2080 : vector<16xi32>
      %add3A_2082 = arith.addi %mul3A_2081, %gather3A_2078 : vector<16xi32>
      %gather3A_2083 = tpu.vector_load_idx %arg7[%add3A_2082] : memref<4096xf32, #tpu.memory_space<vmem>>[vector<16xi32>], vector<16xf32>,
      tpu.vector_store_idx %arg11[%add3A_12, %add3A_2039], %gather3A_2083 : memref<64x65xf32, #tpu.memory_space<vmem>>[vector<16xi32>, vector<16xi32>], vector<16xf32>,
      scf.yield %masked_sort3A_1959, %masked_sort3A_1960, %masked_sort3A_1963, %masked_sort3A_1964, %masked_sort3A_1967, %masked_sort3A_1968, %masked_sort3A_1971, %masked_sort3A_1972, %masked_sort3A_1980, %masked_sort3A_1981, %masked_sort3A_1984, %masked_sort3A_1985, %masked_sort3A_1993, %masked_sort3A_1994, %masked_sort3A_1997, %masked_sort3A_1998 : vector<16xf32>, vector<16xi32>, vector<16xf32>, vector<16xi32>, vector<16xf32>, vector<16xi32>, vector<16xf32>, vector<16xi32>, vector<16xf32>, vector<16xi32>, vector<16xf32>, vector<16xi32>, vector<16xf32>, vector<16xi32>, vector<16xf32>, vector<16xi32>
    }
    %scan3A_265 = arith.constant 62 : i32
    %le3A_266 = arith.cmpf ole, %scan3A_264#8, %scan3A_264#12 : vector<16xf32>
    %select_n3A_267 = arith.select %le3A_266, %scan3A_264#8, %scan3A_264#12 : vector<16xi1>, vector<16xf32>
    %select_n3A_268 = arith.select %le3A_266, %scan3A_264#9, %scan3A_264#13 : vector<16xi1>, vector<16xi32>
    %select_n3A_269 = arith.select %le3A_266, %scan3A_264#12, %scan3A_264#8 : vector<16xi1>, vector<16xf32>
    %select_n3A_270 = arith.select %le3A_266, %scan3A_264#13, %scan3A_264#9 : vector<16xi1>, vector<16xi32>
    %le3A_271 = arith.cmpf ole, %scan3A_264#10, %scan3A_264#14 : vector<16xf32>
    %select_n3A_272 = arith.select %le3A_271, %scan3A_264#10, %scan3A_264#14 : vector<16xi1>, vector<16xf32>
    %select_n3A_273 = arith.select %le3A_271, %scan3A_264#11, %scan3A_264#15 : vector<16xi1>, vector<16xi32>
    %select_n3A_274 = arith.select %le3A_271, %scan3A_264#14, %scan3A_264#10 : vector<16xi1>, vector<16xf32>
    %select_n3A_275 = arith.select %le3A_271, %scan3A_264#15, %scan3A_264#11 : vector<16xi1>, vector<16xi32>
    %le3A_276 = arith.cmpf ole, %select_n3A_267, %select_n3A_272 : vector<16xf32>
    %select_n3A_277 = arith.select %le3A_276, %select_n3A_267, %select_n3A_272 : vector<16xi1>, vector<16xf32>
    %select_n3A_278 = arith.select %le3A_276, %select_n3A_268, %select_n3A_273 : vector<16xi1>, vector<16xi32>
    %select_n3A_279 = arith.select %le3A_276, %select_n3A_272, %select_n3A_267 : vector<16xi1>, vector<16xf32>
    %select_n3A_280 = arith.select %le3A_276, %select_n3A_273, %select_n3A_268 : vector<16xi1>, vector<16xi32>
    %le3A_281 = arith.cmpf ole, %select_n3A_269, %select_n3A_274 : vector<16xf32>
    %select_n3A_282 = arith.select %le3A_281, %select_n3A_269, %select_n3A_274 : vector<16xi1>, vector<16xf32>
    %select_n3A_283 = arith.select %le3A_281, %select_n3A_270, %select_n3A_275 : vector<16xi1>, vector<16xi32>
    %select_n3A_284 = arith.select %le3A_281, %select_n3A_274, %select_n3A_269 : vector<16xi1>, vector<16xf32>
    %select_n3A_285 = arith.select %le3A_281, %select_n3A_275, %select_n3A_270 : vector<16xi1>, vector<16xi32>
    %masked_sort3A_286 = arith.constant dense<true> : vector<16xi1>
    %masked_sort3A_287, %masked_sort3A_288, %masked_sort3A_289 = tpu.sort %select_n3A_277, %select_n3A_278 masked %masked_sort3A_286 : (vector<16xf32>, vector<16xi32>, vector<16xi1>) -> (vector<16xi1>, vector<16xf32>, vector<16xi32>)
    %masked_sort3A_290 = arith.constant dense<true> : vector<16xi1>
    %masked_sort3A_291, %masked_sort3A_292, %masked_sort3A_293 = tpu.sort %select_n3A_279, %select_n3A_280 masked %masked_sort3A_290 : (vector<16xf32>, vector<16xi32>, vector<16xi1>) -> (vector<16xi1>, vector<16xf32>, vector<16xi32>)
    %masked_sort3A_294 = arith.constant dense<true> : vector<16xi1>
    %masked_sort3A_295, %masked_sort3A_296, %masked_sort3A_297 = tpu.sort %select_n3A_282, %select_n3A_283 masked %masked_sort3A_294 : (vector<16xf32>, vector<16xi32>, vector<16xi1>) -> (vector<16xi1>, vector<16xf32>, vector<16xi32>)
    %masked_sort3A_298 = arith.constant dense<true> : vector<16xi1>
    %masked_sort3A_299, %masked_sort3A_300, %masked_sort3A_301 = tpu.sort %select_n3A_284, %select_n3A_285 masked %masked_sort3A_298 : (vector<16xf32>, vector<16xi32>, vector<16xi1>) -> (vector<16xi1>, vector<16xf32>, vector<16xi32>)
    %mul3A_302 = arith.constant 0 : i32
    %mul3A_303 = vector.broadcast %mul3A_302 : i32 to vector<16xi32>
    %mul3A_304 = arith.muli %iota3A, %mul3A_303 : vector<16xi32>
    %add3A_305 = arith.constant 62 : i32
    %add3A_306 = vector.broadcast %add3A_305 : i32 to vector<16xi32>
    %add3A_307 = arith.addi %mul3A_304, %add3A_306 : vector<16xi32>
    %mul3A_308 = arith.constant 65 : i32
    %mul3A_309 = vector.broadcast %mul3A_308 : i32 to vector<16xi32>
    %mul3A_310 = arith.muli %masked_sort3A_289, %mul3A_309 : vector<16xi32>
    %add3A_311 = arith.constant 62 : i32
    %add3A_312 = vector.broadcast %add3A_311 : i32 to vector<16xi32>
    %add3A_313 = arith.addi %mul3A_310, %add3A_312 : vector<16xi32>
    %gather3A_314 = tpu.vector_load_idx %arg10[%add3A_313] : memref<4160xi32, #tpu.memory_space<vmem>>[vector<16xi32>], vector<16xi32>,
    %mul3A_315 = arith.constant 64 : i32
    %mul3A_316 = vector.broadcast %mul3A_315 : i32 to vector<16xi32>
    %mul3A_317 = arith.muli %masked_sort3A_289, %mul3A_316 : vector<16xi32>
    %add3A_318 = arith.addi %mul3A_317, %gather3A_314 : vector<16xi32>
    %gather3A_319 = tpu.vector_load_idx %arg7[%add3A_318] : memref<4096xf32, #tpu.memory_space<vmem>>[vector<16xi32>], vector<16xf32>,
    tpu.vector_store_idx %arg11[%add3A_3, %add3A_307], %gather3A_319 : memref<64x65xf32, #tpu.memory_space<vmem>>[vector<16xi32>, vector<16xi32>], vector<16xf32>,
    %mul3A_320 = arith.constant 65 : i32
    %mul3A_321 = vector.broadcast %mul3A_320 : i32 to vector<16xi32>
    %mul3A_322 = arith.muli %masked_sort3A_293, %mul3A_321 : vector<16xi32>
    %add3A_323 = arith.constant 62 : i32
    %add3A_324 = vector.broadcast %add3A_323 : i32 to vector<16xi32>
    %add3A_325 = arith.addi %mul3A_322, %add3A_324 : vector<16xi32>
    %gather3A_326 = tpu.vector_load_idx %arg10[%add3A_325] : memref<4160xi32, #tpu.memory_space<vmem>>[vector<16xi32>], vector<16xi32>,
    %mul3A_327 = arith.constant 64 : i32
    %mul3A_328 = vector.broadcast %mul3A_327 : i32 to vector<16xi32>
    %mul3A_329 = arith.muli %masked_sort3A_293, %mul3A_328 : vector<16xi32>
    %add3A_330 = arith.addi %mul3A_329, %gather3A_326 : vector<16xi32>
    %gather3A_331 = tpu.vector_load_idx %arg7[%add3A_330] : memref<4096xf32, #tpu.memory_space<vmem>>[vector<16xi32>], vector<16xf32>,
    tpu.vector_store_idx %arg11[%add3A_6, %add3A_307], %gather3A_331 : memref<64x65xf32, #tpu.memory_space<vmem>>[vector<16xi32>, vector<16xi32>], vector<16xf32>,
    %mul3A_332 = arith.constant 65 : i32
    %mul3A_333 = vector.broadcast %mul3A_332 : i32 to vector<16xi32>
    %mul3A_334 = arith.muli %masked_sort3A_297, %mul3A_333 : vector<16xi32>
    %add3A_335 = arith.constant 62 : i32
    %add3A_336 = vector.broadcast %add3A_335 : i32 to vector<16xi32>
    %add3A_337 = arith.addi %mul3A_334, %add3A_336 : vector<16xi32>
    %gather3A_338 = tpu.vector_load_idx %arg10[%add3A_337] : memref<4160xi32, #tpu.memory_space<vmem>>[vector<16xi32>], vector<16xi32>,
    %mul3A_339 = arith.constant 64 : i32
    %mul3A_340 = vector.broadcast %mul3A_339 : i32 to vector<16xi32>
    %mul3A_341 = arith.muli %masked_sort3A_297, %mul3A_340 : vector<16xi32>
    %add3A_342 = arith.addi %mul3A_341, %gather3A_338 : vector<16xi32>
    %gather3A_343 = tpu.vector_load_idx %arg7[%add3A_342] : memref<4096xf32, #tpu.memory_space<vmem>>[vector<16xi32>], vector<16xf32>,
    tpu.vector_store_idx %arg11[%add3A_9, %add3A_307], %gather3A_343 : memref<64x65xf32, #tpu.memory_space<vmem>>[vector<16xi32>, vector<16xi32>], vector<16xf32>,
    %mul3A_344 = arith.constant 65 : i32
    %mul3A_345 = vector.broadcast %mul3A_344 : i32 to vector<16xi32>
    %mul3A_346 = arith.muli %masked_sort3A_301, %mul3A_345 : vector<16xi32>
    %add3A_347 = arith.constant 62 : i32
    %add3A_348 = vector.broadcast %add3A_347 : i32 to vector<16xi32>
    %add3A_349 = arith.addi %mul3A_346, %add3A_348 : vector<16xi32>
    %gather3A_350 = tpu.vector_load_idx %arg10[%add3A_349] : memref<4160xi32, #tpu.memory_space<vmem>>[vector<16xi32>], vector<16xi32>,
    %mul3A_351 = arith.constant 64 : i32
    %mul3A_352 = vector.broadcast %mul3A_351 : i32 to vector<16xi32>
    %mul3A_353 = arith.muli %masked_sort3A_301, %mul3A_352 : vector<16xi32>
    %add3A_354 = arith.addi %mul3A_353, %gather3A_350 : vector<16xi32>
    %gather3A_355 = tpu.vector_load_idx %arg7[%add3A_354] : memref<4096xf32, #tpu.memory_space<vmem>>[vector<16xi32>], vector<16xf32>,
    tpu.vector_store_idx %arg11[%add3A_12, %add3A_307], %gather3A_355 : memref<64x65xf32, #tpu.memory_space<vmem>>[vector<16xi32>, vector<16xi32>], vector<16xf32>,
    %le3A_356 = arith.cmpf ole, %scan3A_264#0, %scan3A_264#2 : vector<16xf32>
    %select_n3A_357 = arith.select %le3A_356, %scan3A_264#0, %scan3A_264#2 : vector<16xi1>, vector<16xf32>
    %select_n3A_358 = arith.select %le3A_356, %scan3A_264#1, %scan3A_264#3 : vector<16xi1>, vector<16xi32>
    %select_n3A_359 = arith.select %le3A_356, %scan3A_264#2, %scan3A_264#0 : vector<16xi1>, vector<16xf32>
    %select_n3A_360 = arith.select %le3A_356, %scan3A_264#3, %scan3A_264#1 : vector<16xi1>, vector<16xi32>
    %masked_sort3A_361 = arith.constant dense<true> : vector<16xi1>
    %masked_sort3A_362, %masked_sort3A_363, %masked_sort3A_364 = tpu.sort %select_n3A_357, %select_n3A_358 masked %masked_sort3A_361 : (vector<16xf32>, vector<16xi32>, vector<16xi1>) -> (vector<16xi1>, vector<16xf32>, vector<16xi32>)
    %masked_sort3A_365 = arith.constant dense<true> : vector<16xi1>
    %masked_sort3A_366, %masked_sort3A_367, %masked_sort3A_368 = tpu.sort %select_n3A_359, %select_n3A_360 masked %masked_sort3A_365 : (vector<16xf32>, vector<16xi32>, vector<16xi1>) -> (vector<16xi1>, vector<16xf32>, vector<16xi32>)
    %le3A_369 = arith.cmpf ole, %scan3A_264#4, %scan3A_264#6 : vector<16xf32>
    %select_n3A_370 = arith.select %le3A_369, %scan3A_264#4, %scan3A_264#6 : vector<16xi1>, vector<16xf32>
    %select_n3A_371 = arith.select %le3A_369, %scan3A_264#5, %scan3A_264#7 : vector<16xi1>, vector<16xi32>
    %select_n3A_372 = arith.select %le3A_369, %scan3A_264#6, %scan3A_264#4 : vector<16xi1>, vector<16xf32>
    %select_n3A_373 = arith.select %le3A_369, %scan3A_264#7, %scan3A_264#5 : vector<16xi1>, vector<16xi32>
    %masked_sort3A_374 = arith.constant dense<true> : vector<16xi1>
    %masked_sort3A_375, %masked_sort3A_376, %masked_sort3A_377 = tpu.sort %select_n3A_372, %select_n3A_373 masked %masked_sort3A_374 {descending = true} : (vector<16xf32>, vector<16xi32>, vector<16xi1>) -> (vector<16xi1>, vector<16xf32>, vector<16xi32>)
    %masked_sort3A_378 = arith.constant dense<true> : vector<16xi1>
    %masked_sort3A_379, %masked_sort3A_380, %masked_sort3A_381 = tpu.sort %select_n3A_370, %select_n3A_371 masked %masked_sort3A_378 {descending = true} : (vector<16xf32>, vector<16xi32>, vector<16xi1>) -> (vector<16xi1>, vector<16xf32>, vector<16xi32>)
    %le3A_382 = arith.cmpf ole, %masked_sort3A_363, %masked_sort3A_376 : vector<16xf32>
    %select_n3A_383 = arith.select %le3A_382, %masked_sort3A_363, %masked_sort3A_376 : vector<16xi1>, vector<16xf32>
    %select_n3A_384 = arith.select %le3A_382, %masked_sort3A_364, %masked_sort3A_377 : vector<16xi1>, vector<16xi32>
    %select_n3A_385 = arith.select %le3A_382, %masked_sort3A_376, %masked_sort3A_363 : vector<16xi1>, vector<16xf32>
    %select_n3A_386 = arith.select %le3A_382, %masked_sort3A_377, %masked_sort3A_364 : vector<16xi1>, vector<16xi32>
    %le3A_387 = arith.cmpf ole, %masked_sort3A_367, %masked_sort3A_380 : vector<16xf32>
    %select_n3A_388 = arith.select %le3A_387, %masked_sort3A_367, %masked_sort3A_380 : vector<16xi1>, vector<16xf32>
    %select_n3A_389 = arith.select %le3A_387, %masked_sort3A_368, %masked_sort3A_381 : vector<16xi1>, vector<16xi32>
    %select_n3A_390 = arith.select %le3A_387, %masked_sort3A_380, %masked_sort3A_367 : vector<16xi1>, vector<16xf32>
    %select_n3A_391 = arith.select %le3A_387, %masked_sort3A_381, %masked_sort3A_368 : vector<16xi1>, vector<16xi32>
    %le3A_392 = arith.cmpf ole, %select_n3A_383, %select_n3A_388 : vector<16xf32>
    %select_n3A_393 = arith.select %le3A_392, %select_n3A_383, %select_n3A_388 : vector<16xi1>, vector<16xf32>
    %select_n3A_394 = arith.select %le3A_392, %select_n3A_384, %select_n3A_389 : vector<16xi1>, vector<16xi32>
    %select_n3A_395 = arith.select %le3A_392, %select_n3A_388, %select_n3A_383 : vector<16xi1>, vector<16xf32>
    %select_n3A_396 = arith.select %le3A_392, %select_n3A_389, %select_n3A_384 : vector<16xi1>, vector<16xi32>
    %le3A_397 = arith.cmpf ole, %select_n3A_385, %select_n3A_390 : vector<16xf32>
    %select_n3A_398 = arith.select %le3A_397, %select_n3A_385, %select_n3A_390 : vector<16xi1>, vector<16xf32>
    %select_n3A_399 = arith.select %le3A_397, %select_n3A_386, %select_n3A_391 : vector<16xi1>, vector<16xi32>
    %select_n3A_400 = arith.select %le3A_397, %select_n3A_390, %select_n3A_385 : vector<16xi1>, vector<16xf32>
    %select_n3A_401 = arith.select %le3A_397, %select_n3A_391, %select_n3A_386 : vector<16xi1>, vector<16xi32>
    %masked_sort3A_402 = arith.constant dense<true> : vector<16xi1>
    %masked_sort3A_403, %masked_sort3A_404, %masked_sort3A_405 = tpu.sort %select_n3A_393, %select_n3A_394 masked %masked_sort3A_402 : (vector<16xf32>, vector<16xi32>, vector<16xi1>) -> (vector<16xi1>, vector<16xf32>, vector<16xi32>)
    %masked_sort3A_406 = arith.constant dense<true> : vector<16xi1>
    %masked_sort3A_407, %masked_sort3A_408, %masked_sort3A_409 = tpu.sort %select_n3A_395, %select_n3A_396 masked %masked_sort3A_406 : (vector<16xf32>, vector<16xi32>, vector<16xi1>) -> (vector<16xi1>, vector<16xf32>, vector<16xi32>)
    %masked_sort3A_410 = arith.constant dense<true> : vector<16xi1>
    %masked_sort3A_411, %masked_sort3A_412, %masked_sort3A_413 = tpu.sort %select_n3A_398, %select_n3A_399 masked %masked_sort3A_410 : (vector<16xf32>, vector<16xi32>, vector<16xi1>) -> (vector<16xi1>, vector<16xf32>, vector<16xi32>)
    %masked_sort3A_414 = arith.constant dense<true> : vector<16xi1>
    %masked_sort3A_415, %masked_sort3A_416, %masked_sort3A_417 = tpu.sort %select_n3A_400, %select_n3A_401 masked %masked_sort3A_414 : (vector<16xf32>, vector<16xi32>, vector<16xi1>) -> (vector<16xi1>, vector<16xf32>, vector<16xi32>)
    %mul3A_418 = arith.constant 0 : i32
    %mul3A_419 = vector.broadcast %mul3A_418 : i32 to vector<16xi32>
    %mul3A_420 = arith.muli %iota3A, %mul3A_419 : vector<16xi32>
    %add3A_421 = arith.constant 63 : i32
    %add3A_422 = vector.broadcast %add3A_421 : i32 to vector<16xi32>
    %add3A_423 = arith.addi %mul3A_420, %add3A_422 : vector<16xi32>
    %mul3A_424 = arith.constant 65 : i32
    %mul3A_425 = vector.broadcast %mul3A_424 : i32 to vector<16xi32>
    %mul3A_426 = arith.muli %masked_sort3A_405, %mul3A_425 : vector<16xi32>
    %add3A_427 = arith.constant 63 : i32
    %add3A_428 = vector.broadcast %add3A_427 : i32 to vector<16xi32>
    %add3A_429 = arith.addi %mul3A_426, %add3A_428 : vector<16xi32>
    %gather3A_430 = tpu.vector_load_idx %arg10[%add3A_429] : memref<4160xi32, #tpu.memory_space<vmem>>[vector<16xi32>], vector<16xi32>,
    %mul3A_431 = arith.constant 64 : i32
    %mul3A_432 = vector.broadcast %mul3A_431 : i32 to vector<16xi32>
    %mul3A_433 = arith.muli %masked_sort3A_405, %mul3A_432 : vector<16xi32>
    %add3A_434 = arith.addi %mul3A_433, %gather3A_430 : vector<16xi32>
    %gather3A_435 = tpu.vector_load_idx %arg7[%add3A_434] : memref<4096xf32, #tpu.memory_space<vmem>>[vector<16xi32>], vector<16xf32>,
    tpu.vector_store_idx %arg11[%add3A_3, %add3A_423], %gather3A_435 : memref<64x65xf32, #tpu.memory_space<vmem>>[vector<16xi32>, vector<16xi32>], vector<16xf32>,
    %mul3A_436 = arith.constant 65 : i32
    %mul3A_437 = vector.broadcast %mul3A_436 : i32 to vector<16xi32>
    %mul3A_438 = arith.muli %masked_sort3A_409, %mul3A_437 : vector<16xi32>
    %add3A_439 = arith.constant 63 : i32
    %add3A_440 = vector.broadcast %add3A_439 : i32 to vector<16xi32>
    %add3A_441 = arith.addi %mul3A_438, %add3A_440 : vector<16xi32>
    %gather3A_442 = tpu.vector_load_idx %arg10[%add3A_441] : memref<4160xi32, #tpu.memory_space<vmem>>[vector<16xi32>], vector<16xi32>,
    %mul3A_443 = arith.constant 64 : i32
    %mul3A_444 = vector.broadcast %mul3A_443 : i32 to vector<16xi32>
    %mul3A_445 = arith.muli %masked_sort3A_409, %mul3A_444 : vector<16xi32>
    %add3A_446 = arith.addi %mul3A_445, %gather3A_442 : vector<16xi32>
    %gather3A_447 = tpu.vector_load_idx %arg7[%add3A_446] : memref<4096xf32, #tpu.memory_space<vmem>>[vector<16xi32>], vector<16xf32>,
    tpu.vector_store_idx %arg11[%add3A_6, %add3A_423], %gather3A_447 : memref<64x65xf32, #tpu.memory_space<vmem>>[vector<16xi32>, vector<16xi32>], vector<16xf32>,
    %mul3A_448 = arith.constant 65 : i32
    %mul3A_449 = vector.broadcast %mul3A_448 : i32 to vector<16xi32>
    %mul3A_450 = arith.muli %masked_sort3A_413, %mul3A_449 : vector<16xi32>
    %add3A_451 = arith.constant 63 : i32
    %add3A_452 = vector.broadcast %add3A_451 : i32 to vector<16xi32>
    %add3A_453 = arith.addi %mul3A_450, %add3A_452 : vector<16xi32>
    %gather3A_454 = tpu.vector_load_idx %arg10[%add3A_453] : memref<4160xi32, #tpu.memory_space<vmem>>[vector<16xi32>], vector<16xi32>,
    %mul3A_455 = arith.constant 64 : i32
    %mul3A_456 = vector.broadcast %mul3A_455 : i32 to vector<16xi32>
    %mul3A_457 = arith.muli %masked_sort3A_413, %mul3A_456 : vector<16xi32>
    %add3A_458 = arith.addi %mul3A_457, %gather3A_454 : vector<16xi32>
    %gather3A_459 = tpu.vector_load_idx %arg7[%add3A_458] : memref<4096xf32, #tpu.memory_space<vmem>>[vector<16xi32>], vector<16xf32>,
    tpu.vector_store_idx %arg11[%add3A_9, %add3A_423], %gather3A_459 : memref<64x65xf32, #tpu.memory_space<vmem>>[vector<16xi32>, vector<16xi32>], vector<16xf32>,
    %mul3A_460 = arith.constant 65 : i32
    %mul3A_461 = vector.broadcast %mul3A_460 : i32 to vector<16xi32>
    %mul3A_462 = arith.muli %masked_sort3A_417, %mul3A_461 : vector<16xi32>
    %add3A_463 = arith.constant 63 : i32
    %add3A_464 = vector.broadcast %add3A_463 : i32 to vector<16xi32>
    %add3A_465 = arith.addi %mul3A_462, %add3A_464 : vector<16xi32>
    %gather3A_466 = tpu.vector_load_idx %arg10[%add3A_465] : memref<4160xi32, #tpu.memory_space<vmem>>[vector<16xi32>], vector<16xi32>,
    %mul3A_467 = arith.constant 64 : i32
    %mul3A_468 = vector.broadcast %mul3A_467 : i32 to vector<16xi32>
    %mul3A_469 = arith.muli %masked_sort3A_417, %mul3A_468 : vector<16xi32>
    %add3A_470 = arith.addi %mul3A_469, %gather3A_466 : vector<16xi32>
    %gather3A_471 = tpu.vector_load_idx %arg7[%add3A_470] : memref<4096xf32, #tpu.memory_space<vmem>>[vector<16xi32>], vector<16xf32>,
    tpu.vector_store_idx %arg11[%add3A_12, %add3A_423], %gather3A_471 : memref<64x65xf32, #tpu.memory_space<vmem>>[vector<16xi32>, vector<16xi32>], vector<16xf32>,
    %add3A_472 = arith.constant 0 : i32
    %add3A_473 = arith.addi %mul3A_14, %add3A_472 : i32
    %mul3A_474 = arith.constant 64 : i32
    %mul3A_475 = arith.muli %add3A_473, %mul3A_474 : i32
    %dma_start3A_476 = arith.constant 0 : i32
    %dma_start3A_477 = arith.constant 0 : i32
    %dma_start3A_478 = tpu.memref_slice %arg11[%dma_start3A_476, %dma_start3A_477] : memref<64x65xf32, #tpu.memory_space<vmem>> -> memref<64x64xf32, #tpu.memory_space<vmem>>
    %dma_start3A_479 = arith.constant 0 : i32
    %dma_start3A_480 = tpu.memref_slice %arg4[%mul3A_475, %dma_start3A_479] : memref<8192x64xf32, #tpu.memory_space<hbm>> -> memref<64x64xf32, #tpu.memory_space<hbm>>
    %dma_start3A_481 = arith.constant 0 : i32
    %dma_start3A_482 = tpu.memref_slice %arg4[%mul3A_475, %dma_start3A_481] : memref<8192x64xf32, #tpu.memory_space<hbm>> -> memref<64x64xf32, #tpu.memory_space<hbm>>
    %dma_start3A_483 = arith.constant 0 : i32
    %dma_start3A_484 = arith.constant 0 : i32
    %dma_start3A_485 = tpu.memref_slice %arg11[%dma_start3A_483, %dma_start3A_484] : memref<64x65xf32, #tpu.memory_space<vmem>> -> memref<64x64xf32, #tpu.memory_space<vmem>>
    tpu.enqueue_dma source(%dma_start3A_485 : memref<64x64xf32, #tpu.memory_space<vmem>>) target(%dma_start3A_482 : memref<64x64xf32, #tpu.memory_space<hbm>>) target_semaphore(%arg15 : memref<!tpu.dma_semaphore, #tpu.memory_space<semaphore_mem>>)
    %add3A_486 = arith.constant 2 : i32
    %add3A_487 = arith.addi %mul3A_14, %add3A_486 : i32
    %mul3A_488 = arith.constant 4096 : i32
    %mul3A_489 = arith.muli %add3A_487, %mul3A_488 : i32
    %dma_start3A_490 = tpu.memref_slice %arg2[%mul3A_489] : memref<524288xf32, #tpu.memory_space<hbm>> -> memref<4096xf32, #tpu.memory_space<hbm>>
    %dma_start3A_491 = tpu.memref_slice %arg2[%mul3A_489] : memref<524288xf32, #tpu.memory_space<hbm>> -> memref<4096xf32, #tpu.memory_space<hbm>>
    tpu.enqueue_dma source(%dma_start3A_491 : memref<4096xf32, #tpu.memory_space<hbm>>) target(%arg5 : memref<4096xf32, #tpu.memory_space<vmem>>) target_semaphore(%arg13 : memref<!tpu.dma_semaphore, #tpu.memory_space<semaphore_mem>>)
    %add3A_492 = arith.constant 2 : i32
    %add3A_493 = arith.addi %mul3A_14, %add3A_492 : i32
    %mul3A_494 = arith.constant 4096 : i32
    %mul3A_495 = arith.muli %add3A_493, %mul3A_494 : i32
    %dma_start3A_496 = tpu.memref_slice %arg3[%mul3A_495] : memref<524288xf32, #tpu.memory_space<hbm>> -> memref<4096xf32, #tpu.memory_space<hbm>>
    %dma_start3A_497 = tpu.memref_slice %arg3[%mul3A_495] : memref<524288xf32, #tpu.memory_space<hbm>> -> memref<4096xf32, #tpu.memory_space<hbm>>
    tpu.enqueue_dma source(%dma_start3A_497 : memref<4096xf32, #tpu.memory_space<hbm>>) target(%arg7 : memref<4096xf32, #tpu.memory_space<vmem>>) target_semaphore(%arg13 : memref<!tpu.dma_semaphore, #tpu.memory_space<semaphore_mem>>)
    %dma_wait3A_498 = arith.constant 0 : i32
    %dma_wait3A_499 = tpu.memref_slice %arg2[%dma_wait3A_498] : memref<524288xf32, #tpu.memory_space<hbm>> -> memref<4096xf32, #tpu.memory_space<hbm>>
    %dma_wait3A_500 = arith.constant 0 : i32
    %dma_wait3A_501 = tpu.memref_slice %arg2[%dma_wait3A_500] : memref<524288xf32, #tpu.memory_space<hbm>> -> memref<4096xf32, #tpu.memory_space<hbm>>
    tpu.wait_dma2 semaphore(%arg14 : memref<!tpu.dma_semaphore, #tpu.memory_space<semaphore_mem>>) src(%dma_wait3A_501 : memref<4096xf32, #tpu.memory_space<hbm>>) dst(%arg6 : memref<4096xf32, #tpu.memory_space<vmem>>)
    %dma_wait3A_502 = arith.constant 0 : i32
    %dma_wait3A_503 = tpu.memref_slice %arg3[%dma_wait3A_502] : memref<524288xf32, #tpu.memory_space<hbm>> -> memref<4096xf32, #tpu.memory_space<hbm>>
    %dma_wait3A_504 = arith.constant 0 : i32
    %dma_wait3A_505 = tpu.memref_slice %arg3[%dma_wait3A_504] : memref<524288xf32, #tpu.memory_space<hbm>> -> memref<4096xf32, #tpu.memory_space<hbm>>
    tpu.wait_dma2 semaphore(%arg14 : memref<!tpu.dma_semaphore, #tpu.memory_space<semaphore_mem>>) src(%dma_wait3A_505 : memref<4096xf32, #tpu.memory_space<hbm>>) dst(%arg8 : memref<4096xf32, #tpu.memory_space<vmem>>)
    %get3A_506 = arith.constant 0 : index
    %get3A_507 = tpu.vector_load %arg6[%get3A_506] {strides = array<i32>} : memref<4096xf32, #tpu.memory_space<vmem>>, vector<16xf32>,
    %get3A_508 = arith.constant 16 : index
    %get3A_509 = tpu.vector_load %arg6[%get3A_508] {strides = array<i32>} : memref<4096xf32, #tpu.memory_space<vmem>>, vector<16xf32>,
    %get3A_510 = arith.constant 32 : index
    %get3A_511 = tpu.vector_load %arg6[%get3A_510] {strides = array<i32>} : memref<4096xf32, #tpu.memory_space<vmem>>, vector<16xf32>,
    %get3A_512 = arith.constant 48 : index
    %get3A_513 = tpu.vector_load %arg6[%get3A_512] {strides = array<i32>} : memref<4096xf32, #tpu.memory_space<vmem>>, vector<16xf32>,
    %swap3A_514 = arith.constant 0 : index
    %swap3A_515 = tpu.vector_load %arg9[%swap3A_514] {strides = array<i32>} : memref<4160xf32, #tpu.memory_space<vmem>>, vector<16xf32>,
    tpu.vector_store %arg9[%swap3A_514], %get3A_507 {strides = array<i32>} : memref<4160xf32, #tpu.memory_space<vmem>>, vector<16xf32>,
    %swap3A_516 = arith.constant 16 : index
    %swap3A_517 = tpu.vector_load %arg9[%swap3A_516] {strides = array<i32>} : memref<4160xf32, #tpu.memory_space<vmem>>, vector<16xf32>,
    tpu.vector_store %arg9[%swap3A_516], %get3A_509 {strides = array<i32>} : memref<4160xf32, #tpu.memory_space<vmem>>, vector<16xf32>,
    %swap3A_518 = arith.constant 32 : index
    %swap3A_519 = tpu.vector_load %arg9[%swap3A_518] {strides = array<i32>} : memref<4160xf32, #tpu.memory_space<vmem>>, vector<16xf32>,
    tpu.vector_store %arg9[%swap3A_518], %get3A_511 {strides = array<i32>} : memref<4160xf32, #tpu.memory_space<vmem>>, vector<16xf32>,
    %swap3A_520 = arith.constant 48 : index
    %swap3A_521 = tpu.vector_load %arg9[%swap3A_520] {strides = array<i32>} : memref<4160xf32, #tpu.memory_space<vmem>>, vector<16xf32>,
    tpu.vector_store %arg9[%swap3A_520], %get3A_513 {strides = array<i32>} : memref<4160xf32, #tpu.memory_space<vmem>>, vector<16xf32>,
    %masked_sort3A_522 = arith.constant dense<true> : vector<16xi1>
    %masked_sort3A_523, %masked_sort3A_524, %masked_sort3A_525 = tpu.sort %get3A_507, %add3A_3 masked %masked_sort3A_522 : (vector<16xf32>, vector<16xi32>, vector<16xi1>) -> (vector<16xi1>, vector<16xf32>, vector<16xi32>)
    %masked_sort3A_526 = arith.constant dense<true> : vector<16xi1>
    %masked_sort3A_527, %masked_sort3A_528, %masked_sort3A_529 = tpu.sort %get3A_509, %add3A_6 masked %masked_sort3A_526 {descending = true} : (vector<16xf32>, vector<16xi32>, vector<16xi1>) -> (vector<16xi1>, vector<16xf32>, vector<16xi32>)
    %masked_sort3A_530 = arith.constant dense<true> : vector<16xi1>
    %masked_sort3A_531, %masked_sort3A_532, %masked_sort3A_533 = tpu.sort %get3A_511, %add3A_9 masked %masked_sort3A_530 : (vector<16xf32>, vector<16xi32>, vector<16xi1>) -> (vector<16xi1>, vector<16xf32>, vector<16xi32>)
    %masked_sort3A_534 = arith.constant dense<true> : vector<16xi1>
    %masked_sort3A_535, %masked_sort3A_536, %masked_sort3A_537 = tpu.sort %get3A_513, %add3A_12 masked %masked_sort3A_534 {descending = true} : (vector<16xf32>, vector<16xi32>, vector<16xi1>) -> (vector<16xi1>, vector<16xf32>, vector<16xi32>)
    %scan3A_538 = arith.constant 0 : i32
    %scan3A_539 = arith.constant 63 : i32
    %scan3A_540 = arith.addi %scan3A_538, %scan3A_539 : i32
    %scan3A_541 = arith.constant 1 : i32
    %scan3A_542:8 = scf.for %scan3A_1926 = %scan3A_538 to %scan3A_540 step %scan3A_541 iter_args(%scan3A_1927 = %masked_sort3A_524, %scan3A_1928 = %masked_sort3A_525, %scan3A_1929 = %masked_sort3A_528, %scan3A_1930 = %masked_sort3A_529, %scan3A_1931 = %masked_sort3A_532, %scan3A_1932 = %masked_sort3A_533, %scan3A_1933 = %masked_sort3A_536, %scan3A_1934 = %masked_sort3A_537) -> (vector<16xf32>, vector<16xi32>, vector<16xf32>, vector<16xi32>, vector<16xf32>, vector<16xi32>, vector<16xf32>, vector<16xi32>)  : i32 {
      %add3A_1935 = arith.constant 1 : i32
      %add3A_1936 = arith.addi %scan3A_1926, %add3A_1935 : i32
      %mul3A_1937 = arith.constant 64 : i32
      %mul3A_1938 = arith.muli %add3A_1936, %mul3A_1937 : i32
      %add3A_1939 = arith.constant 0 : i32
      %add3A_1940 = arith.addi %mul3A_1938, %add3A_1939 : i32
      %get3A_1941 = arith.index_cast %add3A_1940 : i32 to index
      %get3A_1942 = tpu.vector_load %arg6[%get3A_1941] {strides = array<i32>} : memref<4096xf32, #tpu.memory_space<vmem>>, vector<16xf32>,
      %mul3A_1943 = arith.constant 64 : i32
      %mul3A_1944 = arith.muli %add3A_1936, %mul3A_1943 : i32
      %add3A_1945 = arith.constant 16 : i32
      %add3A_1946 = arith.addi %mul3A_1944, %add3A_1945 : i32
      %get3A_1947 = arith.index_cast %add3A_1946 : i32 to index
      %get3A_1948 = tpu.vector_load %arg6[%get3A_1947] {strides = array<i32>} : memref<4096xf32, #tpu.memory_space<vmem>>, vector<16xf32>,
      %mul3A_1949 = arith.constant 64 : i32
      %mul3A_1950 = arith.muli %add3A_1936, %mul3A_1949 : i32
      %add3A_1951 = arith.constant 32 : i32
      %add3A_1952 = arith.addi %mul3A_1950, %add3A_1951 : i32
      %get3A_1953 = arith.index_cast %add3A_1952 : i32 to index
      %get3A_1954 = tpu.vector_load %arg6[%get3A_1953] {strides = array<i32>} : memref<4096xf32, #tpu.memory_space<vmem>>, vector<16xf32>,
      %mul3A_1955 = arith.constant 64 : i32
      %mul3A_1956 = arith.muli %add3A_1936, %mul3A_1955 : i32
      %add3A_1957 = arith.constant 48 : i32
      %add3A_1958 = arith.addi %mul3A_1956, %add3A_1957 : i32
      %get3A_1959 = arith.index_cast %add3A_1958 : i32 to index
      %get3A_1960 = tpu.vector_load %arg6[%get3A_1959] {strides = array<i32>} : memref<4096xf32, #tpu.memory_space<vmem>>, vector<16xf32>,
      %mul3A_1961 = arith.constant 65 : i32
      %mul3A_1962 = arith.muli %add3A_1936, %mul3A_1961 : i32
      %add3A_1963 = arith.constant 0 : i32
      %add3A_1964 = arith.addi %mul3A_1962, %add3A_1963 : i32
      %swap3A_1965 = arith.index_cast %add3A_1964 : i32 to index
      %swap3A_1966 = tpu.vector_load %arg9[%swap3A_1965] {strides = array<i32>} : memref<4160xf32, #tpu.memory_space<vmem>>, vector<16xf32>,
      tpu.vector_store %arg9[%swap3A_1965], %get3A_1942 {strides = array<i32>} : memref<4160xf32, #tpu.memory_space<vmem>>, vector<16xf32>,
      %mul3A_1967 = arith.constant 65 : i32
      %mul3A_1968 = arith.muli %add3A_1936, %mul3A_1967 : i32
      %add3A_1969 = arith.constant 16 : i32
      %add3A_1970 = arith.addi %mul3A_1968, %add3A_1969 : i32
      %swap3A_1971 = arith.index_cast %add3A_1970 : i32 to index
      %swap3A_1972 = tpu.vector_load %arg9[%swap3A_1971] {strides = array<i32>} : memref<4160xf32, #tpu.memory_space<vmem>>, vector<16xf32>,
      tpu.vector_store %arg9[%swap3A_1971], %get3A_1948 {strides = array<i32>} : memref<4160xf32, #tpu.memory_space<vmem>>, vector<16xf32>,
      %mul3A_1973 = arith.constant 65 : i32
      %mul3A_1974 = arith.muli %add3A_1936, %mul3A_1973 : i32
      %add3A_1975 = arith.constant 32 : i32
      %add3A_1976 = arith.addi %mul3A_1974, %add3A_1975 : i32
      %swap3A_1977 = arith.index_cast %add3A_1976 : i32 to index
      %swap3A_1978 = tpu.vector_load %arg9[%swap3A_1977] {strides = array<i32>} : memref<4160xf32, #tpu.memory_space<vmem>>, vector<16xf32>,
      tpu.vector_store %arg9[%swap3A_1977], %get3A_1954 {strides = array<i32>} : memref<4160xf32, #tpu.memory_space<vmem>>, vector<16xf32>,
      %mul3A_1979 = arith.constant 65 : i32
      %mul3A_1980 = arith.muli %add3A_1936, %mul3A_1979 : i32
      %add3A_1981 = arith.constant 48 : i32
      %add3A_1982 = arith.addi %mul3A_1980, %add3A_1981 : i32
      %swap3A_1983 = arith.index_cast %add3A_1982 : i32 to index
      %swap3A_1984 = tpu.vector_load %arg9[%swap3A_1983] {strides = array<i32>} : memref<4160xf32, #tpu.memory_space<vmem>>, vector<16xf32>,
      tpu.vector_store %arg9[%swap3A_1983], %get3A_1960 {strides = array<i32>} : memref<4160xf32, #tpu.memory_space<vmem>>, vector<16xf32>,
      %masked_sort3A_1985 = arith.constant dense<true> : vector<16xi1>
      %masked_sort3A_1986, %masked_sort3A_1987, %masked_sort3A_1988 = tpu.sort %get3A_1942, %add3A_3 masked %masked_sort3A_1985 : (vector<16xf32>, vector<16xi32>, vector<16xi1>) -> (vector<16xi1>, vector<16xf32>, vector<16xi32>)
      %masked_sort3A_1989 = arith.constant dense<true> : vector<16xi1>
      %masked_sort3A_1990, %masked_sort3A_1991, %masked_sort3A_1992 = tpu.sort %get3A_1948, %add3A_6 masked %masked_sort3A_1989 {descending = true} : (vector<16xf32>, vector<16xi32>, vector<16xi1>) -> (vector<16xi1>, vector<16xf32>, vector<16xi32>)
      %masked_sort3A_1993 = arith.constant dense<true> : vector<16xi1>
      %masked_sort3A_1994, %masked_sort3A_1995, %masked_sort3A_1996 = tpu.sort %get3A_1954, %add3A_9 masked %masked_sort3A_1993 : (vector<16xf32>, vector<16xi32>, vector<16xi1>) -> (vector<16xi1>, vector<16xf32>, vector<16xi32>)
      %masked_sort3A_1997 = arith.constant dense<true> : vector<16xi1>
      %masked_sort3A_1998, %masked_sort3A_1999, %masked_sort3A_2000 = tpu.sort %get3A_1960, %add3A_12 masked %masked_sort3A_1997 {descending = true} : (vector<16xf32>, vector<16xi32>, vector<16xi1>) -> (vector<16xi1>, vector<16xf32>, vector<16xi32>)
      %le3A_2001 = arith.cmpf ole, %scan3A_1927, %scan3A_1929 : vector<16xf32>
      %select_n3A_2002 = arith.select %le3A_2001, %scan3A_1927, %scan3A_1929 : vector<16xi1>, vector<16xf32>
      %select_n3A_2003 = arith.select %le3A_2001, %scan3A_1928, %scan3A_1930 : vector<16xi1>, vector<16xi32>
      %select_n3A_2004 = arith.select %le3A_2001, %scan3A_1929, %scan3A_1927 : vector<16xi1>, vector<16xf32>
      %select_n3A_2005 = arith.select %le3A_2001, %scan3A_1930, %scan3A_1928 : vector<16xi1>, vector<16xi32>
      %masked_sort3A_2006 = arith.constant dense<true> : vector<16xi1>
      %masked_sort3A_2007, %masked_sort3A_2008, %masked_sort3A_2009 = tpu.sort %select_n3A_2002, %select_n3A_2003 masked %masked_sort3A_2006 : (vector<16xf32>, vector<16xi32>, vector<16xi1>) -> (vector<16xi1>, vector<16xf32>, vector<16xi32>)
      %masked_sort3A_2010 = arith.constant dense<true> : vector<16xi1>
      %masked_sort3A_2011, %masked_sort3A_2012, %masked_sort3A_2013 = tpu.sort %select_n3A_2004, %select_n3A_2005 masked %masked_sort3A_2010 : (vector<16xf32>, vector<16xi32>, vector<16xi1>) -> (vector<16xi1>, vector<16xf32>, vector<16xi32>)
      %le3A_2014 = arith.cmpf ole, %scan3A_1931, %scan3A_1933 : vector<16xf32>
      %select_n3A_2015 = arith.select %le3A_2014, %scan3A_1931, %scan3A_1933 : vector<16xi1>, vector<16xf32>
      %select_n3A_2016 = arith.select %le3A_2014, %scan3A_1932, %scan3A_1934 : vector<16xi1>, vector<16xi32>
      %select_n3A_2017 = arith.select %le3A_2014, %scan3A_1933, %scan3A_1931 : vector<16xi1>, vector<16xf32>
      %select_n3A_2018 = arith.select %le3A_2014, %scan3A_1934, %scan3A_1932 : vector<16xi1>, vector<16xi32>
      %masked_sort3A_2019 = arith.constant dense<true> : vector<16xi1>
      %masked_sort3A_2020, %masked_sort3A_2021, %masked_sort3A_2022 = tpu.sort %select_n3A_2017, %select_n3A_2018 masked %masked_sort3A_2019 {descending = true} : (vector<16xf32>, vector<16xi32>, vector<16xi1>) -> (vector<16xi1>, vector<16xf32>, vector<16xi32>)
      %masked_sort3A_2023 = arith.constant dense<true> : vector<16xi1>
      %masked_sort3A_2024, %masked_sort3A_2025, %masked_sort3A_2026 = tpu.sort %select_n3A_2015, %select_n3A_2016 masked %masked_sort3A_2023 {descending = true} : (vector<16xf32>, vector<16xi32>, vector<16xi1>) -> (vector<16xi1>, vector<16xf32>, vector<16xi32>)
      %le3A_2027 = arith.cmpf ole, %masked_sort3A_2008, %masked_sort3A_2021 : vector<16xf32>
      %select_n3A_2028 = arith.select %le3A_2027, %masked_sort3A_2008, %masked_sort3A_2021 : vector<16xi1>, vector<16xf32>
      %select_n3A_2029 = arith.select %le3A_2027, %masked_sort3A_2009, %masked_sort3A_2022 : vector<16xi1>, vector<16xi32>
      %select_n3A_2030 = arith.select %le3A_2027, %masked_sort3A_2021, %masked_sort3A_2008 : vector<16xi1>, vector<16xf32>
      %select_n3A_2031 = arith.select %le3A_2027, %masked_sort3A_2022, %masked_sort3A_2009 : vector<16xi1>, vector<16xi32>
      %le3A_2032 = arith.cmpf ole, %masked_sort3A_2012, %masked_sort3A_2025 : vector<16xf32>
      %select_n3A_2033 = arith.select %le3A_2032, %masked_sort3A_2012, %masked_sort3A_2025 : vector<16xi1>, vector<16xf32>
      %select_n3A_2034 = arith.select %le3A_2032, %masked_sort3A_2013, %masked_sort3A_2026 : vector<16xi1>, vector<16xi32>
      %select_n3A_2035 = arith.select %le3A_2032, %masked_sort3A_2025, %masked_sort3A_2012 : vector<16xi1>, vector<16xf32>
      %select_n3A_2036 = arith.select %le3A_2032, %masked_sort3A_2026, %masked_sort3A_2013 : vector<16xi1>, vector<16xi32>
      %le3A_2037 = arith.cmpf ole, %select_n3A_2028, %select_n3A_2033 : vector<16xf32>
      %select_n3A_2038 = arith.select %le3A_2037, %select_n3A_2028, %select_n3A_2033 : vector<16xi1>, vector<16xf32>
      %select_n3A_2039 = arith.select %le3A_2037, %select_n3A_2029, %select_n3A_2034 : vector<16xi1>, vector<16xi32>
      %select_n3A_2040 = arith.select %le3A_2037, %select_n3A_2033, %select_n3A_2028 : vector<16xi1>, vector<16xf32>
      %select_n3A_2041 = arith.select %le3A_2037, %select_n3A_2034, %select_n3A_2029 : vector<16xi1>, vector<16xi32>
      %le3A_2042 = arith.cmpf ole, %select_n3A_2030, %select_n3A_2035 : vector<16xf32>
      %select_n3A_2043 = arith.select %le3A_2042, %select_n3A_2030, %select_n3A_2035 : vector<16xi1>, vector<16xf32>
      %select_n3A_2044 = arith.select %le3A_2042, %select_n3A_2031, %select_n3A_2036 : vector<16xi1>, vector<16xi32>
      %select_n3A_2045 = arith.select %le3A_2042, %select_n3A_2035, %select_n3A_2030 : vector<16xi1>, vector<16xf32>
      %select_n3A_2046 = arith.select %le3A_2042, %select_n3A_2036, %select_n3A_2031 : vector<16xi1>, vector<16xi32>
      %masked_sort3A_2047 = arith.constant dense<true> : vector<16xi1>
      %masked_sort3A_2048, %masked_sort3A_2049, %masked_sort3A_2050 = tpu.sort %select_n3A_2038, %select_n3A_2039 masked %masked_sort3A_2047 : (vector<16xf32>, vector<16xi32>, vector<16xi1>) -> (vector<16xi1>, vector<16xf32>, vector<16xi32>)
      %masked_sort3A_2051 = arith.constant dense<true> : vector<16xi1>
      %masked_sort3A_2052, %masked_sort3A_2053, %masked_sort3A_2054 = tpu.sort %select_n3A_2040, %select_n3A_2041 masked %masked_sort3A_2051 : (vector<16xf32>, vector<16xi32>, vector<16xi1>) -> (vector<16xi1>, vector<16xf32>, vector<16xi32>)
      %masked_sort3A_2055 = arith.constant dense<true> : vector<16xi1>
      %masked_sort3A_2056, %masked_sort3A_2057, %masked_sort3A_2058 = tpu.sort %select_n3A_2043, %select_n3A_2044 masked %masked_sort3A_2055 : (vector<16xf32>, vector<16xi32>, vector<16xi1>) -> (vector<16xi1>, vector<16xf32>, vector<16xi32>)
      %masked_sort3A_2059 = arith.constant dense<true> : vector<16xi1>
      %masked_sort3A_2060, %masked_sort3A_2061, %masked_sort3A_2062 = tpu.sort %select_n3A_2045, %select_n3A_2046 masked %masked_sort3A_2059 : (vector<16xf32>, vector<16xi32>, vector<16xi1>) -> (vector<16xi1>, vector<16xf32>, vector<16xi32>)
      %mul3A_2063 = arith.constant 65 : i32
      %mul3A_2064 = arith.muli %scan3A_1926, %mul3A_2063 : i32
      %add3A_2065 = arith.constant 0 : i32
      %add3A_2066 = arith.addi %mul3A_2064, %add3A_2065 : i32
      %swap3A_2067 = arith.index_cast %add3A_2066 : i32 to index
      %swap3A_2068 = tpu.vector_load %arg10[%swap3A_2067] {strides = array<i32>} : memref<4160xi32, #tpu.memory_space<vmem>>, vector<16xi32>,
      tpu.vector_store %arg10[%swap3A_2067], %masked_sort3A_2050 {strides = array<i32>} : memref<4160xi32, #tpu.memory_space<vmem>>, vector<16xi32>,
      %mul3A_2069 = arith.constant 65 : i32
      %mul3A_2070 = arith.muli %scan3A_1926, %mul3A_2069 : i32
      %add3A_2071 = arith.constant 16 : i32
      %add3A_2072 = arith.addi %mul3A_2070, %add3A_2071 : i32
      %swap3A_2073 = arith.index_cast %add3A_2072 : i32 to index
      %swap3A_2074 = tpu.vector_load %arg10[%swap3A_2073] {strides = array<i32>} : memref<4160xi32, #tpu.memory_space<vmem>>, vector<16xi32>,
      tpu.vector_store %arg10[%swap3A_2073], %masked_sort3A_2054 {strides = array<i32>} : memref<4160xi32, #tpu.memory_space<vmem>>, vector<16xi32>,
      %mul3A_2075 = arith.constant 65 : i32
      %mul3A_2076 = arith.muli %scan3A_1926, %mul3A_2075 : i32
      %add3A_2077 = arith.constant 32 : i32
      %add3A_2078 = arith.addi %mul3A_2076, %add3A_2077 : i32
      %swap3A_2079 = arith.index_cast %add3A_2078 : i32 to index
      %swap3A_2080 = tpu.vector_load %arg10[%swap3A_2079] {strides = array<i32>} : memref<4160xi32, #tpu.memory_space<vmem>>, vector<16xi32>,
      tpu.vector_store %arg10[%swap3A_2079], %masked_sort3A_2058 {strides = array<i32>} : memref<4160xi32, #tpu.memory_space<vmem>>, vector<16xi32>,
      %mul3A_2081 = arith.constant 65 : i32
      %mul3A_2082 = arith.muli %scan3A_1926, %mul3A_2081 : i32
      %add3A_2083 = arith.constant 48 : i32
      %add3A_2084 = arith.addi %mul3A_2082, %add3A_2083 : i32
      %swap3A_2085 = arith.index_cast %add3A_2084 : i32 to index
      %swap3A_2086 = tpu.vector_load %arg10[%swap3A_2085] {strides = array<i32>} : memref<4160xi32, #tpu.memory_space<vmem>>, vector<16xi32>,
      tpu.vector_store %arg10[%swap3A_2085], %masked_sort3A_2062 {strides = array<i32>} : memref<4160xi32, #tpu.memory_space<vmem>>, vector<16xi32>,
      scf.yield %masked_sort3A_1987, %masked_sort3A_1988, %masked_sort3A_1991, %masked_sort3A_1992, %masked_sort3A_1995, %masked_sort3A_1996, %masked_sort3A_1999, %masked_sort3A_2000 : vector<16xf32>, vector<16xi32>, vector<16xf32>, vector<16xi32>, vector<16xf32>, vector<16xi32>, vector<16xf32>, vector<16xi32>
    }
    %scan3A_543 = arith.constant 63 : i32
    %le3A_544 = arith.cmpf ole, %scan3A_542#0, %scan3A_542#2 : vector<16xf32>
    %select_n3A_545 = arith.select %le3A_544, %scan3A_542#0, %scan3A_542#2 : vector<16xi1>, vector<16xf32>
    %select_n3A_546 = arith.select %le3A_544, %scan3A_542#1, %scan3A_542#3 : vector<16xi1>, vector<16xi32>
    %select_n3A_547 = arith.select %le3A_544, %scan3A_542#2, %scan3A_542#0 : vector<16xi1>, vector<16xf32>
    %select_n3A_548 = arith.select %le3A_544, %scan3A_542#3, %scan3A_542#1 : vector<16xi1>, vector<16xi32>
    %masked_sort3A_549 = arith.constant dense<true> : vector<16xi1>
    %masked_sort3A_550, %masked_sort3A_551, %masked_sort3A_552 = tpu.sort %select_n3A_545, %select_n3A_546 masked %masked_sort3A_549 : (vector<16xf32>, vector<16xi32>, vector<16xi1>) -> (vector<16xi1>, vector<16xf32>, vector<16xi32>)
    %masked_sort3A_553 = arith.constant dense<true> : vector<16xi1>
    %masked_sort3A_554, %masked_sort3A_555, %masked_sort3A_556 = tpu.sort %select_n3A_547, %select_n3A_548 masked %masked_sort3A_553 : (vector<16xf32>, vector<16xi32>, vector<16xi1>) -> (vector<16xi1>, vector<16xf32>, vector<16xi32>)
    %le3A_557 = arith.cmpf ole, %scan3A_542#4, %scan3A_542#6 : vector<16xf32>
    %select_n3A_558 = arith.select %le3A_557, %scan3A_542#4, %scan3A_542#6 : vector<16xi1>, vector<16xf32>
    %select_n3A_559 = arith.select %le3A_557, %scan3A_542#5, %scan3A_542#7 : vector<16xi1>, vector<16xi32>
    %select_n3A_560 = arith.select %le3A_557, %scan3A_542#6, %scan3A_542#4 : vector<16xi1>, vector<16xf32>
    %select_n3A_561 = arith.select %le3A_557, %scan3A_542#7, %scan3A_542#5 : vector<16xi1>, vector<16xi32>
    %masked_sort3A_562 = arith.constant dense<true> : vector<16xi1>
    %masked_sort3A_563, %masked_sort3A_564, %masked_sort3A_565 = tpu.sort %select_n3A_560, %select_n3A_561 masked %masked_sort3A_562 {descending = true} : (vector<16xf32>, vector<16xi32>, vector<16xi1>) -> (vector<16xi1>, vector<16xf32>, vector<16xi32>)
    %masked_sort3A_566 = arith.constant dense<true> : vector<16xi1>
    %masked_sort3A_567, %masked_sort3A_568, %masked_sort3A_569 = tpu.sort %select_n3A_558, %select_n3A_559 masked %masked_sort3A_566 {descending = true} : (vector<16xf32>, vector<16xi32>, vector<16xi1>) -> (vector<16xi1>, vector<16xf32>, vector<16xi32>)
    %le3A_570 = arith.cmpf ole, %masked_sort3A_551, %masked_sort3A_564 : vector<16xf32>
    %select_n3A_571 = arith.select %le3A_570, %masked_sort3A_551, %masked_sort3A_564 : vector<16xi1>, vector<16xf32>
    %select_n3A_572 = arith.select %le3A_570, %masked_sort3A_552, %masked_sort3A_565 : vector<16xi1>, vector<16xi32>
    %select_n3A_573 = arith.select %le3A_570, %masked_sort3A_564, %masked_sort3A_551 : vector<16xi1>, vector<16xf32>
    %select_n3A_574 = arith.select %le3A_570, %masked_sort3A_565, %masked_sort3A_552 : vector<16xi1>, vector<16xi32>
    %le3A_575 = arith.cmpf ole, %masked_sort3A_555, %masked_sort3A_568 : vector<16xf32>
    %select_n3A_576 = arith.select %le3A_575, %masked_sort3A_555, %masked_sort3A_568 : vector<16xi1>, vector<16xf32>
    %select_n3A_577 = arith.select %le3A_575, %masked_sort3A_556, %masked_sort3A_569 : vector<16xi1>, vector<16xi32>
    %select_n3A_578 = arith.select %le3A_575, %masked_sort3A_568, %masked_sort3A_555 : vector<16xi1>, vector<16xf32>
    %select_n3A_579 = arith.select %le3A_575, %masked_sort3A_569, %masked_sort3A_556 : vector<16xi1>, vector<16xi32>
    %le3A_580 = arith.cmpf ole, %select_n3A_571, %select_n3A_576 : vector<16xf32>
    %select_n3A_581 = arith.select %le3A_580, %select_n3A_571, %select_n3A_576 : vector<16xi1>, vector<16xf32>
    %select_n3A_582 = arith.select %le3A_580, %select_n3A_572, %select_n3A_577 : vector<16xi1>, vector<16xi32>
    %select_n3A_583 = arith.select %le3A_580, %select_n3A_576, %select_n3A_571 : vector<16xi1>, vector<16xf32>
    %select_n3A_584 = arith.select %le3A_580, %select_n3A_577, %select_n3A_572 : vector<16xi1>, vector<16xi32>
    %le3A_585 = arith.cmpf ole, %select_n3A_573, %select_n3A_578 : vector<16xf32>
    %select_n3A_586 = arith.select %le3A_585, %select_n3A_573, %select_n3A_578 : vector<16xi1>, vector<16xf32>
    %select_n3A_587 = arith.select %le3A_585, %select_n3A_574, %select_n3A_579 : vector<16xi1>, vector<16xi32>
    %select_n3A_588 = arith.select %le3A_585, %select_n3A_578, %select_n3A_573 : vector<16xi1>, vector<16xf32>
    %select_n3A_589 = arith.select %le3A_585, %select_n3A_579, %select_n3A_574 : vector<16xi1>, vector<16xi32>
    %masked_sort3A_590 = arith.constant dense<true> : vector<16xi1>
    %masked_sort3A_591, %masked_sort3A_592, %masked_sort3A_593 = tpu.sort %select_n3A_581, %select_n3A_582 masked %masked_sort3A_590 : (vector<16xf32>, vector<16xi32>, vector<16xi1>) -> (vector<16xi1>, vector<16xf32>, vector<16xi32>)
    %masked_sort3A_594 = arith.constant dense<true> : vector<16xi1>
    %masked_sort3A_595, %masked_sort3A_596, %masked_sort3A_597 = tpu.sort %select_n3A_583, %select_n3A_584 masked %masked_sort3A_594 : (vector<16xf32>, vector<16xi32>, vector<16xi1>) -> (vector<16xi1>, vector<16xf32>, vector<16xi32>)
    %masked_sort3A_598 = arith.constant dense<true> : vector<16xi1>
    %masked_sort3A_599, %masked_sort3A_600, %masked_sort3A_601 = tpu.sort %select_n3A_586, %select_n3A_587 masked %masked_sort3A_598 : (vector<16xf32>, vector<16xi32>, vector<16xi1>) -> (vector<16xi1>, vector<16xf32>, vector<16xi32>)
    %masked_sort3A_602 = arith.constant dense<true> : vector<16xi1>
    %masked_sort3A_603, %masked_sort3A_604, %masked_sort3A_605 = tpu.sort %select_n3A_588, %select_n3A_589 masked %masked_sort3A_602 : (vector<16xf32>, vector<16xi32>, vector<16xi1>) -> (vector<16xi1>, vector<16xf32>, vector<16xi32>)
    %swap3A_606 = arith.constant 4095 : index
    %swap3A_607 = tpu.vector_load %arg10[%swap3A_606] {strides = array<i32>} : memref<4160xi32, #tpu.memory_space<vmem>>, vector<16xi32>,
    tpu.vector_store %arg10[%swap3A_606], %masked_sort3A_593 {strides = array<i32>} : memref<4160xi32, #tpu.memory_space<vmem>>, vector<16xi32>,
    %swap3A_608 = arith.constant 4111 : index
    %swap3A_609 = tpu.vector_load %arg10[%swap3A_608] {strides = array<i32>} : memref<4160xi32, #tpu.memory_space<vmem>>, vector<16xi32>,
    tpu.vector_store %arg10[%swap3A_608], %masked_sort3A_597 {strides = array<i32>} : memref<4160xi32, #tpu.memory_space<vmem>>, vector<16xi32>,
    %swap3A_610 = arith.constant 4127 : index
    %swap3A_611 = tpu.vector_load %arg10[%swap3A_610] {strides = array<i32>} : memref<4160xi32, #tpu.memory_space<vmem>>, vector<16xi32>,
    tpu.vector_store %arg10[%swap3A_610], %masked_sort3A_601 {strides = array<i32>} : memref<4160xi32, #tpu.memory_space<vmem>>, vector<16xi32>,
    %swap3A_612 = arith.constant 4143 : index
    %swap3A_613 = tpu.vector_load %arg10[%swap3A_612] {strides = array<i32>} : memref<4160xi32, #tpu.memory_space<vmem>>, vector<16xi32>,
    tpu.vector_store %arg10[%swap3A_612], %masked_sort3A_605 {strides = array<i32>} : memref<4160xi32, #tpu.memory_space<vmem>>, vector<16xi32>,
    %add3A_614 = arith.constant 0 : i32
    %add3A_615 = vector.broadcast %add3A_614 : i32 to vector<16xi32>
    %add3A_616 = arith.addi %iota3A, %add3A_615 : vector<16xi32>
    %mul3A_617 = arith.constant 65 : i32
    %mul3A_618 = vector.broadcast %mul3A_617 : i32 to vector<16xi32>
    %mul3A_619 = arith.muli %add3A_616, %mul3A_618 : vector<16xi32>
    %add3A_620 = arith.constant 16 : i32
    %add3A_621 = vector.broadcast %add3A_620 : i32 to vector<16xi32>
    %add3A_622 = arith.addi %iota3A, %add3A_621 : vector<16xi32>
    %mul3A_623 = arith.constant 65 : i32
    %mul3A_624 = vector.broadcast %mul3A_623 : i32 to vector<16xi32>
    %mul3A_625 = arith.muli %add3A_622, %mul3A_624 : vector<16xi32>
    %add3A_626 = arith.constant 32 : i32
    %add3A_627 = vector.broadcast %add3A_626 : i32 to vector<16xi32>
    %add3A_628 = arith.addi %iota3A, %add3A_627 : vector<16xi32>
    %mul3A_629 = arith.constant 65 : i32
    %mul3A_630 = vector.broadcast %mul3A_629 : i32 to vector<16xi32>
    %mul3A_631 = arith.muli %add3A_628, %mul3A_630 : vector<16xi32>
    %add3A_632 = arith.constant 48 : i32
    %add3A_633 = vector.broadcast %add3A_632 : i32 to vector<16xi32>
    %add3A_634 = arith.addi %iota3A, %add3A_633 : vector<16xi32>
    %mul3A_635 = arith.constant 65 : i32
    %mul3A_636 = vector.broadcast %mul3A_635 : i32 to vector<16xi32>
    %mul3A_637 = arith.muli %add3A_634, %mul3A_636 : vector<16xi32>
    %add3A_638 = arith.constant 1 : i32
    %add3A_639 = vector.broadcast %add3A_638 : i32 to vector<16xi32>
    %add3A_640 = arith.addi %mul3A_619, %add3A_639 : vector<16xi32>
    %gather3A_641 = tpu.vector_load_idx %arg9[%add3A_640] : memref<4160xf32, #tpu.memory_space<vmem>>[vector<16xi32>], vector<16xf32>,
    %add3A_642 = arith.constant 1 : i32
    %add3A_643 = vector.broadcast %add3A_642 : i32 to vector<16xi32>
    %add3A_644 = arith.addi %mul3A_625, %add3A_643 : vector<16xi32>
    %gather3A_645 = tpu.vector_load_idx %arg9[%add3A_644] : memref<4160xf32, #tpu.memory_space<vmem>>[vector<16xi32>], vector<16xf32>,
    %add3A_646 = arith.constant 1 : i32
    %add3A_647 = vector.broadcast %add3A_646 : i32 to vector<16xi32>
    %add3A_648 = arith.addi %mul3A_631, %add3A_647 : vector<16xi32>
    %gather3A_649 = tpu.vector_load_idx %arg9[%add3A_648] : memref<4160xf32, #tpu.memory_space<vmem>>[vector<16xi32>], vector<16xf32>,
    %add3A_650 = arith.constant 1 : i32
    %add3A_651 = vector.broadcast %add3A_650 : i32 to vector<16xi32>
    %add3A_652 = arith.addi %mul3A_637, %add3A_651 : vector<16xi32>
    %gather3A_653 = tpu.vector_load_idx %arg9[%add3A_652] : memref<4160xf32, #tpu.memory_space<vmem>>[vector<16xi32>], vector<16xf32>,
    %masked_sort3A_654 = arith.constant dense<true> : vector<16xi1>
    %masked_sort3A_655, %masked_sort3A_656, %masked_sort3A_657 = tpu.sort %gather3A_641, %add3A_3 masked %masked_sort3A_654 : (vector<16xf32>, vector<16xi32>, vector<16xi1>) -> (vector<16xi1>, vector<16xf32>, vector<16xi32>)
    %masked_sort3A_658 = arith.constant dense<true> : vector<16xi1>
    %masked_sort3A_659, %masked_sort3A_660, %masked_sort3A_661 = tpu.sort %gather3A_645, %add3A_6 masked %masked_sort3A_658 {descending = true} : (vector<16xf32>, vector<16xi32>, vector<16xi1>) -> (vector<16xi1>, vector<16xf32>, vector<16xi32>)
    %masked_sort3A_662 = arith.constant dense<true> : vector<16xi1>
    %masked_sort3A_663, %masked_sort3A_664, %masked_sort3A_665 = tpu.sort %gather3A_649, %add3A_9 masked %masked_sort3A_662 : (vector<16xf32>, vector<16xi32>, vector<16xi1>) -> (vector<16xi1>, vector<16xf32>, vector<16xi32>)
    %masked_sort3A_666 = arith.constant dense<true> : vector<16xi1>
    %masked_sort3A_667, %masked_sort3A_668, %masked_sort3A_669 = tpu.sort %gather3A_653, %add3A_12 masked %masked_sort3A_666 {descending = true} : (vector<16xf32>, vector<16xi32>, vector<16xi1>) -> (vector<16xi1>, vector<16xf32>, vector<16xi32>)
    %add3A_670 = arith.constant 0 : i32
    %add3A_671 = vector.broadcast %add3A_670 : i32 to vector<16xi32>
    %add3A_672 = arith.addi %mul3A_619, %add3A_671 : vector<16xi32>
    %gather3A_673 = tpu.vector_load_idx %arg9[%add3A_672] : memref<4160xf32, #tpu.memory_space<vmem>>[vector<16xi32>], vector<16xf32>,
    %add3A_674 = arith.constant 0 : i32
    %add3A_675 = vector.broadcast %add3A_674 : i32 to vector<16xi32>
    %add3A_676 = arith.addi %mul3A_625, %add3A_675 : vector<16xi32>
    %gather3A_677 = tpu.vector_load_idx %arg9[%add3A_676] : memref<4160xf32, #tpu.memory_space<vmem>>[vector<16xi32>], vector<16xf32>,
    %add3A_678 = arith.constant 0 : i32
    %add3A_679 = vector.broadcast %add3A_678 : i32 to vector<16xi32>
    %add3A_680 = arith.addi %mul3A_631, %add3A_679 : vector<16xi32>
    %gather3A_681 = tpu.vector_load_idx %arg9[%add3A_680] : memref<4160xf32, #tpu.memory_space<vmem>>[vector<16xi32>], vector<16xf32>,
    %add3A_682 = arith.constant 0 : i32
    %add3A_683 = vector.broadcast %add3A_682 : i32 to vector<16xi32>
    %add3A_684 = arith.addi %mul3A_637, %add3A_683 : vector<16xi32>
    %gather3A_685 = tpu.vector_load_idx %arg9[%add3A_684] : memref<4160xf32, #tpu.memory_space<vmem>>[vector<16xi32>], vector<16xf32>,
    %masked_sort3A_686 = arith.constant dense<true> : vector<16xi1>
    %masked_sort3A_687, %masked_sort3A_688, %masked_sort3A_689 = tpu.sort %gather3A_673, %add3A_3 masked %masked_sort3A_686 : (vector<16xf32>, vector<16xi32>, vector<16xi1>) -> (vector<16xi1>, vector<16xf32>, vector<16xi32>)
    %masked_sort3A_690 = arith.constant dense<true> : vector<16xi1>
    %masked_sort3A_691, %masked_sort3A_692, %masked_sort3A_693 = tpu.sort %gather3A_677, %add3A_6 masked %masked_sort3A_690 {descending = true} : (vector<16xf32>, vector<16xi32>, vector<16xi1>) -> (vector<16xi1>, vector<16xf32>, vector<16xi32>)
    %masked_sort3A_694 = arith.constant dense<true> : vector<16xi1>
    %masked_sort3A_695, %masked_sort3A_696, %masked_sort3A_697 = tpu.sort %gather3A_681, %add3A_9 masked %masked_sort3A_694 : (vector<16xf32>, vector<16xi32>, vector<16xi1>) -> (vector<16xi1>, vector<16xf32>, vector<16xi32>)
    %masked_sort3A_698 = arith.constant dense<true> : vector<16xi1>
    %masked_sort3A_699, %masked_sort3A_700, %masked_sort3A_701 = tpu.sort %gather3A_685, %add3A_12 masked %masked_sort3A_698 {descending = true} : (vector<16xf32>, vector<16xi32>, vector<16xi1>) -> (vector<16xi1>, vector<16xf32>, vector<16xi32>)
    %le3A_702 = arith.cmpf ole, %masked_sort3A_688, %masked_sort3A_692 : vector<16xf32>
    %select_n3A_703 = arith.select %le3A_702, %masked_sort3A_688, %masked_sort3A_692 : vector<16xi1>, vector<16xf32>
    %select_n3A_704 = arith.select %le3A_702, %masked_sort3A_689, %masked_sort3A_693 : vector<16xi1>, vector<16xi32>
    %select_n3A_705 = arith.select %le3A_702, %masked_sort3A_692, %masked_sort3A_688 : vector<16xi1>, vector<16xf32>
    %select_n3A_706 = arith.select %le3A_702, %masked_sort3A_693, %masked_sort3A_689 : vector<16xi1>, vector<16xi32>
    %masked_sort3A_707 = arith.constant dense<true> : vector<16xi1>
    %masked_sort3A_708, %masked_sort3A_709, %masked_sort3A_710 = tpu.sort %select_n3A_703, %select_n3A_704 masked %masked_sort3A_707 : (vector<16xf32>, vector<16xi32>, vector<16xi1>) -> (vector<16xi1>, vector<16xf32>, vector<16xi32>)
    %masked_sort3A_711 = arith.constant dense<true> : vector<16xi1>
    %masked_sort3A_712, %masked_sort3A_713, %masked_sort3A_714 = tpu.sort %select_n3A_705, %select_n3A_706 masked %masked_sort3A_711 : (vector<16xf32>, vector<16xi32>, vector<16xi1>) -> (vector<16xi1>, vector<16xf32>, vector<16xi32>)
    %le3A_715 = arith.cmpf ole, %masked_sort3A_696, %masked_sort3A_700 : vector<16xf32>
    %select_n3A_716 = arith.select %le3A_715, %masked_sort3A_696, %masked_sort3A_700 : vector<16xi1>, vector<16xf32>
    %select_n3A_717 = arith.select %le3A_715, %masked_sort3A_697, %masked_sort3A_701 : vector<16xi1>, vector<16xi32>
    %select_n3A_718 = arith.select %le3A_715, %masked_sort3A_700, %masked_sort3A_696 : vector<16xi1>, vector<16xf32>
    %select_n3A_719 = arith.select %le3A_715, %masked_sort3A_701, %masked_sort3A_697 : vector<16xi1>, vector<16xi32>
    %masked_sort3A_720 = arith.constant dense<true> : vector<16xi1>
    %masked_sort3A_721, %masked_sort3A_722, %masked_sort3A_723 = tpu.sort %select_n3A_718, %select_n3A_719 masked %masked_sort3A_720 {descending = true} : (vector<16xf32>, vector<16xi32>, vector<16xi1>) -> (vector<16xi1>, vector<16xf32>, vector<16xi32>)
    %masked_sort3A_724 = arith.constant dense<true> : vector<16xi1>
    %masked_sort3A_725, %masked_sort3A_726, %masked_sort3A_727 = tpu.sort %select_n3A_716, %select_n3A_717 masked %masked_sort3A_724 {descending = true} : (vector<16xf32>, vector<16xi32>, vector<16xi1>) -> (vector<16xi1>, vector<16xf32>, vector<16xi32>)
    %scan3A_728 = arith.constant 0 : i32
    %scan3A_729 = arith.constant 62 : i32
    %scan3A_730 = arith.addi %scan3A_728, %scan3A_729 : i32
    %scan3A_731 = arith.constant 1 : i32
    %scan3A_732:16 = scf.for %scan3A_1926 = %scan3A_728 to %scan3A_730 step %scan3A_731 iter_args(%scan3A_1927 = %masked_sort3A_656, %scan3A_1928 = %masked_sort3A_657, %scan3A_1929 = %masked_sort3A_660, %scan3A_1930 = %masked_sort3A_661, %scan3A_1931 = %masked_sort3A_664, %scan3A_1932 = %masked_sort3A_665, %scan3A_1933 = %masked_sort3A_668, %scan3A_1934 = %masked_sort3A_669, %scan3A_1935 = %masked_sort3A_709, %scan3A_1936 = %masked_sort3A_710, %scan3A_1937 = %masked_sort3A_713, %scan3A_1938 = %masked_sort3A_714, %scan3A_1939 = %masked_sort3A_722, %scan3A_1940 = %masked_sort3A_723, %scan3A_1941 = %masked_sort3A_726, %scan3A_1942 = %masked_sort3A_727) -> (vector<16xf32>, vector<16xi32>, vector<16xf32>, vector<16xi32>, vector<16xf32>, vector<16xi32>, vector<16xf32>, vector<16xi32>, vector<16xf32>, vector<16xi32>, vector<16xf32>, vector<16xi32>, vector<16xf32>, vector<16xi32>, vector<16xf32>, vector<16xi32>)  : i32 {
      %add3A_1943 = arith.constant 2 : i32
      %add3A_1944 = arith.addi %scan3A_1926, %add3A_1943 : i32
      %add3A_1945 = vector.broadcast %add3A_1944 : i32 to vector<16xi32>
      %add3A_1946 = arith.addi %mul3A_619, %add3A_1945 : vector<16xi32>
      %gather3A_1947 = tpu.vector_load_idx %arg9[%add3A_1946] : memref<4160xf32, #tpu.memory_space<vmem>>[vector<16xi32>], vector<16xf32>,
      %add3A_1948 = vector.broadcast %add3A_1944 : i32 to vector<16xi32>
      %add3A_1949 = arith.addi %mul3A_625, %add3A_1948 : vector<16xi32>
      %gather3A_1950 = tpu.vector_load_idx %arg9[%add3A_1949] : memref<4160xf32, #tpu.memory_space<vmem>>[vector<16xi32>], vector<16xf32>,
      %add3A_1951 = vector.broadcast %add3A_1944 : i32 to vector<16xi32>
      %add3A_1952 = arith.addi %mul3A_631, %add3A_1951 : vector<16xi32>
      %gather3A_1953 = tpu.vector_load_idx %arg9[%add3A_1952] : memref<4160xf32, #tpu.memory_space<vmem>>[vector<16xi32>], vector<16xf32>,
      %add3A_1954 = vector.broadcast %add3A_1944 : i32 to vector<16xi32>
      %add3A_1955 = arith.addi %mul3A_637, %add3A_1954 : vector<16xi32>
      %gather3A_1956 = tpu.vector_load_idx %arg9[%add3A_1955] : memref<4160xf32, #tpu.memory_space<vmem>>[vector<16xi32>], vector<16xf32>,
      %masked_sort3A_1957 = arith.constant dense<true> : vector<16xi1>
      %masked_sort3A_1958, %masked_sort3A_1959, %masked_sort3A_1960 = tpu.sort %gather3A_1947, %add3A_3 masked %masked_sort3A_1957 : (vector<16xf32>, vector<16xi32>, vector<16xi1>) -> (vector<16xi1>, vector<16xf32>, vector<16xi32>)
      %masked_sort3A_1961 = arith.constant dense<true> : vector<16xi1>
      %masked_sort3A_1962, %masked_sort3A_1963, %masked_sort3A_1964 = tpu.sort %gather3A_1950, %add3A_6 masked %masked_sort3A_1961 {descending = true} : (vector<16xf32>, vector<16xi32>, vector<16xi1>) -> (vector<16xi1>, vector<16xf32>, vector<16xi32>)
      %masked_sort3A_1965 = arith.constant dense<true> : vector<16xi1>
      %masked_sort3A_1966, %masked_sort3A_1967, %masked_sort3A_1968 = tpu.sort %gather3A_1953, %add3A_9 masked %masked_sort3A_1965 : (vector<16xf32>, vector<16xi32>, vector<16xi1>) -> (vector<16xi1>, vector<16xf32>, vector<16xi32>)
      %masked_sort3A_1969 = arith.constant dense<true> : vector<16xi1>
      %masked_sort3A_1970, %masked_sort3A_1971, %masked_sort3A_1972 = tpu.sort %gather3A_1956, %add3A_12 masked %masked_sort3A_1969 {descending = true} : (vector<16xf32>, vector<16xi32>, vector<16xi1>) -> (vector<16xi1>, vector<16xf32>, vector<16xi32>)
      %le3A_1973 = arith.cmpf ole, %scan3A_1927, %scan3A_1929 : vector<16xf32>
      %select_n3A_1974 = arith.select %le3A_1973, %scan3A_1927, %scan3A_1929 : vector<16xi1>, vector<16xf32>
      %select_n3A_1975 = arith.select %le3A_1973, %scan3A_1928, %scan3A_1930 : vector<16xi1>, vector<16xi32>
      %select_n3A_1976 = arith.select %le3A_1973, %scan3A_1929, %scan3A_1927 : vector<16xi1>, vector<16xf32>
      %select_n3A_1977 = arith.select %le3A_1973, %scan3A_1930, %scan3A_1928 : vector<16xi1>, vector<16xi32>
      %masked_sort3A_1978 = arith.constant dense<true> : vector<16xi1>
      %masked_sort3A_1979, %masked_sort3A_1980, %masked_sort3A_1981 = tpu.sort %select_n3A_1974, %select_n3A_1975 masked %masked_sort3A_1978 : (vector<16xf32>, vector<16xi32>, vector<16xi1>) -> (vector<16xi1>, vector<16xf32>, vector<16xi32>)
      %masked_sort3A_1982 = arith.constant dense<true> : vector<16xi1>
      %masked_sort3A_1983, %masked_sort3A_1984, %masked_sort3A_1985 = tpu.sort %select_n3A_1976, %select_n3A_1977 masked %masked_sort3A_1982 : (vector<16xf32>, vector<16xi32>, vector<16xi1>) -> (vector<16xi1>, vector<16xf32>, vector<16xi32>)
      %le3A_1986 = arith.cmpf ole, %scan3A_1931, %scan3A_1933 : vector<16xf32>
      %select_n3A_1987 = arith.select %le3A_1986, %scan3A_1931, %scan3A_1933 : vector<16xi1>, vector<16xf32>
      %select_n3A_1988 = arith.select %le3A_1986, %scan3A_1932, %scan3A_1934 : vector<16xi1>, vector<16xi32>
      %select_n3A_1989 = arith.select %le3A_1986, %scan3A_1933, %scan3A_1931 : vector<16xi1>, vector<16xf32>
      %select_n3A_1990 = arith.select %le3A_1986, %scan3A_1934, %scan3A_1932 : vector<16xi1>, vector<16xi32>
      %masked_sort3A_1991 = arith.constant dense<true> : vector<16xi1>
      %masked_sort3A_1992, %masked_sort3A_1993, %masked_sort3A_1994 = tpu.sort %select_n3A_1989, %select_n3A_1990 masked %masked_sort3A_1991 {descending = true} : (vector<16xf32>, vector<16xi32>, vector<16xi1>) -> (vector<16xi1>, vector<16xf32>, vector<16xi32>)
      %masked_sort3A_1995 = arith.constant dense<true> : vector<16xi1>
      %masked_sort3A_1996, %masked_sort3A_1997, %masked_sort3A_1998 = tpu.sort %select_n3A_1987, %select_n3A_1988 masked %masked_sort3A_1995 {descending = true} : (vector<16xf32>, vector<16xi32>, vector<16xi1>) -> (vector<16xi1>, vector<16xf32>, vector<16xi32>)
      %le3A_1999 = arith.cmpf ole, %scan3A_1935, %scan3A_1939 : vector<16xf32>
      %select_n3A_2000 = arith.select %le3A_1999, %scan3A_1935, %scan3A_1939 : vector<16xi1>, vector<16xf32>
      %select_n3A_2001 = arith.select %le3A_1999, %scan3A_1936, %scan3A_1940 : vector<16xi1>, vector<16xi32>
      %select_n3A_2002 = arith.select %le3A_1999, %scan3A_1939, %scan3A_1935 : vector<16xi1>, vector<16xf32>
      %select_n3A_2003 = arith.select %le3A_1999, %scan3A_1940, %scan3A_1936 : vector<16xi1>, vector<16xi32>
      %le3A_2004 = arith.cmpf ole, %scan3A_1937, %scan3A_1941 : vector<16xf32>
      %select_n3A_2005 = arith.select %le3A_2004, %scan3A_1937, %scan3A_1941 : vector<16xi1>, vector<16xf32>
      %select_n3A_2006 = arith.select %le3A_2004, %scan3A_1938, %scan3A_1942 : vector<16xi1>, vector<16xi32>
      %select_n3A_2007 = arith.select %le3A_2004, %scan3A_1941, %scan3A_1937 : vector<16xi1>, vector<16xf32>
      %select_n3A_2008 = arith.select %le3A_2004, %scan3A_1942, %scan3A_1938 : vector<16xi1>, vector<16xi32>
      %le3A_2009 = arith.cmpf ole, %select_n3A_2000, %select_n3A_2005 : vector<16xf32>
      %select_n3A_2010 = arith.select %le3A_2009, %select_n3A_2000, %select_n3A_2005 : vector<16xi1>, vector<16xf32>
      %select_n3A_2011 = arith.select %le3A_2009, %select_n3A_2001, %select_n3A_2006 : vector<16xi1>, vector<16xi32>
      %select_n3A_2012 = arith.select %le3A_2009, %select_n3A_2005, %select_n3A_2000 : vector<16xi1>, vector<16xf32>
      %select_n3A_2013 = arith.select %le3A_2009, %select_n3A_2006, %select_n3A_2001 : vector<16xi1>, vector<16xi32>
      %le3A_2014 = arith.cmpf ole, %select_n3A_2002, %select_n3A_2007 : vector<16xf32>
      %select_n3A_2015 = arith.select %le3A_2014, %select_n3A_2002, %select_n3A_2007 : vector<16xi1>, vector<16xf32>
      %select_n3A_2016 = arith.select %le3A_2014, %select_n3A_2003, %select_n3A_2008 : vector<16xi1>, vector<16xi32>
      %select_n3A_2017 = arith.select %le3A_2014, %select_n3A_2007, %select_n3A_2002 : vector<16xi1>, vector<16xf32>
      %select_n3A_2018 = arith.select %le3A_2014, %select_n3A_2008, %select_n3A_2003 : vector<16xi1>, vector<16xi32>
      %masked_sort3A_2019 = arith.constant dense<true> : vector<16xi1>
      %masked_sort3A_2020, %masked_sort3A_2021, %masked_sort3A_2022 = tpu.sort %select_n3A_2010, %select_n3A_2011 masked %masked_sort3A_2019 : (vector<16xf32>, vector<16xi32>, vector<16xi1>) -> (vector<16xi1>, vector<16xf32>, vector<16xi32>)
      %masked_sort3A_2023 = arith.constant dense<true> : vector<16xi1>
      %masked_sort3A_2024, %masked_sort3A_2025, %masked_sort3A_2026 = tpu.sort %select_n3A_2012, %select_n3A_2013 masked %masked_sort3A_2023 : (vector<16xf32>, vector<16xi32>, vector<16xi1>) -> (vector<16xi1>, vector<16xf32>, vector<16xi32>)
      %masked_sort3A_2027 = arith.constant dense<true> : vector<16xi1>
      %masked_sort3A_2028, %masked_sort3A_2029, %masked_sort3A_2030 = tpu.sort %select_n3A_2015, %select_n3A_2016 masked %masked_sort3A_2027 : (vector<16xf32>, vector<16xi32>, vector<16xi1>) -> (vector<16xi1>, vector<16xf32>, vector<16xi32>)
      %masked_sort3A_2031 = arith.constant dense<true> : vector<16xi1>
      %masked_sort3A_2032, %masked_sort3A_2033, %masked_sort3A_2034 = tpu.sort %select_n3A_2017, %select_n3A_2018 masked %masked_sort3A_2031 : (vector<16xf32>, vector<16xi32>, vector<16xi1>) -> (vector<16xi1>, vector<16xf32>, vector<16xi32>)
      %mul3A_2035 = arith.constant 0 : i32
      %mul3A_2036 = vector.broadcast %mul3A_2035 : i32 to vector<16xi32>
      %mul3A_2037 = arith.muli %iota3A, %mul3A_2036 : vector<16xi32>
      %add3A_2038 = vector.broadcast %scan3A_1926 : i32 to vector<16xi32>
      %add3A_2039 = arith.addi %mul3A_2037, %add3A_2038 : vector<16xi32>
      %mul3A_2040 = arith.constant 65 : i32
      %mul3A_2041 = vector.broadcast %mul3A_2040 : i32 to vector<16xi32>
      %mul3A_2042 = arith.muli %masked_sort3A_2022, %mul3A_2041 : vector<16xi32>
      %add3A_2043 = vector.broadcast %scan3A_1926 : i32 to vector<16xi32>
      %add3A_2044 = arith.addi %mul3A_2042, %add3A_2043 : vector<16xi32>
      %gather3A_2045 = tpu.vector_load_idx %arg10[%add3A_2044] : memref<4160xi32, #tpu.memory_space<vmem>>[vector<16xi32>], vector<16xi32>,
      %mul3A_2046 = arith.constant 64 : i32
      %mul3A_2047 = vector.broadcast %mul3A_2046 : i32 to vector<16xi32>
      %mul3A_2048 = arith.muli %masked_sort3A_2022, %mul3A_2047 : vector<16xi32>
      %add3A_2049 = arith.addi %mul3A_2048, %gather3A_2045 : vector<16xi32>
      %gather3A_2050 = tpu.vector_load_idx %arg8[%add3A_2049] : memref<4096xf32, #tpu.memory_space<vmem>>[vector<16xi32>], vector<16xf32>,
      tpu.vector_store_idx %arg12[%add3A_3, %add3A_2039], %gather3A_2050 : memref<64x65xf32, #tpu.memory_space<vmem>>[vector<16xi32>, vector<16xi32>], vector<16xf32>,
      %mul3A_2051 = arith.constant 65 : i32
      %mul3A_2052 = vector.broadcast %mul3A_2051 : i32 to vector<16xi32>
      %mul3A_2053 = arith.muli %masked_sort3A_2026, %mul3A_2052 : vector<16xi32>
      %add3A_2054 = vector.broadcast %scan3A_1926 : i32 to vector<16xi32>
      %add3A_2055 = arith.addi %mul3A_2053, %add3A_2054 : vector<16xi32>
      %gather3A_2056 = tpu.vector_load_idx %arg10[%add3A_2055] : memref<4160xi32, #tpu.memory_space<vmem>>[vector<16xi32>], vector<16xi32>,
      %mul3A_2057 = arith.constant 64 : i32
      %mul3A_2058 = vector.broadcast %mul3A_2057 : i32 to vector<16xi32>
      %mul3A_2059 = arith.muli %masked_sort3A_2026, %mul3A_2058 : vector<16xi32>
      %add3A_2060 = arith.addi %mul3A_2059, %gather3A_2056 : vector<16xi32>
      %gather3A_2061 = tpu.vector_load_idx %arg8[%add3A_2060] : memref<4096xf32, #tpu.memory_space<vmem>>[vector<16xi32>], vector<16xf32>,
      tpu.vector_store_idx %arg12[%add3A_6, %add3A_2039], %gather3A_2061 : memref<64x65xf32, #tpu.memory_space<vmem>>[vector<16xi32>, vector<16xi32>], vector<16xf32>,
      %mul3A_2062 = arith.constant 65 : i32
      %mul3A_2063 = vector.broadcast %mul3A_2062 : i32 to vector<16xi32>
      %mul3A_2064 = arith.muli %masked_sort3A_2030, %mul3A_2063 : vector<16xi32>
      %add3A_2065 = vector.broadcast %scan3A_1926 : i32 to vector<16xi32>
      %add3A_2066 = arith.addi %mul3A_2064, %add3A_2065 : vector<16xi32>
      %gather3A_2067 = tpu.vector_load_idx %arg10[%add3A_2066] : memref<4160xi32, #tpu.memory_space<vmem>>[vector<16xi32>], vector<16xi32>,
      %mul3A_2068 = arith.constant 64 : i32
      %mul3A_2069 = vector.broadcast %mul3A_2068 : i32 to vector<16xi32>
      %mul3A_2070 = arith.muli %masked_sort3A_2030, %mul3A_2069 : vector<16xi32>
      %add3A_2071 = arith.addi %mul3A_2070, %gather3A_2067 : vector<16xi32>
      %gather3A_2072 = tpu.vector_load_idx %arg8[%add3A_2071] : memref<4096xf32, #tpu.memory_space<vmem>>[vector<16xi32>], vector<16xf32>,
      tpu.vector_store_idx %arg12[%add3A_9, %add3A_2039], %gather3A_2072 : memref<64x65xf32, #tpu.memory_space<vmem>>[vector<16xi32>, vector<16xi32>], vector<16xf32>,
      %mul3A_2073 = arith.constant 65 : i32
      %mul3A_2074 = vector.broadcast %mul3A_2073 : i32 to vector<16xi32>
      %mul3A_2075 = arith.muli %masked_sort3A_2034, %mul3A_2074 : vector<16xi32>
      %add3A_2076 = vector.broadcast %scan3A_1926 : i32 to vector<16xi32>
      %add3A_2077 = arith.addi %mul3A_2075, %add3A_2076 : vector<16xi32>
      %gather3A_2078 = tpu.vector_load_idx %arg10[%add3A_2077] : memref<4160xi32, #tpu.memory_space<vmem>>[vector<16xi32>], vector<16xi32>,
      %mul3A_2079 = arith.constant 64 : i32
      %mul3A_2080 = vector.broadcast %mul3A_2079 : i32 to vector<16xi32>
      %mul3A_2081 = arith.muli %masked_sort3A_2034, %mul3A_2080 : vector<16xi32>
      %add3A_2082 = arith.addi %mul3A_2081, %gather3A_2078 : vector<16xi32>
      %gather3A_2083 = tpu.vector_load_idx %arg8[%add3A_2082] : memref<4096xf32, #tpu.memory_space<vmem>>[vector<16xi32>], vector<16xf32>,
      tpu.vector_store_idx %arg12[%add3A_12, %add3A_2039], %gather3A_2083 : memref<64x65xf32, #tpu.memory_space<vmem>>[vector<16xi32>, vector<16xi32>], vector<16xf32>,
      scf.yield %masked_sort3A_1959, %masked_sort3A_1960, %masked_sort3A_1963, %masked_sort3A_1964, %masked_sort3A_1967, %masked_sort3A_1968, %masked_sort3A_1971, %masked_sort3A_1972, %masked_sort3A_1980, %masked_sort3A_1981, %masked_sort3A_1984, %masked_sort3A_1985, %masked_sort3A_1993, %masked_sort3A_1994, %masked_sort3A_1997, %masked_sort3A_1998 : vector<16xf32>, vector<16xi32>, vector<16xf32>, vector<16xi32>, vector<16xf32>, vector<16xi32>, vector<16xf32>, vector<16xi32>, vector<16xf32>, vector<16xi32>, vector<16xf32>, vector<16xi32>, vector<16xf32>, vector<16xi32>, vector<16xf32>, vector<16xi32>
    }
    %scan3A_733 = arith.constant 62 : i32
    %le3A_734 = arith.cmpf ole, %scan3A_732#8, %scan3A_732#12 : vector<16xf32>
    %select_n3A_735 = arith.select %le3A_734, %scan3A_732#8, %scan3A_732#12 : vector<16xi1>, vector<16xf32>
    %select_n3A_736 = arith.select %le3A_734, %scan3A_732#9, %scan3A_732#13 : vector<16xi1>, vector<16xi32>
    %select_n3A_737 = arith.select %le3A_734, %scan3A_732#12, %scan3A_732#8 : vector<16xi1>, vector<16xf32>
    %select_n3A_738 = arith.select %le3A_734, %scan3A_732#13, %scan3A_732#9 : vector<16xi1>, vector<16xi32>
    %le3A_739 = arith.cmpf ole, %scan3A_732#10, %scan3A_732#14 : vector<16xf32>
    %select_n3A_740 = arith.select %le3A_739, %scan3A_732#10, %scan3A_732#14 : vector<16xi1>, vector<16xf32>
    %select_n3A_741 = arith.select %le3A_739, %scan3A_732#11, %scan3A_732#15 : vector<16xi1>, vector<16xi32>
    %select_n3A_742 = arith.select %le3A_739, %scan3A_732#14, %scan3A_732#10 : vector<16xi1>, vector<16xf32>
    %select_n3A_743 = arith.select %le3A_739, %scan3A_732#15, %scan3A_732#11 : vector<16xi1>, vector<16xi32>
    %le3A_744 = arith.cmpf ole, %select_n3A_735, %select_n3A_740 : vector<16xf32>
    %select_n3A_745 = arith.select %le3A_744, %select_n3A_735, %select_n3A_740 : vector<16xi1>, vector<16xf32>
    %select_n3A_746 = arith.select %le3A_744, %select_n3A_736, %select_n3A_741 : vector<16xi1>, vector<16xi32>
    %select_n3A_747 = arith.select %le3A_744, %select_n3A_740, %select_n3A_735 : vector<16xi1>, vector<16xf32>
    %select_n3A_748 = arith.select %le3A_744, %select_n3A_741, %select_n3A_736 : vector<16xi1>, vector<16xi32>
    %le3A_749 = arith.cmpf ole, %select_n3A_737, %select_n3A_742 : vector<16xf32>
    %select_n3A_750 = arith.select %le3A_749, %select_n3A_737, %select_n3A_742 : vector<16xi1>, vector<16xf32>
    %select_n3A_751 = arith.select %le3A_749, %select_n3A_738, %select_n3A_743 : vector<16xi1>, vector<16xi32>
    %select_n3A_752 = arith.select %le3A_749, %select_n3A_742, %select_n3A_737 : vector<16xi1>, vector<16xf32>
    %select_n3A_753 = arith.select %le3A_749, %select_n3A_743, %select_n3A_738 : vector<16xi1>, vector<16xi32>
    %masked_sort3A_754 = arith.constant dense<true> : vector<16xi1>
    %masked_sort3A_755, %masked_sort3A_756, %masked_sort3A_757 = tpu.sort %select_n3A_745, %select_n3A_746 masked %masked_sort3A_754 : (vector<16xf32>, vector<16xi32>, vector<16xi1>) -> (vector<16xi1>, vector<16xf32>, vector<16xi32>)
    %masked_sort3A_758 = arith.constant dense<true> : vector<16xi1>
    %masked_sort3A_759, %masked_sort3A_760, %masked_sort3A_761 = tpu.sort %select_n3A_747, %select_n3A_748 masked %masked_sort3A_758 : (vector<16xf32>, vector<16xi32>, vector<16xi1>) -> (vector<16xi1>, vector<16xf32>, vector<16xi32>)
    %masked_sort3A_762 = arith.constant dense<true> : vector<16xi1>
    %masked_sort3A_763, %masked_sort3A_764, %masked_sort3A_765 = tpu.sort %select_n3A_750, %select_n3A_751 masked %masked_sort3A_762 : (vector<16xf32>, vector<16xi32>, vector<16xi1>) -> (vector<16xi1>, vector<16xf32>, vector<16xi32>)
    %masked_sort3A_766 = arith.constant dense<true> : vector<16xi1>
    %masked_sort3A_767, %masked_sort3A_768, %masked_sort3A_769 = tpu.sort %select_n3A_752, %select_n3A_753 masked %masked_sort3A_766 : (vector<16xf32>, vector<16xi32>, vector<16xi1>) -> (vector<16xi1>, vector<16xf32>, vector<16xi32>)
    %mul3A_770 = arith.constant 0 : i32
    %mul3A_771 = vector.broadcast %mul3A_770 : i32 to vector<16xi32>
    %mul3A_772 = arith.muli %iota3A, %mul3A_771 : vector<16xi32>
    %add3A_773 = arith.constant 62 : i32
    %add3A_774 = vector.broadcast %add3A_773 : i32 to vector<16xi32>
    %add3A_775 = arith.addi %mul3A_772, %add3A_774 : vector<16xi32>
    %mul3A_776 = arith.constant 65 : i32
    %mul3A_777 = vector.broadcast %mul3A_776 : i32 to vector<16xi32>
    %mul3A_778 = arith.muli %masked_sort3A_757, %mul3A_777 : vector<16xi32>
    %add3A_779 = arith.constant 62 : i32
    %add3A_780 = vector.broadcast %add3A_779 : i32 to vector<16xi32>
    %add3A_781 = arith.addi %mul3A_778, %add3A_780 : vector<16xi32>
    %gather3A_782 = tpu.vector_load_idx %arg10[%add3A_781] : memref<4160xi32, #tpu.memory_space<vmem>>[vector<16xi32>], vector<16xi32>,
    %mul3A_783 = arith.constant 64 : i32
    %mul3A_784 = vector.broadcast %mul3A_783 : i32 to vector<16xi32>
    %mul3A_785 = arith.muli %masked_sort3A_757, %mul3A_784 : vector<16xi32>
    %add3A_786 = arith.addi %mul3A_785, %gather3A_782 : vector<16xi32>
    %gather3A_787 = tpu.vector_load_idx %arg8[%add3A_786] : memref<4096xf32, #tpu.memory_space<vmem>>[vector<16xi32>], vector<16xf32>,
    tpu.vector_store_idx %arg12[%add3A_3, %add3A_775], %gather3A_787 : memref<64x65xf32, #tpu.memory_space<vmem>>[vector<16xi32>, vector<16xi32>], vector<16xf32>,
    %mul3A_788 = arith.constant 65 : i32
    %mul3A_789 = vector.broadcast %mul3A_788 : i32 to vector<16xi32>
    %mul3A_790 = arith.muli %masked_sort3A_761, %mul3A_789 : vector<16xi32>
    %add3A_791 = arith.constant 62 : i32
    %add3A_792 = vector.broadcast %add3A_791 : i32 to vector<16xi32>
    %add3A_793 = arith.addi %mul3A_790, %add3A_792 : vector<16xi32>
    %gather3A_794 = tpu.vector_load_idx %arg10[%add3A_793] : memref<4160xi32, #tpu.memory_space<vmem>>[vector<16xi32>], vector<16xi32>,
    %mul3A_795 = arith.constant 64 : i32
    %mul3A_796 = vector.broadcast %mul3A_795 : i32 to vector<16xi32>
    %mul3A_797 = arith.muli %masked_sort3A_761, %mul3A_796 : vector<16xi32>
    %add3A_798 = arith.addi %mul3A_797, %gather3A_794 : vector<16xi32>
    %gather3A_799 = tpu.vector_load_idx %arg8[%add3A_798] : memref<4096xf32, #tpu.memory_space<vmem>>[vector<16xi32>], vector<16xf32>,
    tpu.vector_store_idx %arg12[%add3A_6, %add3A_775], %gather3A_799 : memref<64x65xf32, #tpu.memory_space<vmem>>[vector<16xi32>, vector<16xi32>], vector<16xf32>,
    %mul3A_800 = arith.constant 65 : i32
    %mul3A_801 = vector.broadcast %mul3A_800 : i32 to vector<16xi32>
    %mul3A_802 = arith.muli %masked_sort3A_765, %mul3A_801 : vector<16xi32>
    %add3A_803 = arith.constant 62 : i32
    %add3A_804 = vector.broadcast %add3A_803 : i32 to vector<16xi32>
    %add3A_805 = arith.addi %mul3A_802, %add3A_804 : vector<16xi32>
    %gather3A_806 = tpu.vector_load_idx %arg10[%add3A_805] : memref<4160xi32, #tpu.memory_space<vmem>>[vector<16xi32>], vector<16xi32>,
    %mul3A_807 = arith.constant 64 : i32
    %mul3A_808 = vector.broadcast %mul3A_807 : i32 to vector<16xi32>
    %mul3A_809 = arith.muli %masked_sort3A_765, %mul3A_808 : vector<16xi32>
    %add3A_810 = arith.addi %mul3A_809, %gather3A_806 : vector<16xi32>
    %gather3A_811 = tpu.vector_load_idx %arg8[%add3A_810] : memref<4096xf32, #tpu.memory_space<vmem>>[vector<16xi32>], vector<16xf32>,
    tpu.vector_store_idx %arg12[%add3A_9, %add3A_775], %gather3A_811 : memref<64x65xf32, #tpu.memory_space<vmem>>[vector<16xi32>, vector<16xi32>], vector<16xf32>,
    %mul3A_812 = arith.constant 65 : i32
    %mul3A_813 = vector.broadcast %mul3A_812 : i32 to vector<16xi32>
    %mul3A_814 = arith.muli %masked_sort3A_769, %mul3A_813 : vector<16xi32>
    %add3A_815 = arith.constant 62 : i32
    %add3A_816 = vector.broadcast %add3A_815 : i32 to vector<16xi32>
    %add3A_817 = arith.addi %mul3A_814, %add3A_816 : vector<16xi32>
    %gather3A_818 = tpu.vector_load_idx %arg10[%add3A_817] : memref<4160xi32, #tpu.memory_space<vmem>>[vector<16xi32>], vector<16xi32>,
    %mul3A_819 = arith.constant 64 : i32
    %mul3A_820 = vector.broadcast %mul3A_819 : i32 to vector<16xi32>
    %mul3A_821 = arith.muli %masked_sort3A_769, %mul3A_820 : vector<16xi32>
    %add3A_822 = arith.addi %mul3A_821, %gather3A_818 : vector<16xi32>
    %gather3A_823 = tpu.vector_load_idx %arg8[%add3A_822] : memref<4096xf32, #tpu.memory_space<vmem>>[vector<16xi32>], vector<16xf32>,
    tpu.vector_store_idx %arg12[%add3A_12, %add3A_775], %gather3A_823 : memref<64x65xf32, #tpu.memory_space<vmem>>[vector<16xi32>, vector<16xi32>], vector<16xf32>,
    %le3A_824 = arith.cmpf ole, %scan3A_732#0, %scan3A_732#2 : vector<16xf32>
    %select_n3A_825 = arith.select %le3A_824, %scan3A_732#0, %scan3A_732#2 : vector<16xi1>, vector<16xf32>
    %select_n3A_826 = arith.select %le3A_824, %scan3A_732#1, %scan3A_732#3 : vector<16xi1>, vector<16xi32>
    %select_n3A_827 = arith.select %le3A_824, %scan3A_732#2, %scan3A_732#0 : vector<16xi1>, vector<16xf32>
    %select_n3A_828 = arith.select %le3A_824, %scan3A_732#3, %scan3A_732#1 : vector<16xi1>, vector<16xi32>
    %masked_sort3A_829 = arith.constant dense<true> : vector<16xi1>
    %masked_sort3A_830, %masked_sort3A_831, %masked_sort3A_832 = tpu.sort %select_n3A_825, %select_n3A_826 masked %masked_sort3A_829 : (vector<16xf32>, vector<16xi32>, vector<16xi1>) -> (vector<16xi1>, vector<16xf32>, vector<16xi32>)
    %masked_sort3A_833 = arith.constant dense<true> : vector<16xi1>
    %masked_sort3A_834, %masked_sort3A_835, %masked_sort3A_836 = tpu.sort %select_n3A_827, %select_n3A_828 masked %masked_sort3A_833 : (vector<16xf32>, vector<16xi32>, vector<16xi1>) -> (vector<16xi1>, vector<16xf32>, vector<16xi32>)
    %le3A_837 = arith.cmpf ole, %scan3A_732#4, %scan3A_732#6 : vector<16xf32>
    %select_n3A_838 = arith.select %le3A_837, %scan3A_732#4, %scan3A_732#6 : vector<16xi1>, vector<16xf32>
    %select_n3A_839 = arith.select %le3A_837, %scan3A_732#5, %scan3A_732#7 : vector<16xi1>, vector<16xi32>
    %select_n3A_840 = arith.select %le3A_837, %scan3A_732#6, %scan3A_732#4 : vector<16xi1>, vector<16xf32>
    %select_n3A_841 = arith.select %le3A_837, %scan3A_732#7, %scan3A_732#5 : vector<16xi1>, vector<16xi32>
    %masked_sort3A_842 = arith.constant dense<true> : vector<16xi1>
    %masked_sort3A_843, %masked_sort3A_844, %masked_sort3A_845 = tpu.sort %select_n3A_840, %select_n3A_841 masked %masked_sort3A_842 {descending = true} : (vector<16xf32>, vector<16xi32>, vector<16xi1>) -> (vector<16xi1>, vector<16xf32>, vector<16xi32>)
    %masked_sort3A_846 = arith.constant dense<true> : vector<16xi1>
    %masked_sort3A_847, %masked_sort3A_848, %masked_sort3A_849 = tpu.sort %select_n3A_838, %select_n3A_839 masked %masked_sort3A_846 {descending = true} : (vector<16xf32>, vector<16xi32>, vector<16xi1>) -> (vector<16xi1>, vector<16xf32>, vector<16xi32>)
    %le3A_850 = arith.cmpf ole, %masked_sort3A_831, %masked_sort3A_844 : vector<16xf32>
    %select_n3A_851 = arith.select %le3A_850, %masked_sort3A_831, %masked_sort3A_844 : vector<16xi1>, vector<16xf32>
    %select_n3A_852 = arith.select %le3A_850, %masked_sort3A_832, %masked_sort3A_845 : vector<16xi1>, vector<16xi32>
    %select_n3A_853 = arith.select %le3A_850, %masked_sort3A_844, %masked_sort3A_831 : vector<16xi1>, vector<16xf32>
    %select_n3A_854 = arith.select %le3A_850, %masked_sort3A_845, %masked_sort3A_832 : vector<16xi1>, vector<16xi32>
    %le3A_855 = arith.cmpf ole, %masked_sort3A_835, %masked_sort3A_848 : vector<16xf32>
    %select_n3A_856 = arith.select %le3A_855, %masked_sort3A_835, %masked_sort3A_848 : vector<16xi1>, vector<16xf32>
    %select_n3A_857 = arith.select %le3A_855, %masked_sort3A_836, %masked_sort3A_849 : vector<16xi1>, vector<16xi32>
    %select_n3A_858 = arith.select %le3A_855, %masked_sort3A_848, %masked_sort3A_835 : vector<16xi1>, vector<16xf32>
    %select_n3A_859 = arith.select %le3A_855, %masked_sort3A_849, %masked_sort3A_836 : vector<16xi1>, vector<16xi32>
    %le3A_860 = arith.cmpf ole, %select_n3A_851, %select_n3A_856 : vector<16xf32>
    %select_n3A_861 = arith.select %le3A_860, %select_n3A_851, %select_n3A_856 : vector<16xi1>, vector<16xf32>
    %select_n3A_862 = arith.select %le3A_860, %select_n3A_852, %select_n3A_857 : vector<16xi1>, vector<16xi32>
    %select_n3A_863 = arith.select %le3A_860, %select_n3A_856, %select_n3A_851 : vector<16xi1>, vector<16xf32>
    %select_n3A_864 = arith.select %le3A_860, %select_n3A_857, %select_n3A_852 : vector<16xi1>, vector<16xi32>
    %le3A_865 = arith.cmpf ole, %select_n3A_853, %select_n3A_858 : vector<16xf32>
    %select_n3A_866 = arith.select %le3A_865, %select_n3A_853, %select_n3A_858 : vector<16xi1>, vector<16xf32>
    %select_n3A_867 = arith.select %le3A_865, %select_n3A_854, %select_n3A_859 : vector<16xi1>, vector<16xi32>
    %select_n3A_868 = arith.select %le3A_865, %select_n3A_858, %select_n3A_853 : vector<16xi1>, vector<16xf32>
    %select_n3A_869 = arith.select %le3A_865, %select_n3A_859, %select_n3A_854 : vector<16xi1>, vector<16xi32>
    %masked_sort3A_870 = arith.constant dense<true> : vector<16xi1>
    %masked_sort3A_871, %masked_sort3A_872, %masked_sort3A_873 = tpu.sort %select_n3A_861, %select_n3A_862 masked %masked_sort3A_870 : (vector<16xf32>, vector<16xi32>, vector<16xi1>) -> (vector<16xi1>, vector<16xf32>, vector<16xi32>)
    %masked_sort3A_874 = arith.constant dense<true> : vector<16xi1>
    %masked_sort3A_875, %masked_sort3A_876, %masked_sort3A_877 = tpu.sort %select_n3A_863, %select_n3A_864 masked %masked_sort3A_874 : (vector<16xf32>, vector<16xi32>, vector<16xi1>) -> (vector<16xi1>, vector<16xf32>, vector<16xi32>)
    %masked_sort3A_878 = arith.constant dense<true> : vector<16xi1>
    %masked_sort3A_879, %masked_sort3A_880, %masked_sort3A_881 = tpu.sort %select_n3A_866, %select_n3A_867 masked %masked_sort3A_878 : (vector<16xf32>, vector<16xi32>, vector<16xi1>) -> (vector<16xi1>, vector<16xf32>, vector<16xi32>)
    %masked_sort3A_882 = arith.constant dense<true> : vector<16xi1>
    %masked_sort3A_883, %masked_sort3A_884, %masked_sort3A_885 = tpu.sort %select_n3A_868, %select_n3A_869 masked %masked_sort3A_882 : (vector<16xf32>, vector<16xi32>, vector<16xi1>) -> (vector<16xi1>, vector<16xf32>, vector<16xi32>)
    %mul3A_886 = arith.constant 0 : i32
    %mul3A_887 = vector.broadcast %mul3A_886 : i32 to vector<16xi32>
    %mul3A_888 = arith.muli %iota3A, %mul3A_887 : vector<16xi32>
    %add3A_889 = arith.constant 63 : i32
    %add3A_890 = vector.broadcast %add3A_889 : i32 to vector<16xi32>
    %add3A_891 = arith.addi %mul3A_888, %add3A_890 : vector<16xi32>
    %mul3A_892 = arith.constant 65 : i32
    %mul3A_893 = vector.broadcast %mul3A_892 : i32 to vector<16xi32>
    %mul3A_894 = arith.muli %masked_sort3A_873, %mul3A_893 : vector<16xi32>
    %add3A_895 = arith.constant 63 : i32
    %add3A_896 = vector.broadcast %add3A_895 : i32 to vector<16xi32>
    %add3A_897 = arith.addi %mul3A_894, %add3A_896 : vector<16xi32>
    %gather3A_898 = tpu.vector_load_idx %arg10[%add3A_897] : memref<4160xi32, #tpu.memory_space<vmem>>[vector<16xi32>], vector<16xi32>,
    %mul3A_899 = arith.constant 64 : i32
    %mul3A_900 = vector.broadcast %mul3A_899 : i32 to vector<16xi32>
    %mul3A_901 = arith.muli %masked_sort3A_873, %mul3A_900 : vector<16xi32>
    %add3A_902 = arith.addi %mul3A_901, %gather3A_898 : vector<16xi32>
    %gather3A_903 = tpu.vector_load_idx %arg8[%add3A_902] : memref<4096xf32, #tpu.memory_space<vmem>>[vector<16xi32>], vector<16xf32>,
    tpu.vector_store_idx %arg12[%add3A_3, %add3A_891], %gather3A_903 : memref<64x65xf32, #tpu.memory_space<vmem>>[vector<16xi32>, vector<16xi32>], vector<16xf32>,
    %mul3A_904 = arith.constant 65 : i32
    %mul3A_905 = vector.broadcast %mul3A_904 : i32 to vector<16xi32>
    %mul3A_906 = arith.muli %masked_sort3A_877, %mul3A_905 : vector<16xi32>
    %add3A_907 = arith.constant 63 : i32
    %add3A_908 = vector.broadcast %add3A_907 : i32 to vector<16xi32>
    %add3A_909 = arith.addi %mul3A_906, %add3A_908 : vector<16xi32>
    %gather3A_910 = tpu.vector_load_idx %arg10[%add3A_909] : memref<4160xi32, #tpu.memory_space<vmem>>[vector<16xi32>], vector<16xi32>,
    %mul3A_911 = arith.constant 64 : i32
    %mul3A_912 = vector.broadcast %mul3A_911 : i32 to vector<16xi32>
    %mul3A_913 = arith.muli %masked_sort3A_877, %mul3A_912 : vector<16xi32>
    %add3A_914 = arith.addi %mul3A_913, %gather3A_910 : vector<16xi32>
    %gather3A_915 = tpu.vector_load_idx %arg8[%add3A_914] : memref<4096xf32, #tpu.memory_space<vmem>>[vector<16xi32>], vector<16xf32>,
    tpu.vector_store_idx %arg12[%add3A_6, %add3A_891], %gather3A_915 : memref<64x65xf32, #tpu.memory_space<vmem>>[vector<16xi32>, vector<16xi32>], vector<16xf32>,
    %mul3A_916 = arith.constant 65 : i32
    %mul3A_917 = vector.broadcast %mul3A_916 : i32 to vector<16xi32>
    %mul3A_918 = arith.muli %masked_sort3A_881, %mul3A_917 : vector<16xi32>
    %add3A_919 = arith.constant 63 : i32
    %add3A_920 = vector.broadcast %add3A_919 : i32 to vector<16xi32>
    %add3A_921 = arith.addi %mul3A_918, %add3A_920 : vector<16xi32>
    %gather3A_922 = tpu.vector_load_idx %arg10[%add3A_921] : memref<4160xi32, #tpu.memory_space<vmem>>[vector<16xi32>], vector<16xi32>,
    %mul3A_923 = arith.constant 64 : i32
    %mul3A_924 = vector.broadcast %mul3A_923 : i32 to vector<16xi32>
    %mul3A_925 = arith.muli %masked_sort3A_881, %mul3A_924 : vector<16xi32>
    %add3A_926 = arith.addi %mul3A_925, %gather3A_922 : vector<16xi32>
    %gather3A_927 = tpu.vector_load_idx %arg8[%add3A_926] : memref<4096xf32, #tpu.memory_space<vmem>>[vector<16xi32>], vector<16xf32>,
    tpu.vector_store_idx %arg12[%add3A_9, %add3A_891], %gather3A_927 : memref<64x65xf32, #tpu.memory_space<vmem>>[vector<16xi32>, vector<16xi32>], vector<16xf32>,
    %mul3A_928 = arith.constant 65 : i32
    %mul3A_929 = vector.broadcast %mul3A_928 : i32 to vector<16xi32>
    %mul3A_930 = arith.muli %masked_sort3A_885, %mul3A_929 : vector<16xi32>
    %add3A_931 = arith.constant 63 : i32
    %add3A_932 = vector.broadcast %add3A_931 : i32 to vector<16xi32>
    %add3A_933 = arith.addi %mul3A_930, %add3A_932 : vector<16xi32>
    %gather3A_934 = tpu.vector_load_idx %arg10[%add3A_933] : memref<4160xi32, #tpu.memory_space<vmem>>[vector<16xi32>], vector<16xi32>,
    %mul3A_935 = arith.constant 64 : i32
    %mul3A_936 = vector.broadcast %mul3A_935 : i32 to vector<16xi32>
    %mul3A_937 = arith.muli %masked_sort3A_885, %mul3A_936 : vector<16xi32>
    %add3A_938 = arith.addi %mul3A_937, %gather3A_934 : vector<16xi32>
    %gather3A_939 = tpu.vector_load_idx %arg8[%add3A_938] : memref<4096xf32, #tpu.memory_space<vmem>>[vector<16xi32>], vector<16xf32>,
    tpu.vector_store_idx %arg12[%add3A_12, %add3A_891], %gather3A_939 : memref<64x65xf32, #tpu.memory_space<vmem>>[vector<16xi32>, vector<16xi32>], vector<16xf32>,
    %add3A_940 = arith.constant 1 : i32
    %add3A_941 = arith.addi %mul3A_14, %add3A_940 : i32
    %mul3A_942 = arith.constant 64 : i32
    %mul3A_943 = arith.muli %add3A_941, %mul3A_942 : i32
    %dma_start3A_944 = arith.constant 0 : i32
    %dma_start3A_945 = arith.constant 0 : i32
    %dma_start3A_946 = tpu.memref_slice %arg12[%dma_start3A_944, %dma_start3A_945] : memref<64x65xf32, #tpu.memory_space<vmem>> -> memref<64x64xf32, #tpu.memory_space<vmem>>
    %dma_start3A_947 = arith.constant 0 : i32
    %dma_start3A_948 = tpu.memref_slice %arg4[%mul3A_943, %dma_start3A_947] : memref<8192x64xf32, #tpu.memory_space<hbm>> -> memref<64x64xf32, #tpu.memory_space<hbm>>
    %dma_start3A_949 = arith.constant 0 : i32
    %dma_start3A_950 = tpu.memref_slice %arg4[%mul3A_943, %dma_start3A_949] : memref<8192x64xf32, #tpu.memory_space<hbm>> -> memref<64x64xf32, #tpu.memory_space<hbm>>
    %dma_start3A_951 = arith.constant 0 : i32
    %dma_start3A_952 = arith.constant 0 : i32
    %dma_start3A_953 = tpu.memref_slice %arg12[%dma_start3A_951, %dma_start3A_952] : memref<64x65xf32, #tpu.memory_space<vmem>> -> memref<64x64xf32, #tpu.memory_space<vmem>>
    tpu.enqueue_dma source(%dma_start3A_953 : memref<64x64xf32, #tpu.memory_space<vmem>>) target(%dma_start3A_950 : memref<64x64xf32, #tpu.memory_space<hbm>>) target_semaphore(%arg16 : memref<!tpu.dma_semaphore, #tpu.memory_space<semaphore_mem>>)
    %add3A_954 = arith.constant 3 : i32
    %add3A_955 = arith.addi %mul3A_14, %add3A_954 : i32
    %mul3A_956 = arith.constant 4096 : i32
    %mul3A_957 = arith.muli %add3A_955, %mul3A_956 : i32
    %dma_start3A_958 = tpu.memref_slice %arg2[%mul3A_957] : memref<524288xf32, #tpu.memory_space<hbm>> -> memref<4096xf32, #tpu.memory_space<hbm>>
    %dma_start3A_959 = tpu.memref_slice %arg2[%mul3A_957] : memref<524288xf32, #tpu.memory_space<hbm>> -> memref<4096xf32, #tpu.memory_space<hbm>>
    tpu.enqueue_dma source(%dma_start3A_959 : memref<4096xf32, #tpu.memory_space<hbm>>) target(%arg6 : memref<4096xf32, #tpu.memory_space<vmem>>) target_semaphore(%arg14 : memref<!tpu.dma_semaphore, #tpu.memory_space<semaphore_mem>>)
    %add3A_960 = arith.constant 3 : i32
    %add3A_961 = arith.addi %mul3A_14, %add3A_960 : i32
    %mul3A_962 = arith.constant 4096 : i32
    %mul3A_963 = arith.muli %add3A_961, %mul3A_962 : i32
    %dma_start3A_964 = tpu.memref_slice %arg3[%mul3A_963] : memref<524288xf32, #tpu.memory_space<hbm>> -> memref<4096xf32, #tpu.memory_space<hbm>>
    %dma_start3A_965 = tpu.memref_slice %arg3[%mul3A_963] : memref<524288xf32, #tpu.memory_space<hbm>> -> memref<4096xf32, #tpu.memory_space<hbm>>
    tpu.enqueue_dma source(%dma_start3A_965 : memref<4096xf32, #tpu.memory_space<hbm>>) target(%arg8 : memref<4096xf32, #tpu.memory_space<vmem>>) target_semaphore(%arg14 : memref<!tpu.dma_semaphore, #tpu.memory_space<semaphore_mem>>)
    %dma_wait3A_966 = arith.constant 0 : i32
    %dma_wait3A_967 = tpu.memref_slice %arg2[%dma_wait3A_966] : memref<524288xf32, #tpu.memory_space<hbm>> -> memref<4096xf32, #tpu.memory_space<hbm>>
    %dma_wait3A_968 = arith.constant 0 : i32
    %dma_wait3A_969 = tpu.memref_slice %arg2[%dma_wait3A_968] : memref<524288xf32, #tpu.memory_space<hbm>> -> memref<4096xf32, #tpu.memory_space<hbm>>
    tpu.wait_dma2 semaphore(%arg13 : memref<!tpu.dma_semaphore, #tpu.memory_space<semaphore_mem>>) src(%dma_wait3A_969 : memref<4096xf32, #tpu.memory_space<hbm>>) dst(%arg5 : memref<4096xf32, #tpu.memory_space<vmem>>)
    %dma_wait3A_970 = arith.constant 0 : i32
    %dma_wait3A_971 = tpu.memref_slice %arg3[%dma_wait3A_970] : memref<524288xf32, #tpu.memory_space<hbm>> -> memref<4096xf32, #tpu.memory_space<hbm>>
    %dma_wait3A_972 = arith.constant 0 : i32
    %dma_wait3A_973 = tpu.memref_slice %arg3[%dma_wait3A_972] : memref<524288xf32, #tpu.memory_space<hbm>> -> memref<4096xf32, #tpu.memory_space<hbm>>
    tpu.wait_dma2 semaphore(%arg13 : memref<!tpu.dma_semaphore, #tpu.memory_space<semaphore_mem>>) src(%dma_wait3A_973 : memref<4096xf32, #tpu.memory_space<hbm>>) dst(%arg7 : memref<4096xf32, #tpu.memory_space<vmem>>)
    %dma_wait3A_974 = arith.constant 0 : i32
    %dma_wait3A_975 = arith.constant 0 : i32
    %dma_wait3A_976 = tpu.memref_slice %arg11[%dma_wait3A_974, %dma_wait3A_975] : memref<64x65xf32, #tpu.memory_space<vmem>> -> memref<64x64xf32, #tpu.memory_space<vmem>>
    %dma_wait3A_977 = arith.constant 0 : i32
    %dma_wait3A_978 = arith.constant 0 : i32
    %dma_wait3A_979 = tpu.memref_slice %arg4[%dma_wait3A_977, %dma_wait3A_978] : memref<8192x64xf32, #tpu.memory_space<hbm>> -> memref<64x64xf32, #tpu.memory_space<hbm>>
    %dma_wait3A_980 = arith.constant 0 : i32
    %dma_wait3A_981 = arith.constant 0 : i32
    %dma_wait3A_982 = tpu.memref_slice %arg4[%dma_wait3A_980, %dma_wait3A_981] : memref<8192x64xf32, #tpu.memory_space<hbm>> -> memref<64x64xf32, #tpu.memory_space<hbm>>
    %dma_wait3A_983 = arith.constant 0 : i32
    %dma_wait3A_984 = arith.constant 0 : i32
    %dma_wait3A_985 = tpu.memref_slice %arg11[%dma_wait3A_983, %dma_wait3A_984] : memref<64x65xf32, #tpu.memory_space<vmem>> -> memref<64x64xf32, #tpu.memory_space<vmem>>
    tpu.wait_dma2 semaphore(%arg15 : memref<!tpu.dma_semaphore, #tpu.memory_space<semaphore_mem>>) src(%dma_wait3A_985 : memref<64x64xf32, #tpu.memory_space<vmem>>) dst(%dma_wait3A_982 : memref<64x64xf32, #tpu.memory_space<hbm>>)
    %get3A_986 = arith.constant 0 : index
    %get3A_987 = tpu.vector_load %arg5[%get3A_986] {strides = array<i32>} : memref<4096xf32, #tpu.memory_space<vmem>>, vector<16xf32>,
    %get3A_988 = arith.constant 16 : index
    %get3A_989 = tpu.vector_load %arg5[%get3A_988] {strides = array<i32>} : memref<4096xf32, #tpu.memory_space<vmem>>, vector<16xf32>,
    %get3A_990 = arith.constant 32 : index
    %get3A_991 = tpu.vector_load %arg5[%get3A_990] {strides = array<i32>} : memref<4096xf32, #tpu.memory_space<vmem>>, vector<16xf32>,
    %get3A_992 = arith.constant 48 : index
    %get3A_993 = tpu.vector_load %arg5[%get3A_992] {strides = array<i32>} : memref<4096xf32, #tpu.memory_space<vmem>>, vector<16xf32>,
    %swap3A_994 = arith.constant 0 : index
    %swap3A_995 = tpu.vector_load %arg9[%swap3A_994] {strides = array<i32>} : memref<4160xf32, #tpu.memory_space<vmem>>, vector<16xf32>,
    tpu.vector_store %arg9[%swap3A_994], %get3A_987 {strides = array<i32>} : memref<4160xf32, #tpu.memory_space<vmem>>, vector<16xf32>,
    %swap3A_996 = arith.constant 16 : index
    %swap3A_997 = tpu.vector_load %arg9[%swap3A_996] {strides = array<i32>} : memref<4160xf32, #tpu.memory_space<vmem>>, vector<16xf32>,
    tpu.vector_store %arg9[%swap3A_996], %get3A_989 {strides = array<i32>} : memref<4160xf32, #tpu.memory_space<vmem>>, vector<16xf32>,
    %swap3A_998 = arith.constant 32 : index
    %swap3A_999 = tpu.vector_load %arg9[%swap3A_998] {strides = array<i32>} : memref<4160xf32, #tpu.memory_space<vmem>>, vector<16xf32>,
    tpu.vector_store %arg9[%swap3A_998], %get3A_991 {strides = array<i32>} : memref<4160xf32, #tpu.memory_space<vmem>>, vector<16xf32>,
    %swap3A_1000 = arith.constant 48 : index
    %swap3A_1001 = tpu.vector_load %arg9[%swap3A_1000] {strides = array<i32>} : memref<4160xf32, #tpu.memory_space<vmem>>, vector<16xf32>,
    tpu.vector_store %arg9[%swap3A_1000], %get3A_993 {strides = array<i32>} : memref<4160xf32, #tpu.memory_space<vmem>>, vector<16xf32>,
    %masked_sort3A_1002 = arith.constant dense<true> : vector<16xi1>
    %masked_sort3A_1003, %masked_sort3A_1004, %masked_sort3A_1005 = tpu.sort %get3A_987, %add3A_3 masked %masked_sort3A_1002 : (vector<16xf32>, vector<16xi32>, vector<16xi1>) -> (vector<16xi1>, vector<16xf32>, vector<16xi32>)
    %masked_sort3A_1006 = arith.constant dense<true> : vector<16xi1>
    %masked_sort3A_1007, %masked_sort3A_1008, %masked_sort3A_1009 = tpu.sort %get3A_989, %add3A_6 masked %masked_sort3A_1006 {descending = true} : (vector<16xf32>, vector<16xi32>, vector<16xi1>) -> (vector<16xi1>, vector<16xf32>, vector<16xi32>)
    %masked_sort3A_1010 = arith.constant dense<true> : vector<16xi1>
    %masked_sort3A_1011, %masked_sort3A_1012, %masked_sort3A_1013 = tpu.sort %get3A_991, %add3A_9 masked %masked_sort3A_1010 : (vector<16xf32>, vector<16xi32>, vector<16xi1>) -> (vector<16xi1>, vector<16xf32>, vector<16xi32>)
    %masked_sort3A_1014 = arith.constant dense<true> : vector<16xi1>
    %masked_sort3A_1015, %masked_sort3A_1016, %masked_sort3A_1017 = tpu.sort %get3A_993, %add3A_12 masked %masked_sort3A_1014 {descending = true} : (vector<16xf32>, vector<16xi32>, vector<16xi1>) -> (vector<16xi1>, vector<16xf32>, vector<16xi32>)
    %scan3A_1018 = arith.constant 0 : i32
    %scan3A_1019 = arith.constant 63 : i32
    %scan3A_1020 = arith.addi %scan3A_1018, %scan3A_1019 : i32
    %scan3A_1021 = arith.constant 1 : i32
    %scan3A_1022:8 = scf.for %scan3A_1926 = %scan3A_1018 to %scan3A_1020 step %scan3A_1021 iter_args(%scan3A_1927 = %masked_sort3A_1004, %scan3A_1928 = %masked_sort3A_1005, %scan3A_1929 = %masked_sort3A_1008, %scan3A_1930 = %masked_sort3A_1009, %scan3A_1931 = %masked_sort3A_1012, %scan3A_1932 = %masked_sort3A_1013, %scan3A_1933 = %masked_sort3A_1016, %scan3A_1934 = %masked_sort3A_1017) -> (vector<16xf32>, vector<16xi32>, vector<16xf32>, vector<16xi32>, vector<16xf32>, vector<16xi32>, vector<16xf32>, vector<16xi32>)  : i32 {
      %add3A_1935 = arith.constant 1 : i32
      %add3A_1936 = arith.addi %scan3A_1926, %add3A_1935 : i32
      %mul3A_1937 = arith.constant 64 : i32
      %mul3A_1938 = arith.muli %add3A_1936, %mul3A_1937 : i32
      %add3A_1939 = arith.constant 0 : i32
      %add3A_1940 = arith.addi %mul3A_1938, %add3A_1939 : i32
      %get3A_1941 = arith.index_cast %add3A_1940 : i32 to index
      %get3A_1942 = tpu.vector_load %arg5[%get3A_1941] {strides = array<i32>} : memref<4096xf32, #tpu.memory_space<vmem>>, vector<16xf32>,
      %mul3A_1943 = arith.constant 64 : i32
      %mul3A_1944 = arith.muli %add3A_1936, %mul3A_1943 : i32
      %add3A_1945 = arith.constant 16 : i32
      %add3A_1946 = arith.addi %mul3A_1944, %add3A_1945 : i32
      %get3A_1947 = arith.index_cast %add3A_1946 : i32 to index
      %get3A_1948 = tpu.vector_load %arg5[%get3A_1947] {strides = array<i32>} : memref<4096xf32, #tpu.memory_space<vmem>>, vector<16xf32>,
      %mul3A_1949 = arith.constant 64 : i32
      %mul3A_1950 = arith.muli %add3A_1936, %mul3A_1949 : i32
      %add3A_1951 = arith.constant 32 : i32
      %add3A_1952 = arith.addi %mul3A_1950, %add3A_1951 : i32
      %get3A_1953 = arith.index_cast %add3A_1952 : i32 to index
      %get3A_1954 = tpu.vector_load %arg5[%get3A_1953] {strides = array<i32>} : memref<4096xf32, #tpu.memory_space<vmem>>, vector<16xf32>,
      %mul3A_1955 = arith.constant 64 : i32
      %mul3A_1956 = arith.muli %add3A_1936, %mul3A_1955 : i32
      %add3A_1957 = arith.constant 48 : i32
      %add3A_1958 = arith.addi %mul3A_1956, %add3A_1957 : i32
      %get3A_1959 = arith.index_cast %add3A_1958 : i32 to index
      %get3A_1960 = tpu.vector_load %arg5[%get3A_1959] {strides = array<i32>} : memref<4096xf32, #tpu.memory_space<vmem>>, vector<16xf32>,
      %mul3A_1961 = arith.constant 65 : i32
      %mul3A_1962 = arith.muli %add3A_1936, %mul3A_1961 : i32
      %add3A_1963 = arith.constant 0 : i32
      %add3A_1964 = arith.addi %mul3A_1962, %add3A_1963 : i32
      %swap3A_1965 = arith.index_cast %add3A_1964 : i32 to index
      %swap3A_1966 = tpu.vector_load %arg9[%swap3A_1965] {strides = array<i32>} : memref<4160xf32, #tpu.memory_space<vmem>>, vector<16xf32>,
      tpu.vector_store %arg9[%swap3A_1965], %get3A_1942 {strides = array<i32>} : memref<4160xf32, #tpu.memory_space<vmem>>, vector<16xf32>,
      %mul3A_1967 = arith.constant 65 : i32
      %mul3A_1968 = arith.muli %add3A_1936, %mul3A_1967 : i32
      %add3A_1969 = arith.constant 16 : i32
      %add3A_1970 = arith.addi %mul3A_1968, %add3A_1969 : i32
      %swap3A_1971 = arith.index_cast %add3A_1970 : i32 to index
      %swap3A_1972 = tpu.vector_load %arg9[%swap3A_1971] {strides = array<i32>} : memref<4160xf32, #tpu.memory_space<vmem>>, vector<16xf32>,
      tpu.vector_store %arg9[%swap3A_1971], %get3A_1948 {strides = array<i32>} : memref<4160xf32, #tpu.memory_space<vmem>>, vector<16xf32>,
      %mul3A_1973 = arith.constant 65 : i32
      %mul3A_1974 = arith.muli %add3A_1936, %mul3A_1973 : i32
      %add3A_1975 = arith.constant 32 : i32
      %add3A_1976 = arith.addi %mul3A_1974, %add3A_1975 : i32
      %swap3A_1977 = arith.index_cast %add3A_1976 : i32 to index
      %swap3A_1978 = tpu.vector_load %arg9[%swap3A_1977] {strides = array<i32>} : memref<4160xf32, #tpu.memory_space<vmem>>, vector<16xf32>,
      tpu.vector_store %arg9[%swap3A_1977], %get3A_1954 {strides = array<i32>} : memref<4160xf32, #tpu.memory_space<vmem>>, vector<16xf32>,
      %mul3A_1979 = arith.constant 65 : i32
      %mul3A_1980 = arith.muli %add3A_1936, %mul3A_1979 : i32
      %add3A_1981 = arith.constant 48 : i32
      %add3A_1982 = arith.addi %mul3A_1980, %add3A_1981 : i32
      %swap3A_1983 = arith.index_cast %add3A_1982 : i32 to index
      %swap3A_1984 = tpu.vector_load %arg9[%swap3A_1983] {strides = array<i32>} : memref<4160xf32, #tpu.memory_space<vmem>>, vector<16xf32>,
      tpu.vector_store %arg9[%swap3A_1983], %get3A_1960 {strides = array<i32>} : memref<4160xf32, #tpu.memory_space<vmem>>, vector<16xf32>,
      %masked_sort3A_1985 = arith.constant dense<true> : vector<16xi1>
      %masked_sort3A_1986, %masked_sort3A_1987, %masked_sort3A_1988 = tpu.sort %get3A_1942, %add3A_3 masked %masked_sort3A_1985 : (vector<16xf32>, vector<16xi32>, vector<16xi1>) -> (vector<16xi1>, vector<16xf32>, vector<16xi32>)
      %masked_sort3A_1989 = arith.constant dense<true> : vector<16xi1>
      %masked_sort3A_1990, %masked_sort3A_1991, %masked_sort3A_1992 = tpu.sort %get3A_1948, %add3A_6 masked %masked_sort3A_1989 {descending = true} : (vector<16xf32>, vector<16xi32>, vector<16xi1>) -> (vector<16xi1>, vector<16xf32>, vector<16xi32>)
      %masked_sort3A_1993 = arith.constant dense<true> : vector<16xi1>
      %masked_sort3A_1994, %masked_sort3A_1995, %masked_sort3A_1996 = tpu.sort %get3A_1954, %add3A_9 masked %masked_sort3A_1993 : (vector<16xf32>, vector<16xi32>, vector<16xi1>) -> (vector<16xi1>, vector<16xf32>, vector<16xi32>)
      %masked_sort3A_1997 = arith.constant dense<true> : vector<16xi1>
      %masked_sort3A_1998, %masked_sort3A_1999, %masked_sort3A_2000 = tpu.sort %get3A_1960, %add3A_12 masked %masked_sort3A_1997 {descending = true} : (vector<16xf32>, vector<16xi32>, vector<16xi1>) -> (vector<16xi1>, vector<16xf32>, vector<16xi32>)
      %le3A_2001 = arith.cmpf ole, %scan3A_1927, %scan3A_1929 : vector<16xf32>
      %select_n3A_2002 = arith.select %le3A_2001, %scan3A_1927, %scan3A_1929 : vector<16xi1>, vector<16xf32>
      %select_n3A_2003 = arith.select %le3A_2001, %scan3A_1928, %scan3A_1930 : vector<16xi1>, vector<16xi32>
      %select_n3A_2004 = arith.select %le3A_2001, %scan3A_1929, %scan3A_1927 : vector<16xi1>, vector<16xf32>
      %select_n3A_2005 = arith.select %le3A_2001, %scan3A_1930, %scan3A_1928 : vector<16xi1>, vector<16xi32>
      %masked_sort3A_2006 = arith.constant dense<true> : vector<16xi1>
      %masked_sort3A_2007, %masked_sort3A_2008, %masked_sort3A_2009 = tpu.sort %select_n3A_2002, %select_n3A_2003 masked %masked_sort3A_2006 : (vector<16xf32>, vector<16xi32>, vector<16xi1>) -> (vector<16xi1>, vector<16xf32>, vector<16xi32>)
      %masked_sort3A_2010 = arith.constant dense<true> : vector<16xi1>
      %masked_sort3A_2011, %masked_sort3A_2012, %masked_sort3A_2013 = tpu.sort %select_n3A_2004, %select_n3A_2005 masked %masked_sort3A_2010 : (vector<16xf32>, vector<16xi32>, vector<16xi1>) -> (vector<16xi1>, vector<16xf32>, vector<16xi32>)
      %le3A_2014 = arith.cmpf ole, %scan3A_1931, %scan3A_1933 : vector<16xf32>
      %select_n3A_2015 = arith.select %le3A_2014, %scan3A_1931, %scan3A_1933 : vector<16xi1>, vector<16xf32>
      %select_n3A_2016 = arith.select %le3A_2014, %scan3A_1932, %scan3A_1934 : vector<16xi1>, vector<16xi32>
      %select_n3A_2017 = arith.select %le3A_2014, %scan3A_1933, %scan3A_1931 : vector<16xi1>, vector<16xf32>
      %select_n3A_2018 = arith.select %le3A_2014, %scan3A_1934, %scan3A_1932 : vector<16xi1>, vector<16xi32>
      %masked_sort3A_2019 = arith.constant dense<true> : vector<16xi1>
      %masked_sort3A_2020, %masked_sort3A_2021, %masked_sort3A_2022 = tpu.sort %select_n3A_2017, %select_n3A_2018 masked %masked_sort3A_2019 {descending = true} : (vector<16xf32>, vector<16xi32>, vector<16xi1>) -> (vector<16xi1>, vector<16xf32>, vector<16xi32>)
      %masked_sort3A_2023 = arith.constant dense<true> : vector<16xi1>
      %masked_sort3A_2024, %masked_sort3A_2025, %masked_sort3A_2026 = tpu.sort %select_n3A_2015, %select_n3A_2016 masked %masked_sort3A_2023 {descending = true} : (vector<16xf32>, vector<16xi32>, vector<16xi1>) -> (vector<16xi1>, vector<16xf32>, vector<16xi32>)
      %le3A_2027 = arith.cmpf ole, %masked_sort3A_2008, %masked_sort3A_2021 : vector<16xf32>
      %select_n3A_2028 = arith.select %le3A_2027, %masked_sort3A_2008, %masked_sort3A_2021 : vector<16xi1>, vector<16xf32>
      %select_n3A_2029 = arith.select %le3A_2027, %masked_sort3A_2009, %masked_sort3A_2022 : vector<16xi1>, vector<16xi32>
      %select_n3A_2030 = arith.select %le3A_2027, %masked_sort3A_2021, %masked_sort3A_2008 : vector<16xi1>, vector<16xf32>
      %select_n3A_2031 = arith.select %le3A_2027, %masked_sort3A_2022, %masked_sort3A_2009 : vector<16xi1>, vector<16xi32>
      %le3A_2032 = arith.cmpf ole, %masked_sort3A_2012, %masked_sort3A_2025 : vector<16xf32>
      %select_n3A_2033 = arith.select %le3A_2032, %masked_sort3A_2012, %masked_sort3A_2025 : vector<16xi1>, vector<16xf32>
      %select_n3A_2034 = arith.select %le3A_2032, %masked_sort3A_2013, %masked_sort3A_2026 : vector<16xi1>, vector<16xi32>
      %select_n3A_2035 = arith.select %le3A_2032, %masked_sort3A_2025, %masked_sort3A_2012 : vector<16xi1>, vector<16xf32>
      %select_n3A_2036 = arith.select %le3A_2032, %masked_sort3A_2026, %masked_sort3A_2013 : vector<16xi1>, vector<16xi32>
      %le3A_2037 = arith.cmpf ole, %select_n3A_2028, %select_n3A_2033 : vector<16xf32>
      %select_n3A_2038 = arith.select %le3A_2037, %select_n3A_2028, %select_n3A_2033 : vector<16xi1>, vector<16xf32>
      %select_n3A_2039 = arith.select %le3A_2037, %select_n3A_2029, %select_n3A_2034 : vector<16xi1>, vector<16xi32>
      %select_n3A_2040 = arith.select %le3A_2037, %select_n3A_2033, %select_n3A_2028 : vector<16xi1>, vector<16xf32>
      %select_n3A_2041 = arith.select %le3A_2037, %select_n3A_2034, %select_n3A_2029 : vector<16xi1>, vector<16xi32>
      %le3A_2042 = arith.cmpf ole, %select_n3A_2030, %select_n3A_2035 : vector<16xf32>
      %select_n3A_2043 = arith.select %le3A_2042, %select_n3A_2030, %select_n3A_2035 : vector<16xi1>, vector<16xf32>
      %select_n3A_2044 = arith.select %le3A_2042, %select_n3A_2031, %select_n3A_2036 : vector<16xi1>, vector<16xi32>
      %select_n3A_2045 = arith.select %le3A_2042, %select_n3A_2035, %select_n3A_2030 : vector<16xi1>, vector<16xf32>
      %select_n3A_2046 = arith.select %le3A_2042, %select_n3A_2036, %select_n3A_2031 : vector<16xi1>, vector<16xi32>
      %masked_sort3A_2047 = arith.constant dense<true> : vector<16xi1>
      %masked_sort3A_2048, %masked_sort3A_2049, %masked_sort3A_2050 = tpu.sort %select_n3A_2038, %select_n3A_2039 masked %masked_sort3A_2047 : (vector<16xf32>, vector<16xi32>, vector<16xi1>) -> (vector<16xi1>, vector<16xf32>, vector<16xi32>)
      %masked_sort3A_2051 = arith.constant dense<true> : vector<16xi1>
      %masked_sort3A_2052, %masked_sort3A_2053, %masked_sort3A_2054 = tpu.sort %select_n3A_2040, %select_n3A_2041 masked %masked_sort3A_2051 : (vector<16xf32>, vector<16xi32>, vector<16xi1>) -> (vector<16xi1>, vector<16xf32>, vector<16xi32>)
      %masked_sort3A_2055 = arith.constant dense<true> : vector<16xi1>
      %masked_sort3A_2056, %masked_sort3A_2057, %masked_sort3A_2058 = tpu.sort %select_n3A_2043, %select_n3A_2044 masked %masked_sort3A_2055 : (vector<16xf32>, vector<16xi32>, vector<16xi1>) -> (vector<16xi1>, vector<16xf32>, vector<16xi32>)
      %masked_sort3A_2059 = arith.constant dense<true> : vector<16xi1>
      %masked_sort3A_2060, %masked_sort3A_2061, %masked_sort3A_2062 = tpu.sort %select_n3A_2045, %select_n3A_2046 masked %masked_sort3A_2059 : (vector<16xf32>, vector<16xi32>, vector<16xi1>) -> (vector<16xi1>, vector<16xf32>, vector<16xi32>)
      %mul3A_2063 = arith.constant 65 : i32
      %mul3A_2064 = arith.muli %scan3A_1926, %mul3A_2063 : i32
      %add3A_2065 = arith.constant 0 : i32
      %add3A_2066 = arith.addi %mul3A_2064, %add3A_2065 : i32
      %swap3A_2067 = arith.index_cast %add3A_2066 : i32 to index
      %swap3A_2068 = tpu.vector_load %arg10[%swap3A_2067] {strides = array<i32>} : memref<4160xi32, #tpu.memory_space<vmem>>, vector<16xi32>,
      tpu.vector_store %arg10[%swap3A_2067], %masked_sort3A_2050 {strides = array<i32>} : memref<4160xi32, #tpu.memory_space<vmem>>, vector<16xi32>,
      %mul3A_2069 = arith.constant 65 : i32
      %mul3A_2070 = arith.muli %scan3A_1926, %mul3A_2069 : i32
      %add3A_2071 = arith.constant 16 : i32
      %add3A_2072 = arith.addi %mul3A_2070, %add3A_2071 : i32
      %swap3A_2073 = arith.index_cast %add3A_2072 : i32 to index
      %swap3A_2074 = tpu.vector_load %arg10[%swap3A_2073] {strides = array<i32>} : memref<4160xi32, #tpu.memory_space<vmem>>, vector<16xi32>,
      tpu.vector_store %arg10[%swap3A_2073], %masked_sort3A_2054 {strides = array<i32>} : memref<4160xi32, #tpu.memory_space<vmem>>, vector<16xi32>,
      %mul3A_2075 = arith.constant 65 : i32
      %mul3A_2076 = arith.muli %scan3A_1926, %mul3A_2075 : i32
      %add3A_2077 = arith.constant 32 : i32
      %add3A_2078 = arith.addi %mul3A_2076, %add3A_2077 : i32
      %swap3A_2079 = arith.index_cast %add3A_2078 : i32 to index
      %swap3A_2080 = tpu.vector_load %arg10[%swap3A_2079] {strides = array<i32>} : memref<4160xi32, #tpu.memory_space<vmem>>, vector<16xi32>,
      tpu.vector_store %arg10[%swap3A_2079], %masked_sort3A_2058 {strides = array<i32>} : memref<4160xi32, #tpu.memory_space<vmem>>, vector<16xi32>,
      %mul3A_2081 = arith.constant 65 : i32
      %mul3A_2082 = arith.muli %scan3A_1926, %mul3A_2081 : i32
      %add3A_2083 = arith.constant 48 : i32
      %add3A_2084 = arith.addi %mul3A_2082, %add3A_2083 : i32
      %swap3A_2085 = arith.index_cast %add3A_2084 : i32 to index
      %swap3A_2086 = tpu.vector_load %arg10[%swap3A_2085] {strides = array<i32>} : memref<4160xi32, #tpu.memory_space<vmem>>, vector<16xi32>,
      tpu.vector_store %arg10[%swap3A_2085], %masked_sort3A_2062 {strides = array<i32>} : memref<4160xi32, #tpu.memory_space<vmem>>, vector<16xi32>,
      scf.yield %masked_sort3A_1987, %masked_sort3A_1988, %masked_sort3A_1991, %masked_sort3A_1992, %masked_sort3A_1995, %masked_sort3A_1996, %masked_sort3A_1999, %masked_sort3A_2000 : vector<16xf32>, vector<16xi32>, vector<16xf32>, vector<16xi32>, vector<16xf32>, vector<16xi32>, vector<16xf32>, vector<16xi32>
    }
    %scan3A_1023 = arith.constant 63 : i32
    %le3A_1024 = arith.cmpf ole, %scan3A_1022#0, %scan3A_1022#2 : vector<16xf32>
    %select_n3A_1025 = arith.select %le3A_1024, %scan3A_1022#0, %scan3A_1022#2 : vector<16xi1>, vector<16xf32>
    %select_n3A_1026 = arith.select %le3A_1024, %scan3A_1022#1, %scan3A_1022#3 : vector<16xi1>, vector<16xi32>
    %select_n3A_1027 = arith.select %le3A_1024, %scan3A_1022#2, %scan3A_1022#0 : vector<16xi1>, vector<16xf32>
    %select_n3A_1028 = arith.select %le3A_1024, %scan3A_1022#3, %scan3A_1022#1 : vector<16xi1>, vector<16xi32>
    %masked_sort3A_1029 = arith.constant dense<true> : vector<16xi1>
    %masked_sort3A_1030, %masked_sort3A_1031, %masked_sort3A_1032 = tpu.sort %select_n3A_1025, %select_n3A_1026 masked %masked_sort3A_1029 : (vector<16xf32>, vector<16xi32>, vector<16xi1>) -> (vector<16xi1>, vector<16xf32>, vector<16xi32>)
    %masked_sort3A_1033 = arith.constant dense<true> : vector<16xi1>
    %masked_sort3A_1034, %masked_sort3A_1035, %masked_sort3A_1036 = tpu.sort %select_n3A_1027, %select_n3A_1028 masked %masked_sort3A_1033 : (vector<16xf32>, vector<16xi32>, vector<16xi1>) -> (vector<16xi1>, vector<16xf32>, vector<16xi32>)
    %le3A_1037 = arith.cmpf ole, %scan3A_1022#4, %scan3A_1022#6 : vector<16xf32>
    %select_n3A_1038 = arith.select %le3A_1037, %scan3A_1022#4, %scan3A_1022#6 : vector<16xi1>, vector<16xf32>
    %select_n3A_1039 = arith.select %le3A_1037, %scan3A_1022#5, %scan3A_1022#7 : vector<16xi1>, vector<16xi32>
    %select_n3A_1040 = arith.select %le3A_1037, %scan3A_1022#6, %scan3A_1022#4 : vector<16xi1>, vector<16xf32>
    %select_n3A_1041 = arith.select %le3A_1037, %scan3A_1022#7, %scan3A_1022#5 : vector<16xi1>, vector<16xi32>
    %masked_sort3A_1042 = arith.constant dense<true> : vector<16xi1>
    %masked_sort3A_1043, %masked_sort3A_1044, %masked_sort3A_1045 = tpu.sort %select_n3A_1040, %select_n3A_1041 masked %masked_sort3A_1042 {descending = true} : (vector<16xf32>, vector<16xi32>, vector<16xi1>) -> (vector<16xi1>, vector<16xf32>, vector<16xi32>)
    %masked_sort3A_1046 = arith.constant dense<true> : vector<16xi1>
    %masked_sort3A_1047, %masked_sort3A_1048, %masked_sort3A_1049 = tpu.sort %select_n3A_1038, %select_n3A_1039 masked %masked_sort3A_1046 {descending = true} : (vector<16xf32>, vector<16xi32>, vector<16xi1>) -> (vector<16xi1>, vector<16xf32>, vector<16xi32>)
    %le3A_1050 = arith.cmpf ole, %masked_sort3A_1031, %masked_sort3A_1044 : vector<16xf32>
    %select_n3A_1051 = arith.select %le3A_1050, %masked_sort3A_1031, %masked_sort3A_1044 : vector<16xi1>, vector<16xf32>
    %select_n3A_1052 = arith.select %le3A_1050, %masked_sort3A_1032, %masked_sort3A_1045 : vector<16xi1>, vector<16xi32>
    %select_n3A_1053 = arith.select %le3A_1050, %masked_sort3A_1044, %masked_sort3A_1031 : vector<16xi1>, vector<16xf32>
    %select_n3A_1054 = arith.select %le3A_1050, %masked_sort3A_1045, %masked_sort3A_1032 : vector<16xi1>, vector<16xi32>
    %le3A_1055 = arith.cmpf ole, %masked_sort3A_1035, %masked_sort3A_1048 : vector<16xf32>
    %select_n3A_1056 = arith.select %le3A_1055, %masked_sort3A_1035, %masked_sort3A_1048 : vector<16xi1>, vector<16xf32>
    %select_n3A_1057 = arith.select %le3A_1055, %masked_sort3A_1036, %masked_sort3A_1049 : vector<16xi1>, vector<16xi32>
    %select_n3A_1058 = arith.select %le3A_1055, %masked_sort3A_1048, %masked_sort3A_1035 : vector<16xi1>, vector<16xf32>
    %select_n3A_1059 = arith.select %le3A_1055, %masked_sort3A_1049, %masked_sort3A_1036 : vector<16xi1>, vector<16xi32>
    %le3A_1060 = arith.cmpf ole, %select_n3A_1051, %select_n3A_1056 : vector<16xf32>
    %select_n3A_1061 = arith.select %le3A_1060, %select_n3A_1051, %select_n3A_1056 : vector<16xi1>, vector<16xf32>
    %select_n3A_1062 = arith.select %le3A_1060, %select_n3A_1052, %select_n3A_1057 : vector<16xi1>, vector<16xi32>
    %select_n3A_1063 = arith.select %le3A_1060, %select_n3A_1056, %select_n3A_1051 : vector<16xi1>, vector<16xf32>
    %select_n3A_1064 = arith.select %le3A_1060, %select_n3A_1057, %select_n3A_1052 : vector<16xi1>, vector<16xi32>
    %le3A_1065 = arith.cmpf ole, %select_n3A_1053, %select_n3A_1058 : vector<16xf32>
    %select_n3A_1066 = arith.select %le3A_1065, %select_n3A_1053, %select_n3A_1058 : vector<16xi1>, vector<16xf32>
    %select_n3A_1067 = arith.select %le3A_1065, %select_n3A_1054, %select_n3A_1059 : vector<16xi1>, vector<16xi32>
    %select_n3A_1068 = arith.select %le3A_1065, %select_n3A_1058, %select_n3A_1053 : vector<16xi1>, vector<16xf32>
    %select_n3A_1069 = arith.select %le3A_1065, %select_n3A_1059, %select_n3A_1054 : vector<16xi1>, vector<16xi32>
    %masked_sort3A_1070 = arith.constant dense<true> : vector<16xi1>
    %masked_sort3A_1071, %masked_sort3A_1072, %masked_sort3A_1073 = tpu.sort %select_n3A_1061, %select_n3A_1062 masked %masked_sort3A_1070 : (vector<16xf32>, vector<16xi32>, vector<16xi1>) -> (vector<16xi1>, vector<16xf32>, vector<16xi32>)
    %masked_sort3A_1074 = arith.constant dense<true> : vector<16xi1>
    %masked_sort3A_1075, %masked_sort3A_1076, %masked_sort3A_1077 = tpu.sort %select_n3A_1063, %select_n3A_1064 masked %masked_sort3A_1074 : (vector<16xf32>, vector<16xi32>, vector<16xi1>) -> (vector<16xi1>, vector<16xf32>, vector<16xi32>)
    %masked_sort3A_1078 = arith.constant dense<true> : vector<16xi1>
    %masked_sort3A_1079, %masked_sort3A_1080, %masked_sort3A_1081 = tpu.sort %select_n3A_1066, %select_n3A_1067 masked %masked_sort3A_1078 : (vector<16xf32>, vector<16xi32>, vector<16xi1>) -> (vector<16xi1>, vector<16xf32>, vector<16xi32>)
    %masked_sort3A_1082 = arith.constant dense<true> : vector<16xi1>
    %masked_sort3A_1083, %masked_sort3A_1084, %masked_sort3A_1085 = tpu.sort %select_n3A_1068, %select_n3A_1069 masked %masked_sort3A_1082 : (vector<16xf32>, vector<16xi32>, vector<16xi1>) -> (vector<16xi1>, vector<16xf32>, vector<16xi32>)
    %swap3A_1086 = arith.constant 4095 : index
    %swap3A_1087 = tpu.vector_load %arg10[%swap3A_1086] {strides = array<i32>} : memref<4160xi32, #tpu.memory_space<vmem>>, vector<16xi32>,
    tpu.vector_store %arg10[%swap3A_1086], %masked_sort3A_1073 {strides = array<i32>} : memref<4160xi32, #tpu.memory_space<vmem>>, vector<16xi32>,
    %swap3A_1088 = arith.constant 4111 : index
    %swap3A_1089 = tpu.vector_load %arg10[%swap3A_1088] {strides = array<i32>} : memref<4160xi32, #tpu.memory_space<vmem>>, vector<16xi32>,
    tpu.vector_store %arg10[%swap3A_1088], %masked_sort3A_1077 {strides = array<i32>} : memref<4160xi32, #tpu.memory_space<vmem>>, vector<16xi32>,
    %swap3A_1090 = arith.constant 4127 : index
    %swap3A_1091 = tpu.vector_load %arg10[%swap3A_1090] {strides = array<i32>} : memref<4160xi32, #tpu.memory_space<vmem>>, vector<16xi32>,
    tpu.vector_store %arg10[%swap3A_1090], %masked_sort3A_1081 {strides = array<i32>} : memref<4160xi32, #tpu.memory_space<vmem>>, vector<16xi32>,
    %swap3A_1092 = arith.constant 4143 : index
    %swap3A_1093 = tpu.vector_load %arg10[%swap3A_1092] {strides = array<i32>} : memref<4160xi32, #tpu.memory_space<vmem>>, vector<16xi32>,
    tpu.vector_store %arg10[%swap3A_1092], %masked_sort3A_1085 {strides = array<i32>} : memref<4160xi32, #tpu.memory_space<vmem>>, vector<16xi32>,
    %add3A_1094 = arith.constant 0 : i32
    %add3A_1095 = vector.broadcast %add3A_1094 : i32 to vector<16xi32>
    %add3A_1096 = arith.addi %iota3A, %add3A_1095 : vector<16xi32>
    %mul3A_1097 = arith.constant 65 : i32
    %mul3A_1098 = vector.broadcast %mul3A_1097 : i32 to vector<16xi32>
    %mul3A_1099 = arith.muli %add3A_1096, %mul3A_1098 : vector<16xi32>
    %add3A_1100 = arith.constant 16 : i32
    %add3A_1101 = vector.broadcast %add3A_1100 : i32 to vector<16xi32>
    %add3A_1102 = arith.addi %iota3A, %add3A_1101 : vector<16xi32>
    %mul3A_1103 = arith.constant 65 : i32
    %mul3A_1104 = vector.broadcast %mul3A_1103 : i32 to vector<16xi32>
    %mul3A_1105 = arith.muli %add3A_1102, %mul3A_1104 : vector<16xi32>
    %add3A_1106 = arith.constant 32 : i32
    %add3A_1107 = vector.broadcast %add3A_1106 : i32 to vector<16xi32>
    %add3A_1108 = arith.addi %iota3A, %add3A_1107 : vector<16xi32>
    %mul3A_1109 = arith.constant 65 : i32
    %mul3A_1110 = vector.broadcast %mul3A_1109 : i32 to vector<16xi32>
    %mul3A_1111 = arith.muli %add3A_1108, %mul3A_1110 : vector<16xi32>
    %add3A_1112 = arith.constant 48 : i32
    %add3A_1113 = vector.broadcast %add3A_1112 : i32 to vector<16xi32>
    %add3A_1114 = arith.addi %iota3A, %add3A_1113 : vector<16xi32>
    %mul3A_1115 = arith.constant 65 : i32
    %mul3A_1116 = vector.broadcast %mul3A_1115 : i32 to vector<16xi32>
    %mul3A_1117 = arith.muli %add3A_1114, %mul3A_1116 : vector<16xi32>
    %add3A_1118 = arith.constant 1 : i32
    %add3A_1119 = vector.broadcast %add3A_1118 : i32 to vector<16xi32>
    %add3A_1120 = arith.addi %mul3A_1099, %add3A_1119 : vector<16xi32>
    %gather3A_1121 = tpu.vector_load_idx %arg9[%add3A_1120] : memref<4160xf32, #tpu.memory_space<vmem>>[vector<16xi32>], vector<16xf32>,
    %add3A_1122 = arith.constant 1 : i32
    %add3A_1123 = vector.broadcast %add3A_1122 : i32 to vector<16xi32>
    %add3A_1124 = arith.addi %mul3A_1105, %add3A_1123 : vector<16xi32>
    %gather3A_1125 = tpu.vector_load_idx %arg9[%add3A_1124] : memref<4160xf32, #tpu.memory_space<vmem>>[vector<16xi32>], vector<16xf32>,
    %add3A_1126 = arith.constant 1 : i32
    %add3A_1127 = vector.broadcast %add3A_1126 : i32 to vector<16xi32>
    %add3A_1128 = arith.addi %mul3A_1111, %add3A_1127 : vector<16xi32>
    %gather3A_1129 = tpu.vector_load_idx %arg9[%add3A_1128] : memref<4160xf32, #tpu.memory_space<vmem>>[vector<16xi32>], vector<16xf32>,
    %add3A_1130 = arith.constant 1 : i32
    %add3A_1131 = vector.broadcast %add3A_1130 : i32 to vector<16xi32>
    %add3A_1132 = arith.addi %mul3A_1117, %add3A_1131 : vector<16xi32>
    %gather3A_1133 = tpu.vector_load_idx %arg9[%add3A_1132] : memref<4160xf32, #tpu.memory_space<vmem>>[vector<16xi32>], vector<16xf32>,
    %masked_sort3A_1134 = arith.constant dense<true> : vector<16xi1>
    %masked_sort3A_1135, %masked_sort3A_1136, %masked_sort3A_1137 = tpu.sort %gather3A_1121, %add3A_3 masked %masked_sort3A_1134 : (vector<16xf32>, vector<16xi32>, vector<16xi1>) -> (vector<16xi1>, vector<16xf32>, vector<16xi32>)
    %masked_sort3A_1138 = arith.constant dense<true> : vector<16xi1>
    %masked_sort3A_1139, %masked_sort3A_1140, %masked_sort3A_1141 = tpu.sort %gather3A_1125, %add3A_6 masked %masked_sort3A_1138 {descending = true} : (vector<16xf32>, vector<16xi32>, vector<16xi1>) -> (vector<16xi1>, vector<16xf32>, vector<16xi32>)
    %masked_sort3A_1142 = arith.constant dense<true> : vector<16xi1>
    %masked_sort3A_1143, %masked_sort3A_1144, %masked_sort3A_1145 = tpu.sort %gather3A_1129, %add3A_9 masked %masked_sort3A_1142 : (vector<16xf32>, vector<16xi32>, vector<16xi1>) -> (vector<16xi1>, vector<16xf32>, vector<16xi32>)
    %masked_sort3A_1146 = arith.constant dense<true> : vector<16xi1>
    %masked_sort3A_1147, %masked_sort3A_1148, %masked_sort3A_1149 = tpu.sort %gather3A_1133, %add3A_12 masked %masked_sort3A_1146 {descending = true} : (vector<16xf32>, vector<16xi32>, vector<16xi1>) -> (vector<16xi1>, vector<16xf32>, vector<16xi32>)
    %add3A_1150 = arith.constant 0 : i32
    %add3A_1151 = vector.broadcast %add3A_1150 : i32 to vector<16xi32>
    %add3A_1152 = arith.addi %mul3A_1099, %add3A_1151 : vector<16xi32>
    %gather3A_1153 = tpu.vector_load_idx %arg9[%add3A_1152] : memref<4160xf32, #tpu.memory_space<vmem>>[vector<16xi32>], vector<16xf32>,
    %add3A_1154 = arith.constant 0 : i32
    %add3A_1155 = vector.broadcast %add3A_1154 : i32 to vector<16xi32>
    %add3A_1156 = arith.addi %mul3A_1105, %add3A_1155 : vector<16xi32>
    %gather3A_1157 = tpu.vector_load_idx %arg9[%add3A_1156] : memref<4160xf32, #tpu.memory_space<vmem>>[vector<16xi32>], vector<16xf32>,
    %add3A_1158 = arith.constant 0 : i32
    %add3A_1159 = vector.broadcast %add3A_1158 : i32 to vector<16xi32>
    %add3A_1160 = arith.addi %mul3A_1111, %add3A_1159 : vector<16xi32>
    %gather3A_1161 = tpu.vector_load_idx %arg9[%add3A_1160] : memref<4160xf32, #tpu.memory_space<vmem>>[vector<16xi32>], vector<16xf32>,
    %add3A_1162 = arith.constant 0 : i32
    %add3A_1163 = vector.broadcast %add3A_1162 : i32 to vector<16xi32>
    %add3A_1164 = arith.addi %mul3A_1117, %add3A_1163 : vector<16xi32>
    %gather3A_1165 = tpu.vector_load_idx %arg9[%add3A_1164] : memref<4160xf32, #tpu.memory_space<vmem>>[vector<16xi32>], vector<16xf32>,
    %masked_sort3A_1166 = arith.constant dense<true> : vector<16xi1>
    %masked_sort3A_1167, %masked_sort3A_1168, %masked_sort3A_1169 = tpu.sort %gather3A_1153, %add3A_3 masked %masked_sort3A_1166 : (vector<16xf32>, vector<16xi32>, vector<16xi1>) -> (vector<16xi1>, vector<16xf32>, vector<16xi32>)
    %masked_sort3A_1170 = arith.constant dense<true> : vector<16xi1>
    %masked_sort3A_1171, %masked_sort3A_1172, %masked_sort3A_1173 = tpu.sort %gather3A_1157, %add3A_6 masked %masked_sort3A_1170 {descending = true} : (vector<16xf32>, vector<16xi32>, vector<16xi1>) -> (vector<16xi1>, vector<16xf32>, vector<16xi32>)
    %masked_sort3A_1174 = arith.constant dense<true> : vector<16xi1>
    %masked_sort3A_1175, %masked_sort3A_1176, %masked_sort3A_1177 = tpu.sort %gather3A_1161, %add3A_9 masked %masked_sort3A_1174 : (vector<16xf32>, vector<16xi32>, vector<16xi1>) -> (vector<16xi1>, vector<16xf32>, vector<16xi32>)
    %masked_sort3A_1178 = arith.constant dense<true> : vector<16xi1>
    %masked_sort3A_1179, %masked_sort3A_1180, %masked_sort3A_1181 = tpu.sort %gather3A_1165, %add3A_12 masked %masked_sort3A_1178 {descending = true} : (vector<16xf32>, vector<16xi32>, vector<16xi1>) -> (vector<16xi1>, vector<16xf32>, vector<16xi32>)
    %le3A_1182 = arith.cmpf ole, %masked_sort3A_1168, %masked_sort3A_1172 : vector<16xf32>
    %select_n3A_1183 = arith.select %le3A_1182, %masked_sort3A_1168, %masked_sort3A_1172 : vector<16xi1>, vector<16xf32>
    %select_n3A_1184 = arith.select %le3A_1182, %masked_sort3A_1169, %masked_sort3A_1173 : vector<16xi1>, vector<16xi32>
    %select_n3A_1185 = arith.select %le3A_1182, %masked_sort3A_1172, %masked_sort3A_1168 : vector<16xi1>, vector<16xf32>
    %select_n3A_1186 = arith.select %le3A_1182, %masked_sort3A_1173, %masked_sort3A_1169 : vector<16xi1>, vector<16xi32>
    %masked_sort3A_1187 = arith.constant dense<true> : vector<16xi1>
    %masked_sort3A_1188, %masked_sort3A_1189, %masked_sort3A_1190 = tpu.sort %select_n3A_1183, %select_n3A_1184 masked %masked_sort3A_1187 : (vector<16xf32>, vector<16xi32>, vector<16xi1>) -> (vector<16xi1>, vector<16xf32>, vector<16xi32>)
    %masked_sort3A_1191 = arith.constant dense<true> : vector<16xi1>
    %masked_sort3A_1192, %masked_sort3A_1193, %masked_sort3A_1194 = tpu.sort %select_n3A_1185, %select_n3A_1186 masked %masked_sort3A_1191 : (vector<16xf32>, vector<16xi32>, vector<16xi1>) -> (vector<16xi1>, vector<16xf32>, vector<16xi32>)
    %le3A_1195 = arith.cmpf ole, %masked_sort3A_1176, %masked_sort3A_1180 : vector<16xf32>
    %select_n3A_1196 = arith.select %le3A_1195, %masked_sort3A_1176, %masked_sort3A_1180 : vector<16xi1>, vector<16xf32>
    %select_n3A_1197 = arith.select %le3A_1195, %masked_sort3A_1177, %masked_sort3A_1181 : vector<16xi1>, vector<16xi32>
    %select_n3A_1198 = arith.select %le3A_1195, %masked_sort3A_1180, %masked_sort3A_1176 : vector<16xi1>, vector<16xf32>
    %select_n3A_1199 = arith.select %le3A_1195, %masked_sort3A_1181, %masked_sort3A_1177 : vector<16xi1>, vector<16xi32>
    %masked_sort3A_1200 = arith.constant dense<true> : vector<16xi1>
    %masked_sort3A_1201, %masked_sort3A_1202, %masked_sort3A_1203 = tpu.sort %select_n3A_1198, %select_n3A_1199 masked %masked_sort3A_1200 {descending = true} : (vector<16xf32>, vector<16xi32>, vector<16xi1>) -> (vector<16xi1>, vector<16xf32>, vector<16xi32>)
    %masked_sort3A_1204 = arith.constant dense<true> : vector<16xi1>
    %masked_sort3A_1205, %masked_sort3A_1206, %masked_sort3A_1207 = tpu.sort %select_n3A_1196, %select_n3A_1197 masked %masked_sort3A_1204 {descending = true} : (vector<16xf32>, vector<16xi32>, vector<16xi1>) -> (vector<16xi1>, vector<16xf32>, vector<16xi32>)
    %scan3A_1208 = arith.constant 0 : i32
    %scan3A_1209 = arith.constant 62 : i32
    %scan3A_1210 = arith.addi %scan3A_1208, %scan3A_1209 : i32
    %scan3A_1211 = arith.constant 1 : i32
    %scan3A_1212:16 = scf.for %scan3A_1926 = %scan3A_1208 to %scan3A_1210 step %scan3A_1211 iter_args(%scan3A_1927 = %masked_sort3A_1136, %scan3A_1928 = %masked_sort3A_1137, %scan3A_1929 = %masked_sort3A_1140, %scan3A_1930 = %masked_sort3A_1141, %scan3A_1931 = %masked_sort3A_1144, %scan3A_1932 = %masked_sort3A_1145, %scan3A_1933 = %masked_sort3A_1148, %scan3A_1934 = %masked_sort3A_1149, %scan3A_1935 = %masked_sort3A_1189, %scan3A_1936 = %masked_sort3A_1190, %scan3A_1937 = %masked_sort3A_1193, %scan3A_1938 = %masked_sort3A_1194, %scan3A_1939 = %masked_sort3A_1202, %scan3A_1940 = %masked_sort3A_1203, %scan3A_1941 = %masked_sort3A_1206, %scan3A_1942 = %masked_sort3A_1207) -> (vector<16xf32>, vector<16xi32>, vector<16xf32>, vector<16xi32>, vector<16xf32>, vector<16xi32>, vector<16xf32>, vector<16xi32>, vector<16xf32>, vector<16xi32>, vector<16xf32>, vector<16xi32>, vector<16xf32>, vector<16xi32>, vector<16xf32>, vector<16xi32>)  : i32 {
      %add3A_1943 = arith.constant 2 : i32
      %add3A_1944 = arith.addi %scan3A_1926, %add3A_1943 : i32
      %add3A_1945 = vector.broadcast %add3A_1944 : i32 to vector<16xi32>
      %add3A_1946 = arith.addi %mul3A_1099, %add3A_1945 : vector<16xi32>
      %gather3A_1947 = tpu.vector_load_idx %arg9[%add3A_1946] : memref<4160xf32, #tpu.memory_space<vmem>>[vector<16xi32>], vector<16xf32>,
      %add3A_1948 = vector.broadcast %add3A_1944 : i32 to vector<16xi32>
      %add3A_1949 = arith.addi %mul3A_1105, %add3A_1948 : vector<16xi32>
      %gather3A_1950 = tpu.vector_load_idx %arg9[%add3A_1949] : memref<4160xf32, #tpu.memory_space<vmem>>[vector<16xi32>], vector<16xf32>,
      %add3A_1951 = vector.broadcast %add3A_1944 : i32 to vector<16xi32>
      %add3A_1952 = arith.addi %mul3A_1111, %add3A_1951 : vector<16xi32>
      %gather3A_1953 = tpu.vector_load_idx %arg9[%add3A_1952] : memref<4160xf32, #tpu.memory_space<vmem>>[vector<16xi32>], vector<16xf32>,
      %add3A_1954 = vector.broadcast %add3A_1944 : i32 to vector<16xi32>
      %add3A_1955 = arith.addi %mul3A_1117, %add3A_1954 : vector<16xi32>
      %gather3A_1956 = tpu.vector_load_idx %arg9[%add3A_1955] : memref<4160xf32, #tpu.memory_space<vmem>>[vector<16xi32>], vector<16xf32>,
      %masked_sort3A_1957 = arith.constant dense<true> : vector<16xi1>
      %masked_sort3A_1958, %masked_sort3A_1959, %masked_sort3A_1960 = tpu.sort %gather3A_1947, %add3A_3 masked %masked_sort3A_1957 : (vector<16xf32>, vector<16xi32>, vector<16xi1>) -> (vector<16xi1>, vector<16xf32>, vector<16xi32>)
      %masked_sort3A_1961 = arith.constant dense<true> : vector<16xi1>
      %masked_sort3A_1962, %masked_sort3A_1963, %masked_sort3A_1964 = tpu.sort %gather3A_1950, %add3A_6 masked %masked_sort3A_1961 {descending = true} : (vector<16xf32>, vector<16xi32>, vector<16xi1>) -> (vector<16xi1>, vector<16xf32>, vector<16xi32>)
      %masked_sort3A_1965 = arith.constant dense<true> : vector<16xi1>
      %masked_sort3A_1966, %masked_sort3A_1967, %masked_sort3A_1968 = tpu.sort %gather3A_1953, %add3A_9 masked %masked_sort3A_1965 : (vector<16xf32>, vector<16xi32>, vector<16xi1>) -> (vector<16xi1>, vector<16xf32>, vector<16xi32>)
      %masked_sort3A_1969 = arith.constant dense<true> : vector<16xi1>
      %masked_sort3A_1970, %masked_sort3A_1971, %masked_sort3A_1972 = tpu.sort %gather3A_1956, %add3A_12 masked %masked_sort3A_1969 {descending = true} : (vector<16xf32>, vector<16xi32>, vector<16xi1>) -> (vector<16xi1>, vector<16xf32>, vector<16xi32>)
      %le3A_1973 = arith.cmpf ole, %scan3A_1927, %scan3A_1929 : vector<16xf32>
      %select_n3A_1974 = arith.select %le3A_1973, %scan3A_1927, %scan3A_1929 : vector<16xi1>, vector<16xf32>
      %select_n3A_1975 = arith.select %le3A_1973, %scan3A_1928, %scan3A_1930 : vector<16xi1>, vector<16xi32>
      %select_n3A_1976 = arith.select %le3A_1973, %scan3A_1929, %scan3A_1927 : vector<16xi1>, vector<16xf32>
      %select_n3A_1977 = arith.select %le3A_1973, %scan3A_1930, %scan3A_1928 : vector<16xi1>, vector<16xi32>
      %masked_sort3A_1978 = arith.constant dense<true> : vector<16xi1>
      %masked_sort3A_1979, %masked_sort3A_1980, %masked_sort3A_1981 = tpu.sort %select_n3A_1974, %select_n3A_1975 masked %masked_sort3A_1978 : (vector<16xf32>, vector<16xi32>, vector<16xi1>) -> (vector<16xi1>, vector<16xf32>, vector<16xi32>)
      %masked_sort3A_1982 = arith.constant dense<true> : vector<16xi1>
      %masked_sort3A_1983, %masked_sort3A_1984, %masked_sort3A_1985 = tpu.sort %select_n3A_1976, %select_n3A_1977 masked %masked_sort3A_1982 : (vector<16xf32>, vector<16xi32>, vector<16xi1>) -> (vector<16xi1>, vector<16xf32>, vector<16xi32>)
      %le3A_1986 = arith.cmpf ole, %scan3A_1931, %scan3A_1933 : vector<16xf32>
      %select_n3A_1987 = arith.select %le3A_1986, %scan3A_1931, %scan3A_1933 : vector<16xi1>, vector<16xf32>
      %select_n3A_1988 = arith.select %le3A_1986, %scan3A_1932, %scan3A_1934 : vector<16xi1>, vector<16xi32>
      %select_n3A_1989 = arith.select %le3A_1986, %scan3A_1933, %scan3A_1931 : vector<16xi1>, vector<16xf32>
      %select_n3A_1990 = arith.select %le3A_1986, %scan3A_1934, %scan3A_1932 : vector<16xi1>, vector<16xi32>
      %masked_sort3A_1991 = arith.constant dense<true> : vector<16xi1>
      %masked_sort3A_1992, %masked_sort3A_1993, %masked_sort3A_1994 = tpu.sort %select_n3A_1989, %select_n3A_1990 masked %masked_sort3A_1991 {descending = true} : (vector<16xf32>, vector<16xi32>, vector<16xi1>) -> (vector<16xi1>, vector<16xf32>, vector<16xi32>)
      %masked_sort3A_1995 = arith.constant dense<true> : vector<16xi1>
      %masked_sort3A_1996, %masked_sort3A_1997, %masked_sort3A_1998 = tpu.sort %select_n3A_1987, %select_n3A_1988 masked %masked_sort3A_1995 {descending = true} : (vector<16xf32>, vector<16xi32>, vector<16xi1>) -> (vector<16xi1>, vector<16xf32>, vector<16xi32>)
      %le3A_1999 = arith.cmpf ole, %scan3A_1935, %scan3A_1939 : vector<16xf32>
      %select_n3A_2000 = arith.select %le3A_1999, %scan3A_1935, %scan3A_1939 : vector<16xi1>, vector<16xf32>
      %select_n3A_2001 = arith.select %le3A_1999, %scan3A_1936, %scan3A_1940 : vector<16xi1>, vector<16xi32>
      %select_n3A_2002 = arith.select %le3A_1999, %scan3A_1939, %scan3A_1935 : vector<16xi1>, vector<16xf32>
      %select_n3A_2003 = arith.select %le3A_1999, %scan3A_1940, %scan3A_1936 : vector<16xi1>, vector<16xi32>
      %le3A_2004 = arith.cmpf ole, %scan3A_1937, %scan3A_1941 : vector<16xf32>
      %select_n3A_2005 = arith.select %le3A_2004, %scan3A_1937, %scan3A_1941 : vector<16xi1>, vector<16xf32>
      %select_n3A_2006 = arith.select %le3A_2004, %scan3A_1938, %scan3A_1942 : vector<16xi1>, vector<16xi32>
      %select_n3A_2007 = arith.select %le3A_2004, %scan3A_1941, %scan3A_1937 : vector<16xi1>, vector<16xf32>
      %select_n3A_2008 = arith.select %le3A_2004, %scan3A_1942, %scan3A_1938 : vector<16xi1>, vector<16xi32>
      %le3A_2009 = arith.cmpf ole, %select_n3A_2000, %select_n3A_2005 : vector<16xf32>
      %select_n3A_2010 = arith.select %le3A_2009, %select_n3A_2000, %select_n3A_2005 : vector<16xi1>, vector<16xf32>
      %select_n3A_2011 = arith.select %le3A_2009, %select_n3A_2001, %select_n3A_2006 : vector<16xi1>, vector<16xi32>
      %select_n3A_2012 = arith.select %le3A_2009, %select_n3A_2005, %select_n3A_2000 : vector<16xi1>, vector<16xf32>
      %select_n3A_2013 = arith.select %le3A_2009, %select_n3A_2006, %select_n3A_2001 : vector<16xi1>, vector<16xi32>
      %le3A_2014 = arith.cmpf ole, %select_n3A_2002, %select_n3A_2007 : vector<16xf32>
      %select_n3A_2015 = arith.select %le3A_2014, %select_n3A_2002, %select_n3A_2007 : vector<16xi1>, vector<16xf32>
      %select_n3A_2016 = arith.select %le3A_2014, %select_n3A_2003, %select_n3A_2008 : vector<16xi1>, vector<16xi32>
      %select_n3A_2017 = arith.select %le3A_2014, %select_n3A_2007, %select_n3A_2002 : vector<16xi1>, vector<16xf32>
      %select_n3A_2018 = arith.select %le3A_2014, %select_n3A_2008, %select_n3A_2003 : vector<16xi1>, vector<16xi32>
      %masked_sort3A_2019 = arith.constant dense<true> : vector<16xi1>
      %masked_sort3A_2020, %masked_sort3A_2021, %masked_sort3A_2022 = tpu.sort %select_n3A_2010, %select_n3A_2011 masked %masked_sort3A_2019 : (vector<16xf32>, vector<16xi32>, vector<16xi1>) -> (vector<16xi1>, vector<16xf32>, vector<16xi32>)
      %masked_sort3A_2023 = arith.constant dense<true> : vector<16xi1>
      %masked_sort3A_2024, %masked_sort3A_2025, %masked_sort3A_2026 = tpu.sort %select_n3A_2012, %select_n3A_2013 masked %masked_sort3A_2023 : (vector<16xf32>, vector<16xi32>, vector<16xi1>) -> (vector<16xi1>, vector<16xf32>, vector<16xi32>)
      %masked_sort3A_2027 = arith.constant dense<true> : vector<16xi1>
      %masked_sort3A_2028, %masked_sort3A_2029, %masked_sort3A_2030 = tpu.sort %select_n3A_2015, %select_n3A_2016 masked %masked_sort3A_2027 : (vector<16xf32>, vector<16xi32>, vector<16xi1>) -> (vector<16xi1>, vector<16xf32>, vector<16xi32>)
      %masked_sort3A_2031 = arith.constant dense<true> : vector<16xi1>
      %masked_sort3A_2032, %masked_sort3A_2033, %masked_sort3A_2034 = tpu.sort %select_n3A_2017, %select_n3A_2018 masked %masked_sort3A_2031 : (vector<16xf32>, vector<16xi32>, vector<16xi1>) -> (vector<16xi1>, vector<16xf32>, vector<16xi32>)
      %mul3A_2035 = arith.constant 0 : i32
      %mul3A_2036 = vector.broadcast %mul3A_2035 : i32 to vector<16xi32>
      %mul3A_2037 = arith.muli %iota3A, %mul3A_2036 : vector<16xi32>
      %add3A_2038 = vector.broadcast %scan3A_1926 : i32 to vector<16xi32>
      %add3A_2039 = arith.addi %mul3A_2037, %add3A_2038 : vector<16xi32>
      %mul3A_2040 = arith.constant 65 : i32
      %mul3A_2041 = vector.broadcast %mul3A_2040 : i32 to vector<16xi32>
      %mul3A_2042 = arith.muli %masked_sort3A_2022, %mul3A_2041 : vector<16xi32>
      %add3A_2043 = vector.broadcast %scan3A_1926 : i32 to vector<16xi32>
      %add3A_2044 = arith.addi %mul3A_2042, %add3A_2043 : vector<16xi32>
      %gather3A_2045 = tpu.vector_load_idx %arg10[%add3A_2044] : memref<4160xi32, #tpu.memory_space<vmem>>[vector<16xi32>], vector<16xi32>,
      %mul3A_2046 = arith.constant 64 : i32
      %mul3A_2047 = vector.broadcast %mul3A_2046 : i32 to vector<16xi32>
      %mul3A_2048 = arith.muli %masked_sort3A_2022, %mul3A_2047 : vector<16xi32>
      %add3A_2049 = arith.addi %mul3A_2048, %gather3A_2045 : vector<16xi32>
      %gather3A_2050 = tpu.vector_load_idx %arg7[%add3A_2049] : memref<4096xf32, #tpu.memory_space<vmem>>[vector<16xi32>], vector<16xf32>,
      tpu.vector_store_idx %arg11[%add3A_3, %add3A_2039], %gather3A_2050 : memref<64x65xf32, #tpu.memory_space<vmem>>[vector<16xi32>, vector<16xi32>], vector<16xf32>,
      %mul3A_2051 = arith.constant 65 : i32
      %mul3A_2052 = vector.broadcast %mul3A_2051 : i32 to vector<16xi32>
      %mul3A_2053 = arith.muli %masked_sort3A_2026, %mul3A_2052 : vector<16xi32>
      %add3A_2054 = vector.broadcast %scan3A_1926 : i32 to vector<16xi32>
      %add3A_2055 = arith.addi %mul3A_2053, %add3A_2054 : vector<16xi32>
      %gather3A_2056 = tpu.vector_load_idx %arg10[%add3A_2055] : memref<4160xi32, #tpu.memory_space<vmem>>[vector<16xi32>], vector<16xi32>,
      %mul3A_2057 = arith.constant 64 : i32
      %mul3A_2058 = vector.broadcast %mul3A_2057 : i32 to vector<16xi32>
      %mul3A_2059 = arith.muli %masked_sort3A_2026, %mul3A_2058 : vector<16xi32>
      %add3A_2060 = arith.addi %mul3A_2059, %gather3A_2056 : vector<16xi32>
      %gather3A_2061 = tpu.vector_load_idx %arg7[%add3A_2060] : memref<4096xf32, #tpu.memory_space<vmem>>[vector<16xi32>], vector<16xf32>,
      tpu.vector_store_idx %arg11[%add3A_6, %add3A_2039], %gather3A_2061 : memref<64x65xf32, #tpu.memory_space<vmem>>[vector<16xi32>, vector<16xi32>], vector<16xf32>,
      %mul3A_2062 = arith.constant 65 : i32
      %mul3A_2063 = vector.broadcast %mul3A_2062 : i32 to vector<16xi32>
      %mul3A_2064 = arith.muli %masked_sort3A_2030, %mul3A_2063 : vector<16xi32>
      %add3A_2065 = vector.broadcast %scan3A_1926 : i32 to vector<16xi32>
      %add3A_2066 = arith.addi %mul3A_2064, %add3A_2065 : vector<16xi32>
      %gather3A_2067 = tpu.vector_load_idx %arg10[%add3A_2066] : memref<4160xi32, #tpu.memory_space<vmem>>[vector<16xi32>], vector<16xi32>,
      %mul3A_2068 = arith.constant 64 : i32
      %mul3A_2069 = vector.broadcast %mul3A_2068 : i32 to vector<16xi32>
      %mul3A_2070 = arith.muli %masked_sort3A_2030, %mul3A_2069 : vector<16xi32>
      %add3A_2071 = arith.addi %mul3A_2070, %gather3A_2067 : vector<16xi32>
      %gather3A_2072 = tpu.vector_load_idx %arg7[%add3A_2071] : memref<4096xf32, #tpu.memory_space<vmem>>[vector<16xi32>], vector<16xf32>,
      tpu.vector_store_idx %arg11[%add3A_9, %add3A_2039], %gather3A_2072 : memref<64x65xf32, #tpu.memory_space<vmem>>[vector<16xi32>, vector<16xi32>], vector<16xf32>,
      %mul3A_2073 = arith.constant 65 : i32
      %mul3A_2074 = vector.broadcast %mul3A_2073 : i32 to vector<16xi32>
      %mul3A_2075 = arith.muli %masked_sort3A_2034, %mul3A_2074 : vector<16xi32>
      %add3A_2076 = vector.broadcast %scan3A_1926 : i32 to vector<16xi32>
      %add3A_2077 = arith.addi %mul3A_2075, %add3A_2076 : vector<16xi32>
      %gather3A_2078 = tpu.vector_load_idx %arg10[%add3A_2077] : memref<4160xi32, #tpu.memory_space<vmem>>[vector<16xi32>], vector<16xi32>,
      %mul3A_2079 = arith.constant 64 : i32
      %mul3A_2080 = vector.broadcast %mul3A_2079 : i32 to vector<16xi32>
      %mul3A_2081 = arith.muli %masked_sort3A_2034, %mul3A_2080 : vector<16xi32>
      %add3A_2082 = arith.addi %mul3A_2081, %gather3A_2078 : vector<16xi32>
      %gather3A_2083 = tpu.vector_load_idx %arg7[%add3A_2082] : memref<4096xf32, #tpu.memory_space<vmem>>[vector<16xi32>], vector<16xf32>,
      tpu.vector_store_idx %arg11[%add3A_12, %add3A_2039], %gather3A_2083 : memref<64x65xf32, #tpu.memory_space<vmem>>[vector<16xi32>, vector<16xi32>], vector<16xf32>,
      scf.yield %masked_sort3A_1959, %masked_sort3A_1960, %masked_sort3A_1963, %masked_sort3A_1964, %masked_sort3A_1967, %masked_sort3A_1968, %masked_sort3A_1971, %masked_sort3A_1972, %masked_sort3A_1980, %masked_sort3A_1981, %masked_sort3A_1984, %masked_sort3A_1985, %masked_sort3A_1993, %masked_sort3A_1994, %masked_sort3A_1997, %masked_sort3A_1998 : vector<16xf32>, vector<16xi32>, vector<16xf32>, vector<16xi32>, vector<16xf32>, vector<16xi32>, vector<16xf32>, vector<16xi32>, vector<16xf32>, vector<16xi32>, vector<16xf32>, vector<16xi32>, vector<16xf32>, vector<16xi32>, vector<16xf32>, vector<16xi32>
    }
    %scan3A_1213 = arith.constant 62 : i32
    %le3A_1214 = arith.cmpf ole, %scan3A_1212#8, %scan3A_1212#12 : vector<16xf32>
    %select_n3A_1215 = arith.select %le3A_1214, %scan3A_1212#8, %scan3A_1212#12 : vector<16xi1>, vector<16xf32>
    %select_n3A_1216 = arith.select %le3A_1214, %scan3A_1212#9, %scan3A_1212#13 : vector<16xi1>, vector<16xi32>
    %select_n3A_1217 = arith.select %le3A_1214, %scan3A_1212#12, %scan3A_1212#8 : vector<16xi1>, vector<16xf32>
    %select_n3A_1218 = arith.select %le3A_1214, %scan3A_1212#13, %scan3A_1212#9 : vector<16xi1>, vector<16xi32>
    %le3A_1219 = arith.cmpf ole, %scan3A_1212#10, %scan3A_1212#14 : vector<16xf32>
    %select_n3A_1220 = arith.select %le3A_1219, %scan3A_1212#10, %scan3A_1212#14 : vector<16xi1>, vector<16xf32>
    %select_n3A_1221 = arith.select %le3A_1219, %scan3A_1212#11, %scan3A_1212#15 : vector<16xi1>, vector<16xi32>
    %select_n3A_1222 = arith.select %le3A_1219, %scan3A_1212#14, %scan3A_1212#10 : vector<16xi1>, vector<16xf32>
    %select_n3A_1223 = arith.select %le3A_1219, %scan3A_1212#15, %scan3A_1212#11 : vector<16xi1>, vector<16xi32>
    %le3A_1224 = arith.cmpf ole, %select_n3A_1215, %select_n3A_1220 : vector<16xf32>
    %select_n3A_1225 = arith.select %le3A_1224, %select_n3A_1215, %select_n3A_1220 : vector<16xi1>, vector<16xf32>
    %select_n3A_1226 = arith.select %le3A_1224, %select_n3A_1216, %select_n3A_1221 : vector<16xi1>, vector<16xi32>
    %select_n3A_1227 = arith.select %le3A_1224, %select_n3A_1220, %select_n3A_1215 : vector<16xi1>, vector<16xf32>
    %select_n3A_1228 = arith.select %le3A_1224, %select_n3A_1221, %select_n3A_1216 : vector<16xi1>, vector<16xi32>
    %le3A_1229 = arith.cmpf ole, %select_n3A_1217, %select_n3A_1222 : vector<16xf32>
    %select_n3A_1230 = arith.select %le3A_1229, %select_n3A_1217, %select_n3A_1222 : vector<16xi1>, vector<16xf32>
    %select_n3A_1231 = arith.select %le3A_1229, %select_n3A_1218, %select_n3A_1223 : vector<16xi1>, vector<16xi32>
    %select_n3A_1232 = arith.select %le3A_1229, %select_n3A_1222, %select_n3A_1217 : vector<16xi1>, vector<16xf32>
    %select_n3A_1233 = arith.select %le3A_1229, %select_n3A_1223, %select_n3A_1218 : vector<16xi1>, vector<16xi32>
    %masked_sort3A_1234 = arith.constant dense<true> : vector<16xi1>
    %masked_sort3A_1235, %masked_sort3A_1236, %masked_sort3A_1237 = tpu.sort %select_n3A_1225, %select_n3A_1226 masked %masked_sort3A_1234 : (vector<16xf32>, vector<16xi32>, vector<16xi1>) -> (vector<16xi1>, vector<16xf32>, vector<16xi32>)
    %masked_sort3A_1238 = arith.constant dense<true> : vector<16xi1>
    %masked_sort3A_1239, %masked_sort3A_1240, %masked_sort3A_1241 = tpu.sort %select_n3A_1227, %select_n3A_1228 masked %masked_sort3A_1238 : (vector<16xf32>, vector<16xi32>, vector<16xi1>) -> (vector<16xi1>, vector<16xf32>, vector<16xi32>)
    %masked_sort3A_1242 = arith.constant dense<true> : vector<16xi1>
    %masked_sort3A_1243, %masked_sort3A_1244, %masked_sort3A_1245 = tpu.sort %select_n3A_1230, %select_n3A_1231 masked %masked_sort3A_1242 : (vector<16xf32>, vector<16xi32>, vector<16xi1>) -> (vector<16xi1>, vector<16xf32>, vector<16xi32>)
    %masked_sort3A_1246 = arith.constant dense<true> : vector<16xi1>
    %masked_sort3A_1247, %masked_sort3A_1248, %masked_sort3A_1249 = tpu.sort %select_n3A_1232, %select_n3A_1233 masked %masked_sort3A_1246 : (vector<16xf32>, vector<16xi32>, vector<16xi1>) -> (vector<16xi1>, vector<16xf32>, vector<16xi32>)
    %mul3A_1250 = arith.constant 0 : i32
    %mul3A_1251 = vector.broadcast %mul3A_1250 : i32 to vector<16xi32>
    %mul3A_1252 = arith.muli %iota3A, %mul3A_1251 : vector<16xi32>
    %add3A_1253 = arith.constant 62 : i32
    %add3A_1254 = vector.broadcast %add3A_1253 : i32 to vector<16xi32>
    %add3A_1255 = arith.addi %mul3A_1252, %add3A_1254 : vector<16xi32>
    %mul3A_1256 = arith.constant 65 : i32
    %mul3A_1257 = vector.broadcast %mul3A_1256 : i32 to vector<16xi32>
    %mul3A_1258 = arith.muli %masked_sort3A_1237, %mul3A_1257 : vector<16xi32>
    %add3A_1259 = arith.constant 62 : i32
    %add3A_1260 = vector.broadcast %add3A_1259 : i32 to vector<16xi32>
    %add3A_1261 = arith.addi %mul3A_1258, %add3A_1260 : vector<16xi32>
    %gather3A_1262 = tpu.vector_load_idx %arg10[%add3A_1261] : memref<4160xi32, #tpu.memory_space<vmem>>[vector<16xi32>], vector<16xi32>,
    %mul3A_1263 = arith.constant 64 : i32
    %mul3A_1264 = vector.broadcast %mul3A_1263 : i32 to vector<16xi32>
    %mul3A_1265 = arith.muli %masked_sort3A_1237, %mul3A_1264 : vector<16xi32>
    %add3A_1266 = arith.addi %mul3A_1265, %gather3A_1262 : vector<16xi32>
    %gather3A_1267 = tpu.vector_load_idx %arg7[%add3A_1266] : memref<4096xf32, #tpu.memory_space<vmem>>[vector<16xi32>], vector<16xf32>,
    tpu.vector_store_idx %arg11[%add3A_3, %add3A_1255], %gather3A_1267 : memref<64x65xf32, #tpu.memory_space<vmem>>[vector<16xi32>, vector<16xi32>], vector<16xf32>,
    %mul3A_1268 = arith.constant 65 : i32
    %mul3A_1269 = vector.broadcast %mul3A_1268 : i32 to vector<16xi32>
    %mul3A_1270 = arith.muli %masked_sort3A_1241, %mul3A_1269 : vector<16xi32>
    %add3A_1271 = arith.constant 62 : i32
    %add3A_1272 = vector.broadcast %add3A_1271 : i32 to vector<16xi32>
    %add3A_1273 = arith.addi %mul3A_1270, %add3A_1272 : vector<16xi32>
    %gather3A_1274 = tpu.vector_load_idx %arg10[%add3A_1273] : memref<4160xi32, #tpu.memory_space<vmem>>[vector<16xi32>], vector<16xi32>,
    %mul3A_1275 = arith.constant 64 : i32
    %mul3A_1276 = vector.broadcast %mul3A_1275 : i32 to vector<16xi32>
    %mul3A_1277 = arith.muli %masked_sort3A_1241, %mul3A_1276 : vector<16xi32>
    %add3A_1278 = arith.addi %mul3A_1277, %gather3A_1274 : vector<16xi32>
    %gather3A_1279 = tpu.vector_load_idx %arg7[%add3A_1278] : memref<4096xf32, #tpu.memory_space<vmem>>[vector<16xi32>], vector<16xf32>,
    tpu.vector_store_idx %arg11[%add3A_6, %add3A_1255], %gather3A_1279 : memref<64x65xf32, #tpu.memory_space<vmem>>[vector<16xi32>, vector<16xi32>], vector<16xf32>,
    %mul3A_1280 = arith.constant 65 : i32
    %mul3A_1281 = vector.broadcast %mul3A_1280 : i32 to vector<16xi32>
    %mul3A_1282 = arith.muli %masked_sort3A_1245, %mul3A_1281 : vector<16xi32>
    %add3A_1283 = arith.constant 62 : i32
    %add3A_1284 = vector.broadcast %add3A_1283 : i32 to vector<16xi32>
    %add3A_1285 = arith.addi %mul3A_1282, %add3A_1284 : vector<16xi32>
    %gather3A_1286 = tpu.vector_load_idx %arg10[%add3A_1285] : memref<4160xi32, #tpu.memory_space<vmem>>[vector<16xi32>], vector<16xi32>,
    %mul3A_1287 = arith.constant 64 : i32
    %mul3A_1288 = vector.broadcast %mul3A_1287 : i32 to vector<16xi32>
    %mul3A_1289 = arith.muli %masked_sort3A_1245, %mul3A_1288 : vector<16xi32>
    %add3A_1290 = arith.addi %mul3A_1289, %gather3A_1286 : vector<16xi32>
    %gather3A_1291 = tpu.vector_load_idx %arg7[%add3A_1290] : memref<4096xf32, #tpu.memory_space<vmem>>[vector<16xi32>], vector<16xf32>,
    tpu.vector_store_idx %arg11[%add3A_9, %add3A_1255], %gather3A_1291 : memref<64x65xf32, #tpu.memory_space<vmem>>[vector<16xi32>, vector<16xi32>], vector<16xf32>,
    %mul3A_1292 = arith.constant 65 : i32
    %mul3A_1293 = vector.broadcast %mul3A_1292 : i32 to vector<16xi32>
    %mul3A_1294 = arith.muli %masked_sort3A_1249, %mul3A_1293 : vector<16xi32>
    %add3A_1295 = arith.constant 62 : i32
    %add3A_1296 = vector.broadcast %add3A_1295 : i32 to vector<16xi32>
    %add3A_1297 = arith.addi %mul3A_1294, %add3A_1296 : vector<16xi32>
    %gather3A_1298 = tpu.vector_load_idx %arg10[%add3A_1297] : memref<4160xi32, #tpu.memory_space<vmem>>[vector<16xi32>], vector<16xi32>,
    %mul3A_1299 = arith.constant 64 : i32
    %mul3A_1300 = vector.broadcast %mul3A_1299 : i32 to vector<16xi32>
    %mul3A_1301 = arith.muli %masked_sort3A_1249, %mul3A_1300 : vector<16xi32>
    %add3A_1302 = arith.addi %mul3A_1301, %gather3A_1298 : vector<16xi32>
    %gather3A_1303 = tpu.vector_load_idx %arg7[%add3A_1302] : memref<4096xf32, #tpu.memory_space<vmem>>[vector<16xi32>], vector<16xf32>,
    tpu.vector_store_idx %arg11[%add3A_12, %add3A_1255], %gather3A_1303 : memref<64x65xf32, #tpu.memory_space<vmem>>[vector<16xi32>, vector<16xi32>], vector<16xf32>,
    %le3A_1304 = arith.cmpf ole, %scan3A_1212#0, %scan3A_1212#2 : vector<16xf32>
    %select_n3A_1305 = arith.select %le3A_1304, %scan3A_1212#0, %scan3A_1212#2 : vector<16xi1>, vector<16xf32>
    %select_n3A_1306 = arith.select %le3A_1304, %scan3A_1212#1, %scan3A_1212#3 : vector<16xi1>, vector<16xi32>
    %select_n3A_1307 = arith.select %le3A_1304, %scan3A_1212#2, %scan3A_1212#0 : vector<16xi1>, vector<16xf32>
    %select_n3A_1308 = arith.select %le3A_1304, %scan3A_1212#3, %scan3A_1212#1 : vector<16xi1>, vector<16xi32>
    %masked_sort3A_1309 = arith.constant dense<true> : vector<16xi1>
    %masked_sort3A_1310, %masked_sort3A_1311, %masked_sort3A_1312 = tpu.sort %select_n3A_1305, %select_n3A_1306 masked %masked_sort3A_1309 : (vector<16xf32>, vector<16xi32>, vector<16xi1>) -> (vector<16xi1>, vector<16xf32>, vector<16xi32>)
    %masked_sort3A_1313 = arith.constant dense<true> : vector<16xi1>
    %masked_sort3A_1314, %masked_sort3A_1315, %masked_sort3A_1316 = tpu.sort %select_n3A_1307, %select_n3A_1308 masked %masked_sort3A_1313 : (vector<16xf32>, vector<16xi32>, vector<16xi1>) -> (vector<16xi1>, vector<16xf32>, vector<16xi32>)
    %le3A_1317 = arith.cmpf ole, %scan3A_1212#4, %scan3A_1212#6 : vector<16xf32>
    %select_n3A_1318 = arith.select %le3A_1317, %scan3A_1212#4, %scan3A_1212#6 : vector<16xi1>, vector<16xf32>
    %select_n3A_1319 = arith.select %le3A_1317, %scan3A_1212#5, %scan3A_1212#7 : vector<16xi1>, vector<16xi32>
    %select_n3A_1320 = arith.select %le3A_1317, %scan3A_1212#6, %scan3A_1212#4 : vector<16xi1>, vector<16xf32>
    %select_n3A_1321 = arith.select %le3A_1317, %scan3A_1212#7, %scan3A_1212#5 : vector<16xi1>, vector<16xi32>
    %masked_sort3A_1322 = arith.constant dense<true> : vector<16xi1>
    %masked_sort3A_1323, %masked_sort3A_1324, %masked_sort3A_1325 = tpu.sort %select_n3A_1320, %select_n3A_1321 masked %masked_sort3A_1322 {descending = true} : (vector<16xf32>, vector<16xi32>, vector<16xi1>) -> (vector<16xi1>, vector<16xf32>, vector<16xi32>)
    %masked_sort3A_1326 = arith.constant dense<true> : vector<16xi1>
    %masked_sort3A_1327, %masked_sort3A_1328, %masked_sort3A_1329 = tpu.sort %select_n3A_1318, %select_n3A_1319 masked %masked_sort3A_1326 {descending = true} : (vector<16xf32>, vector<16xi32>, vector<16xi1>) -> (vector<16xi1>, vector<16xf32>, vector<16xi32>)
    %le3A_1330 = arith.cmpf ole, %masked_sort3A_1311, %masked_sort3A_1324 : vector<16xf32>
    %select_n3A_1331 = arith.select %le3A_1330, %masked_sort3A_1311, %masked_sort3A_1324 : vector<16xi1>, vector<16xf32>
    %select_n3A_1332 = arith.select %le3A_1330, %masked_sort3A_1312, %masked_sort3A_1325 : vector<16xi1>, vector<16xi32>
    %select_n3A_1333 = arith.select %le3A_1330, %masked_sort3A_1324, %masked_sort3A_1311 : vector<16xi1>, vector<16xf32>
    %select_n3A_1334 = arith.select %le3A_1330, %masked_sort3A_1325, %masked_sort3A_1312 : vector<16xi1>, vector<16xi32>
    %le3A_1335 = arith.cmpf ole, %masked_sort3A_1315, %masked_sort3A_1328 : vector<16xf32>
    %select_n3A_1336 = arith.select %le3A_1335, %masked_sort3A_1315, %masked_sort3A_1328 : vector<16xi1>, vector<16xf32>
    %select_n3A_1337 = arith.select %le3A_1335, %masked_sort3A_1316, %masked_sort3A_1329 : vector<16xi1>, vector<16xi32>
    %select_n3A_1338 = arith.select %le3A_1335, %masked_sort3A_1328, %masked_sort3A_1315 : vector<16xi1>, vector<16xf32>
    %select_n3A_1339 = arith.select %le3A_1335, %masked_sort3A_1329, %masked_sort3A_1316 : vector<16xi1>, vector<16xi32>
    %le3A_1340 = arith.cmpf ole, %select_n3A_1331, %select_n3A_1336 : vector<16xf32>
    %select_n3A_1341 = arith.select %le3A_1340, %select_n3A_1331, %select_n3A_1336 : vector<16xi1>, vector<16xf32>
    %select_n3A_1342 = arith.select %le3A_1340, %select_n3A_1332, %select_n3A_1337 : vector<16xi1>, vector<16xi32>
    %select_n3A_1343 = arith.select %le3A_1340, %select_n3A_1336, %select_n3A_1331 : vector<16xi1>, vector<16xf32>
    %select_n3A_1344 = arith.select %le3A_1340, %select_n3A_1337, %select_n3A_1332 : vector<16xi1>, vector<16xi32>
    %le3A_1345 = arith.cmpf ole, %select_n3A_1333, %select_n3A_1338 : vector<16xf32>
    %select_n3A_1346 = arith.select %le3A_1345, %select_n3A_1333, %select_n3A_1338 : vector<16xi1>, vector<16xf32>
    %select_n3A_1347 = arith.select %le3A_1345, %select_n3A_1334, %select_n3A_1339 : vector<16xi1>, vector<16xi32>
    %select_n3A_1348 = arith.select %le3A_1345, %select_n3A_1338, %select_n3A_1333 : vector<16xi1>, vector<16xf32>
    %select_n3A_1349 = arith.select %le3A_1345, %select_n3A_1339, %select_n3A_1334 : vector<16xi1>, vector<16xi32>
    %masked_sort3A_1350 = arith.constant dense<true> : vector<16xi1>
    %masked_sort3A_1351, %masked_sort3A_1352, %masked_sort3A_1353 = tpu.sort %select_n3A_1341, %select_n3A_1342 masked %masked_sort3A_1350 : (vector<16xf32>, vector<16xi32>, vector<16xi1>) -> (vector<16xi1>, vector<16xf32>, vector<16xi32>)
    %masked_sort3A_1354 = arith.constant dense<true> : vector<16xi1>
    %masked_sort3A_1355, %masked_sort3A_1356, %masked_sort3A_1357 = tpu.sort %select_n3A_1343, %select_n3A_1344 masked %masked_sort3A_1354 : (vector<16xf32>, vector<16xi32>, vector<16xi1>) -> (vector<16xi1>, vector<16xf32>, vector<16xi32>)
    %masked_sort3A_1358 = arith.constant dense<true> : vector<16xi1>
    %masked_sort3A_1359, %masked_sort3A_1360, %masked_sort3A_1361 = tpu.sort %select_n3A_1346, %select_n3A_1347 masked %masked_sort3A_1358 : (vector<16xf32>, vector<16xi32>, vector<16xi1>) -> (vector<16xi1>, vector<16xf32>, vector<16xi32>)
    %masked_sort3A_1362 = arith.constant dense<true> : vector<16xi1>
    %masked_sort3A_1363, %masked_sort3A_1364, %masked_sort3A_1365 = tpu.sort %select_n3A_1348, %select_n3A_1349 masked %masked_sort3A_1362 : (vector<16xf32>, vector<16xi32>, vector<16xi1>) -> (vector<16xi1>, vector<16xf32>, vector<16xi32>)
    %mul3A_1366 = arith.constant 0 : i32
    %mul3A_1367 = vector.broadcast %mul3A_1366 : i32 to vector<16xi32>
    %mul3A_1368 = arith.muli %iota3A, %mul3A_1367 : vector<16xi32>
    %add3A_1369 = arith.constant 63 : i32
    %add3A_1370 = vector.broadcast %add3A_1369 : i32 to vector<16xi32>
    %add3A_1371 = arith.addi %mul3A_1368, %add3A_1370 : vector<16xi32>
    %mul3A_1372 = arith.constant 65 : i32
    %mul3A_1373 = vector.broadcast %mul3A_1372 : i32 to vector<16xi32>
    %mul3A_1374 = arith.muli %masked_sort3A_1353, %mul3A_1373 : vector<16xi32>
    %add3A_1375 = arith.constant 63 : i32
    %add3A_1376 = vector.broadcast %add3A_1375 : i32 to vector<16xi32>
    %add3A_1377 = arith.addi %mul3A_1374, %add3A_1376 : vector<16xi32>
    %gather3A_1378 = tpu.vector_load_idx %arg10[%add3A_1377] : memref<4160xi32, #tpu.memory_space<vmem>>[vector<16xi32>], vector<16xi32>,
    %mul3A_1379 = arith.constant 64 : i32
    %mul3A_1380 = vector.broadcast %mul3A_1379 : i32 to vector<16xi32>
    %mul3A_1381 = arith.muli %masked_sort3A_1353, %mul3A_1380 : vector<16xi32>
    %add3A_1382 = arith.addi %mul3A_1381, %gather3A_1378 : vector<16xi32>
    %gather3A_1383 = tpu.vector_load_idx %arg7[%add3A_1382] : memref<4096xf32, #tpu.memory_space<vmem>>[vector<16xi32>], vector<16xf32>,
    tpu.vector_store_idx %arg11[%add3A_3, %add3A_1371], %gather3A_1383 : memref<64x65xf32, #tpu.memory_space<vmem>>[vector<16xi32>, vector<16xi32>], vector<16xf32>,
    %mul3A_1384 = arith.constant 65 : i32
    %mul3A_1385 = vector.broadcast %mul3A_1384 : i32 to vector<16xi32>
    %mul3A_1386 = arith.muli %masked_sort3A_1357, %mul3A_1385 : vector<16xi32>
    %add3A_1387 = arith.constant 63 : i32
    %add3A_1388 = vector.broadcast %add3A_1387 : i32 to vector<16xi32>
    %add3A_1389 = arith.addi %mul3A_1386, %add3A_1388 : vector<16xi32>
    %gather3A_1390 = tpu.vector_load_idx %arg10[%add3A_1389] : memref<4160xi32, #tpu.memory_space<vmem>>[vector<16xi32>], vector<16xi32>,
    %mul3A_1391 = arith.constant 64 : i32
    %mul3A_1392 = vector.broadcast %mul3A_1391 : i32 to vector<16xi32>
    %mul3A_1393 = arith.muli %masked_sort3A_1357, %mul3A_1392 : vector<16xi32>
    %add3A_1394 = arith.addi %mul3A_1393, %gather3A_1390 : vector<16xi32>
    %gather3A_1395 = tpu.vector_load_idx %arg7[%add3A_1394] : memref<4096xf32, #tpu.memory_space<vmem>>[vector<16xi32>], vector<16xf32>,
    tpu.vector_store_idx %arg11[%add3A_6, %add3A_1371], %gather3A_1395 : memref<64x65xf32, #tpu.memory_space<vmem>>[vector<16xi32>, vector<16xi32>], vector<16xf32>,
    %mul3A_1396 = arith.constant 65 : i32
    %mul3A_1397 = vector.broadcast %mul3A_1396 : i32 to vector<16xi32>
    %mul3A_1398 = arith.muli %masked_sort3A_1361, %mul3A_1397 : vector<16xi32>
    %add3A_1399 = arith.constant 63 : i32
    %add3A_1400 = vector.broadcast %add3A_1399 : i32 to vector<16xi32>
    %add3A_1401 = arith.addi %mul3A_1398, %add3A_1400 : vector<16xi32>
    %gather3A_1402 = tpu.vector_load_idx %arg10[%add3A_1401] : memref<4160xi32, #tpu.memory_space<vmem>>[vector<16xi32>], vector<16xi32>,
    %mul3A_1403 = arith.constant 64 : i32
    %mul3A_1404 = vector.broadcast %mul3A_1403 : i32 to vector<16xi32>
    %mul3A_1405 = arith.muli %masked_sort3A_1361, %mul3A_1404 : vector<16xi32>
    %add3A_1406 = arith.addi %mul3A_1405, %gather3A_1402 : vector<16xi32>
    %gather3A_1407 = tpu.vector_load_idx %arg7[%add3A_1406] : memref<4096xf32, #tpu.memory_space<vmem>>[vector<16xi32>], vector<16xf32>,
    tpu.vector_store_idx %arg11[%add3A_9, %add3A_1371], %gather3A_1407 : memref<64x65xf32, #tpu.memory_space<vmem>>[vector<16xi32>, vector<16xi32>], vector<16xf32>,
    %mul3A_1408 = arith.constant 65 : i32
    %mul3A_1409 = vector.broadcast %mul3A_1408 : i32 to vector<16xi32>
    %mul3A_1410 = arith.muli %masked_sort3A_1365, %mul3A_1409 : vector<16xi32>
    %add3A_1411 = arith.constant 63 : i32
    %add3A_1412 = vector.broadcast %add3A_1411 : i32 to vector<16xi32>
    %add3A_1413 = arith.addi %mul3A_1410, %add3A_1412 : vector<16xi32>
    %gather3A_1414 = tpu.vector_load_idx %arg10[%add3A_1413] : memref<4160xi32, #tpu.memory_space<vmem>>[vector<16xi32>], vector<16xi32>,
    %mul3A_1415 = arith.constant 64 : i32
    %mul3A_1416 = vector.broadcast %mul3A_1415 : i32 to vector<16xi32>
    %mul3A_1417 = arith.muli %masked_sort3A_1365, %mul3A_1416 : vector<16xi32>
    %add3A_1418 = arith.addi %mul3A_1417, %gather3A_1414 : vector<16xi32>
    %gather3A_1419 = tpu.vector_load_idx %arg7[%add3A_1418] : memref<4096xf32, #tpu.memory_space<vmem>>[vector<16xi32>], vector<16xf32>,
    tpu.vector_store_idx %arg11[%add3A_12, %add3A_1371], %gather3A_1419 : memref<64x65xf32, #tpu.memory_space<vmem>>[vector<16xi32>, vector<16xi32>], vector<16xf32>,
    %add3A_1420 = arith.constant 2 : i32
    %add3A_1421 = arith.addi %mul3A_14, %add3A_1420 : i32
    %mul3A_1422 = arith.constant 64 : i32
    %mul3A_1423 = arith.muli %add3A_1421, %mul3A_1422 : i32
    %dma_start3A_1424 = arith.constant 0 : i32
    %dma_start3A_1425 = arith.constant 0 : i32
    %dma_start3A_1426 = tpu.memref_slice %arg11[%dma_start3A_1424, %dma_start3A_1425] : memref<64x65xf32, #tpu.memory_space<vmem>> -> memref<64x64xf32, #tpu.memory_space<vmem>>
    %dma_start3A_1427 = arith.constant 0 : i32
    %dma_start3A_1428 = tpu.memref_slice %arg4[%mul3A_1423, %dma_start3A_1427] : memref<8192x64xf32, #tpu.memory_space<hbm>> -> memref<64x64xf32, #tpu.memory_space<hbm>>
    %dma_start3A_1429 = arith.constant 0 : i32
    %dma_start3A_1430 = tpu.memref_slice %arg4[%mul3A_1423, %dma_start3A_1429] : memref<8192x64xf32, #tpu.memory_space<hbm>> -> memref<64x64xf32, #tpu.memory_space<hbm>>
    %dma_start3A_1431 = arith.constant 0 : i32
    %dma_start3A_1432 = arith.constant 0 : i32
    %dma_start3A_1433 = tpu.memref_slice %arg11[%dma_start3A_1431, %dma_start3A_1432] : memref<64x65xf32, #tpu.memory_space<vmem>> -> memref<64x64xf32, #tpu.memory_space<vmem>>
    tpu.enqueue_dma source(%dma_start3A_1433 : memref<64x64xf32, #tpu.memory_space<vmem>>) target(%dma_start3A_1430 : memref<64x64xf32, #tpu.memory_space<hbm>>) target_semaphore(%arg15 : memref<!tpu.dma_semaphore, #tpu.memory_space<semaphore_mem>>)
    %dma_wait3A_1434 = arith.constant 0 : i32
    %dma_wait3A_1435 = tpu.memref_slice %arg2[%dma_wait3A_1434] : memref<524288xf32, #tpu.memory_space<hbm>> -> memref<4096xf32, #tpu.memory_space<hbm>>
    %dma_wait3A_1436 = arith.constant 0 : i32
    %dma_wait3A_1437 = tpu.memref_slice %arg2[%dma_wait3A_1436] : memref<524288xf32, #tpu.memory_space<hbm>> -> memref<4096xf32, #tpu.memory_space<hbm>>
    tpu.wait_dma2 semaphore(%arg14 : memref<!tpu.dma_semaphore, #tpu.memory_space<semaphore_mem>>) src(%dma_wait3A_1437 : memref<4096xf32, #tpu.memory_space<hbm>>) dst(%arg6 : memref<4096xf32, #tpu.memory_space<vmem>>)
    %dma_wait3A_1438 = arith.constant 0 : i32
    %dma_wait3A_1439 = tpu.memref_slice %arg3[%dma_wait3A_1438] : memref<524288xf32, #tpu.memory_space<hbm>> -> memref<4096xf32, #tpu.memory_space<hbm>>
    %dma_wait3A_1440 = arith.constant 0 : i32
    %dma_wait3A_1441 = tpu.memref_slice %arg3[%dma_wait3A_1440] : memref<524288xf32, #tpu.memory_space<hbm>> -> memref<4096xf32, #tpu.memory_space<hbm>>
    tpu.wait_dma2 semaphore(%arg14 : memref<!tpu.dma_semaphore, #tpu.memory_space<semaphore_mem>>) src(%dma_wait3A_1441 : memref<4096xf32, #tpu.memory_space<hbm>>) dst(%arg8 : memref<4096xf32, #tpu.memory_space<vmem>>)
    %dma_wait3A_1442 = arith.constant 0 : i32
    %dma_wait3A_1443 = arith.constant 0 : i32
    %dma_wait3A_1444 = tpu.memref_slice %arg12[%dma_wait3A_1442, %dma_wait3A_1443] : memref<64x65xf32, #tpu.memory_space<vmem>> -> memref<64x64xf32, #tpu.memory_space<vmem>>
    %dma_wait3A_1445 = arith.constant 0 : i32
    %dma_wait3A_1446 = arith.constant 0 : i32
    %dma_wait3A_1447 = tpu.memref_slice %arg4[%dma_wait3A_1445, %dma_wait3A_1446] : memref<8192x64xf32, #tpu.memory_space<hbm>> -> memref<64x64xf32, #tpu.memory_space<hbm>>
    %dma_wait3A_1448 = arith.constant 0 : i32
    %dma_wait3A_1449 = arith.constant 0 : i32
    %dma_wait3A_1450 = tpu.memref_slice %arg4[%dma_wait3A_1448, %dma_wait3A_1449] : memref<8192x64xf32, #tpu.memory_space<hbm>> -> memref<64x64xf32, #tpu.memory_space<hbm>>
    %dma_wait3A_1451 = arith.constant 0 : i32
    %dma_wait3A_1452 = arith.constant 0 : i32
    %dma_wait3A_1453 = tpu.memref_slice %arg12[%dma_wait3A_1451, %dma_wait3A_1452] : memref<64x65xf32, #tpu.memory_space<vmem>> -> memref<64x64xf32, #tpu.memory_space<vmem>>
    tpu.wait_dma2 semaphore(%arg16 : memref<!tpu.dma_semaphore, #tpu.memory_space<semaphore_mem>>) src(%dma_wait3A_1453 : memref<64x64xf32, #tpu.memory_space<vmem>>) dst(%dma_wait3A_1450 : memref<64x64xf32, #tpu.memory_space<hbm>>)
    %get3A_1454 = arith.constant 0 : index
    %get3A_1455 = tpu.vector_load %arg6[%get3A_1454] {strides = array<i32>} : memref<4096xf32, #tpu.memory_space<vmem>>, vector<16xf32>,
    %get3A_1456 = arith.constant 16 : index
    %get3A_1457 = tpu.vector_load %arg6[%get3A_1456] {strides = array<i32>} : memref<4096xf32, #tpu.memory_space<vmem>>, vector<16xf32>,
    %get3A_1458 = arith.constant 32 : index
    %get3A_1459 = tpu.vector_load %arg6[%get3A_1458] {strides = array<i32>} : memref<4096xf32, #tpu.memory_space<vmem>>, vector<16xf32>,
    %get3A_1460 = arith.constant 48 : index
    %get3A_1461 = tpu.vector_load %arg6[%get3A_1460] {strides = array<i32>} : memref<4096xf32, #tpu.memory_space<vmem>>, vector<16xf32>,
    %swap3A_1462 = arith.constant 0 : index
    %swap3A_1463 = tpu.vector_load %arg9[%swap3A_1462] {strides = array<i32>} : memref<4160xf32, #tpu.memory_space<vmem>>, vector<16xf32>,
    tpu.vector_store %arg9[%swap3A_1462], %get3A_1455 {strides = array<i32>} : memref<4160xf32, #tpu.memory_space<vmem>>, vector<16xf32>,
    %swap3A_1464 = arith.constant 16 : index
    %swap3A_1465 = tpu.vector_load %arg9[%swap3A_1464] {strides = array<i32>} : memref<4160xf32, #tpu.memory_space<vmem>>, vector<16xf32>,
    tpu.vector_store %arg9[%swap3A_1464], %get3A_1457 {strides = array<i32>} : memref<4160xf32, #tpu.memory_space<vmem>>, vector<16xf32>,
    %swap3A_1466 = arith.constant 32 : index
    %swap3A_1467 = tpu.vector_load %arg9[%swap3A_1466] {strides = array<i32>} : memref<4160xf32, #tpu.memory_space<vmem>>, vector<16xf32>,
    tpu.vector_store %arg9[%swap3A_1466], %get3A_1459 {strides = array<i32>} : memref<4160xf32, #tpu.memory_space<vmem>>, vector<16xf32>,
    %swap3A_1468 = arith.constant 48 : index
    %swap3A_1469 = tpu.vector_load %arg9[%swap3A_1468] {strides = array<i32>} : memref<4160xf32, #tpu.memory_space<vmem>>, vector<16xf32>,
    tpu.vector_store %arg9[%swap3A_1468], %get3A_1461 {strides = array<i32>} : memref<4160xf32, #tpu.memory_space<vmem>>, vector<16xf32>,
    %masked_sort3A_1470 = arith.constant dense<true> : vector<16xi1>
    %masked_sort3A_1471, %masked_sort3A_1472, %masked_sort3A_1473 = tpu.sort %get3A_1455, %add3A_3 masked %masked_sort3A_1470 : (vector<16xf32>, vector<16xi32>, vector<16xi1>) -> (vector<16xi1>, vector<16xf32>, vector<16xi32>)
    %masked_sort3A_1474 = arith.constant dense<true> : vector<16xi1>
    %masked_sort3A_1475, %masked_sort3A_1476, %masked_sort3A_1477 = tpu.sort %get3A_1457, %add3A_6 masked %masked_sort3A_1474 {descending = true} : (vector<16xf32>, vector<16xi32>, vector<16xi1>) -> (vector<16xi1>, vector<16xf32>, vector<16xi32>)
    %masked_sort3A_1478 = arith.constant dense<true> : vector<16xi1>
    %masked_sort3A_1479, %masked_sort3A_1480, %masked_sort3A_1481 = tpu.sort %get3A_1459, %add3A_9 masked %masked_sort3A_1478 : (vector<16xf32>, vector<16xi32>, vector<16xi1>) -> (vector<16xi1>, vector<16xf32>, vector<16xi32>)
    %masked_sort3A_1482 = arith.constant dense<true> : vector<16xi1>
    %masked_sort3A_1483, %masked_sort3A_1484, %masked_sort3A_1485 = tpu.sort %get3A_1461, %add3A_12 masked %masked_sort3A_1482 {descending = true} : (vector<16xf32>, vector<16xi32>, vector<16xi1>) -> (vector<16xi1>, vector<16xf32>, vector<16xi32>)
    %scan3A_1486 = arith.constant 0 : i32
    %scan3A_1487 = arith.constant 63 : i32
    %scan3A_1488 = arith.addi %scan3A_1486, %scan3A_1487 : i32
    %scan3A_1489 = arith.constant 1 : i32
    %scan3A_1490:8 = scf.for %scan3A_1926 = %scan3A_1486 to %scan3A_1488 step %scan3A_1489 iter_args(%scan3A_1927 = %masked_sort3A_1472, %scan3A_1928 = %masked_sort3A_1473, %scan3A_1929 = %masked_sort3A_1476, %scan3A_1930 = %masked_sort3A_1477, %scan3A_1931 = %masked_sort3A_1480, %scan3A_1932 = %masked_sort3A_1481, %scan3A_1933 = %masked_sort3A_1484, %scan3A_1934 = %masked_sort3A_1485) -> (vector<16xf32>, vector<16xi32>, vector<16xf32>, vector<16xi32>, vector<16xf32>, vector<16xi32>, vector<16xf32>, vector<16xi32>)  : i32 {
      %add3A_1935 = arith.constant 1 : i32
      %add3A_1936 = arith.addi %scan3A_1926, %add3A_1935 : i32
      %mul3A_1937 = arith.constant 64 : i32
      %mul3A_1938 = arith.muli %add3A_1936, %mul3A_1937 : i32
      %add3A_1939 = arith.constant 0 : i32
      %add3A_1940 = arith.addi %mul3A_1938, %add3A_1939 : i32
      %get3A_1941 = arith.index_cast %add3A_1940 : i32 to index
      %get3A_1942 = tpu.vector_load %arg6[%get3A_1941] {strides = array<i32>} : memref<4096xf32, #tpu.memory_space<vmem>>, vector<16xf32>,
      %mul3A_1943 = arith.constant 64 : i32
      %mul3A_1944 = arith.muli %add3A_1936, %mul3A_1943 : i32
      %add3A_1945 = arith.constant 16 : i32
      %add3A_1946 = arith.addi %mul3A_1944, %add3A_1945 : i32
      %get3A_1947 = arith.index_cast %add3A_1946 : i32 to index
      %get3A_1948 = tpu.vector_load %arg6[%get3A_1947] {strides = array<i32>} : memref<4096xf32, #tpu.memory_space<vmem>>, vector<16xf32>,
      %mul3A_1949 = arith.constant 64 : i32
      %mul3A_1950 = arith.muli %add3A_1936, %mul3A_1949 : i32
      %add3A_1951 = arith.constant 32 : i32
      %add3A_1952 = arith.addi %mul3A_1950, %add3A_1951 : i32
      %get3A_1953 = arith.index_cast %add3A_1952 : i32 to index
      %get3A_1954 = tpu.vector_load %arg6[%get3A_1953] {strides = array<i32>} : memref<4096xf32, #tpu.memory_space<vmem>>, vector<16xf32>,
      %mul3A_1955 = arith.constant 64 : i32
      %mul3A_1956 = arith.muli %add3A_1936, %mul3A_1955 : i32
      %add3A_1957 = arith.constant 48 : i32
      %add3A_1958 = arith.addi %mul3A_1956, %add3A_1957 : i32
      %get3A_1959 = arith.index_cast %add3A_1958 : i32 to index
      %get3A_1960 = tpu.vector_load %arg6[%get3A_1959] {strides = array<i32>} : memref<4096xf32, #tpu.memory_space<vmem>>, vector<16xf32>,
      %mul3A_1961 = arith.constant 65 : i32
      %mul3A_1962 = arith.muli %add3A_1936, %mul3A_1961 : i32
      %add3A_1963 = arith.constant 0 : i32
      %add3A_1964 = arith.addi %mul3A_1962, %add3A_1963 : i32
      %swap3A_1965 = arith.index_cast %add3A_1964 : i32 to index
      %swap3A_1966 = tpu.vector_load %arg9[%swap3A_1965] {strides = array<i32>} : memref<4160xf32, #tpu.memory_space<vmem>>, vector<16xf32>,
      tpu.vector_store %arg9[%swap3A_1965], %get3A_1942 {strides = array<i32>} : memref<4160xf32, #tpu.memory_space<vmem>>, vector<16xf32>,
      %mul3A_1967 = arith.constant 65 : i32
      %mul3A_1968 = arith.muli %add3A_1936, %mul3A_1967 : i32
      %add3A_1969 = arith.constant 16 : i32
      %add3A_1970 = arith.addi %mul3A_1968, %add3A_1969 : i32
      %swap3A_1971 = arith.index_cast %add3A_1970 : i32 to index
      %swap3A_1972 = tpu.vector_load %arg9[%swap3A_1971] {strides = array<i32>} : memref<4160xf32, #tpu.memory_space<vmem>>, vector<16xf32>,
      tpu.vector_store %arg9[%swap3A_1971], %get3A_1948 {strides = array<i32>} : memref<4160xf32, #tpu.memory_space<vmem>>, vector<16xf32>,
      %mul3A_1973 = arith.constant 65 : i32
      %mul3A_1974 = arith.muli %add3A_1936, %mul3A_1973 : i32
      %add3A_1975 = arith.constant 32 : i32
      %add3A_1976 = arith.addi %mul3A_1974, %add3A_1975 : i32
      %swap3A_1977 = arith.index_cast %add3A_1976 : i32 to index
      %swap3A_1978 = tpu.vector_load %arg9[%swap3A_1977] {strides = array<i32>} : memref<4160xf32, #tpu.memory_space<vmem>>, vector<16xf32>,
      tpu.vector_store %arg9[%swap3A_1977], %get3A_1954 {strides = array<i32>} : memref<4160xf32, #tpu.memory_space<vmem>>, vector<16xf32>,
      %mul3A_1979 = arith.constant 65 : i32
      %mul3A_1980 = arith.muli %add3A_1936, %mul3A_1979 : i32
      %add3A_1981 = arith.constant 48 : i32
      %add3A_1982 = arith.addi %mul3A_1980, %add3A_1981 : i32
      %swap3A_1983 = arith.index_cast %add3A_1982 : i32 to index
      %swap3A_1984 = tpu.vector_load %arg9[%swap3A_1983] {strides = array<i32>} : memref<4160xf32, #tpu.memory_space<vmem>>, vector<16xf32>,
      tpu.vector_store %arg9[%swap3A_1983], %get3A_1960 {strides = array<i32>} : memref<4160xf32, #tpu.memory_space<vmem>>, vector<16xf32>,
      %masked_sort3A_1985 = arith.constant dense<true> : vector<16xi1>
      %masked_sort3A_1986, %masked_sort3A_1987, %masked_sort3A_1988 = tpu.sort %get3A_1942, %add3A_3 masked %masked_sort3A_1985 : (vector<16xf32>, vector<16xi32>, vector<16xi1>) -> (vector<16xi1>, vector<16xf32>, vector<16xi32>)
      %masked_sort3A_1989 = arith.constant dense<true> : vector<16xi1>
      %masked_sort3A_1990, %masked_sort3A_1991, %masked_sort3A_1992 = tpu.sort %get3A_1948, %add3A_6 masked %masked_sort3A_1989 {descending = true} : (vector<16xf32>, vector<16xi32>, vector<16xi1>) -> (vector<16xi1>, vector<16xf32>, vector<16xi32>)
      %masked_sort3A_1993 = arith.constant dense<true> : vector<16xi1>
      %masked_sort3A_1994, %masked_sort3A_1995, %masked_sort3A_1996 = tpu.sort %get3A_1954, %add3A_9 masked %masked_sort3A_1993 : (vector<16xf32>, vector<16xi32>, vector<16xi1>) -> (vector<16xi1>, vector<16xf32>, vector<16xi32>)
      %masked_sort3A_1997 = arith.constant dense<true> : vector<16xi1>
      %masked_sort3A_1998, %masked_sort3A_1999, %masked_sort3A_2000 = tpu.sort %get3A_1960, %add3A_12 masked %masked_sort3A_1997 {descending = true} : (vector<16xf32>, vector<16xi32>, vector<16xi1>) -> (vector<16xi1>, vector<16xf32>, vector<16xi32>)
      %le3A_2001 = arith.cmpf ole, %scan3A_1927, %scan3A_1929 : vector<16xf32>
      %select_n3A_2002 = arith.select %le3A_2001, %scan3A_1927, %scan3A_1929 : vector<16xi1>, vector<16xf32>
      %select_n3A_2003 = arith.select %le3A_2001, %scan3A_1928, %scan3A_1930 : vector<16xi1>, vector<16xi32>
      %select_n3A_2004 = arith.select %le3A_2001, %scan3A_1929, %scan3A_1927 : vector<16xi1>, vector<16xf32>
      %select_n3A_2005 = arith.select %le3A_2001, %scan3A_1930, %scan3A_1928 : vector<16xi1>, vector<16xi32>
      %masked_sort3A_2006 = arith.constant dense<true> : vector<16xi1>
      %masked_sort3A_2007, %masked_sort3A_2008, %masked_sort3A_2009 = tpu.sort %select_n3A_2002, %select_n3A_2003 masked %masked_sort3A_2006 : (vector<16xf32>, vector<16xi32>, vector<16xi1>) -> (vector<16xi1>, vector<16xf32>, vector<16xi32>)
      %masked_sort3A_2010 = arith.constant dense<true> : vector<16xi1>
      %masked_sort3A_2011, %masked_sort3A_2012, %masked_sort3A_2013 = tpu.sort %select_n3A_2004, %select_n3A_2005 masked %masked_sort3A_2010 : (vector<16xf32>, vector<16xi32>, vector<16xi1>) -> (vector<16xi1>, vector<16xf32>, vector<16xi32>)
      %le3A_2014 = arith.cmpf ole, %scan3A_1931, %scan3A_1933 : vector<16xf32>
      %select_n3A_2015 = arith.select %le3A_2014, %scan3A_1931, %scan3A_1933 : vector<16xi1>, vector<16xf32>
      %select_n3A_2016 = arith.select %le3A_2014, %scan3A_1932, %scan3A_1934 : vector<16xi1>, vector<16xi32>
      %select_n3A_2017 = arith.select %le3A_2014, %scan3A_1933, %scan3A_1931 : vector<16xi1>, vector<16xf32>
      %select_n3A_2018 = arith.select %le3A_2014, %scan3A_1934, %scan3A_1932 : vector<16xi1>, vector<16xi32>
      %masked_sort3A_2019 = arith.constant dense<true> : vector<16xi1>
      %masked_sort3A_2020, %masked_sort3A_2021, %masked_sort3A_2022 = tpu.sort %select_n3A_2017, %select_n3A_2018 masked %masked_sort3A_2019 {descending = true} : (vector<16xf32>, vector<16xi32>, vector<16xi1>) -> (vector<16xi1>, vector<16xf32>, vector<16xi32>)
      %masked_sort3A_2023 = arith.constant dense<true> : vector<16xi1>
      %masked_sort3A_2024, %masked_sort3A_2025, %masked_sort3A_2026 = tpu.sort %select_n3A_2015, %select_n3A_2016 masked %masked_sort3A_2023 {descending = true} : (vector<16xf32>, vector<16xi32>, vector<16xi1>) -> (vector<16xi1>, vector<16xf32>, vector<16xi32>)
      %le3A_2027 = arith.cmpf ole, %masked_sort3A_2008, %masked_sort3A_2021 : vector<16xf32>
      %select_n3A_2028 = arith.select %le3A_2027, %masked_sort3A_2008, %masked_sort3A_2021 : vector<16xi1>, vector<16xf32>
      %select_n3A_2029 = arith.select %le3A_2027, %masked_sort3A_2009, %masked_sort3A_2022 : vector<16xi1>, vector<16xi32>
      %select_n3A_2030 = arith.select %le3A_2027, %masked_sort3A_2021, %masked_sort3A_2008 : vector<16xi1>, vector<16xf32>
      %select_n3A_2031 = arith.select %le3A_2027, %masked_sort3A_2022, %masked_sort3A_2009 : vector<16xi1>, vector<16xi32>
      %le3A_2032 = arith.cmpf ole, %masked_sort3A_2012, %masked_sort3A_2025 : vector<16xf32>
      %select_n3A_2033 = arith.select %le3A_2032, %masked_sort3A_2012, %masked_sort3A_2025 : vector<16xi1>, vector<16xf32>
      %select_n3A_2034 = arith.select %le3A_2032, %masked_sort3A_2013, %masked_sort3A_2026 : vector<16xi1>, vector<16xi32>
      %select_n3A_2035 = arith.select %le3A_2032, %masked_sort3A_2025, %masked_sort3A_2012 : vector<16xi1>, vector<16xf32>
      %select_n3A_2036 = arith.select %le3A_2032, %masked_sort3A_2026, %masked_sort3A_2013 : vector<16xi1>, vector<16xi32>
      %le3A_2037 = arith.cmpf ole, %select_n3A_2028, %select_n3A_2033 : vector<16xf32>
      %select_n3A_2038 = arith.select %le3A_2037, %select_n3A_2028, %select_n3A_2033 : vector<16xi1>, vector<16xf32>
      %select_n3A_2039 = arith.select %le3A_2037, %select_n3A_2029, %select_n3A_2034 : vector<16xi1>, vector<16xi32>
      %select_n3A_2040 = arith.select %le3A_2037, %select_n3A_2033, %select_n3A_2028 : vector<16xi1>, vector<16xf32>
      %select_n3A_2041 = arith.select %le3A_2037, %select_n3A_2034, %select_n3A_2029 : vector<16xi1>, vector<16xi32>
      %le3A_2042 = arith.cmpf ole, %select_n3A_2030, %select_n3A_2035 : vector<16xf32>
      %select_n3A_2043 = arith.select %le3A_2042, %select_n3A_2030, %select_n3A_2035 : vector<16xi1>, vector<16xf32>
      %select_n3A_2044 = arith.select %le3A_2042, %select_n3A_2031, %select_n3A_2036 : vector<16xi1>, vector<16xi32>
      %select_n3A_2045 = arith.select %le3A_2042, %select_n3A_2035, %select_n3A_2030 : vector<16xi1>, vector<16xf32>
      %select_n3A_2046 = arith.select %le3A_2042, %select_n3A_2036, %select_n3A_2031 : vector<16xi1>, vector<16xi32>
      %masked_sort3A_2047 = arith.constant dense<true> : vector<16xi1>
      %masked_sort3A_2048, %masked_sort3A_2049, %masked_sort3A_2050 = tpu.sort %select_n3A_2038, %select_n3A_2039 masked %masked_sort3A_2047 : (vector<16xf32>, vector<16xi32>, vector<16xi1>) -> (vector<16xi1>, vector<16xf32>, vector<16xi32>)
      %masked_sort3A_2051 = arith.constant dense<true> : vector<16xi1>
      %masked_sort3A_2052, %masked_sort3A_2053, %masked_sort3A_2054 = tpu.sort %select_n3A_2040, %select_n3A_2041 masked %masked_sort3A_2051 : (vector<16xf32>, vector<16xi32>, vector<16xi1>) -> (vector<16xi1>, vector<16xf32>, vector<16xi32>)
      %masked_sort3A_2055 = arith.constant dense<true> : vector<16xi1>
      %masked_sort3A_2056, %masked_sort3A_2057, %masked_sort3A_2058 = tpu.sort %select_n3A_2043, %select_n3A_2044 masked %masked_sort3A_2055 : (vector<16xf32>, vector<16xi32>, vector<16xi1>) -> (vector<16xi1>, vector<16xf32>, vector<16xi32>)
      %masked_sort3A_2059 = arith.constant dense<true> : vector<16xi1>
      %masked_sort3A_2060, %masked_sort3A_2061, %masked_sort3A_2062 = tpu.sort %select_n3A_2045, %select_n3A_2046 masked %masked_sort3A_2059 : (vector<16xf32>, vector<16xi32>, vector<16xi1>) -> (vector<16xi1>, vector<16xf32>, vector<16xi32>)
      %mul3A_2063 = arith.constant 65 : i32
      %mul3A_2064 = arith.muli %scan3A_1926, %mul3A_2063 : i32
      %add3A_2065 = arith.constant 0 : i32
      %add3A_2066 = arith.addi %mul3A_2064, %add3A_2065 : i32
      %swap3A_2067 = arith.index_cast %add3A_2066 : i32 to index
      %swap3A_2068 = tpu.vector_load %arg10[%swap3A_2067] {strides = array<i32>} : memref<4160xi32, #tpu.memory_space<vmem>>, vector<16xi32>,
      tpu.vector_store %arg10[%swap3A_2067], %masked_sort3A_2050 {strides = array<i32>} : memref<4160xi32, #tpu.memory_space<vmem>>, vector<16xi32>,
      %mul3A_2069 = arith.constant 65 : i32
      %mul3A_2070 = arith.muli %scan3A_1926, %mul3A_2069 : i32
      %add3A_2071 = arith.constant 16 : i32
      %add3A_2072 = arith.addi %mul3A_2070, %add3A_2071 : i32
      %swap3A_2073 = arith.index_cast %add3A_2072 : i32 to index
      %swap3A_2074 = tpu.vector_load %arg10[%swap3A_2073] {strides = array<i32>} : memref<4160xi32, #tpu.memory_space<vmem>>, vector<16xi32>,
      tpu.vector_store %arg10[%swap3A_2073], %masked_sort3A_2054 {strides = array<i32>} : memref<4160xi32, #tpu.memory_space<vmem>>, vector<16xi32>,
      %mul3A_2075 = arith.constant 65 : i32
      %mul3A_2076 = arith.muli %scan3A_1926, %mul3A_2075 : i32
      %add3A_2077 = arith.constant 32 : i32
      %add3A_2078 = arith.addi %mul3A_2076, %add3A_2077 : i32
      %swap3A_2079 = arith.index_cast %add3A_2078 : i32 to index
      %swap3A_2080 = tpu.vector_load %arg10[%swap3A_2079] {strides = array<i32>} : memref<4160xi32, #tpu.memory_space<vmem>>, vector<16xi32>,
      tpu.vector_store %arg10[%swap3A_2079], %masked_sort3A_2058 {strides = array<i32>} : memref<4160xi32, #tpu.memory_space<vmem>>, vector<16xi32>,
      %mul3A_2081 = arith.constant 65 : i32
      %mul3A_2082 = arith.muli %scan3A_1926, %mul3A_2081 : i32
      %add3A_2083 = arith.constant 48 : i32
      %add3A_2084 = arith.addi %mul3A_2082, %add3A_2083 : i32
      %swap3A_2085 = arith.index_cast %add3A_2084 : i32 to index
      %swap3A_2086 = tpu.vector_load %arg10[%swap3A_2085] {strides = array<i32>} : memref<4160xi32, #tpu.memory_space<vmem>>, vector<16xi32>,
      tpu.vector_store %arg10[%swap3A_2085], %masked_sort3A_2062 {strides = array<i32>} : memref<4160xi32, #tpu.memory_space<vmem>>, vector<16xi32>,
      scf.yield %masked_sort3A_1987, %masked_sort3A_1988, %masked_sort3A_1991, %masked_sort3A_1992, %masked_sort3A_1995, %masked_sort3A_1996, %masked_sort3A_1999, %masked_sort3A_2000 : vector<16xf32>, vector<16xi32>, vector<16xf32>, vector<16xi32>, vector<16xf32>, vector<16xi32>, vector<16xf32>, vector<16xi32>
    }
    %scan3A_1491 = arith.constant 63 : i32
    %le3A_1492 = arith.cmpf ole, %scan3A_1490#0, %scan3A_1490#2 : vector<16xf32>
    %select_n3A_1493 = arith.select %le3A_1492, %scan3A_1490#0, %scan3A_1490#2 : vector<16xi1>, vector<16xf32>
    %select_n3A_1494 = arith.select %le3A_1492, %scan3A_1490#1, %scan3A_1490#3 : vector<16xi1>, vector<16xi32>
    %select_n3A_1495 = arith.select %le3A_1492, %scan3A_1490#2, %scan3A_1490#0 : vector<16xi1>, vector<16xf32>
    %select_n3A_1496 = arith.select %le3A_1492, %scan3A_1490#3, %scan3A_1490#1 : vector<16xi1>, vector<16xi32>
    %masked_sort3A_1497 = arith.constant dense<true> : vector<16xi1>
    %masked_sort3A_1498, %masked_sort3A_1499, %masked_sort3A_1500 = tpu.sort %select_n3A_1493, %select_n3A_1494 masked %masked_sort3A_1497 : (vector<16xf32>, vector<16xi32>, vector<16xi1>) -> (vector<16xi1>, vector<16xf32>, vector<16xi32>)
    %masked_sort3A_1501 = arith.constant dense<true> : vector<16xi1>
    %masked_sort3A_1502, %masked_sort3A_1503, %masked_sort3A_1504 = tpu.sort %select_n3A_1495, %select_n3A_1496 masked %masked_sort3A_1501 : (vector<16xf32>, vector<16xi32>, vector<16xi1>) -> (vector<16xi1>, vector<16xf32>, vector<16xi32>)
    %le3A_1505 = arith.cmpf ole, %scan3A_1490#4, %scan3A_1490#6 : vector<16xf32>
    %select_n3A_1506 = arith.select %le3A_1505, %scan3A_1490#4, %scan3A_1490#6 : vector<16xi1>, vector<16xf32>
    %select_n3A_1507 = arith.select %le3A_1505, %scan3A_1490#5, %scan3A_1490#7 : vector<16xi1>, vector<16xi32>
    %select_n3A_1508 = arith.select %le3A_1505, %scan3A_1490#6, %scan3A_1490#4 : vector<16xi1>, vector<16xf32>
    %select_n3A_1509 = arith.select %le3A_1505, %scan3A_1490#7, %scan3A_1490#5 : vector<16xi1>, vector<16xi32>
    %masked_sort3A_1510 = arith.constant dense<true> : vector<16xi1>
    %masked_sort3A_1511, %masked_sort3A_1512, %masked_sort3A_1513 = tpu.sort %select_n3A_1508, %select_n3A_1509 masked %masked_sort3A_1510 {descending = true} : (vector<16xf32>, vector<16xi32>, vector<16xi1>) -> (vector<16xi1>, vector<16xf32>, vector<16xi32>)
    %masked_sort3A_1514 = arith.constant dense<true> : vector<16xi1>
    %masked_sort3A_1515, %masked_sort3A_1516, %masked_sort3A_1517 = tpu.sort %select_n3A_1506, %select_n3A_1507 masked %masked_sort3A_1514 {descending = true} : (vector<16xf32>, vector<16xi32>, vector<16xi1>) -> (vector<16xi1>, vector<16xf32>, vector<16xi32>)
    %le3A_1518 = arith.cmpf ole, %masked_sort3A_1499, %masked_sort3A_1512 : vector<16xf32>
    %select_n3A_1519 = arith.select %le3A_1518, %masked_sort3A_1499, %masked_sort3A_1512 : vector<16xi1>, vector<16xf32>
    %select_n3A_1520 = arith.select %le3A_1518, %masked_sort3A_1500, %masked_sort3A_1513 : vector<16xi1>, vector<16xi32>
    %select_n3A_1521 = arith.select %le3A_1518, %masked_sort3A_1512, %masked_sort3A_1499 : vector<16xi1>, vector<16xf32>
    %select_n3A_1522 = arith.select %le3A_1518, %masked_sort3A_1513, %masked_sort3A_1500 : vector<16xi1>, vector<16xi32>
    %le3A_1523 = arith.cmpf ole, %masked_sort3A_1503, %masked_sort3A_1516 : vector<16xf32>
    %select_n3A_1524 = arith.select %le3A_1523, %masked_sort3A_1503, %masked_sort3A_1516 : vector<16xi1>, vector<16xf32>
    %select_n3A_1525 = arith.select %le3A_1523, %masked_sort3A_1504, %masked_sort3A_1517 : vector<16xi1>, vector<16xi32>
    %select_n3A_1526 = arith.select %le3A_1523, %masked_sort3A_1516, %masked_sort3A_1503 : vector<16xi1>, vector<16xf32>
    %select_n3A_1527 = arith.select %le3A_1523, %masked_sort3A_1517, %masked_sort3A_1504 : vector<16xi1>, vector<16xi32>
    %le3A_1528 = arith.cmpf ole, %select_n3A_1519, %select_n3A_1524 : vector<16xf32>
    %select_n3A_1529 = arith.select %le3A_1528, %select_n3A_1519, %select_n3A_1524 : vector<16xi1>, vector<16xf32>
    %select_n3A_1530 = arith.select %le3A_1528, %select_n3A_1520, %select_n3A_1525 : vector<16xi1>, vector<16xi32>
    %select_n3A_1531 = arith.select %le3A_1528, %select_n3A_1524, %select_n3A_1519 : vector<16xi1>, vector<16xf32>
    %select_n3A_1532 = arith.select %le3A_1528, %select_n3A_1525, %select_n3A_1520 : vector<16xi1>, vector<16xi32>
    %le3A_1533 = arith.cmpf ole, %select_n3A_1521, %select_n3A_1526 : vector<16xf32>
    %select_n3A_1534 = arith.select %le3A_1533, %select_n3A_1521, %select_n3A_1526 : vector<16xi1>, vector<16xf32>
    %select_n3A_1535 = arith.select %le3A_1533, %select_n3A_1522, %select_n3A_1527 : vector<16xi1>, vector<16xi32>
    %select_n3A_1536 = arith.select %le3A_1533, %select_n3A_1526, %select_n3A_1521 : vector<16xi1>, vector<16xf32>
    %select_n3A_1537 = arith.select %le3A_1533, %select_n3A_1527, %select_n3A_1522 : vector<16xi1>, vector<16xi32>
    %masked_sort3A_1538 = arith.constant dense<true> : vector<16xi1>
    %masked_sort3A_1539, %masked_sort3A_1540, %masked_sort3A_1541 = tpu.sort %select_n3A_1529, %select_n3A_1530 masked %masked_sort3A_1538 : (vector<16xf32>, vector<16xi32>, vector<16xi1>) -> (vector<16xi1>, vector<16xf32>, vector<16xi32>)
    %masked_sort3A_1542 = arith.constant dense<true> : vector<16xi1>
    %masked_sort3A_1543, %masked_sort3A_1544, %masked_sort3A_1545 = tpu.sort %select_n3A_1531, %select_n3A_1532 masked %masked_sort3A_1542 : (vector<16xf32>, vector<16xi32>, vector<16xi1>) -> (vector<16xi1>, vector<16xf32>, vector<16xi32>)
    %masked_sort3A_1546 = arith.constant dense<true> : vector<16xi1>
    %masked_sort3A_1547, %masked_sort3A_1548, %masked_sort3A_1549 = tpu.sort %select_n3A_1534, %select_n3A_1535 masked %masked_sort3A_1546 : (vector<16xf32>, vector<16xi32>, vector<16xi1>) -> (vector<16xi1>, vector<16xf32>, vector<16xi32>)
    %masked_sort3A_1550 = arith.constant dense<true> : vector<16xi1>
    %masked_sort3A_1551, %masked_sort3A_1552, %masked_sort3A_1553 = tpu.sort %select_n3A_1536, %select_n3A_1537 masked %masked_sort3A_1550 : (vector<16xf32>, vector<16xi32>, vector<16xi1>) -> (vector<16xi1>, vector<16xf32>, vector<16xi32>)
    %swap3A_1554 = arith.constant 4095 : index
    %swap3A_1555 = tpu.vector_load %arg10[%swap3A_1554] {strides = array<i32>} : memref<4160xi32, #tpu.memory_space<vmem>>, vector<16xi32>,
    tpu.vector_store %arg10[%swap3A_1554], %masked_sort3A_1541 {strides = array<i32>} : memref<4160xi32, #tpu.memory_space<vmem>>, vector<16xi32>,
    %swap3A_1556 = arith.constant 4111 : index
    %swap3A_1557 = tpu.vector_load %arg10[%swap3A_1556] {strides = array<i32>} : memref<4160xi32, #tpu.memory_space<vmem>>, vector<16xi32>,
    tpu.vector_store %arg10[%swap3A_1556], %masked_sort3A_1545 {strides = array<i32>} : memref<4160xi32, #tpu.memory_space<vmem>>, vector<16xi32>,
    %swap3A_1558 = arith.constant 4127 : index
    %swap3A_1559 = tpu.vector_load %arg10[%swap3A_1558] {strides = array<i32>} : memref<4160xi32, #tpu.memory_space<vmem>>, vector<16xi32>,
    tpu.vector_store %arg10[%swap3A_1558], %masked_sort3A_1549 {strides = array<i32>} : memref<4160xi32, #tpu.memory_space<vmem>>, vector<16xi32>,
    %swap3A_1560 = arith.constant 4143 : index
    %swap3A_1561 = tpu.vector_load %arg10[%swap3A_1560] {strides = array<i32>} : memref<4160xi32, #tpu.memory_space<vmem>>, vector<16xi32>,
    tpu.vector_store %arg10[%swap3A_1560], %masked_sort3A_1553 {strides = array<i32>} : memref<4160xi32, #tpu.memory_space<vmem>>, vector<16xi32>,
    %add3A_1562 = arith.constant 0 : i32
    %add3A_1563 = vector.broadcast %add3A_1562 : i32 to vector<16xi32>
    %add3A_1564 = arith.addi %iota3A, %add3A_1563 : vector<16xi32>
    %mul3A_1565 = arith.constant 65 : i32
    %mul3A_1566 = vector.broadcast %mul3A_1565 : i32 to vector<16xi32>
    %mul3A_1567 = arith.muli %add3A_1564, %mul3A_1566 : vector<16xi32>
    %add3A_1568 = arith.constant 16 : i32
    %add3A_1569 = vector.broadcast %add3A_1568 : i32 to vector<16xi32>
    %add3A_1570 = arith.addi %iota3A, %add3A_1569 : vector<16xi32>
    %mul3A_1571 = arith.constant 65 : i32
    %mul3A_1572 = vector.broadcast %mul3A_1571 : i32 to vector<16xi32>
    %mul3A_1573 = arith.muli %add3A_1570, %mul3A_1572 : vector<16xi32>
    %add3A_1574 = arith.constant 32 : i32
    %add3A_1575 = vector.broadcast %add3A_1574 : i32 to vector<16xi32>
    %add3A_1576 = arith.addi %iota3A, %add3A_1575 : vector<16xi32>
    %mul3A_1577 = arith.constant 65 : i32
    %mul3A_1578 = vector.broadcast %mul3A_1577 : i32 to vector<16xi32>
    %mul3A_1579 = arith.muli %add3A_1576, %mul3A_1578 : vector<16xi32>
    %add3A_1580 = arith.constant 48 : i32
    %add3A_1581 = vector.broadcast %add3A_1580 : i32 to vector<16xi32>
    %add3A_1582 = arith.addi %iota3A, %add3A_1581 : vector<16xi32>
    %mul3A_1583 = arith.constant 65 : i32
    %mul3A_1584 = vector.broadcast %mul3A_1583 : i32 to vector<16xi32>
    %mul3A_1585 = arith.muli %add3A_1582, %mul3A_1584 : vector<16xi32>
    %add3A_1586 = arith.constant 1 : i32
    %add3A_1587 = vector.broadcast %add3A_1586 : i32 to vector<16xi32>
    %add3A_1588 = arith.addi %mul3A_1567, %add3A_1587 : vector<16xi32>
    %gather3A_1589 = tpu.vector_load_idx %arg9[%add3A_1588] : memref<4160xf32, #tpu.memory_space<vmem>>[vector<16xi32>], vector<16xf32>,
    %add3A_1590 = arith.constant 1 : i32
    %add3A_1591 = vector.broadcast %add3A_1590 : i32 to vector<16xi32>
    %add3A_1592 = arith.addi %mul3A_1573, %add3A_1591 : vector<16xi32>
    %gather3A_1593 = tpu.vector_load_idx %arg9[%add3A_1592] : memref<4160xf32, #tpu.memory_space<vmem>>[vector<16xi32>], vector<16xf32>,
    %add3A_1594 = arith.constant 1 : i32
    %add3A_1595 = vector.broadcast %add3A_1594 : i32 to vector<16xi32>
    %add3A_1596 = arith.addi %mul3A_1579, %add3A_1595 : vector<16xi32>
    %gather3A_1597 = tpu.vector_load_idx %arg9[%add3A_1596] : memref<4160xf32, #tpu.memory_space<vmem>>[vector<16xi32>], vector<16xf32>,
    %add3A_1598 = arith.constant 1 : i32
    %add3A_1599 = vector.broadcast %add3A_1598 : i32 to vector<16xi32>
    %add3A_1600 = arith.addi %mul3A_1585, %add3A_1599 : vector<16xi32>
    %gather3A_1601 = tpu.vector_load_idx %arg9[%add3A_1600] : memref<4160xf32, #tpu.memory_space<vmem>>[vector<16xi32>], vector<16xf32>,
    %masked_sort3A_1602 = arith.constant dense<true> : vector<16xi1>
    %masked_sort3A_1603, %masked_sort3A_1604, %masked_sort3A_1605 = tpu.sort %gather3A_1589, %add3A_3 masked %masked_sort3A_1602 : (vector<16xf32>, vector<16xi32>, vector<16xi1>) -> (vector<16xi1>, vector<16xf32>, vector<16xi32>)
    %masked_sort3A_1606 = arith.constant dense<true> : vector<16xi1>
    %masked_sort3A_1607, %masked_sort3A_1608, %masked_sort3A_1609 = tpu.sort %gather3A_1593, %add3A_6 masked %masked_sort3A_1606 {descending = true} : (vector<16xf32>, vector<16xi32>, vector<16xi1>) -> (vector<16xi1>, vector<16xf32>, vector<16xi32>)
    %masked_sort3A_1610 = arith.constant dense<true> : vector<16xi1>
    %masked_sort3A_1611, %masked_sort3A_1612, %masked_sort3A_1613 = tpu.sort %gather3A_1597, %add3A_9 masked %masked_sort3A_1610 : (vector<16xf32>, vector<16xi32>, vector<16xi1>) -> (vector<16xi1>, vector<16xf32>, vector<16xi32>)
    %masked_sort3A_1614 = arith.constant dense<true> : vector<16xi1>
    %masked_sort3A_1615, %masked_sort3A_1616, %masked_sort3A_1617 = tpu.sort %gather3A_1601, %add3A_12 masked %masked_sort3A_1614 {descending = true} : (vector<16xf32>, vector<16xi32>, vector<16xi1>) -> (vector<16xi1>, vector<16xf32>, vector<16xi32>)
    %add3A_1618 = arith.constant 0 : i32
    %add3A_1619 = vector.broadcast %add3A_1618 : i32 to vector<16xi32>
    %add3A_1620 = arith.addi %mul3A_1567, %add3A_1619 : vector<16xi32>
    %gather3A_1621 = tpu.vector_load_idx %arg9[%add3A_1620] : memref<4160xf32, #tpu.memory_space<vmem>>[vector<16xi32>], vector<16xf32>,
    %add3A_1622 = arith.constant 0 : i32
    %add3A_1623 = vector.broadcast %add3A_1622 : i32 to vector<16xi32>
    %add3A_1624 = arith.addi %mul3A_1573, %add3A_1623 : vector<16xi32>
    %gather3A_1625 = tpu.vector_load_idx %arg9[%add3A_1624] : memref<4160xf32, #tpu.memory_space<vmem>>[vector<16xi32>], vector<16xf32>,
    %add3A_1626 = arith.constant 0 : i32
    %add3A_1627 = vector.broadcast %add3A_1626 : i32 to vector<16xi32>
    %add3A_1628 = arith.addi %mul3A_1579, %add3A_1627 : vector<16xi32>
    %gather3A_1629 = tpu.vector_load_idx %arg9[%add3A_1628] : memref<4160xf32, #tpu.memory_space<vmem>>[vector<16xi32>], vector<16xf32>,
    %add3A_1630 = arith.constant 0 : i32
    %add3A_1631 = vector.broadcast %add3A_1630 : i32 to vector<16xi32>
    %add3A_1632 = arith.addi %mul3A_1585, %add3A_1631 : vector<16xi32>
    %gather3A_1633 = tpu.vector_load_idx %arg9[%add3A_1632] : memref<4160xf32, #tpu.memory_space<vmem>>[vector<16xi32>], vector<16xf32>,
    %masked_sort3A_1634 = arith.constant dense<true> : vector<16xi1>
    %masked_sort3A_1635, %masked_sort3A_1636, %masked_sort3A_1637 = tpu.sort %gather3A_1621, %add3A_3 masked %masked_sort3A_1634 : (vector<16xf32>, vector<16xi32>, vector<16xi1>) -> (vector<16xi1>, vector<16xf32>, vector<16xi32>)
    %masked_sort3A_1638 = arith.constant dense<true> : vector<16xi1>
    %masked_sort3A_1639, %masked_sort3A_1640, %masked_sort3A_1641 = tpu.sort %gather3A_1625, %add3A_6 masked %masked_sort3A_1638 {descending = true} : (vector<16xf32>, vector<16xi32>, vector<16xi1>) -> (vector<16xi1>, vector<16xf32>, vector<16xi32>)
    %masked_sort3A_1642 = arith.constant dense<true> : vector<16xi1>
    %masked_sort3A_1643, %masked_sort3A_1644, %masked_sort3A_1645 = tpu.sort %gather3A_1629, %add3A_9 masked %masked_sort3A_1642 : (vector<16xf32>, vector<16xi32>, vector<16xi1>) -> (vector<16xi1>, vector<16xf32>, vector<16xi32>)
    %masked_sort3A_1646 = arith.constant dense<true> : vector<16xi1>
    %masked_sort3A_1647, %masked_sort3A_1648, %masked_sort3A_1649 = tpu.sort %gather3A_1633, %add3A_12 masked %masked_sort3A_1646 {descending = true} : (vector<16xf32>, vector<16xi32>, vector<16xi1>) -> (vector<16xi1>, vector<16xf32>, vector<16xi32>)
    %le3A_1650 = arith.cmpf ole, %masked_sort3A_1636, %masked_sort3A_1640 : vector<16xf32>
    %select_n3A_1651 = arith.select %le3A_1650, %masked_sort3A_1636, %masked_sort3A_1640 : vector<16xi1>, vector<16xf32>
    %select_n3A_1652 = arith.select %le3A_1650, %masked_sort3A_1637, %masked_sort3A_1641 : vector<16xi1>, vector<16xi32>
    %select_n3A_1653 = arith.select %le3A_1650, %masked_sort3A_1640, %masked_sort3A_1636 : vector<16xi1>, vector<16xf32>
    %select_n3A_1654 = arith.select %le3A_1650, %masked_sort3A_1641, %masked_sort3A_1637 : vector<16xi1>, vector<16xi32>
    %masked_sort3A_1655 = arith.constant dense<true> : vector<16xi1>
    %masked_sort3A_1656, %masked_sort3A_1657, %masked_sort3A_1658 = tpu.sort %select_n3A_1651, %select_n3A_1652 masked %masked_sort3A_1655 : (vector<16xf32>, vector<16xi32>, vector<16xi1>) -> (vector<16xi1>, vector<16xf32>, vector<16xi32>)
    %masked_sort3A_1659 = arith.constant dense<true> : vector<16xi1>
    %masked_sort3A_1660, %masked_sort3A_1661, %masked_sort3A_1662 = tpu.sort %select_n3A_1653, %select_n3A_1654 masked %masked_sort3A_1659 : (vector<16xf32>, vector<16xi32>, vector<16xi1>) -> (vector<16xi1>, vector<16xf32>, vector<16xi32>)
    %le3A_1663 = arith.cmpf ole, %masked_sort3A_1644, %masked_sort3A_1648 : vector<16xf32>
    %select_n3A_1664 = arith.select %le3A_1663, %masked_sort3A_1644, %masked_sort3A_1648 : vector<16xi1>, vector<16xf32>
    %select_n3A_1665 = arith.select %le3A_1663, %masked_sort3A_1645, %masked_sort3A_1649 : vector<16xi1>, vector<16xi32>
    %select_n3A_1666 = arith.select %le3A_1663, %masked_sort3A_1648, %masked_sort3A_1644 : vector<16xi1>, vector<16xf32>
    %select_n3A_1667 = arith.select %le3A_1663, %masked_sort3A_1649, %masked_sort3A_1645 : vector<16xi1>, vector<16xi32>
    %masked_sort3A_1668 = arith.constant dense<true> : vector<16xi1>
    %masked_sort3A_1669, %masked_sort3A_1670, %masked_sort3A_1671 = tpu.sort %select_n3A_1666, %select_n3A_1667 masked %masked_sort3A_1668 {descending = true} : (vector<16xf32>, vector<16xi32>, vector<16xi1>) -> (vector<16xi1>, vector<16xf32>, vector<16xi32>)
    %masked_sort3A_1672 = arith.constant dense<true> : vector<16xi1>
    %masked_sort3A_1673, %masked_sort3A_1674, %masked_sort3A_1675 = tpu.sort %select_n3A_1664, %select_n3A_1665 masked %masked_sort3A_1672 {descending = true} : (vector<16xf32>, vector<16xi32>, vector<16xi1>) -> (vector<16xi1>, vector<16xf32>, vector<16xi32>)
    %scan3A_1676 = arith.constant 0 : i32
    %scan3A_1677 = arith.constant 62 : i32
    %scan3A_1678 = arith.addi %scan3A_1676, %scan3A_1677 : i32
    %scan3A_1679 = arith.constant 1 : i32
    %scan3A_1680:16 = scf.for %scan3A_1926 = %scan3A_1676 to %scan3A_1678 step %scan3A_1679 iter_args(%scan3A_1927 = %masked_sort3A_1604, %scan3A_1928 = %masked_sort3A_1605, %scan3A_1929 = %masked_sort3A_1608, %scan3A_1930 = %masked_sort3A_1609, %scan3A_1931 = %masked_sort3A_1612, %scan3A_1932 = %masked_sort3A_1613, %scan3A_1933 = %masked_sort3A_1616, %scan3A_1934 = %masked_sort3A_1617, %scan3A_1935 = %masked_sort3A_1657, %scan3A_1936 = %masked_sort3A_1658, %scan3A_1937 = %masked_sort3A_1661, %scan3A_1938 = %masked_sort3A_1662, %scan3A_1939 = %masked_sort3A_1670, %scan3A_1940 = %masked_sort3A_1671, %scan3A_1941 = %masked_sort3A_1674, %scan3A_1942 = %masked_sort3A_1675) -> (vector<16xf32>, vector<16xi32>, vector<16xf32>, vector<16xi32>, vector<16xf32>, vector<16xi32>, vector<16xf32>, vector<16xi32>, vector<16xf32>, vector<16xi32>, vector<16xf32>, vector<16xi32>, vector<16xf32>, vector<16xi32>, vector<16xf32>, vector<16xi32>)  : i32 {
      %add3A_1943 = arith.constant 2 : i32
      %add3A_1944 = arith.addi %scan3A_1926, %add3A_1943 : i32
      %add3A_1945 = vector.broadcast %add3A_1944 : i32 to vector<16xi32>
      %add3A_1946 = arith.addi %mul3A_1567, %add3A_1945 : vector<16xi32>
      %gather3A_1947 = tpu.vector_load_idx %arg9[%add3A_1946] : memref<4160xf32, #tpu.memory_space<vmem>>[vector<16xi32>], vector<16xf32>,
      %add3A_1948 = vector.broadcast %add3A_1944 : i32 to vector<16xi32>
      %add3A_1949 = arith.addi %mul3A_1573, %add3A_1948 : vector<16xi32>
      %gather3A_1950 = tpu.vector_load_idx %arg9[%add3A_1949] : memref<4160xf32, #tpu.memory_space<vmem>>[vector<16xi32>], vector<16xf32>,
      %add3A_1951 = vector.broadcast %add3A_1944 : i32 to vector<16xi32>
      %add3A_1952 = arith.addi %mul3A_1579, %add3A_1951 : vector<16xi32>
      %gather3A_1953 = tpu.vector_load_idx %arg9[%add3A_1952] : memref<4160xf32, #tpu.memory_space<vmem>>[vector<16xi32>], vector<16xf32>,
      %add3A_1954 = vector.broadcast %add3A_1944 : i32 to vector<16xi32>
      %add3A_1955 = arith.addi %mul3A_1585, %add3A_1954 : vector<16xi32>
      %gather3A_1956 = tpu.vector_load_idx %arg9[%add3A_1955] : memref<4160xf32, #tpu.memory_space<vmem>>[vector<16xi32>], vector<16xf32>,
      %masked_sort3A_1957 = arith.constant dense<true> : vector<16xi1>
      %masked_sort3A_1958, %masked_sort3A_1959, %masked_sort3A_1960 = tpu.sort %gather3A_1947, %add3A_3 masked %masked_sort3A_1957 : (vector<16xf32>, vector<16xi32>, vector<16xi1>) -> (vector<16xi1>, vector<16xf32>, vector<16xi32>)
      %masked_sort3A_1961 = arith.constant dense<true> : vector<16xi1>
      %masked_sort3A_1962, %masked_sort3A_1963, %masked_sort3A_1964 = tpu.sort %gather3A_1950, %add3A_6 masked %masked_sort3A_1961 {descending = true} : (vector<16xf32>, vector<16xi32>, vector<16xi1>) -> (vector<16xi1>, vector<16xf32>, vector<16xi32>)
      %masked_sort3A_1965 = arith.constant dense<true> : vector<16xi1>
      %masked_sort3A_1966, %masked_sort3A_1967, %masked_sort3A_1968 = tpu.sort %gather3A_1953, %add3A_9 masked %masked_sort3A_1965 : (vector<16xf32>, vector<16xi32>, vector<16xi1>) -> (vector<16xi1>, vector<16xf32>, vector<16xi32>)
      %masked_sort3A_1969 = arith.constant dense<true> : vector<16xi1>
      %masked_sort3A_1970, %masked_sort3A_1971, %masked_sort3A_1972 = tpu.sort %gather3A_1956, %add3A_12 masked %masked_sort3A_1969 {descending = true} : (vector<16xf32>, vector<16xi32>, vector<16xi1>) -> (vector<16xi1>, vector<16xf32>, vector<16xi32>)
      %le3A_1973 = arith.cmpf ole, %scan3A_1927, %scan3A_1929 : vector<16xf32>
      %select_n3A_1974 = arith.select %le3A_1973, %scan3A_1927, %scan3A_1929 : vector<16xi1>, vector<16xf32>
      %select_n3A_1975 = arith.select %le3A_1973, %scan3A_1928, %scan3A_1930 : vector<16xi1>, vector<16xi32>
      %select_n3A_1976 = arith.select %le3A_1973, %scan3A_1929, %scan3A_1927 : vector<16xi1>, vector<16xf32>
      %select_n3A_1977 = arith.select %le3A_1973, %scan3A_1930, %scan3A_1928 : vector<16xi1>, vector<16xi32>
      %masked_sort3A_1978 = arith.constant dense<true> : vector<16xi1>
      %masked_sort3A_1979, %masked_sort3A_1980, %masked_sort3A_1981 = tpu.sort %select_n3A_1974, %select_n3A_1975 masked %masked_sort3A_1978 : (vector<16xf32>, vector<16xi32>, vector<16xi1>) -> (vector<16xi1>, vector<16xf32>, vector<16xi32>)
      %masked_sort3A_1982 = arith.constant dense<true> : vector<16xi1>
      %masked_sort3A_1983, %masked_sort3A_1984, %masked_sort3A_1985 = tpu.sort %select_n3A_1976, %select_n3A_1977 masked %masked_sort3A_1982 : (vector<16xf32>, vector<16xi32>, vector<16xi1>) -> (vector<16xi1>, vector<16xf32>, vector<16xi32>)
      %le3A_1986 = arith.cmpf ole, %scan3A_1931, %scan3A_1933 : vector<16xf32>
      %select_n3A_1987 = arith.select %le3A_1986, %scan3A_1931, %scan3A_1933 : vector<16xi1>, vector<16xf32>
      %select_n3A_1988 = arith.select %le3A_1986, %scan3A_1932, %scan3A_1934 : vector<16xi1>, vector<16xi32>
      %select_n3A_1989 = arith.select %le3A_1986, %scan3A_1933, %scan3A_1931 : vector<16xi1>, vector<16xf32>
      %select_n3A_1990 = arith.select %le3A_1986, %scan3A_1934, %scan3A_1932 : vector<16xi1>, vector<16xi32>
      %masked_sort3A_1991 = arith.constant dense<true> : vector<16xi1>
      %masked_sort3A_1992, %masked_sort3A_1993, %masked_sort3A_1994 = tpu.sort %select_n3A_1989, %select_n3A_1990 masked %masked_sort3A_1991 {descending = true} : (vector<16xf32>, vector<16xi32>, vector<16xi1>) -> (vector<16xi1>, vector<16xf32>, vector<16xi32>)
      %masked_sort3A_1995 = arith.constant dense<true> : vector<16xi1>
      %masked_sort3A_1996, %masked_sort3A_1997, %masked_sort3A_1998 = tpu.sort %select_n3A_1987, %select_n3A_1988 masked %masked_sort3A_1995 {descending = true} : (vector<16xf32>, vector<16xi32>, vector<16xi1>) -> (vector<16xi1>, vector<16xf32>, vector<16xi32>)
      %le3A_1999 = arith.cmpf ole, %scan3A_1935, %scan3A_1939 : vector<16xf32>
      %select_n3A_2000 = arith.select %le3A_1999, %scan3A_1935, %scan3A_1939 : vector<16xi1>, vector<16xf32>
      %select_n3A_2001 = arith.select %le3A_1999, %scan3A_1936, %scan3A_1940 : vector<16xi1>, vector<16xi32>
      %select_n3A_2002 = arith.select %le3A_1999, %scan3A_1939, %scan3A_1935 : vector<16xi1>, vector<16xf32>
      %select_n3A_2003 = arith.select %le3A_1999, %scan3A_1940, %scan3A_1936 : vector<16xi1>, vector<16xi32>
      %le3A_2004 = arith.cmpf ole, %scan3A_1937, %scan3A_1941 : vector<16xf32>
      %select_n3A_2005 = arith.select %le3A_2004, %scan3A_1937, %scan3A_1941 : vector<16xi1>, vector<16xf32>
      %select_n3A_2006 = arith.select %le3A_2004, %scan3A_1938, %scan3A_1942 : vector<16xi1>, vector<16xi32>
      %select_n3A_2007 = arith.select %le3A_2004, %scan3A_1941, %scan3A_1937 : vector<16xi1>, vector<16xf32>
      %select_n3A_2008 = arith.select %le3A_2004, %scan3A_1942, %scan3A_1938 : vector<16xi1>, vector<16xi32>
      %le3A_2009 = arith.cmpf ole, %select_n3A_2000, %select_n3A_2005 : vector<16xf32>
      %select_n3A_2010 = arith.select %le3A_2009, %select_n3A_2000, %select_n3A_2005 : vector<16xi1>, vector<16xf32>
      %select_n3A_2011 = arith.select %le3A_2009, %select_n3A_2001, %select_n3A_2006 : vector<16xi1>, vector<16xi32>
      %select_n3A_2012 = arith.select %le3A_2009, %select_n3A_2005, %select_n3A_2000 : vector<16xi1>, vector<16xf32>
      %select_n3A_2013 = arith.select %le3A_2009, %select_n3A_2006, %select_n3A_2001 : vector<16xi1>, vector<16xi32>
      %le3A_2014 = arith.cmpf ole, %select_n3A_2002, %select_n3A_2007 : vector<16xf32>
      %select_n3A_2015 = arith.select %le3A_2014, %select_n3A_2002, %select_n3A_2007 : vector<16xi1>, vector<16xf32>
      %select_n3A_2016 = arith.select %le3A_2014, %select_n3A_2003, %select_n3A_2008 : vector<16xi1>, vector<16xi32>
      %select_n3A_2017 = arith.select %le3A_2014, %select_n3A_2007, %select_n3A_2002 : vector<16xi1>, vector<16xf32>
      %select_n3A_2018 = arith.select %le3A_2014, %select_n3A_2008, %select_n3A_2003 : vector<16xi1>, vector<16xi32>
      %masked_sort3A_2019 = arith.constant dense<true> : vector<16xi1>
      %masked_sort3A_2020, %masked_sort3A_2021, %masked_sort3A_2022 = tpu.sort %select_n3A_2010, %select_n3A_2011 masked %masked_sort3A_2019 : (vector<16xf32>, vector<16xi32>, vector<16xi1>) -> (vector<16xi1>, vector<16xf32>, vector<16xi32>)
      %masked_sort3A_2023 = arith.constant dense<true> : vector<16xi1>
      %masked_sort3A_2024, %masked_sort3A_2025, %masked_sort3A_2026 = tpu.sort %select_n3A_2012, %select_n3A_2013 masked %masked_sort3A_2023 : (vector<16xf32>, vector<16xi32>, vector<16xi1>) -> (vector<16xi1>, vector<16xf32>, vector<16xi32>)
      %masked_sort3A_2027 = arith.constant dense<true> : vector<16xi1>
      %masked_sort3A_2028, %masked_sort3A_2029, %masked_sort3A_2030 = tpu.sort %select_n3A_2015, %select_n3A_2016 masked %masked_sort3A_2027 : (vector<16xf32>, vector<16xi32>, vector<16xi1>) -> (vector<16xi1>, vector<16xf32>, vector<16xi32>)
      %masked_sort3A_2031 = arith.constant dense<true> : vector<16xi1>
      %masked_sort3A_2032, %masked_sort3A_2033, %masked_sort3A_2034 = tpu.sort %select_n3A_2017, %select_n3A_2018 masked %masked_sort3A_2031 : (vector<16xf32>, vector<16xi32>, vector<16xi1>) -> (vector<16xi1>, vector<16xf32>, vector<16xi32>)
      %mul3A_2035 = arith.constant 0 : i32
      %mul3A_2036 = vector.broadcast %mul3A_2035 : i32 to vector<16xi32>
      %mul3A_2037 = arith.muli %iota3A, %mul3A_2036 : vector<16xi32>
      %add3A_2038 = vector.broadcast %scan3A_1926 : i32 to vector<16xi32>
      %add3A_2039 = arith.addi %mul3A_2037, %add3A_2038 : vector<16xi32>
      %mul3A_2040 = arith.constant 65 : i32
      %mul3A_2041 = vector.broadcast %mul3A_2040 : i32 to vector<16xi32>
      %mul3A_2042 = arith.muli %masked_sort3A_2022, %mul3A_2041 : vector<16xi32>
      %add3A_2043 = vector.broadcast %scan3A_1926 : i32 to vector<16xi32>
      %add3A_2044 = arith.addi %mul3A_2042, %add3A_2043 : vector<16xi32>
      %gather3A_2045 = tpu.vector_load_idx %arg10[%add3A_2044] : memref<4160xi32, #tpu.memory_space<vmem>>[vector<16xi32>], vector<16xi32>,
      %mul3A_2046 = arith.constant 64 : i32
      %mul3A_2047 = vector.broadcast %mul3A_2046 : i32 to vector<16xi32>
      %mul3A_2048 = arith.muli %masked_sort3A_2022, %mul3A_2047 : vector<16xi32>
      %add3A_2049 = arith.addi %mul3A_2048, %gather3A_2045 : vector<16xi32>
      %gather3A_2050 = tpu.vector_load_idx %arg8[%add3A_2049] : memref<4096xf32, #tpu.memory_space<vmem>>[vector<16xi32>], vector<16xf32>,
      tpu.vector_store_idx %arg12[%add3A_3, %add3A_2039], %gather3A_2050 : memref<64x65xf32, #tpu.memory_space<vmem>>[vector<16xi32>, vector<16xi32>], vector<16xf32>,
      %mul3A_2051 = arith.constant 65 : i32
      %mul3A_2052 = vector.broadcast %mul3A_2051 : i32 to vector<16xi32>
      %mul3A_2053 = arith.muli %masked_sort3A_2026, %mul3A_2052 : vector<16xi32>
      %add3A_2054 = vector.broadcast %scan3A_1926 : i32 to vector<16xi32>
      %add3A_2055 = arith.addi %mul3A_2053, %add3A_2054 : vector<16xi32>
      %gather3A_2056 = tpu.vector_load_idx %arg10[%add3A_2055] : memref<4160xi32, #tpu.memory_space<vmem>>[vector<16xi32>], vector<16xi32>,
      %mul3A_2057 = arith.constant 64 : i32
      %mul3A_2058 = vector.broadcast %mul3A_2057 : i32 to vector<16xi32>
      %mul3A_2059 = arith.muli %masked_sort3A_2026, %mul3A_2058 : vector<16xi32>
      %add3A_2060 = arith.addi %mul3A_2059, %gather3A_2056 : vector<16xi32>
      %gather3A_2061 = tpu.vector_load_idx %arg8[%add3A_2060] : memref<4096xf32, #tpu.memory_space<vmem>>[vector<16xi32>], vector<16xf32>,
      tpu.vector_store_idx %arg12[%add3A_6, %add3A_2039], %gather3A_2061 : memref<64x65xf32, #tpu.memory_space<vmem>>[vector<16xi32>, vector<16xi32>], vector<16xf32>,
      %mul3A_2062 = arith.constant 65 : i32
      %mul3A_2063 = vector.broadcast %mul3A_2062 : i32 to vector<16xi32>
      %mul3A_2064 = arith.muli %masked_sort3A_2030, %mul3A_2063 : vector<16xi32>
      %add3A_2065 = vector.broadcast %scan3A_1926 : i32 to vector<16xi32>
      %add3A_2066 = arith.addi %mul3A_2064, %add3A_2065 : vector<16xi32>
      %gather3A_2067 = tpu.vector_load_idx %arg10[%add3A_2066] : memref<4160xi32, #tpu.memory_space<vmem>>[vector<16xi32>], vector<16xi32>,
      %mul3A_2068 = arith.constant 64 : i32
      %mul3A_2069 = vector.broadcast %mul3A_2068 : i32 to vector<16xi32>
      %mul3A_2070 = arith.muli %masked_sort3A_2030, %mul3A_2069 : vector<16xi32>
      %add3A_2071 = arith.addi %mul3A_2070, %gather3A_2067 : vector<16xi32>
      %gather3A_2072 = tpu.vector_load_idx %arg8[%add3A_2071] : memref<4096xf32, #tpu.memory_space<vmem>>[vector<16xi32>], vector<16xf32>,
      tpu.vector_store_idx %arg12[%add3A_9, %add3A_2039], %gather3A_2072 : memref<64x65xf32, #tpu.memory_space<vmem>>[vector<16xi32>, vector<16xi32>], vector<16xf32>,
      %mul3A_2073 = arith.constant 65 : i32
      %mul3A_2074 = vector.broadcast %mul3A_2073 : i32 to vector<16xi32>
      %mul3A_2075 = arith.muli %masked_sort3A_2034, %mul3A_2074 : vector<16xi32>
      %add3A_2076 = vector.broadcast %scan3A_1926 : i32 to vector<16xi32>
      %add3A_2077 = arith.addi %mul3A_2075, %add3A_2076 : vector<16xi32>
      %gather3A_2078 = tpu.vector_load_idx %arg10[%add3A_2077] : memref<4160xi32, #tpu.memory_space<vmem>>[vector<16xi32>], vector<16xi32>,
      %mul3A_2079 = arith.constant 64 : i32
      %mul3A_2080 = vector.broadcast %mul3A_2079 : i32 to vector<16xi32>
      %mul3A_2081 = arith.muli %masked_sort3A_2034, %mul3A_2080 : vector<16xi32>
      %add3A_2082 = arith.addi %mul3A_2081, %gather3A_2078 : vector<16xi32>
      %gather3A_2083 = tpu.vector_load_idx %arg8[%add3A_2082] : memref<4096xf32, #tpu.memory_space<vmem>>[vector<16xi32>], vector<16xf32>,
      tpu.vector_store_idx %arg12[%add3A_12, %add3A_2039], %gather3A_2083 : memref<64x65xf32, #tpu.memory_space<vmem>>[vector<16xi32>, vector<16xi32>], vector<16xf32>,
      scf.yield %masked_sort3A_1959, %masked_sort3A_1960, %masked_sort3A_1963, %masked_sort3A_1964, %masked_sort3A_1967, %masked_sort3A_1968, %masked_sort3A_1971, %masked_sort3A_1972, %masked_sort3A_1980, %masked_sort3A_1981, %masked_sort3A_1984, %masked_sort3A_1985, %masked_sort3A_1993, %masked_sort3A_1994, %masked_sort3A_1997, %masked_sort3A_1998 : vector<16xf32>, vector<16xi32>, vector<16xf32>, vector<16xi32>, vector<16xf32>, vector<16xi32>, vector<16xf32>, vector<16xi32>, vector<16xf32>, vector<16xi32>, vector<16xf32>, vector<16xi32>, vector<16xf32>, vector<16xi32>, vector<16xf32>, vector<16xi32>
    }
    %scan3A_1681 = arith.constant 62 : i32
    %le3A_1682 = arith.cmpf ole, %scan3A_1680#8, %scan3A_1680#12 : vector<16xf32>
    %select_n3A_1683 = arith.select %le3A_1682, %scan3A_1680#8, %scan3A_1680#12 : vector<16xi1>, vector<16xf32>
    %select_n3A_1684 = arith.select %le3A_1682, %scan3A_1680#9, %scan3A_1680#13 : vector<16xi1>, vector<16xi32>
    %select_n3A_1685 = arith.select %le3A_1682, %scan3A_1680#12, %scan3A_1680#8 : vector<16xi1>, vector<16xf32>
    %select_n3A_1686 = arith.select %le3A_1682, %scan3A_1680#13, %scan3A_1680#9 : vector<16xi1>, vector<16xi32>
    %le3A_1687 = arith.cmpf ole, %scan3A_1680#10, %scan3A_1680#14 : vector<16xf32>
    %select_n3A_1688 = arith.select %le3A_1687, %scan3A_1680#10, %scan3A_1680#14 : vector<16xi1>, vector<16xf32>
    %select_n3A_1689 = arith.select %le3A_1687, %scan3A_1680#11, %scan3A_1680#15 : vector<16xi1>, vector<16xi32>
    %select_n3A_1690 = arith.select %le3A_1687, %scan3A_1680#14, %scan3A_1680#10 : vector<16xi1>, vector<16xf32>
    %select_n3A_1691 = arith.select %le3A_1687, %scan3A_1680#15, %scan3A_1680#11 : vector<16xi1>, vector<16xi32>
    %le3A_1692 = arith.cmpf ole, %select_n3A_1683, %select_n3A_1688 : vector<16xf32>
    %select_n3A_1693 = arith.select %le3A_1692, %select_n3A_1683, %select_n3A_1688 : vector<16xi1>, vector<16xf32>
    %select_n3A_1694 = arith.select %le3A_1692, %select_n3A_1684, %select_n3A_1689 : vector<16xi1>, vector<16xi32>
    %select_n3A_1695 = arith.select %le3A_1692, %select_n3A_1688, %select_n3A_1683 : vector<16xi1>, vector<16xf32>
    %select_n3A_1696 = arith.select %le3A_1692, %select_n3A_1689, %select_n3A_1684 : vector<16xi1>, vector<16xi32>
    %le3A_1697 = arith.cmpf ole, %select_n3A_1685, %select_n3A_1690 : vector<16xf32>
    %select_n3A_1698 = arith.select %le3A_1697, %select_n3A_1685, %select_n3A_1690 : vector<16xi1>, vector<16xf32>
    %select_n3A_1699 = arith.select %le3A_1697, %select_n3A_1686, %select_n3A_1691 : vector<16xi1>, vector<16xi32>
    %select_n3A_1700 = arith.select %le3A_1697, %select_n3A_1690, %select_n3A_1685 : vector<16xi1>, vector<16xf32>
    %select_n3A_1701 = arith.select %le3A_1697, %select_n3A_1691, %select_n3A_1686 : vector<16xi1>, vector<16xi32>
    %masked_sort3A_1702 = arith.constant dense<true> : vector<16xi1>
    %masked_sort3A_1703, %masked_sort3A_1704, %masked_sort3A_1705 = tpu.sort %select_n3A_1693, %select_n3A_1694 masked %masked_sort3A_1702 : (vector<16xf32>, vector<16xi32>, vector<16xi1>) -> (vector<16xi1>, vector<16xf32>, vector<16xi32>)
    %masked_sort3A_1706 = arith.constant dense<true> : vector<16xi1>
    %masked_sort3A_1707, %masked_sort3A_1708, %masked_sort3A_1709 = tpu.sort %select_n3A_1695, %select_n3A_1696 masked %masked_sort3A_1706 : (vector<16xf32>, vector<16xi32>, vector<16xi1>) -> (vector<16xi1>, vector<16xf32>, vector<16xi32>)
    %masked_sort3A_1710 = arith.constant dense<true> : vector<16xi1>
    %masked_sort3A_1711, %masked_sort3A_1712, %masked_sort3A_1713 = tpu.sort %select_n3A_1698, %select_n3A_1699 masked %masked_sort3A_1710 : (vector<16xf32>, vector<16xi32>, vector<16xi1>) -> (vector<16xi1>, vector<16xf32>, vector<16xi32>)
    %masked_sort3A_1714 = arith.constant dense<true> : vector<16xi1>
    %masked_sort3A_1715, %masked_sort3A_1716, %masked_sort3A_1717 = tpu.sort %select_n3A_1700, %select_n3A_1701 masked %masked_sort3A_1714 : (vector<16xf32>, vector<16xi32>, vector<16xi1>) -> (vector<16xi1>, vector<16xf32>, vector<16xi32>)
    %mul3A_1718 = arith.constant 0 : i32
    %mul3A_1719 = vector.broadcast %mul3A_1718 : i32 to vector<16xi32>
    %mul3A_1720 = arith.muli %iota3A, %mul3A_1719 : vector<16xi32>
    %add3A_1721 = arith.constant 62 : i32
    %add3A_1722 = vector.broadcast %add3A_1721 : i32 to vector<16xi32>
    %add3A_1723 = arith.addi %mul3A_1720, %add3A_1722 : vector<16xi32>
    %mul3A_1724 = arith.constant 65 : i32
    %mul3A_1725 = vector.broadcast %mul3A_1724 : i32 to vector<16xi32>
    %mul3A_1726 = arith.muli %masked_sort3A_1705, %mul3A_1725 : vector<16xi32>
    %add3A_1727 = arith.constant 62 : i32
    %add3A_1728 = vector.broadcast %add3A_1727 : i32 to vector<16xi32>
    %add3A_1729 = arith.addi %mul3A_1726, %add3A_1728 : vector<16xi32>
    %gather3A_1730 = tpu.vector_load_idx %arg10[%add3A_1729] : memref<4160xi32, #tpu.memory_space<vmem>>[vector<16xi32>], vector<16xi32>,
    %mul3A_1731 = arith.constant 64 : i32
    %mul3A_1732 = vector.broadcast %mul3A_1731 : i32 to vector<16xi32>
    %mul3A_1733 = arith.muli %masked_sort3A_1705, %mul3A_1732 : vector<16xi32>
    %add3A_1734 = arith.addi %mul3A_1733, %gather3A_1730 : vector<16xi32>
    %gather3A_1735 = tpu.vector_load_idx %arg8[%add3A_1734] : memref<4096xf32, #tpu.memory_space<vmem>>[vector<16xi32>], vector<16xf32>,
    tpu.vector_store_idx %arg12[%add3A_3, %add3A_1723], %gather3A_1735 : memref<64x65xf32, #tpu.memory_space<vmem>>[vector<16xi32>, vector<16xi32>], vector<16xf32>,
    %mul3A_1736 = arith.constant 65 : i32
    %mul3A_1737 = vector.broadcast %mul3A_1736 : i32 to vector<16xi32>
    %mul3A_1738 = arith.muli %masked_sort3A_1709, %mul3A_1737 : vector<16xi32>
    %add3A_1739 = arith.constant 62 : i32
    %add3A_1740 = vector.broadcast %add3A_1739 : i32 to vector<16xi32>
    %add3A_1741 = arith.addi %mul3A_1738, %add3A_1740 : vector<16xi32>
    %gather3A_1742 = tpu.vector_load_idx %arg10[%add3A_1741] : memref<4160xi32, #tpu.memory_space<vmem>>[vector<16xi32>], vector<16xi32>,
    %mul3A_1743 = arith.constant 64 : i32
    %mul3A_1744 = vector.broadcast %mul3A_1743 : i32 to vector<16xi32>
    %mul3A_1745 = arith.muli %masked_sort3A_1709, %mul3A_1744 : vector<16xi32>
    %add3A_1746 = arith.addi %mul3A_1745, %gather3A_1742 : vector<16xi32>
    %gather3A_1747 = tpu.vector_load_idx %arg8[%add3A_1746] : memref<4096xf32, #tpu.memory_space<vmem>>[vector<16xi32>], vector<16xf32>,
    tpu.vector_store_idx %arg12[%add3A_6, %add3A_1723], %gather3A_1747 : memref<64x65xf32, #tpu.memory_space<vmem>>[vector<16xi32>, vector<16xi32>], vector<16xf32>,
    %mul3A_1748 = arith.constant 65 : i32
    %mul3A_1749 = vector.broadcast %mul3A_1748 : i32 to vector<16xi32>
    %mul3A_1750 = arith.muli %masked_sort3A_1713, %mul3A_1749 : vector<16xi32>
    %add3A_1751 = arith.constant 62 : i32
    %add3A_1752 = vector.broadcast %add3A_1751 : i32 to vector<16xi32>
    %add3A_1753 = arith.addi %mul3A_1750, %add3A_1752 : vector<16xi32>
    %gather3A_1754 = tpu.vector_load_idx %arg10[%add3A_1753] : memref<4160xi32, #tpu.memory_space<vmem>>[vector<16xi32>], vector<16xi32>,
    %mul3A_1755 = arith.constant 64 : i32
    %mul3A_1756 = vector.broadcast %mul3A_1755 : i32 to vector<16xi32>
    %mul3A_1757 = arith.muli %masked_sort3A_1713, %mul3A_1756 : vector<16xi32>
    %add3A_1758 = arith.addi %mul3A_1757, %gather3A_1754 : vector<16xi32>
    %gather3A_1759 = tpu.vector_load_idx %arg8[%add3A_1758] : memref<4096xf32, #tpu.memory_space<vmem>>[vector<16xi32>], vector<16xf32>,
    tpu.vector_store_idx %arg12[%add3A_9, %add3A_1723], %gather3A_1759 : memref<64x65xf32, #tpu.memory_space<vmem>>[vector<16xi32>, vector<16xi32>], vector<16xf32>,
    %mul3A_1760 = arith.constant 65 : i32
    %mul3A_1761 = vector.broadcast %mul3A_1760 : i32 to vector<16xi32>
    %mul3A_1762 = arith.muli %masked_sort3A_1717, %mul3A_1761 : vector<16xi32>
    %add3A_1763 = arith.constant 62 : i32
    %add3A_1764 = vector.broadcast %add3A_1763 : i32 to vector<16xi32>
    %add3A_1765 = arith.addi %mul3A_1762, %add3A_1764 : vector<16xi32>
    %gather3A_1766 = tpu.vector_load_idx %arg10[%add3A_1765] : memref<4160xi32, #tpu.memory_space<vmem>>[vector<16xi32>], vector<16xi32>,
    %mul3A_1767 = arith.constant 64 : i32
    %mul3A_1768 = vector.broadcast %mul3A_1767 : i32 to vector<16xi32>
    %mul3A_1769 = arith.muli %masked_sort3A_1717, %mul3A_1768 : vector<16xi32>
    %add3A_1770 = arith.addi %mul3A_1769, %gather3A_1766 : vector<16xi32>
    %gather3A_1771 = tpu.vector_load_idx %arg8[%add3A_1770] : memref<4096xf32, #tpu.memory_space<vmem>>[vector<16xi32>], vector<16xf32>,
    tpu.vector_store_idx %arg12[%add3A_12, %add3A_1723], %gather3A_1771 : memref<64x65xf32, #tpu.memory_space<vmem>>[vector<16xi32>, vector<16xi32>], vector<16xf32>,
    %le3A_1772 = arith.cmpf ole, %scan3A_1680#0, %scan3A_1680#2 : vector<16xf32>
    %select_n3A_1773 = arith.select %le3A_1772, %scan3A_1680#0, %scan3A_1680#2 : vector<16xi1>, vector<16xf32>
    %select_n3A_1774 = arith.select %le3A_1772, %scan3A_1680#1, %scan3A_1680#3 : vector<16xi1>, vector<16xi32>
    %select_n3A_1775 = arith.select %le3A_1772, %scan3A_1680#2, %scan3A_1680#0 : vector<16xi1>, vector<16xf32>
    %select_n3A_1776 = arith.select %le3A_1772, %scan3A_1680#3, %scan3A_1680#1 : vector<16xi1>, vector<16xi32>
    %masked_sort3A_1777 = arith.constant dense<true> : vector<16xi1>
    %masked_sort3A_1778, %masked_sort3A_1779, %masked_sort3A_1780 = tpu.sort %select_n3A_1773, %select_n3A_1774 masked %masked_sort3A_1777 : (vector<16xf32>, vector<16xi32>, vector<16xi1>) -> (vector<16xi1>, vector<16xf32>, vector<16xi32>)
    %masked_sort3A_1781 = arith.constant dense<true> : vector<16xi1>
    %masked_sort3A_1782, %masked_sort3A_1783, %masked_sort3A_1784 = tpu.sort %select_n3A_1775, %select_n3A_1776 masked %masked_sort3A_1781 : (vector<16xf32>, vector<16xi32>, vector<16xi1>) -> (vector<16xi1>, vector<16xf32>, vector<16xi32>)
    %le3A_1785 = arith.cmpf ole, %scan3A_1680#4, %scan3A_1680#6 : vector<16xf32>
    %select_n3A_1786 = arith.select %le3A_1785, %scan3A_1680#4, %scan3A_1680#6 : vector<16xi1>, vector<16xf32>
    %select_n3A_1787 = arith.select %le3A_1785, %scan3A_1680#5, %scan3A_1680#7 : vector<16xi1>, vector<16xi32>
    %select_n3A_1788 = arith.select %le3A_1785, %scan3A_1680#6, %scan3A_1680#4 : vector<16xi1>, vector<16xf32>
    %select_n3A_1789 = arith.select %le3A_1785, %scan3A_1680#7, %scan3A_1680#5 : vector<16xi1>, vector<16xi32>
    %masked_sort3A_1790 = arith.constant dense<true> : vector<16xi1>
    %masked_sort3A_1791, %masked_sort3A_1792, %masked_sort3A_1793 = tpu.sort %select_n3A_1788, %select_n3A_1789 masked %masked_sort3A_1790 {descending = true} : (vector<16xf32>, vector<16xi32>, vector<16xi1>) -> (vector<16xi1>, vector<16xf32>, vector<16xi32>)
    %masked_sort3A_1794 = arith.constant dense<true> : vector<16xi1>
    %masked_sort3A_1795, %masked_sort3A_1796, %masked_sort3A_1797 = tpu.sort %select_n3A_1786, %select_n3A_1787 masked %masked_sort3A_1794 {descending = true} : (vector<16xf32>, vector<16xi32>, vector<16xi1>) -> (vector<16xi1>, vector<16xf32>, vector<16xi32>)
    %le3A_1798 = arith.cmpf ole, %masked_sort3A_1779, %masked_sort3A_1792 : vector<16xf32>
    %select_n3A_1799 = arith.select %le3A_1798, %masked_sort3A_1779, %masked_sort3A_1792 : vector<16xi1>, vector<16xf32>
    %select_n3A_1800 = arith.select %le3A_1798, %masked_sort3A_1780, %masked_sort3A_1793 : vector<16xi1>, vector<16xi32>
    %select_n3A_1801 = arith.select %le3A_1798, %masked_sort3A_1792, %masked_sort3A_1779 : vector<16xi1>, vector<16xf32>
    %select_n3A_1802 = arith.select %le3A_1798, %masked_sort3A_1793, %masked_sort3A_1780 : vector<16xi1>, vector<16xi32>
    %le3A_1803 = arith.cmpf ole, %masked_sort3A_1783, %masked_sort3A_1796 : vector<16xf32>
    %select_n3A_1804 = arith.select %le3A_1803, %masked_sort3A_1783, %masked_sort3A_1796 : vector<16xi1>, vector<16xf32>
    %select_n3A_1805 = arith.select %le3A_1803, %masked_sort3A_1784, %masked_sort3A_1797 : vector<16xi1>, vector<16xi32>
    %select_n3A_1806 = arith.select %le3A_1803, %masked_sort3A_1796, %masked_sort3A_1783 : vector<16xi1>, vector<16xf32>
    %select_n3A_1807 = arith.select %le3A_1803, %masked_sort3A_1797, %masked_sort3A_1784 : vector<16xi1>, vector<16xi32>
    %le3A_1808 = arith.cmpf ole, %select_n3A_1799, %select_n3A_1804 : vector<16xf32>
    %select_n3A_1809 = arith.select %le3A_1808, %select_n3A_1799, %select_n3A_1804 : vector<16xi1>, vector<16xf32>
    %select_n3A_1810 = arith.select %le3A_1808, %select_n3A_1800, %select_n3A_1805 : vector<16xi1>, vector<16xi32>
    %select_n3A_1811 = arith.select %le3A_1808, %select_n3A_1804, %select_n3A_1799 : vector<16xi1>, vector<16xf32>
    %select_n3A_1812 = arith.select %le3A_1808, %select_n3A_1805, %select_n3A_1800 : vector<16xi1>, vector<16xi32>
    %le3A_1813 = arith.cmpf ole, %select_n3A_1801, %select_n3A_1806 : vector<16xf32>
    %select_n3A_1814 = arith.select %le3A_1813, %select_n3A_1801, %select_n3A_1806 : vector<16xi1>, vector<16xf32>
    %select_n3A_1815 = arith.select %le3A_1813, %select_n3A_1802, %select_n3A_1807 : vector<16xi1>, vector<16xi32>
    %select_n3A_1816 = arith.select %le3A_1813, %select_n3A_1806, %select_n3A_1801 : vector<16xi1>, vector<16xf32>
    %select_n3A_1817 = arith.select %le3A_1813, %select_n3A_1807, %select_n3A_1802 : vector<16xi1>, vector<16xi32>
    %masked_sort3A_1818 = arith.constant dense<true> : vector<16xi1>
    %masked_sort3A_1819, %masked_sort3A_1820, %masked_sort3A_1821 = tpu.sort %select_n3A_1809, %select_n3A_1810 masked %masked_sort3A_1818 : (vector<16xf32>, vector<16xi32>, vector<16xi1>) -> (vector<16xi1>, vector<16xf32>, vector<16xi32>)
    %masked_sort3A_1822 = arith.constant dense<true> : vector<16xi1>
    %masked_sort3A_1823, %masked_sort3A_1824, %masked_sort3A_1825 = tpu.sort %select_n3A_1811, %select_n3A_1812 masked %masked_sort3A_1822 : (vector<16xf32>, vector<16xi32>, vector<16xi1>) -> (vector<16xi1>, vector<16xf32>, vector<16xi32>)
    %masked_sort3A_1826 = arith.constant dense<true> : vector<16xi1>
    %masked_sort3A_1827, %masked_sort3A_1828, %masked_sort3A_1829 = tpu.sort %select_n3A_1814, %select_n3A_1815 masked %masked_sort3A_1826 : (vector<16xf32>, vector<16xi32>, vector<16xi1>) -> (vector<16xi1>, vector<16xf32>, vector<16xi32>)
    %masked_sort3A_1830 = arith.constant dense<true> : vector<16xi1>
    %masked_sort3A_1831, %masked_sort3A_1832, %masked_sort3A_1833 = tpu.sort %select_n3A_1816, %select_n3A_1817 masked %masked_sort3A_1830 : (vector<16xf32>, vector<16xi32>, vector<16xi1>) -> (vector<16xi1>, vector<16xf32>, vector<16xi32>)
    %mul3A_1834 = arith.constant 0 : i32
    %mul3A_1835 = vector.broadcast %mul3A_1834 : i32 to vector<16xi32>
    %mul3A_1836 = arith.muli %iota3A, %mul3A_1835 : vector<16xi32>
    %add3A_1837 = arith.constant 63 : i32
    %add3A_1838 = vector.broadcast %add3A_1837 : i32 to vector<16xi32>
    %add3A_1839 = arith.addi %mul3A_1836, %add3A_1838 : vector<16xi32>
    %mul3A_1840 = arith.constant 65 : i32
    %mul3A_1841 = vector.broadcast %mul3A_1840 : i32 to vector<16xi32>
    %mul3A_1842 = arith.muli %masked_sort3A_1821, %mul3A_1841 : vector<16xi32>
    %add3A_1843 = arith.constant 63 : i32
    %add3A_1844 = vector.broadcast %add3A_1843 : i32 to vector<16xi32>
    %add3A_1845 = arith.addi %mul3A_1842, %add3A_1844 : vector<16xi32>
    %gather3A_1846 = tpu.vector_load_idx %arg10[%add3A_1845] : memref<4160xi32, #tpu.memory_space<vmem>>[vector<16xi32>], vector<16xi32>,
    %mul3A_1847 = arith.constant 64 : i32
    %mul3A_1848 = vector.broadcast %mul3A_1847 : i32 to vector<16xi32>
    %mul3A_1849 = arith.muli %masked_sort3A_1821, %mul3A_1848 : vector<16xi32>
    %add3A_1850 = arith.addi %mul3A_1849, %gather3A_1846 : vector<16xi32>
    %gather3A_1851 = tpu.vector_load_idx %arg8[%add3A_1850] : memref<4096xf32, #tpu.memory_space<vmem>>[vector<16xi32>], vector<16xf32>,
    tpu.vector_store_idx %arg12[%add3A_3, %add3A_1839], %gather3A_1851 : memref<64x65xf32, #tpu.memory_space<vmem>>[vector<16xi32>, vector<16xi32>], vector<16xf32>,
    %mul3A_1852 = arith.constant 65 : i32
    %mul3A_1853 = vector.broadcast %mul3A_1852 : i32 to vector<16xi32>
    %mul3A_1854 = arith.muli %masked_sort3A_1825, %mul3A_1853 : vector<16xi32>
    %add3A_1855 = arith.constant 63 : i32
    %add3A_1856 = vector.broadcast %add3A_1855 : i32 to vector<16xi32>
    %add3A_1857 = arith.addi %mul3A_1854, %add3A_1856 : vector<16xi32>
    %gather3A_1858 = tpu.vector_load_idx %arg10[%add3A_1857] : memref<4160xi32, #tpu.memory_space<vmem>>[vector<16xi32>], vector<16xi32>,
    %mul3A_1859 = arith.constant 64 : i32
    %mul3A_1860 = vector.broadcast %mul3A_1859 : i32 to vector<16xi32>
    %mul3A_1861 = arith.muli %masked_sort3A_1825, %mul3A_1860 : vector<16xi32>
    %add3A_1862 = arith.addi %mul3A_1861, %gather3A_1858 : vector<16xi32>
    %gather3A_1863 = tpu.vector_load_idx %arg8[%add3A_1862] : memref<4096xf32, #tpu.memory_space<vmem>>[vector<16xi32>], vector<16xf32>,
    tpu.vector_store_idx %arg12[%add3A_6, %add3A_1839], %gather3A_1863 : memref<64x65xf32, #tpu.memory_space<vmem>>[vector<16xi32>, vector<16xi32>], vector<16xf32>,
    %mul3A_1864 = arith.constant 65 : i32
    %mul3A_1865 = vector.broadcast %mul3A_1864 : i32 to vector<16xi32>
    %mul3A_1866 = arith.muli %masked_sort3A_1829, %mul3A_1865 : vector<16xi32>
    %add3A_1867 = arith.constant 63 : i32
    %add3A_1868 = vector.broadcast %add3A_1867 : i32 to vector<16xi32>
    %add3A_1869 = arith.addi %mul3A_1866, %add3A_1868 : vector<16xi32>
    %gather3A_1870 = tpu.vector_load_idx %arg10[%add3A_1869] : memref<4160xi32, #tpu.memory_space<vmem>>[vector<16xi32>], vector<16xi32>,
    %mul3A_1871 = arith.constant 64 : i32
    %mul3A_1872 = vector.broadcast %mul3A_1871 : i32 to vector<16xi32>
    %mul3A_1873 = arith.muli %masked_sort3A_1829, %mul3A_1872 : vector<16xi32>
    %add3A_1874 = arith.addi %mul3A_1873, %gather3A_1870 : vector<16xi32>
    %gather3A_1875 = tpu.vector_load_idx %arg8[%add3A_1874] : memref<4096xf32, #tpu.memory_space<vmem>>[vector<16xi32>], vector<16xf32>,
    tpu.vector_store_idx %arg12[%add3A_9, %add3A_1839], %gather3A_1875 : memref<64x65xf32, #tpu.memory_space<vmem>>[vector<16xi32>, vector<16xi32>], vector<16xf32>,
    %mul3A_1876 = arith.constant 65 : i32
    %mul3A_1877 = vector.broadcast %mul3A_1876 : i32 to vector<16xi32>
    %mul3A_1878 = arith.muli %masked_sort3A_1833, %mul3A_1877 : vector<16xi32>
    %add3A_1879 = arith.constant 63 : i32
    %add3A_1880 = vector.broadcast %add3A_1879 : i32 to vector<16xi32>
    %add3A_1881 = arith.addi %mul3A_1878, %add3A_1880 : vector<16xi32>
    %gather3A_1882 = tpu.vector_load_idx %arg10[%add3A_1881] : memref<4160xi32, #tpu.memory_space<vmem>>[vector<16xi32>], vector<16xi32>,
    %mul3A_1883 = arith.constant 64 : i32
    %mul3A_1884 = vector.broadcast %mul3A_1883 : i32 to vector<16xi32>
    %mul3A_1885 = arith.muli %masked_sort3A_1833, %mul3A_1884 : vector<16xi32>
    %add3A_1886 = arith.addi %mul3A_1885, %gather3A_1882 : vector<16xi32>
    %gather3A_1887 = tpu.vector_load_idx %arg8[%add3A_1886] : memref<4096xf32, #tpu.memory_space<vmem>>[vector<16xi32>], vector<16xf32>,
    tpu.vector_store_idx %arg12[%add3A_12, %add3A_1839], %gather3A_1887 : memref<64x65xf32, #tpu.memory_space<vmem>>[vector<16xi32>, vector<16xi32>], vector<16xf32>,
    %add3A_1888 = arith.constant 3 : i32
    %add3A_1889 = arith.addi %mul3A_14, %add3A_1888 : i32
    %mul3A_1890 = arith.constant 64 : i32
    %mul3A_1891 = arith.muli %add3A_1889, %mul3A_1890 : i32
    %dma_start3A_1892 = arith.constant 0 : i32
    %dma_start3A_1893 = arith.constant 0 : i32
    %dma_start3A_1894 = tpu.memref_slice %arg12[%dma_start3A_1892, %dma_start3A_1893] : memref<64x65xf32, #tpu.memory_space<vmem>> -> memref<64x64xf32, #tpu.memory_space<vmem>>
    %dma_start3A_1895 = arith.constant 0 : i32
    %dma_start3A_1896 = tpu.memref_slice %arg4[%mul3A_1891, %dma_start3A_1895] : memref<8192x64xf32, #tpu.memory_space<hbm>> -> memref<64x64xf32, #tpu.memory_space<hbm>>
    %dma_start3A_1897 = arith.constant 0 : i32
    %dma_start3A_1898 = tpu.memref_slice %arg4[%mul3A_1891, %dma_start3A_1897] : memref<8192x64xf32, #tpu.memory_space<hbm>> -> memref<64x64xf32, #tpu.memory_space<hbm>>
    %dma_start3A_1899 = arith.constant 0 : i32
    %dma_start3A_1900 = arith.constant 0 : i32
    %dma_start3A_1901 = tpu.memref_slice %arg12[%dma_start3A_1899, %dma_start3A_1900] : memref<64x65xf32, #tpu.memory_space<vmem>> -> memref<64x64xf32, #tpu.memory_space<vmem>>
    tpu.enqueue_dma source(%dma_start3A_1901 : memref<64x64xf32, #tpu.memory_space<vmem>>) target(%dma_start3A_1898 : memref<64x64xf32, #tpu.memory_space<hbm>>) target_semaphore(%arg16 : memref<!tpu.dma_semaphore, #tpu.memory_space<semaphore_mem>>)
    %dma_wait3A_1902 = arith.constant 0 : i32
    %dma_wait3A_1903 = arith.constant 0 : i32
    %dma_wait3A_1904 = tpu.memref_slice %arg11[%dma_wait3A_1902, %dma_wait3A_1903] : memref<64x65xf32, #tpu.memory_space<vmem>> -> memref<64x64xf32, #tpu.memory_space<vmem>>
    %dma_wait3A_1905 = arith.constant 0 : i32
    %dma_wait3A_1906 = arith.constant 0 : i32
    %dma_wait3A_1907 = tpu.memref_slice %arg4[%dma_wait3A_1905, %dma_wait3A_1906] : memref<8192x64xf32, #tpu.memory_space<hbm>> -> memref<64x64xf32, #tpu.memory_space<hbm>>
    %dma_wait3A_1908 = arith.constant 0 : i32
    %dma_wait3A_1909 = arith.constant 0 : i32
    %dma_wait3A_1910 = tpu.memref_slice %arg4[%dma_wait3A_1908, %dma_wait3A_1909] : memref<8192x64xf32, #tpu.memory_space<hbm>> -> memref<64x64xf32, #tpu.memory_space<hbm>>
    %dma_wait3A_1911 = arith.constant 0 : i32
    %dma_wait3A_1912 = arith.constant 0 : i32
    %dma_wait3A_1913 = tpu.memref_slice %arg11[%dma_wait3A_1911, %dma_wait3A_1912] : memref<64x65xf32, #tpu.memory_space<vmem>> -> memref<64x64xf32, #tpu.memory_space<vmem>>
    tpu.wait_dma2 semaphore(%arg15 : memref<!tpu.dma_semaphore, #tpu.memory_space<semaphore_mem>>) src(%dma_wait3A_1913 : memref<64x64xf32, #tpu.memory_space<vmem>>) dst(%dma_wait3A_1910 : memref<64x64xf32, #tpu.memory_space<hbm>>)
    %dma_wait3A_1914 = arith.constant 0 : i32
    %dma_wait3A_1915 = arith.constant 0 : i32
    %dma_wait3A_1916 = tpu.memref_slice %arg12[%dma_wait3A_1914, %dma_wait3A_1915] : memref<64x65xf32, #tpu.memory_space<vmem>> -> memref<64x64xf32, #tpu.memory_space<vmem>>
    %dma_wait3A_1917 = arith.constant 0 : i32
    %dma_wait3A_1918 = arith.constant 0 : i32
    %dma_wait3A_1919 = tpu.memref_slice %arg4[%dma_wait3A_1917, %dma_wait3A_1918] : memref<8192x64xf32, #tpu.memory_space<hbm>> -> memref<64x64xf32, #tpu.memory_space<hbm>>
    %dma_wait3A_1920 = arith.constant 0 : i32
    %dma_wait3A_1921 = arith.constant 0 : i32
    %dma_wait3A_1922 = tpu.memref_slice %arg4[%dma_wait3A_1920, %dma_wait3A_1921] : memref<8192x64xf32, #tpu.memory_space<hbm>> -> memref<64x64xf32, #tpu.memory_space<hbm>>
    %dma_wait3A_1923 = arith.constant 0 : i32
    %dma_wait3A_1924 = arith.constant 0 : i32
    %dma_wait3A_1925 = tpu.memref_slice %arg12[%dma_wait3A_1923, %dma_wait3A_1924] : memref<64x65xf32, #tpu.memory_space<vmem>> -> memref<64x64xf32, #tpu.memory_space<vmem>>
    tpu.wait_dma2 semaphore(%arg16 : memref<!tpu.dma_semaphore, #tpu.memory_space<semaphore_mem>>) src(%dma_wait3A_1925 : memref<64x64xf32, #tpu.memory_space<vmem>>) dst(%dma_wait3A_1922 : memref<64x64xf32, #tpu.memory_space<hbm>>)
    return
  }
}

module attributes {stable_mosaic.version = 14 : i64} {
  func.func @_mm_body(%arg0: i32, %arg1: memref<128x4096xf32, #tpu.memory_space<vmem>>, %arg2: memref<4096x512xf32, #tpu.memory_space<vmem>>, %arg3: memref<1x512xf32, #tpu.memory_space<vmem>>, %arg4: memref<128x512xf32, #tpu.memory_space<vmem>>) attributes {dimension_semantics = [#tpu.dimension_semantics<arbitrary>], iteration_bounds = array<i64: 8>, scalar_prefetch = 0 : i64, scratch_operands = 0 : i64, tpu.core_type = #tpu.core_type<tc>, window_params = [{pipeline_mode = #tpu.pipeline_mode<synchronous>, transform_indices = @transform_0, window_bounds = array<i64: 128, 4096>}, {transform_indices = @transform_1, window_bounds = array<i64: 4096, 512>}, {transform_indices = @transform_2, window_bounds = array<i64: 1, 512>}, {transform_indices = @transform_3, window_bounds = array<i64: 128, 512>}]} {
    %get3A = arith.constant 0 : index
    %get3A_0 = arith.constant 0 : index
    %get3A_1 = vector.load %arg1[%get3A, %get3A_0] : memref<128x4096xf32, #tpu.memory_space<vmem>>, vector<128x4096xf32>
    %get3A_2 = arith.constant 0 : index
    %get3A_3 = arith.constant 0 : index
    %get3A_4 = vector.load %arg2[%get3A_2, %get3A_3] : memref<4096x512xf32, #tpu.memory_space<vmem>>, vector<4096x512xf32>
    %dot_general3A = arith.constant dense<0.000000e+00> : vector<128x512xf32>
    %dot_general3A_5 = tpu.matmul %get3A_1, %get3A_4, %dot_general3A {dimension_numbers = #tpu.dot_dimension_numbers<[1], [0], [0], [1], [0, 0, 1, 1], [], []>, transpose_lhs_hint = false} : vector<128x4096xf32>, vector<4096x512xf32>, vector<128x512xf32> -> vector<128x512xf32>
    %get3A_6 = arith.constant 0 : index
    %get3A_7 = arith.constant 0 : index
    %get3A_8 = vector.load %arg3[%get3A_6, %get3A_7] : memref<1x512xf32, #tpu.memory_space<vmem>>, vector<1x512xf32>
    %add3A = vector.broadcast %get3A_8 : vector<1x512xf32> to vector<128x512xf32>
    %add3A_9 = arith.addf %dot_general3A_5, %add3A : vector<128x512xf32>
    %swap3A = arith.constant 0 : index
    %swap3A_10 = arith.constant 0 : index
    %swap3A_11 = vector.load %arg4[%swap3A, %swap3A_10] : memref<128x512xf32, #tpu.memory_space<vmem>>, vector<128x512xf32>
    tpu.vector_store %arg4[%swap3A, %swap3A_10], %add3A_9 {strides = array<i32>} : memref<128x512xf32, #tpu.memory_space<vmem>>, vector<128x512xf32>,
    return
  }
  func.func @transform_0(%arg0: i32) -> (i32, i32) {
    %c0_i32 = arith.constant 0 : i32
    %c0_i32_0 = arith.constant 0 : i32
    %c0_i32_1 = arith.constant 0 : i32
    return %c0_i32, %c0_i32_0 : i32, i32
  }
  func.func @transform_1(%arg0: i32) -> (i32, i32) {
    %c0_i32 = arith.constant 0 : i32
    %c0_i32_0 = arith.constant 0 : i32
    return %c0_i32, %arg0 : i32, i32
  }
  func.func @transform_2(%arg0: i32) -> (i32, i32) {
    %c0_i32 = arith.constant 0 : i32
    %c0_i32_0 = arith.constant 0 : i32
    return %c0_i32, %arg0 : i32, i32
  }
  func.func @transform_3(%arg0: i32) -> (i32, i32) {
    %c0_i32 = arith.constant 0 : i32
    %c0_i32_0 = arith.constant 0 : i32
    return %c0_i32, %arg0 : i32, i32
  }
}

</mosaic_0001>

<sc_bundles>
// kernel: kernel.4.cloned.1.call-start
scs
__scs_entry_jumppad:
0x0: {  	(pc) =	sbr.rel $0x88, $3  }
0x1: {  	(tag) =	ssettag $0x0;
	lr =	simm.s32 $0x1  }
0x2: {  	[smem:$0x3F9E] =	sst lr;
	_ =	strace $0xD0000000  }
0x3: {  	_ = 	snop  }
0x4: {  	_ = 	snop  }
0x5: {  	_ = 	snop  }
0x6: {  	_ = 	snop  }
0x7: {  	_ = 	snop  }
__scs_overlays_trampoline_lowered:
0x8: {  	[smem:$0x3FAD] =	sst s0  }
0x9: {  	[smem:$0x3FAE] =	sst s1  }
0xa: {  	[smem:$0x3FAF] =	sst s2  }
0xb: {  	[smem:$0x3FB0] =	sst s3  }
0xc: {  	[smem:$0x3FB1] =	sst s4  }
0xd: {  	[smem:$0x3FB2] =	sst s5  }
0xe: {  	[smem:$0x3FB3] =	sst s6  }
0xf: {  	[smem:$0x3FB4] =	sst s7  }
0x10: {  	[smem:$0x3FB5] =	sst s8  }
0x11: {  	[smem:$0x3FB6] =	sst s9;
	s0 =	simm.s32 @!p0 $0x0  }
0x12: {  	s1 =	sld [smem:$0x3F9C];
	s0 =	simm.s32 @p0 $0x1  }
0x13: {  	[smem:$0x3FB7] =	sst s0;
	s0 =	simm.s32 @!p1 $0x0  }
0x14: {  	s2 =	sld [smem:$0x3F9B];
	s0 =	simm.s32 @p1 $0x1  }
0x15: {  	[smem:$0x3FB8] =	sst s0;
	s0 =	simm.s32 @!p2 $0x0  }
0x16: {  	s3 =	sld [smem:$0x3FDB];
	s0 =	simm.s32 @p2 $0x1  }
0x17: {  	s4 =	simm.s32 $0x1BF5;
	[smem:$0x3FBA] =	sst s0  }
0x18: {  	s0 =	sld [smem:$0x3F9D];
	_ =	swait.ge [sflag:s4], $0x0  }
0x19: {  	s7 =	sld [smem:$0x3F9E]  }
0x1a: {  	s8 =	sadd.s32 $0xFFFFE003, lr  }
0x1b: {  	s9 =	sadd.s32 $0xFFFFFEF7, lr;
	s5 =	simm.s32 $0xFFFFFFFF;
	p2 =	slt.u32 s8, $0xFFFFF086  }
0x1c: {  	p1 =	slt.u32 s9, $0xF7A;
	s5 =	simm.s32 @!p2 $0x0  }
0x1d: {  	s5 =	simm.s32 @p1 $0x1;
	p0 =	seq.s32 s7, s2  }
0x1e: {  	s7 =	smul.u32 @!p0 $0xF7A, s2;
	p2 =	seq.s32 @!p0 s5, $0x0  }
0x1f: {  	s9 =	smul.u32 $0xF7A, s1;
	s8 =	simm.s32 @!p0 $0x1BF5;
	p2 =	por !p2, p0  }
0x20: {  	[sflag:s8] =	ssyncset.s32 @!p0 $0xFFFFF086;
	s6 =	sadd.s32 @!p0 s3, s7;
	s7 =	simm.s32 @!p0 $0x108  }
0x21: {  	s3 =	sadd.s32 s3, s9;
	s6 =	sadd.s32 @!p0 $0x88, s6;
	s7 =	simm.s32 @p2 $0x1082  }
0x22: {  	[simem:s7], [sflag:s8] =	dma.local @!p0 [hbm:s6], $0xF7A  }
0x23: {  	s9 =	sor.u32 $0xD0000000, s2;
	s6 =	simm.s32 $0x108;
	_ =	swait.ge @!p0 [sflag:s8], $0x0  }
0x24: {  	s3 =	sadd.s32 $0x88, s3;
	s6 =	simm.s32 @!p1 $0x1082;
	[sflag:s4] =	ssyncset.s32 $0xFFFFF086  }
0x25: {  	[simem:s6], [sflag:s4] =	dma.local [hbm:s3], $0xF7A  }
0x26: {  	[smem:$0x3F9E] =	sst s1;
	(tag) =	ssettag s2;
	_ =	strace s9  }
0x27: {  	s1 =	sld [smem:$0x3FAE]  }
0x28: {  	s2 =	sld [smem:$0x3FAF]  }
0x29: {  	s4 =	sld [smem:$0x3FB1]  }
0x2a: {  	p0 =	seq.s32 s5, $0x0;
	s5 =	sld [smem:$0x3FB2]  }
0x2b: {  	s6 =	sld [smem:$0x3FB3]  }
0x2c: {  	s7 =	sld [smem:$0x3FB4]  }
0x2d: {  	s3 =	simm.s32 $0x108;
	s8 =	sld [smem:$0x3FB5]  }
0x2e: {  	s3 =	simm.s32 @!p0 $0x1082;
	s9 =	sld [smem:$0x3FB6]  }
0x2f: {  	lr =	sadd.s32 s0, s3;
	s0 =	sld [smem:$0x3FAD]  }
0x30: {  	s3 =	sld [smem:$0x3FB0]  }
0x31: {  	[smem:$0x3FB9] =	sst s10  }
0x32: {  	s10 =	sld [smem:$0x3FB7];
	_ =	sdelay $0x3  }
0x33: {  	p0 =	seq.s32 s10, $0x1;
	s10 =	sld [smem:$0x3FB9];
	_ =	sdelay $0x3  }
0x34: {  	[smem:$0x3FB9] =	sst s10  }
0x35: {  	s10 =	sld [smem:$0x3FB8];
	_ =	sdelay $0x3  }
0x36: {  	p1 =	seq.s32 s10, $0x1;
	s10 =	sld [smem:$0x3FB9];
	_ =	sdelay $0x3  }
0x37: {  	[smem:$0x3FB9] =	sst s10  }
0x38: {  	s10 =	sld [smem:$0x3FBA]  }
0x39: {  	_ = 	snop;
	(pc) =	sbr.ind lr, $3  }
0x3a: {  	_ = 	snop  }
0x3b: {  	_ = 	snop  }
0x3c: {  	p2 =	seq.s32 s10, $0x1;
	s10 =	sld [smem:$0x3FB9]  }
0x3d: {  	_ =	shalt  }
0x3e: {  	_ =	shalt  }
0x3f: {  	_ =	shalt  }
0x40: {  	_ =	shalt  }
0x41: {  	_ =	shalt  }
0x42: {  	_ =	shalt  }
0x43: {  	_ =	shalt  }
0x44: {  	_ =	shalt  }
0x45: {  	_ =	shalt  }
0x46: {  	_ =	shalt  }
0x47: {  	_ =	shalt  }
0x48: {  	_ =	shalt  }
0x49: {  	_ =	shalt  }
0x4a: {  	_ =	shalt  }
0x4b: {  	_ =	shalt  }
0x4c: {  	_ =	shalt  }
0x4d: {  	_ =	shalt  }
0x4e: {  	_ =	shalt  }
0x4f: {  	_ =	shalt  }
0x50: {  	_ =	shalt  }
0x51: {  	_ =	shalt  }
0x52: {  	_ =	shalt  }
0x53: {  	_ =	shalt  }
0x54: {  	_ =	shalt  }
0x55: {  	_ =	shalt  }
0x56: {  	_ =	shalt  }
0x57: {  	_ =	shalt  }
0x58: {  	_ =	shalt  }
0x59: {  	_ =	shalt  }
0x5a: {  	_ =	shalt  }
0x5b: {  	_ =	shalt  }
0x5c: {  	_ =	shalt  }
0x5d: {  	_ =	shalt  }
0x5e: {  	_ =	shalt  }
0x5f: {  	_ =	shalt  }
0x60: {  	_ =	shalt  }
0x61: {  	_ =	shalt  }
0x62: {  	_ =	shalt  }
0x63: {  	_ =	shalt  }
0x64: {  	_ =	shalt  }
0x65: {  	_ =	shalt  }
0x66: {  	_ =	shalt  }
0x67: {  	_ =	shalt  }
0x68: {  	_ =	shalt  }
0x69: {  	_ =	shalt  }
0x6a: {  	_ =	shalt  }
0x6b: {  	_ =	shalt  }
0x6c: {  	_ =	shalt  }
0x6d: {  	_ =	shalt  }
0x6e: {  	_ =	shalt  }
0x6f: {  	_ =	shalt  }
0x70: {  	_ =	shalt  }
0x71: {  	_ =	shalt  }
0x72: {  	_ =	shalt  }
0x73: {  	_ =	shalt  }
0x74: {  	_ =	shalt  }
0x75: {  	_ =	shalt  }
0x76: {  	_ =	shalt  }
0x77: {  	_ =	shalt  }
0x78: {  	_ =	shalt  }
0x79: {  	_ =	shalt  }
0x7a: {  	_ =	shalt  }
0x7b: {  	_ =	shalt  }
0x7c: {  	_ =	shalt  }
0x7d: {  	_ =	shalt  }
0x7e: {  	_ =	shalt  }
0x7f: {  	_ =	shalt  }
0x80: {  	_ =	shalt  }
0x81: {  	_ =	shalt  }
0x82: {  	_ =	shalt  }
0x83: {  	_ =	shalt  }
0x84: {  	_ =	shalt  }
0x85: {  	_ =	shalt  }
0x86: {  	_ =	shalt  }
0x87: {  	_ =	shalt  }
.Lfunc_end0:
.L_simem_size_0:
called_computation_lowered:
.L_overlay_start_0:
0x88: {  	s2 =	sld [smem:$0x3FD9]  }
0x89: {  	s3 =	sld [smem:$0x3FFE];
	_ =	sdelay $0x1  }
0x8a: {  	s1 =	srdreg.scid  }
0x8b: {  	s0 =	sand.u32 $0x1, s1  }
0x8c: {  	s17 =	sshll.u32 s0, $0xA;
	s2 =	sadd.s32 s3, s2  }
0x8d: {  	s2 =	sadd.s32 s2, s17  }
0x8e: {  	[smem:$0x3FC5] =	sst s2  }
0x8f: {  	_ = 	snop  }
0x90: {  	s2 =	sld [smem:$0x3FD0];
	(tm) =	ssettm $0x1  }
0x91: {  	s18 =	sld [smem:$0x3FFB];
	_ =	sdelay $0x3  }
0x92: {  	_ =	strace s18  }
0x93: {  	s3 =	sld [smem:$0x3FFC];
	_ =	sdelay $0x3  }
0x94: {  	_ =	strace s3  }
0x95: {  	s3 =	sld [smem:$0x3FFD];
	_ =	sdelay $0x3  }
0x96: {  	_ =	strace s3  }
0x97: {  	_ =	strace $0x8FFFFFFF  }
0x98: {  	s19 =	sld [smem:$0x3FDB];
	_ =	sdelay $0x1  }
0x99: {  	s4 =	simm.s32 $_scs_section_size  }
0x9a: {  	s5 =	simm.s32 $_size__tile_overlayer_lowered;
	s6 =	simm.s32 $_tile_overlayer_lowered  }
0x9b: {  	s22 =	simm.s32 $0x1BFF;
	s21 =	sshll.u32 s6, $0x1;
	s3 =	sadd.s32 s4, s19  }
0x9c: {  	s7 =	simm.s32 $0x0;
	s20 =	sshll.u32 s5, $0x1;
	s5 =	sadd.s32 s21, s3  }
0x9d: {  	[timem:s7], [sflag:s22] =	dma.local [hbm:s5], s20  }
0x9e: {  	_ =	swait.ge [sflag:s22], s20  }
0x9f: {  	s4 =	ssub.s32 $0x0, s20;
	[sflag:s22] =	ssyncset.done $0x0  }
0xa0: {  	[sflag:s22] =	ssyncadd.s32 s4;
	_ =	sdelay $0x1  }
0xa1: {  	s23 =	simm.s32 $0x1B8B  }
0xa2: {  	_ =	swait.ge [sflag:s23], $0x1  }
0xa3: {  	[sflag:s23] =	ssyncset.done $0x0  }
0xa4: {  	s25 =	simm.s32 $0x1B8E;
	s24 =	sld [smem:$0x3FFE];
	[sflag:s23] =	ssyncadd.s32 $0xFFFFFFFF  }
0xa5: {  	s26 =	simm.s32 $execute0_lowered;
	[smem:$0x3FD2] =	sst s25  }
0xa6: {  	s5 =	sshll.u32 s26, $0x1;
	_ =	strace $0x80000046;
	[dreg:$0x1] =	wrdreg $0xFFFFFFFF  }
0xa7: {  	s28 =	simm.s32 $_size_execute0_lowered;
	s3 =	sadd.s32 s3, s5;
	[dreg:$0x0] =	wrdreg $0x0  }
0xa8: {  	s5 =	sshll.u32 s28, $0x1;
	[dreg:$0x2] =	wrdreg s3  }
0xa9: {  	[dreg:$0x3] =	wrdreg s5  }
0xaa: {  	[dreg:$0x4] =	wrdreg $0xC0  }
0xab: {  	_ =	task [dreg:s7], $0x5FFFF  }
0xac: {  	[dreg:$0x1] =	wrdreg $0xFFFFFFFF  }
0xad: {  	[dreg:$0x0] =	wrdreg $0x60  }
0xae: {  	[dreg:$0x2] =	wrdreg s2  }
0xaf: {  	[dreg:$0x3] =	wrdreg s24  }
0xb0: {  	[dreg:$0x4] =	wrdreg $0x9  }
0xb1: {  	_ =	task.clear_ibuf [dreg:s7], $0x5FFFF;
	_ =	strace $0x90000046  }
0xb2: {  	s29 =	simm.s32 $0x9;
	_ =	strace $0x80000048  }
0xb3: {  	_ =	swait.ge [sflag:s29], $0x1  }
0xb4: {  	[sflag:s29] =	ssyncadd.s32 $0xFFFFFFFF  }
0xb5: {  	_ =	strace $0x90000048  }
0xb6: {  	_ =	sfence  }
0xb7: {  	s30 =	sld [smem:$0x0];
	_ =	sdelay $0x2  }
0xb8: {  	s31 =	sshll.u32 s1, $0xD;
	s1 =	sshrl.u32 s1, $0x2  }
0xb9: {  	s3 =	sand.u32 $0x4000, s31;
	s1 =	sadd.s32 s1, s30  }
0xba: {  	s0 =	sor.u32 s3, s0;
	s1 =	sshll.u32 s1, $0x11  }
0xbb: {  	s0 =	sor.u32 s1, s0  }
0xbc: {  	s0 =	sadd.s32 $0x8F2B, s0  }
0xbd: {  	[sflag:s0] =	ssyncadd.remote.s32 $0x1  }
0xbe: {  	_ =	sfence.sel $0xFFFF  }
0xbf: {  	[dreg:$0x0] =	wrdreg $0xFFFFFFFF;
	(pc) =	sbr.abs _section_cstart, $3  }
0xc0: {  	[dreg:$0x1] =	wrdreg $0xFFFFFFFF  }
0xc1: {  	_ =	task.clear_ibuf [dreg:s7], $0x2FFFF;
	_ =	strace $0x9FFFFFFF  }
0xc2: {  	(tm) =	ssettm $0x7FFFFFFF  }
0xc3: {  	_ =	shalt  }
tec
execute0_lowered:
.L_overlay_start_1:
0x0: {  	(tag) =	ssettag $0x1  }
0x1: {  	s0 =	rddreg [dreg:$0x0]  }
0x2: {  	s1 =	rddreg [dreg:$0x1];
	s2 =	simm.s32 $0x0;
	s3 =	srdreg.scid  }
0x3: {  	s5 =	stileid.u32;
	s16 =	simm.s32 $0x2000;
	s18 =	simm.s32 $0x3000  }
0x4: {  	s19 =	simm.s32 $0x1;
	s20 =	simm.s32 $0x4000;
	s21 =	simm.s32 $0x5040  }
0x5: {  	s22 =	simm.s32 $0x6080;
	s28 =	simm.s32 $0x0;
	[smem:$0x7FF] =	sst s2  }
0x6: {  	s3 =	sand.u32 $0x1, s3;
	s5 =	sshll.u32 s5, $0xC;
	s6 =	sadd.s32 $0x800, s1  }
0x7: {  	s1 =	sadd.s32 $0x10800, s1;
	s4 =	ssub.s32 $0x2, s3;
	s3 =	sshll.u32 s3, $0xB  }
0x8: {  	_ =	strace $0x80000047;
	s7 =	sshrl.u32 s4, $0x1;
	s3 =	sor.u32 s3, s5  }
0x9: {  	s4 =	ssub.s32 s4, s7;
	s5 =	sor.u32 $0x200, s3;
	s23 =	sadd.s32 s0, s3  }
0xa: {  	s24 =	sadd.s32 s6, s3;
	s7 =	sadd.s32 s1, s3;
	[dreg:$0x3] =	wrdreg s23  }
0xb: {  	s8 =	sor.u32 $0x400, s3;
	[dreg:$0x4] =	wrdreg s24;
	s25 =	sadd.s32 s0, s5  }
0xc: {  	s3 =	sor.u32 $0x600, s3;
	s26 =	sadd.s32 s6, s5;
	[dreg:$0x5] =	wrdreg s25  }
0xd: {  	v0 =	vlaneseq.u32;
	s9 =	sadd.s32 s0, s8;
	s29 =	sadd.s32 s6, s8;
	[dreg:$0x6] =	wrdreg s26  }
0xe: {  	v1 =	vmul.u32 $0x41, v0;
	s10 =	sadd.s32 s1, s5;
	s0 =	sadd.s32 s0, s3;
	[dreg:$0x7] =	wrdreg s9  }
0xf: {  	v2 =	vor.u32 $0x10, v0;
	s30 =	sadd.s32 s6, s3;
	s13 =	sadd.s32 s1, s8;
	[dreg:$0x8] =	wrdreg s29  }
0x10: {  	v3 =	vor.u32 $0x20, v0;
	v4 =	vor.u32 $0x30, v0;
	v5 =	vadd.s32 $0x1, v1;
	s14 =	sadd.s32 s1, s3;
	s31 =	smax.u32 s4, $0x1;
	[dreg:$0x9] =	wrdreg s0  }
0x11: {  	v6 =	vadd.s32 $0x411, v1;
	v7 =	vadd.s32 $0x821, v1;
	v8 =	vadd.s32 $0xC31, v1;
	s23 =	simm.s32 $0x2;
	s24 =	simm.s32 $0x7280;
	[dreg:$0xa] =	wrdreg s30  }
0x12: {  	v9 =	vadd.s32 $0x410, v1;
	v10 =	vadd.s32 $0x820, v1;
	v11 =	vadd.s32 $0xC30, v1;
	[dreg:$0xb] =	wrdreg s31;
	s25 =	simm.s32 $0x3;
	s26 =	simm.s32 $0x4  }
.LBB2_1:
0x13: {  	s0 =	rddreg [dreg:$0x3]  }
0x14: {  	[tilespmem:s2], [sflag:$0x1] =	stream.linear.gather [hbm4b:s0+s2], $0x1000, $0x38;
	[tilespmem:$0x8480] =	vst v63  }
0x15: {  	s6 =	rddreg [dreg:$0x4]  }
0x16: {  	[tilespmem:s16], [sflag:$0x1] =	stream.linear.gather [hbm4b:s6+s2], $0x1000, $0x38;
	[tilespmem:$0x8480] =	vst v63  }
0x17: {  	s8 =	rddreg [dreg:$0x5];
	s1 =	simm.s32 $0x1000  }
0x18: {  	[tilespmem:s1], [sflag:$0x2] =	stream.linear.gather [hbm4b:s8+s2], $0x1000, $0x38;
	[tilespmem:$0x8480] =	vst v63  }
0x19: {  	s9 =	rddreg [dreg:$0x6]  }
0x1a: {  	[tilespmem:s18], [sflag:$0x2] =	stream.linear.gather [hbm4b:s9+s2], $0x1000, $0x38;
	[tilespmem:$0x8480] =	vst v63  }
0x1b: {  	_ =	swait.ge [sflag:s19], $0x1000  }
0x1c: {  	[sflag:s19] =	ssyncset.done $0x0  }
0x1d: {  	[sflag:s19] =	ssyncadd.s32 $0xFFFFF000  }
0x1e: {  	_ =	swait.ge [sflag:s19], $0x1000  }
0x1f: {  	[sflag:s19] =	ssyncset.done $0x0  }
0x20: {  	[sflag:s19] =	ssyncadd.s32 $0xFFFFF000  }
0x21: {  	v12 =	vld [tilespmem:$0x0]  }
0x22: {  	v13 =	vld [tilespmem:$0x10]  }
0x23: {  	v14 =	vld [tilespmem:$0x20]  }
0x24: {  	v15 =	vld [tilespmem:$0x30];
	_ =	sdelay $0x1  }
0x25: {  	(xrf1) =	vsort.ascd.msk.f32 $0xffff, v12, v0  }
0x26: {  	(xrf1) =	vsort.dscd.msk.f32 $0xffff, v13, v2  }
0x27: {  	(xrf1) =	vsort.ascd.msk.f32 $0xffff, v14, v3  }
0x28: {  	(xrf1) =	vsort.dscd.msk.f32 $0xffff, v15, v4;
	_ =	sdelay $0xa  }
0x29: {  	v17, v16, _ =	vpop (xrf1)  }
0x2a: {  	v19, v18, _ =	vpop (xrf1)  }
0x2b: {  	v21, v20, _ =	vpop (xrf1)  }
0x2c: {  	v23, v22, _ =	vpop (xrf1)  }
0x2d: {  	vm0 =	vle.f32 v21, v23  }
0x2e: {  	[tilespmem:$0x4000] =	vst v12;
	vm1 =	vle.f32 v17, v19;
	v12 =	vsel vm0, v22, v20;
	v24 =	vsel vm0, v23, v21  }
0x2f: {  	[tilespmem:$0x4010] =	vst v13;
	v13 =	vsel vm1, v17, v19;
	(xrf1) =	vsort.dscd.msk.f32 $0xffff, v24, v12;
	v12 =	vsel vm1, v16, v18  }
0x30: {  	[tilespmem:$0x4020] =	vst v14;
	v14 =	vsel vm0, v20, v22;
	v20 =	vsel vm0, v21, v23;
	(xrf1) =	vsort.ascd.msk.f32 $0xffff, v13, v12  }
0x31: {  	v12 =	vsel vm1, v18, v16;
	v13 =	vsel vm1, v19, v17;
	(xrf1) =	vsort.dscd.msk.f32 $0xffff, v20, v14  }
0x32: {  	(xrf1) =	vsort.ascd.msk.f32 $0xffff, v13, v12;
	_ =	sdelay $0x3  }
0x33: {  	s11 =	simm.s32 $0x70;
	[tilespmem:$0x4030] =	vst v15  }
0x34: {  	v15 =	vld [tilespmem:s11+$0xFFFFFFF0]  }
0x35: {  	v16 =	vld [tilespmem:s11+$0x0]  }
0x36: {  	v13 =	vld [tilespmem:s11+$0xFFFFFFE0]  }
0x37: {  	v12 =	vld [tilespmem:s11+$0xFFFFFFD0];
	_ =	sdelay $0x1  }
0x38: {  	(xrf1) =	vsort.ascd.msk.f32 $0xffff, v15, v3  }
0x39: {  	(xrf1) =	vsort.dscd.msk.f32 $0xffff, v16, v4;
	v14, v17, _ =	vpop (xrf1)  }
0x3a: {  	(xrf1) =	vsort.dscd.msk.f32 $0xffff, v13, v2;
	v18, v19, _ =	vpop (xrf1)  }
0x3b: {  	(xrf1) =	vsort.ascd.msk.f32 $0xffff, v12, v0;
	vm0 =	vle.f32 v18, v14;
	v20, v21, _ =	vpop (xrf1)  }
0x3c: {  	v22 =	vsel vm0, v19, v17;
	v23, v61, _ =	vpop (xrf1)  }
0x3d: {  	v25 =	vsel vm0, v14, v18;
	v17 =	vsel vm0, v17, v19;
	vm1 =	vle.f32 v23, v20  }
0x3e: {  	v14 =	vsel vm0, v18, v14;
	v18 =	vsel vm1, v23, v20;
	v19 =	vsel vm1, v61, v21  }
0x3f: {  	v20 =	vsel vm1, v20, v23;
	v21 =	vsel vm1, v21, v61;
	vm0 =	vle.f32 v14, v18  }
0x40: {  	vm1 =	vle.f32 v25, v20;
	v23 =	vsel vm0, v14, v18;
	v62 =	vsel vm0, v22, v19  }
0x41: {  	v19 =	vsel vm0, v19, v22;
	v14 =	vsel vm0, v18, v14;
	(xrf1) =	vsort.ascd.msk.f32 $0xffff, v23, v62  }
0x42: {  	v63 =	vsel vm1, v17, v21;
	v23 =	vsel vm1, v25, v20;
	(xrf1) =	vsort.ascd.msk.f32 $0xffff, v14, v19  }
0x43: {  	v17 =	vsel vm1, v21, v17;
	v20 =	vsel vm1, v20, v25;
	(xrf1) =	vsort.ascd.msk.f32 $0xffff, v23, v63  }
0x44: {  	(xrf1) =	vsort.ascd.msk.f32 $0xffff, v20, v17;
	_ =	sdelay $0x1  }
0x45: {  	v22, v18, _ =	vpop (xrf1)  }
0x46: {  	s12 =	simm.s32 $0x4041;
	s29 =	simm.s32 $0x82;
	s1 =	simm.s32 $0x41;
	v26, v19, _ =	vpop (xrf1)  }
0x47: {  	s30 =	simm.s32 $0x5081;
	s31 =	simm.s32 $0x4082;
	s15 =	sand.u32 $0x3FFF, s1;
	[tilespmem:s12+$0x0] =	vst v12;
	v12, v14, _ =	vpop (xrf1)  }
0x48: {  	s17 =	simm.s32 $0xB0;
	s3 =	simm.s32 $0x5081;
	s4 =	simm.s32 $0x4082;
	[tilespmem:s15+$0x4010] =	vst v13;
	vm1 =	vle.f32 v22, v26;
	v13, v17, _ =	vpop (xrf1)  }
0x49: {  	s5 =	simm.s32 $0x82;
	s0 =	simm.s32 $0xC3;
	s6 =	simm.s32 $0xB0;
	[tilespmem:s15+$0x4020] =	vst v15;
	v15 =	vsel vm1, v18, v19;
	v19 =	vsel vm1, v19, v18;
	vm0 =	vle.f32 v13, v12  }
0x4a: {  	s8 =	simm.s32 $0x5040;
	s9 =	simm.s32 $0xC3;
	s11 =	simm.s32 $0x0;
	[tilespmem:s15+$0x4030] =	vst v16;
	v18 =	vsel vm1, v22, v26;
	v20 =	vsel vm1, v26, v22;
	v16 =	vsel vm0, v14, v17  }
.LBB2_2:
0x4b: {  	v21 =	vsel vm0, v13, v12;
	v14 =	vsel vm0, v17, v14;
	s30 =	sadd.s32 $0x41, s30;
	s31 =	sadd.s32 $0x41, s31;
	s17 =	sadd.s32 $0x40, s17;
	(xrf1) =	vsort.dscd.msk.f32 $0xffff, v20, v19  }
0x4c: {  	p0 =	sne.s32 s9, $0xFBE;
	s12 =	smov.u32 s9;
	s9 =	sadd.s32 $0x41, s9;
	(xrf1) =	vsort.ascd.msk.f32 $0xffff, v21, v14  }
0x4d: {  	v13 =	vsel vm0, v12, v13;
	(xrf1) =	vsort.dscd.msk.f32 $0xffff, v18, v15  }
0x4e: {  	(xrf1) =	vsort.ascd.msk.f32 $0xffff, v13, v16;
	_, v12, _ =	vpop (xrf1)  }
0x4f: {  	s15 =	sand.u32 $0xFFF, s11;
	[tilespmem:s8+$0x0] =	vst v12;
	_, v12, _ =	vpop (xrf1);
	s8 =	smov.u32 s3;
	s3 =	smov.u32 s30  }
0x50: {  	s11 =	smov.u32 s1;
	s1 =	smov.u32 s29;
	s29 =	smov.u32 s12;
	[tilespmem:s15+$0x5050] =	vst v12;
	_, v12, _ =	vpop (xrf1)  }
0x51: {  	[tilespmem:s15+$0x5060] =	vst v12;
	_, v12, _ =	vpop (xrf1)  }
0x52: {  	[tilespmem:s15+$0x5070] =	vst v12  }
0x53: {  	v12 =	vld [tilespmem:s6+$0xFFFFFFF0]  }
0x54: {  	v13 =	vld [tilespmem:s6+$0x0]  }
0x55: {  	v14 =	vld [tilespmem:s6+$0xFFFFFFE0]  }
0x56: {  	v15 =	vld [tilespmem:s6+$0xFFFFFFD0];
	s6 =	smov.u32 s17;
	_ =	sdelay $0x1  }
0x57: {  	(xrf1) =	vsort.ascd.msk.f32 $0xffff, v12, v3  }
0x58: {  	(xrf1) =	vsort.dscd.msk.f32 $0xffff, v13, v4;
	v16, v17, _ =	vpop (xrf1)  }
0x59: {  	(xrf1) =	vsort.dscd.msk.f32 $0xffff, v14, v2;
	v18, v19, _ =	vpop (xrf1)  }
0x5a: {  	s12 =	sand.u32 $0x3FFF, s5;
	s5 =	smov.u32 s0;
	[tilespmem:s4+$0x0] =	vst v15;
	vm0 =	vle.f32 v18, v16;
	(xrf1) =	vsort.ascd.msk.f32 $0xffff, v15, v0;
	v15, v20, _ =	vpop (xrf1);
	s4 =	smov.u32 s31  }
0x5b: {  	s0 =	smov.u32 s9;
	[tilespmem:s12+$0x4010] =	vst v14;
	v14 =	vsel vm0, v19, v17;
	v21 =	vsel vm0, v16, v18;
	v17 =	vsel vm0, v17, v19;
	v19, v22, _ =	vpop (xrf1)  }
0x5c: {  	[tilespmem:s12+$0x4020] =	vst v12;
	v12 =	vsel vm0, v18, v16;
	vm0 =	vle.f32 v19, v15  }
0x5d: {  	[tilespmem:s12+$0x4030] =	vst v13;
	v13 =	vsel vm0, v19, v15;
	v16 =	vsel vm0, v22, v20;
	v15 =	vsel vm0, v15, v19  }
0x5e: {  	v18 =	vsel vm0, v20, v22;
	vm0 =	vle.f32 v12, v13;
	vm1 =	vle.f32 v21, v15  }
0x5f: {  	v19 =	vsel vm0, v12, v13;
	v20 =	vsel vm0, v14, v16;
	v14 =	vsel vm0, v16, v14  }
0x60: {  	v12 =	vsel vm0, v13, v12;
	v13 =	vsel vm1, v21, v15;
	(xrf1) =	vsort.ascd.msk.f32 $0xffff, v19, v20  }
0x61: {  	v16 =	vsel vm1, v17, v18;
	v15 =	vsel vm1, v15, v21;
	(xrf1) =	vsort.ascd.msk.f32 $0xffff, v12, v14  }
0x62: {  	v12 =	vsel vm1, v18, v17;
	(xrf1) =	vsort.ascd.msk.f32 $0xffff, v13, v16  }
0x63: {  	(xrf1) =	vsort.ascd.msk.f32 $0xffff, v15, v12;
	_ =	sdelay $0x1  }
0x64: {  	v20, v16, _ =	vpop (xrf1)  }
.Ltmp0:
0x65: {  	v21, v18, _ =	vpop (xrf1);
	(pc) =	sbr.rel @p0 .LBB2_2-.Ltmp0, $4  }
0x66: {  	v12, v14, _ =	vpop (xrf1)  }
0x67: {  	vm1 =	vle.f32 v20, v21;
	v13, v17, _ =	vpop (xrf1)  }
0x68: {  	v15 =	vsel vm1, v16, v18;
	v19 =	vsel vm1, v18, v16;
	vm0 =	vle.f32 v13, v12  }
0x69: {  	v18 =	vsel vm1, v20, v21;
	v20 =	vsel vm1, v21, v20;
	v16 =	vsel vm0, v14, v17  }
0x6a: {  	v21 =	vsel vm0, v13, v12  }
0x6b: {  	v14 =	vsel vm0, v17, v14;
	(xrf1) =	vsort.dscd.msk.f32 $0xffff, v20, v19;
	v12 =	vsel vm0, v12, v13  }
0x6c: {  	(xrf1) =	vsort.ascd.msk.f32 $0xffff, v21, v14  }
0x6d: {  	(xrf1) =	vsort.dscd.msk.f32 $0xffff, v18, v15  }
0x6e: {  	(xrf1) =	vsort.ascd.msk.f32 $0xffff, v12, v16  }
0x6f: {  	_, v12, _ =	vpop (xrf1)  }
0x70: {  	s9 =	sand.u32 $0xFFF, s11;
	[tilespmem:s8+$0x0] =	vst v12;
	_, v12, _ =	vpop (xrf1)  }
0x71: {  	[tilespmem:s9+$0x5050] =	vst v12;
	_, v12, _ =	vpop (xrf1)  }
0x72: {  	[tilespmem:s9+$0x5060] =	vst v12;
	_, v12, _ =	vpop (xrf1)  }
0x73: {  	[tilespmem:s9+$0x5070] =	vst v12  }
0x74: {  	v12 =	vld [tilespmem:s6+$0xFFFFFFF0]  }
0x75: {  	v13 =	vld [tilespmem:s6+$0x0]  }
0x76: {  	v14 =	vld [tilespmem:s6+$0xFFFFFFE0]  }
0x77: {  	v15 =	vld [tilespmem:s6+$0xFFFFFFD0];
	_ =	sdelay $0x1  }
0x78: {  	(xrf1) =	vsort.ascd.msk.f32 $0xffff, v12, v3;
	v16, v17, _ =	vpop (xrf1)  }
0x79: {  	(xrf1) =	vsort.dscd.msk.f32 $0xffff, v13, v4;
	v18, v19, _ =	vpop (xrf1)  }
0x7a: {  	(xrf1) =	vsort.dscd.msk.f32 $0xffff, v14, v2;
	vm14 =	vle.f32 v18, v16;
	v20, v21, _ =	vpop (xrf1)  }
0x7b: {  	(xrf1) =	vsort.ascd.msk.f32 $0xffff, v15, v0;
	v22 =	vsel vm14, v19, v17;
	v23, v24, _ =	vpop (xrf1)  }
0x7c: {  	v25 =	vsel vm14, v16, v18;
	v17 =	vsel vm14, v17, v19;
	vm1 =	vle.f32 v23, v20  }
0x7d: {  	v16 =	vsel vm14, v18, v16;
	v18 =	vsel vm1, v23, v20;
	v19 =	vsel vm1, v24, v21  }
0x7e: {  	v20 =	vsel vm1, v20, v23;
	v21 =	vsel vm1, v21, v24;
	vm0 =	vle.f32 v16, v18  }
0x7f: {  	vm15 =	vle.f32 v25, v20;
	v23 =	vsel vm0, v16, v18;
	v24 =	vsel vm0, v22, v19  }
0x80: {  	v19 =	vsel vm0, v19, v22;
	v16 =	vsel vm0, v18, v16;
	(xrf1) =	vsort.ascd.msk.f32 $0xffff, v23, v24  }
0x81: {  	v18 =	vsel vm15, v25, v20;
	v22 =	vsel vm15, v17, v21;
	(xrf1) =	vsort.ascd.msk.f32 $0xffff, v16, v19  }
0x82: {  	v17 =	vsel vm15, v21, v17;
	v16 =	vsel vm15, v20, v25;
	(xrf1) =	vsort.ascd.msk.f32 $0xffff, v18, v22  }
0x83: {  	(xrf1) =	vsort.ascd.msk.f32 $0xffff, v16, v17;
	_ =	sdelay $0x6  }
0x84: {  	v16, v17, _ =	vpop (xrf1)  }
0x85: {  	s11 =	sand.u32 $0x3FFF, s5;
	[tilespmem:s4+$0x0] =	vst v15;
	v15, v18, _ =	vpop (xrf1)  }
0x86: {  	[tilespmem:s11+$0x4010] =	vst v14;
	v14, v19, _ =	vpop (xrf1)  }
0x87: {  	[tilespmem:s11+$0x4020] =	vst v12;
	v12, v20, _ =	vpop (xrf1)  }
0x88: {  	[tilespmem:s11+$0x4030] =	vst v13;
	vm4 =	vle.f32 v16, v15;
	_, v13, _ =	vpop (xrf1)  }
0x89: {  	s1 =	sand.u32 $0xFFF, s1;
	v21 =	vsel vm4, v18, v17;
	v22 =	vsel vm4, v15, v16;
	vm5 =	vle.f32 v12, v14;
	[tilespmem:s3+$0x0] =	vst v13;
	_, v13, _ =	vpop (xrf1)  }
0x8a: {  	(xrf1) =	vsort.dscd.msk.f32 $0xffff, v22, v21;
	v23 =	vsel vm5, v12, v14;
	v24 =	vsel vm5, v20, v19;
	[tilespmem:s1+$0x5050] =	vst v13;
	_, v13, _ =	vpop (xrf1)  }
0x8b: {  	v17 =	vsel vm4, v17, v18;
	v15 =	vsel vm4, v16, v15;
	(xrf1) =	vsort.ascd.msk.f32 $0xffff, v23, v24;
	[tilespmem:s1+$0x5060] =	vst v13;
	_, v13, _ =	vpop (xrf1)  }
0x8c: {  	v12 =	vsel vm5, v14, v12;
	(xrf1) =	vsort.dscd.msk.f32 $0xffff, v15, v17;
	[tilespmem:s1+$0x5070] =	vst v13;
	v13 =	vsel vm5, v19, v20  }
0x8d: {  	s12 =	sadd.s32 $0x40, s17;
	(xrf1) =	vsort.ascd.msk.f32 $0xffff, v12, v13  }
0x8e: {  	v14 =	vld [tilespmem:s12+$0xFFFFFFF0]  }
0x8f: {  	v12 =	vld [tilespmem:s12+$0x0]  }
0x90: {  	v13 =	vld [tilespmem:s12+$0xFFFFFFE0]  }
0x91: {  	v15 =	vld [tilespmem:s12+$0xFFFFFFD0];
	_ =	sdelay $0x1  }
0x92: {  	(xrf1) =	vsort.ascd.msk.f32 $0xffff, v14, v3  }
0x93: {  	(xrf1) =	vsort.dscd.msk.f32 $0xffff, v12, v4  }
0x94: {  	(xrf1) =	vsort.dscd.msk.f32 $0xffff, v13, v2  }
0x95: {  	(xrf1) =	vsort.ascd.msk.f32 $0xffff, v15, v0;
	_ =	sdelay $0x1  }
0x96: {  	v16, v17, _ =	vpop (xrf1)  }
0x97: {  	v18, v19, _ =	vpop (xrf1)  }
0x98: {  	vm6 =	vle.f32 v18, v16;
	v20, v21, _ =	vpop (xrf1)  }
0x99: {  	v22 =	vsel vm6, v19, v17;
	v25 =	vsel vm6, v16, v18;
	v23, v24, _ =	vpop (xrf1)  }
0x9a: {  	v17 =	vsel vm6, v17, v19;
	v16 =	vsel vm6, v18, v16;
	vm7 =	vle.f32 v23, v20  }
0x9b: {  	v18 =	vsel vm7, v23, v20;
	v19 =	vsel vm7, v24, v21;
	v20 =	vsel vm7, v20, v23  }
0x9c: {  	v21 =	vsel vm7, v21, v24;
	vm0 =	vle.f32 v16, v18;
	vm8 =	vle.f32 v25, v20  }
0x9d: {  	v23 =	vsel vm0, v16, v18;
	v24 =	vsel vm0, v22, v19;
	v19 =	vsel vm0, v19, v22  }
0x9e: {  	v16 =	vsel vm0, v18, v16;
	(xrf1) =	vsort.ascd.msk.f32 $0xffff, v23, v24;
	v23 =	vsel vm8, v25, v20  }
0x9f: {  	v26, v27, _ =	vpop (xrf1)  }
0xa0: {  	v18, v22, _ =	vpop (xrf1)  }
0xa1: {  	v24 =	vsel vm8, v17, v21;
	(xrf1) =	vsort.ascd.msk.f32 $0xffff, v16, v19;
	v16, v19, _ =	vpop (xrf1)  }
0xa2: {  	v17 =	vsel vm8, v21, v17;
	(xrf1) =	vsort.ascd.msk.f32 $0xffff, v23, v24;
	v21, v23, _ =	vpop (xrf1)  }
0xa3: {  	v20 =	vsel vm8, v20, v25;
	vm10 =	vle.f32 v26, v18;
	vm9 =	vle.f32 v21, v16  }
0xa4: {  	(xrf1) =	vsort.ascd.msk.f32 $0xffff, v20, v17;
	v17 =	vsel vm9, v21, v16;
	v20 =	vsel vm9, v23, v19  }
0xa5: {  	v16 =	vsel vm9, v16, v21;
	v19 =	vsel vm9, v19, v23;
	(xrf1) =	vsort.ascd.msk.f32 $0xffff, v17, v20  }
0xa6: {  	v17 =	vsel vm10, v22, v27;
	(xrf1) =	vsort.ascd.msk.f32 $0xffff, v16, v19;
	v16 =	vsel vm10, v18, v26  }
0xa7: {  	(xrf1) =	vsort.dscd.msk.f32 $0xffff, v16, v17  }
0xa8: {  	v16 =	vsel vm10, v26, v18;
	v17 =	vsel vm10, v27, v22  }
0xa9: {  	(xrf1) =	vsort.dscd.msk.f32 $0xffff, v16, v17;
	_ =	sdelay $0x5  }
0xaa: {  	_, v16, _ =	vpop (xrf1)  }
0xab: {  	_, v17, _ =	vpop (xrf1)  }
0xac: {  	_, v18, _ =	vpop (xrf1)  }
0xad: {  	_, v19, _ =	vpop (xrf1)  }
0xae: {  	v20, v21, _ =	vpop (xrf1)  }
0xaf: {  	v22, v23, _ =	vpop (xrf1)  }
0xb0: {  	v24, v25, _ =	vpop (xrf1)  }
0xb1: {  	vm11 =	vle.f32 v20, v24  }
0xb2: {  	v26, v27, _ =	vpop (xrf1);
	v28 =	vsel vm11, v20, v24  }
0xb3: {  	v29 =	vsel vm11, v21, v25;
	v20 =	vsel vm11, v24, v20;
	vm12 =	vle.f32 v22, v26  }
0xb4: {  	v21 =	vsel vm11, v25, v21;
	v24 =	vsel vm12, v22, v26;
	v25 =	vsel vm12, v23, v27  }
0xb5: {  	v22 =	vsel vm12, v26, v22;
	v23 =	vsel vm12, v27, v23;
	vm13 =	vle.f32 v28, v24  }
0xb6: {  	vm14 =	vle.f32 v20, v22;
	v26 =	vsel vm13, v28, v24;
	v27 =	vsel vm13, v29, v25  }
0xb7: {  	v24 =	vsel vm13, v24, v28;
	v25 =	vsel vm13, v25, v29;
	(xrf1) =	vsort.ascd.msk.f32 $0xffff, v26, v27  }
0xb8: {  	v26 =	vsel vm14, v20, v22;
	v27 =	vsel vm14, v21, v23;
	(xrf1) =	vsort.ascd.msk.f32 $0xffff, v24, v25  }
0xb9: {  	v20 =	vsel vm14, v22, v20;
	v21 =	vsel vm14, v23, v21;
	(xrf1) =	vsort.ascd.msk.f32 $0xffff, v26, v27  }
0xba: {  	(xrf1) =	vsort.ascd.msk.f32 $0xffff, v20, v21;
	_ =	sdelay $0x2  }
0xbb: {  	s15 =	sadd.s32 $0x41, s31  }
0xbc: {  	s0 =	sand.u32 $0x3FFF, s0;
	[tilespmem:s15+$0x0] =	vst v15  }
0xbd: {  	[tilespmem:s0+$0x4010] =	vst v13  }
0xbe: {  	[tilespmem:s0+$0x4020] =	vst v14  }
0xbf: {  	s17 =	sadd.s32 $0x41, s30;
	[tilespmem:s0+$0x4030] =	vst v12  }
0xc0: {  	s29 =	sand.u32 $0xFFF, s29;
	[tilespmem:s17+$0x0] =	vst v16  }
0xc1: {  	[tilespmem:s29+$0x5050] =	vst v17  }
0xc2: {  	[tilespmem:s29+$0x5060] =	vst v18  }
0xc3: {  	[tilespmem:s29+$0x5070] =	vst v19;
	_, v12, _ =	vpop (xrf1)  }
0xc4: {  	_, v13, _ =	vpop (xrf1);
	[tilespmem:$0x603F] =	vst v12  }
0xc5: {  	_, v12, _ =	vpop (xrf1);
	[tilespmem:$0x604F] =	vst v13  }
0xc6: {  	_, v13, _ =	vpop (xrf1);
	[tilespmem:$0x605F] =	vst v12  }
0xc7: {  	[tilespmem:$0x606F] =	vst v13  }
0xc8: {  	v12 =	vld.idx.msk [tilespmem:v5+s20+$0x0], $0xffff  }
0xc9: {  	v13 =	vld.idx.msk [tilespmem:v6+s20+$0x0], $0xffff  }
0xca: {  	v14 =	vld.idx.msk [tilespmem:v7+s20+$0x0], $0xffff  }
0xcb: {  	v15 =	vld.idx.msk [tilespmem:v8+s20+$0x0], $0xffff  }
0xcc: {  	v16 =	vld.idx.msk [tilespmem:v1+s20+$0x0], $0xffff  }
0xcd: {  	(xrf1) =	vsort.ascd.msk.f32 $0xffff, v12, v0;
	v12 =	vld.idx.msk [tilespmem:v9+s20+$0x0], $0xffff  }
0xce: {  	(xrf1) =	vsort.dscd.msk.f32 $0xffff, v13, v2;
	v13 =	vld.idx.msk [tilespmem:v10+s20+$0x0], $0xffff  }
0xcf: {  	(xrf1) =	vsort.ascd.msk.f32 $0xffff, v14, v3;
	v14 =	vld.idx.msk [tilespmem:v11+s20+$0x0], $0xffff  }
0xd0: {  	(xrf1) =	vsort.dscd.msk.f32 $0xffff, v15, v4  }
0xd1: {  	(xrf1) =	vsort.ascd.msk.f32 $0xffff, v16, v0  }
0xd2: {  	(xrf1) =	vsort.dscd.msk.f32 $0xffff, v12, v2  }
0xd3: {  	(xrf1) =	vsort.ascd.msk.f32 $0xffff, v13, v3  }
0xd4: {  	(xrf1) =	vsort.dscd.msk.f32 $0xffff, v14, v4;
	_ =	sdelay $0x6  }
0xd5: {  	v13, v12, _ =	vpop (xrf1)  }
0xd6: {  	v15, v14, _ =	vpop (xrf1)  }
0xd7: {  	v17, v16, _ =	vpop (xrf1)  }
0xd8: {  	v19, v18, _ =	vpop (xrf1)  }
0xd9: {  	v20, v21, _ =	vpop (xrf1)  }
0xda: {  	v22, v23, _ =	vpop (xrf1)  }
0xdb: {  	v24, v25, _ =	vpop (xrf1);
	vm15 =	vle.f32 v20, v22  }
0xdc: {  	v26, v27, _ =	vpop (xrf1);
	v28 =	vsel vm15, v20, v22;
	v29 =	vsel vm15, v21, v23;
	v20 =	vsel vm15, v22, v20  }
0xdd: {  	v21 =	vsel vm15, v23, v21;
	(xrf1) =	vsort.ascd.msk.f32 $0xffff, v28, v29;
	vm4 =	vle.f32 v24, v26  }
0xde: {  	(xrf1) =	vsort.ascd.msk.f32 $0xffff, v20, v21;
	v20 =	vsel vm4, v26, v24;
	v21 =	vsel vm4, v27, v25  }
0xdf: {  	v22 =	vsel vm4, v24, v26;
	v23 =	vsel vm4, v25, v27;
	(xrf1) =	vsort.dscd.msk.f32 $0xffff, v20, v21  }
0xe0: {  	(xrf1) =	vsort.dscd.msk.f32 $0xffff, v22, v23;
	_ =	sdelay $0xa  }
0xe1: {  	vm6 =	vle.f32 v13, v15;
	vm5 =	vle.f32 v17, v19;
	v21, v20, _ =	vpop (xrf1)  }
0xe2: {  	v29 =	vsel vm6, v12, v14;
	v12 =	vsel vm6, v14, v12;
	v24 =	vsel vm5, v17, v19;
	v23, v22, _ =	vpop (xrf1)  }
0xe3: {  	v25 =	vsel vm5, v16, v18;
	v26 =	vsel vm6, v13, v15;
	v13 =	vsel vm6, v15, v13;
	v28, v27, _ =	vpop (xrf1)  }
0xe4: {  	v17 =	vsel vm5, v19, v17;
	v16 =	vsel vm5, v18, v16;
	(xrf1) =	vsort.ascd.msk.f32 $0xffff, v26, v29;
	v15, v14, _ =	vpop (xrf1)  }
0xe5: {  	(xrf1) =	vsort.ascd.msk.f32 $0xffff, v13, v12;
	vm7 =	vle.f32 v21, v28;
	vm8 =	vle.f32 v23, v15  }
0xe6: {  	(xrf1) =	vsort.dscd.msk.f32 $0xffff, v17, v16;
	v12 =	vsel vm7, v21, v28;
	v13 =	vsel vm8, v23, v15  }
0xe7: {  	v16 =	vsel vm7, v20, v27;
	v17 =	vsel vm8, v22, v14;
	vm2 =	vle.f32 v12, v13  }
0xe8: {  	(xrf1) =	vsort.dscd.msk.f32 $0xffff, v24, v25;
	v18 =	vsel vm2, v12, v13;
	v19 =	vsel vm2, v16, v17  }
0xe9: {  	(xrf1) =	vsort.ascd.msk.f32 $0xffff, v18, v19;
	_ =	sdelay $0x9  }
0xea: {  	v18, v19, _ =	vpop (xrf1)  }
0xeb: {  	v24, v25, _ =	vpop (xrf1)  }
0xec: {  	v26, v29, _ =	vpop (xrf1)  }
0xed: {  	v30, v31, _ =	vpop (xrf1)  }
0xee: {  	_, v32, _ =	vpop (xrf1)  }
0xef: {  	v12 =	vsel vm2, v13, v12;
	v13 =	vsel vm2, v17, v16;
	v33 =	vmul.u32 $0x41, v32  }
0xf0: {  	s30 =	simm.s32 $0x0;
	(xrf1) =	vsort.ascd.msk.f32 $0xffff, v12, v13  }
0xf1: {  	v16 =	vadd.s32 s30, v33;
	_ =	sdelay $0x4  }
0xf2: {  	v12 =	vld.idx.msk [tilespmem:v16+s21+$0x0], $0xffff;
	_ =	sdelay $0x1  }
0xf3: {  	s31 =	simm.s32 $0x2  }
0xf4: {  	v17 =	vsel vm7, v28, v21;
	v21 =	vadd.s32 s31, v10  }
0xf5: {  	v13 =	vshll.u32 v32, $0x6;
	v16 =	vadd.s32 s31, v11  }
0xf6: {  	v13 =	vadd.s32 v13, v12  }
0xf7: {  	v14 =	vsel vm8, v14, v22;
	v15 =	vsel vm8, v15, v23;
	v22 =	vadd.s32 s31, v9  }
0xf8: {  	v58 =	vmov s30;
	v23 =	vadd.s32 s31, v1;
	vm9 =	vle.f32 v17, v15  }
0xf9: {  	v20 =	vsel vm7, v27, v20;
	v27 =	vsel vm9, v17, v15;
	v21 =	vld.idx.msk [tilespmem:v21+s20+$0x0], $0xffff;
	_, v28, _ =	vpop (xrf1);
	v12 =	vmul.u32 $0x48, v0  }
0xfa: {  	v59 =	vsel vm9, v20, v14;
	v32 =	vand.u32 $0x3F, v58;
	v34 =	vmul.u32 $0x41, v28;
	v16 =	vld.idx.msk [tilespmem:v16+s20+$0x0], $0xffff  }
0xfb: {  	(xrf1) =	vsort.ascd.msk.f32 $0xffff, v27, v59;
	v27 =	vadd.s32 v12, v32;
	v13 =	vld.idx.msk [tilespmem:v13+s16+$0x0], $0xffff  }
0xfc: {  	v22 =	vld.idx.msk [tilespmem:v22+s20+$0x0], $0xffff;
	v60 =	vadd.s32 s30, v34  }
0xfd: {  	v15 =	vsel vm9, v15, v17;
	v14 =	vsel vm9, v14, v20;
	v17 =	vld.idx.msk [tilespmem:v23+s20+$0x0], $0xffff  }
0xfe: {  	(xrf1) =	vsort.ascd.msk.f32 $0xffff, v15, v14  }
0xff: {  	(xrf1) =	vsort.dscd.msk.f32 $0xffff, v16, v4  }
0x100: {  	(xrf1) =	vsort.ascd.msk.f32 $0xffff, v21, v3;
	[tilespmem:v27+s22+$0x0] =	vst.idx.msk $0xffff, v13  }
0x101: {  	(xrf1) =	vsort.dscd.msk.f32 $0xffff, v22, v2;
	v13 =	vld.idx.msk [tilespmem:v60+s21+$0x0], $0xffff  }
0x102: {  	(xrf1) =	vsort.ascd.msk.f32 $0xffff, v17, v0;
	_ =	sdelay $0x2  }
0x103: {  	v14 =	vshll.u32 v28, $0x6  }
0x104: {  	v14 =	vadd.s32 v14, v13;
	_ =	sdelay $0x3  }
0x105: {  	_, v15, _ =	vpop (xrf1);
	v13 =	vadd.s32 $0x480, v12  }
0x106: {  	v16 =	vmul.u32 $0x41, v15;
	v17 =	vadd.s32 v13, v32;
	v14 =	vld.idx.msk [tilespmem:v14+s16+$0x0], $0xffff  }
0x107: {  	_, v21, _ =	vpop (xrf1)  }
0x108: {  	v16 =	vadd.s32 s30, v16;
	v20, v22, _ =	vpop (xrf1)  }
0x109: {  	v23, v27, _ =	vpop (xrf1)  }
0x10a: {  	v28, v61, _ =	vpop (xrf1)  }
0x10b: {  	vm12 =	vle.f32 v18, v26;
	[tilespmem:v17+s22+$0x0] =	vst.idx.msk $0xffff, v14;
	v14, v17, _ =	vpop (xrf1)  }
0x10c: {  	vm13 =	vle.f32 v24, v30;
	vm11 =	vle.f32 v23, v20;
	vm10 =	vle.f32 v14, v28  }
0x10d: {  	v63 =	vsel vm11, v22, v27;
	v16 =	vld.idx.msk [tilespmem:v16+s21+$0x0], $0xffff;
	v62 =	vsel vm10, v14, v28;
	v35 =	vsel vm10, v17, v61  }
0x10e: {  	v14 =	vsel vm10, v28, v14;
	v17 =	vsel vm10, v61, v17;
	(xrf1) =	vsort.ascd.msk.f32 $0xffff, v62, v35  }
0x10f: {  	v28 =	vsel vm11, v20, v23;
	(xrf1) =	vsort.ascd.msk.f32 $0xffff, v14, v17;
	v14 =	vsel vm11, v23, v20  }
0x110: {  	v17 =	vsel vm11, v27, v22;
	v20 =	vsel vm12, v19, v29;
	(xrf1) =	vsort.dscd.msk.f32 $0xffff, v28, v63  }
0x111: {  	v15 =	vshll.u32 v15, $0x6;
	v23 =	vsel vm13, v24, v30;
	(xrf1) =	vsort.dscd.msk.f32 $0xffff, v14, v17;
	v17 =	vsel vm12, v18, v26  }
0x112: {  	v22 =	vsel vm13, v25, v31;
	v15 =	vadd.s32 v15, v16;
	vm14 =	vle.f32 v17, v23  }
0x113: {  	v18 =	vsel vm12, v26, v18;
	v26 =	vsel vm14, v17, v23;
	v27 =	vsel vm14, v20, v22  }
0x114: {  	v25 =	vsel vm13, v31, v25;
	v14 =	vadd.s32 $0x900, v12;
	(xrf1) =	vsort.ascd.msk.f32 $0xffff, v26, v27  }
0x115: {  	v19 =	vsel vm12, v29, v19;
	v24 =	vsel vm13, v30, v24;
	v16 =	vadd.s32 v14, v32  }
0x116: {  	vm15 =	vle.f32 v18, v24;
	v20 =	vsel vm14, v22, v20;
	v22 =	vmul.u32 $0x41, v21  }
0x117: {  	v17 =	vsel vm14, v23, v17;
	v23 =	vsel vm15, v18, v24;
	v26 =	vsel vm15, v19, v25;
	v15 =	vld.idx.msk [tilespmem:v15+s16+$0x0], $0xffff  }
0x118: {  	(xrf1) =	vsort.ascd.msk.f32 $0xffff, v17, v20;
	v17 =	vsel vm15, v24, v18;
	v18 =	vsel vm15, v25, v19;
	v19 =	vadd.s32 s30, v22  }
0x119: {  	(xrf1) =	vsort.ascd.msk.f32 $0xffff, v23, v26  }
0x11a: {  	(xrf1) =	vsort.ascd.msk.f32 $0xffff, v17, v18;
	_ =	sdelay $0x1  }
0x11b: {  	[tilespmem:v16+s22+$0x0] =	vst.idx.msk $0xffff, v15  }
0x11c: {  	v15 =	vld.idx.msk [tilespmem:v19+s21+$0x0], $0xffff  }
0x11d: {  	v19, v16, _ =	vpop (xrf1)  }
0x11e: {  	v17, v18, _ =	vpop (xrf1)  }
0x11f: {  	v23, v20, _ =	vpop (xrf1)  }
0x120: {  	v24 =	vshll.u32 v21, $0x6;
	v21, v22, _ =	vpop (xrf1)  }
0x121: {  	v24 =	vadd.s32 v24, v15;
	_, v31, _ =	vpop (xrf1)  }
0x122: {  	v25 =	vmul.u32 $0x41, v31;
	_ =	sdelay $0x2  }
0x123: {  	v15 =	vadd.s32 $0xD80, v12;
	_, v28, _ =	vpop (xrf1)  }
0x124: {  	s3 =	simm.s32 $0x1;
	v32 =	vadd.s32 v15, v32;
	_, v27, _ =	vpop (xrf1);
	v33 =	vld.idx.msk [tilespmem:v24+s16+$0x0], $0xffff  }
0x125: {  	v26 =	vmov s3;
	v30 =	vmul.u32 $0x41, v28;
	v34 =	vadd.s32 s3, v25;
	_, v25, _ =	vpop (xrf1)  }
0x126: {  	s1 =	simm.s32 $0x4;
	s0 =	simm.s32 $0x3;
	v29 =	vmul.u32 $0x41, v27;
	v24 =	vand.u32 $0x3F, v26;
	v26 =	vmul.u32 $0x41, v25  }
.LBB2_4:
0x127: {  	_ = 	snop  }
0x128: {  	p0 =	sne.s32 s1, $0x3F;
	s4 =	smov.u32 s1;
	s1 =	sadd.s32 $0x1, s1  }
0x129: {  	[tilespmem:v32+s22+$0x0] =	vst.idx.msk $0xffff, v33  }
0x12a: {  	v32 =	vld.idx.msk [tilespmem:v34+s21+$0x0], $0xffff;
	_ =	sdelay $0x3  }
0x12b: {  	v31 =	vshll.u32 v31, $0x6;
	_ =	sdelay $0x1  }
0x12c: {  	v31 =	vadd.s32 v31, v32  }
0x12d: {  	v32 =	vadd.s32 s0, v11  }
0x12e: {  	v33 =	vadd.s32 s0, v10  }
0x12f: {  	v34 =	vadd.s32 s0, v9  }
0x130: {  	v35 =	vadd.s32 s0, v1;
	s0 =	smov.u32 s4  }
0x131: {  	v31 =	vld.idx.msk [tilespmem:v31+s16+$0x0], $0xffff  }
0x132: {  	v36 =	vadd.s32 v12, v24;
	v30 =	vadd.s32 s3, v30;
	v32 =	vld.idx.msk [tilespmem:v32+s20+$0x0], $0xffff  }
0x133: {  	v33 =	vld.idx.msk [tilespmem:v33+s20+$0x0], $0xffff  }
0x134: {  	v34 =	vld.idx.msk [tilespmem:v34+s20+$0x0], $0xffff  }
0x135: {  	v35 =	vld.idx.msk [tilespmem:v35+s20+$0x0], $0xffff;
	_ =	sdelay $0x1  }
0x136: {  	[tilespmem:v36+s22+$0x0] =	vst.idx.msk $0xffff, v31  }
0x137: {  	v30 =	vld.idx.msk [tilespmem:v30+s21+$0x0], $0xffff;
	(xrf1) =	vsort.dscd.msk.f32 $0xffff, v32, v4  }
0x138: {  	(xrf1) =	vsort.ascd.msk.f32 $0xffff, v33, v3  }
0x139: {  	(xrf1) =	vsort.dscd.msk.f32 $0xffff, v34, v2  }
0x13a: {  	(xrf1) =	vsort.ascd.msk.f32 $0xffff, v35, v0  }
0x13b: {  	v28 =	vshll.u32 v28, $0x6;
	_ =	sdelay $0x1  }
0x13c: {  	v28 =	vadd.s32 v28, v30;
	_ =	sdelay $0x4  }
0x13d: {  	v28 =	vld.idx.msk [tilespmem:v28+s16+$0x0], $0xffff  }
0x13e: {  	v30 =	vadd.s32 v13, v24  }
0x13f: {  	v29 =	vadd.s32 s3, v29  }
0x140: {  	v32, v31, _ =	vpop (xrf1)  }
0x141: {  	v34, v33, _ =	vpop (xrf1)  }
0x142: {  	v36, v35, _ =	vpop (xrf1)  }
0x143: {  	vm0 =	vle.f32 v34, v32;
	[tilespmem:v30+s22+$0x0] =	vst.idx.msk $0xffff, v28;
	v30, v28, _ =	vpop (xrf1)  }
0x144: {  	v37 =	vsel vm0, v34, v32;
	v38 =	vsel vm0, v33, v31;
	vm1 =	vle.f32 v30, v36;
	v29 =	vld.idx.msk [tilespmem:v29+s21+$0x0], $0xffff  }
0x145: {  	v39 =	vsel vm1, v30, v36;
	v40 =	vsel vm1, v28, v35;
	v30 =	vsel vm1, v36, v30  }
0x146: {  	v32 =	vsel vm0, v32, v34;
	v28 =	vsel vm1, v35, v28;
	(xrf1) =	vsort.ascd.msk.f32 $0xffff, v39, v40  }
0x147: {  	v31 =	vsel vm0, v31, v33;
	(xrf1) =	vsort.ascd.msk.f32 $0xffff, v30, v28  }
0x148: {  	(xrf1) =	vsort.dscd.msk.f32 $0xffff, v32, v31  }
0x149: {  	v27 =	vshll.u32 v27, $0x6;
	(xrf1) =	vsort.dscd.msk.f32 $0xffff, v37, v38  }
0x14a: {  	v27 =	vadd.s32 v27, v29;
	_ =	sdelay $0x1  }
0x14b: {  	v28 =	vadd.s32 v14, v24  }
0x14c: {  	v26 =	vadd.s32 s3, v26;
	vm0 =	vle.f32 v19, v23;
	vm1 =	vle.f32 v17, v21  }
0x14d: {  	v30 =	vsel vm0, v16, v20;
	v31 =	vsel vm1, v18, v22;
	v29 =	vsel vm0, v19, v23  }
0x14e: {  	v18 =	vsel vm1, v22, v18;
	v19 =	vsel vm0, v23, v19;
	v23 =	vsel vm1, v17, v21;
	v22 =	vld.idx.msk [tilespmem:v27+s16+$0x0], $0xffff  }
0x14f: {  	v16 =	vsel vm0, v20, v16;
	v17 =	vsel vm1, v21, v17;
	vm0 =	vle.f32 v29, v23  }
0x150: {  	v20 =	vsel vm0, v29, v23;
	v21 =	vsel vm0, v30, v31;
	v23 =	vsel vm0, v23, v29  }
0x151: {  	v27 =	vsel vm0, v31, v30;
	vm0 =	vle.f32 v19, v17;
	(xrf1) =	vsort.ascd.msk.f32 $0xffff, v20, v21  }
0x152: {  	v30 =	vsel vm0, v19, v17;
	v21 =	vsel vm0, v16, v18;
	(xrf1) =	vsort.ascd.msk.f32 $0xffff, v23, v27  }
0x153: {  	v29 =	vsel vm0, v17, v19;
	v27 =	vsel vm0, v18, v16;
	v19, v16, _ =	vpop (xrf1);
	(xrf1) =	vsort.ascd.msk.f32 $0xffff, v30, v21  }
0x154: {  	v17, v18, _ =	vpop (xrf1);
	(xrf1) =	vsort.ascd.msk.f32 $0xffff, v29, v27;
	[tilespmem:v28+s22+$0x0] =	vst.idx.msk $0xffff, v22  }
0x155: {  	v23, v20, _ =	vpop (xrf1);
	v26 =	vld.idx.msk [tilespmem:v26+s21+$0x0], $0xffff  }
0x156: {  	v21, v22, _ =	vpop (xrf1);
	_ =	sdelay $0x3  }
0x157: {  	v25 =	vshll.u32 v25, $0x6  }
0x158: {  	v25 =	vadd.s32 v25, v26;
	_ =	sdelay $0x3  }
.Ltmp1:
0x159: {  	_, v31, _ =	vpop (xrf1);
	(pc) =	sbr.rel @p0 .LBB2_4-.Ltmp1, $4  }
0x15a: {  	v26 =	vmul.u32 $0x41, v31;
	_, v28, _ =	vpop (xrf1);
	v33 =	vld.idx.msk [tilespmem:v25+s16+$0x0], $0xffff  }
0x15b: {  	s3 =	sadd.s32 $0xFFFFFFFE, s0;
	v32 =	vadd.s32 v15, v24;
	v30 =	vmul.u32 $0x41, v28;
	_, v27, _ =	vpop (xrf1)  }
0x15c: {  	v24 =	vmov s3;
	v34 =	vadd.s32 s3, v26;
	v29 =	vmul.u32 $0x41, v27;
	_, v25, _ =	vpop (xrf1)  }
0x15d: {  	v24 =	vand.u32 $0x3F, v24;
	v26 =	vmul.u32 $0x41, v25  }
0x15e: {  	_ =	sdelay $0x3  }
0x15f: {  	[tilespmem:v32+s22+$0x0] =	vst.idx.msk $0xffff, v33  }
0x160: {  	v32 =	vld.idx.msk [tilespmem:v34+s21+$0x0], $0xffff;
	_ =	sdelay $0x3  }
0x161: {  	v31 =	vshll.u32 v31, $0x6  }
0x162: {  	v31 =	vadd.s32 v31, v32;
	_ =	sdelay $0x1  }
0x163: {  	v43 =	vadd.s32 s0, v10  }
0x164: {  	v44 =	vadd.s32 s0, v9  }
0x165: {  	v35 =	vadd.s32 s0, v1  }
0x166: {  	v42 =	vadd.s32 s0, v11;
	v36 =	vadd.s32 v12, v24;
	v31 =	vld.idx.msk [tilespmem:v31+s16+$0x0], $0xffff  }
0x167: {  	v30 =	vadd.s32 s3, v30  }
0x168: {  	v33 =	vld.idx.msk [tilespmem:v43+s20+$0x0], $0xffff  }
0x169: {  	v34 =	vld.idx.msk [tilespmem:v44+s20+$0x0], $0xffff  }
0x16a: {  	v35 =	vld.idx.msk [tilespmem:v35+s20+$0x0], $0xffff  }
0x16b: {  	v32 =	vld.idx.msk [tilespmem:v42+s20+$0x0], $0xffff;
	[tilespmem:v36+s22+$0x0] =	vst.idx.msk $0xffff, v31  }
0x16c: {  	v30 =	vld.idx.msk [tilespmem:v30+s21+$0x0], $0xffff;
	_ =	sdelay $0x3  }
0x16d: {  	v28 =	vshll.u32 v28, $0x6  }
0x16e: {  	v28 =	vadd.s32 v28, v30;
	_ =	sdelay $0x4  }
0x16f: {  	v45 =	vadd.s32 v13, v24;
	v28 =	vld.idx.msk [tilespmem:v28+s16+$0x0], $0xffff  }
0x170: {  	v29 =	vadd.s32 s3, v29;
	_ =	sdelay $0x3  }
0x171: {  	[tilespmem:v45+s22+$0x0] =	vst.idx.msk $0xffff, v28  }
0x172: {  	v28 =	vld.idx.msk [tilespmem:v29+s21+$0x0], $0xffff;
	_ =	sdelay $0x3  }
0x173: {  	v27 =	vshll.u32 v27, $0x6  }
0x174: {  	vm1 =	vle.f32 v19, v23;
	v27 =	vadd.s32 v27, v28  }
0x175: {  	vm0 =	vle.f32 v17, v21;
	v46 =	vsel vm1, v19, v23;
	(xrf1) =	vsort.dscd.msk.f32 $0xffff, v32, v4  }
0x176: {  	v47 =	vsel vm0, v17, v21;
	v48 =	vsel vm1, v16, v20;
	(xrf1) =	vsort.ascd.msk.f32 $0xffff, v33, v3  }
0x177: {  	v49 =	vsel vm0, v18, v22;
	vm2 =	vle.f32 v46, v47;
	(xrf1) =	vsort.dscd.msk.f32 $0xffff, v34, v2  }
0x178: {  	v50 =	vsel vm2, v46, v47;
	v51 =	vsel vm2, v48, v49;
	(xrf1) =	vsort.ascd.msk.f32 $0xffff, v35, v0  }
0x179: {  	v52 =	vadd.s32 v14, v24;
	(xrf1) =	vsort.ascd.msk.f32 $0xffff, v50, v51;
	v27 =	vld.idx.msk [tilespmem:v27+s16+$0x0], $0xffff  }
0x17a: {  	v26 =	vadd.s32 s3, v26;
	_ =	sdelay $0x3  }
0x17b: {  	[tilespmem:v52+s22+$0x0] =	vst.idx.msk $0xffff, v27  }
0x17c: {  	v26 =	vld.idx.msk [tilespmem:v26+s21+$0x0], $0xffff;
	_ =	sdelay $0x3  }
0x17d: {  	v25 =	vshll.u32 v25, $0x6;
	v54, v53, _ =	vpop (xrf1)  }
0x17e: {  	v55, v56, _ =	vpop (xrf1);
	v25 =	vadd.s32 v25, v26  }
0x17f: {  	v58, v57, _ =	vpop (xrf1)  }
0x180: {  	v59, v37, _ =	vpop (xrf1)  }
0x181: {  	_, v38, _ =	vpop (xrf1)  }
0x182: {  	v60 =	vsel vm2, v49, v48;
	v61 =	vmul.u32 $0x41, v38;
	v28 =	vsel vm2, v47, v46  }
0x183: {  	v62 =	vadd.s32 v15, v24;
	(xrf1) =	vsort.ascd.msk.f32 $0xffff, v28, v60;
	v25 =	vld.idx.msk [tilespmem:v25+s16+$0x0], $0xffff  }
0x184: {  	v63 =	vadd.s32 $0x3E, v61;
	_ =	sdelay $0x3  }
0x185: {  	[tilespmem:v62+s22+$0x0] =	vst.idx.msk $0xffff, v25  }
0x186: {  	v24 =	vld.idx.msk [tilespmem:v63+s21+$0x0], $0xffff;
	_ =	sdelay $0x3  }
0x187: {  	v31 =	vshll.u32 v38, $0x6  }
0x188: {  	v24 =	vadd.s32 v31, v24;
	_ =	sdelay $0x2  }
0x189: {  	v19 =	vsel vm1, v23, v19;
	_, v38, _ =	vpop (xrf1)  }
0x18a: {  	v20 =	vsel vm1, v20, v16;
	v17 =	vsel vm0, v21, v17;
	v23 =	vmul.u32 $0x41, v38  }
0x18b: {  	v16 =	vadd.s32 $0x3E, v12;
	v18 =	vsel vm0, v22, v18;
	vm9 =	vle.f32 v19, v17;
	v21 =	vld.idx.msk [tilespmem:v24+s16+$0x0], $0xffff  }
0x18c: {  	v39 =	vsel vm9, v20, v18;
	v22 =	vadd.s32 $0x3E, v23;
	v23 =	vsel vm9, v19, v17  }
0x18d: {  	(xrf1) =	vsort.ascd.msk.f32 $0xffff, v23, v39;
	_ =	sdelay $0x1  }
0x18e: {  	s0 =	simm.s32 $0x6080  }
0x18f: {  	[tilespmem:v16+s0+$0x0] =	vst.idx.msk $0xffff, v21  }
0x190: {  	v21 =	vld.idx.msk [tilespmem:v22+s21+$0x0], $0xffff;
	_ =	sdelay $0x2  }
0x191: {  	v18 =	vsel vm9, v18, v20;
	vm10 =	vle.f32 v59, v58;
	v17 =	vsel vm9, v17, v19  }
0x192: {  	vm11 =	vle.f32 v55, v54;
	v20 =	vsel vm10, v58, v59;
	v19 =	vshll.u32 v38, $0x6;
	(xrf1) =	vsort.ascd.msk.f32 $0xffff, v17, v18  }
0x193: {  	v18 =	vsel vm10, v59, v58;
	v17 =	vadd.s32 v19, v21;
	v19 =	vsel vm10, v37, v57  }
0x194: {  	v21 =	vsel vm10, v57, v37;
	(xrf1) =	vsort.ascd.msk.f32 $0xffff, v18, v19;
	v18 =	vsel vm11, v54, v55  }
0x195: {  	v19 =	vsel vm11, v53, v56;
	(xrf1) =	vsort.ascd.msk.f32 $0xffff, v20, v21  }
0x196: {  	v20 =	vsel vm11, v55, v54;
	v21 =	vsel vm11, v56, v53;
	(xrf1) =	vsort.dscd.msk.f32 $0xffff, v18, v19  }
0x197: {  	(xrf1) =	vsort.dscd.msk.f32 $0xffff, v20, v21  }
0x198: {  	_, v18, _ =	vpop (xrf1)  }
0x199: {  	v19 =	vmul.u32 $0x41, v18  }
0x19a: {  	v20 =	vld.idx.msk [tilespmem:v17+s16+$0x0], $0xffff;
	v17 =	vadd.s32 $0x4BE, v12  }
0x19b: {  	v19 =	vadd.s32 $0x3E, v19;
	_ =	sdelay $0x3  }
0x19c: {  	[tilespmem:v17+s0+$0x0] =	vst.idx.msk $0xffff, v20  }
0x19d: {  	v19 =	vld.idx.msk [tilespmem:v19+s21+$0x0], $0xffff  }
0x19e: {  	_, v20, _ =	vpop (xrf1)  }
0x19f: {  	v21, v22, _ =	vpop (xrf1)  }
0x1a0: {  	v23, v24, _ =	vpop (xrf1)  }
0x1a1: {  	v18 =	vshll.u32 v18, $0x6;
	v40, v41, _ =	vpop (xrf1)  }
0x1a2: {  	v18 =	vadd.s32 v18, v19;
	v43, v42, _ =	vpop (xrf1)  }
0x1a3: {  	vm12 =	vle.f32 v21, v40;
	vm13 =	vle.f32 v23, v43  }
0x1a4: {  	v19 =	vsel vm12, v21, v40;
	v44 =	vsel vm13, v23, v43  }
0x1a5: {  	v45 =	vsel vm12, v22, v41;
	v46 =	vsel vm13, v24, v42;
	vm14 =	vle.f32 v19, v44  }
0x1a6: {  	v47 =	vmul.u32 $0x41, v20;
	v48 =	vsel vm14, v19, v44;
	v49 =	vsel vm14, v45, v46  }
0x1a7: {  	(xrf1) =	vsort.ascd.msk.f32 $0xffff, v48, v49;
	v50 =	vld.idx.msk [tilespmem:v18+s16+$0x0], $0xffff;
	v18 =	vadd.s32 $0x93E, v12  }
0x1a8: {  	v32 =	vadd.s32 $0x3E, v47;
	_ =	sdelay $0x3  }
0x1a9: {  	[tilespmem:v18+s0+$0x0] =	vst.idx.msk $0xffff, v50  }
0x1aa: {  	v32 =	vld.idx.msk [tilespmem:v32+s21+$0x0], $0xffff;
	_ =	sdelay $0x3  }
0x1ab: {  	v20 =	vshll.u32 v20, $0x6  }
0x1ac: {  	v20 =	vadd.s32 v20, v32;
	_ =	sdelay $0x2  }
0x1ad: {  	_, v51, _ =	vpop (xrf1)  }
0x1ae: {  	v29 =	vsel vm14, v44, v19;
	v30 =	vsel vm14, v46, v45;
	v52 =	vmul.u32 $0x41, v51  }
0x1af: {  	v19 =	vadd.s32 $0xDBE, v12;
	(xrf1) =	vsort.ascd.msk.f32 $0xffff, v29, v30;
	v20 =	vld.idx.msk [tilespmem:v20+s16+$0x0], $0xffff  }
0x1b0: {  	v53 =	vadd.s32 $0x3F, v52;
	_ =	sdelay $0x3  }
0x1b1: {  	[tilespmem:v19+s0+$0x0] =	vst.idx.msk $0xffff, v20  }
0x1b2: {  	v20 =	vld.idx.msk [tilespmem:v53+s21+$0x0], $0xffff;
	_ =	sdelay $0x3  }
0x1b3: {  	v54 =	vshll.u32 v51, $0x6  }
0x1b4: {  	v20 =	vadd.s32 v54, v20;
	_ =	sdelay $0x1  }
0x1b5: {  	v21 =	vsel vm12, v40, v21;
	v23 =	vsel vm13, v43, v23  }
0x1b6: {  	v22 =	vsel vm12, v41, v22;
	v24 =	vsel vm13, v42, v24;
	vm15 =	vle.f32 v21, v23;
	_, v55, _ =	vpop (xrf1)  }
0x1b7: {  	v56 =	vsel vm15, v21, v23;
	v57 =	vsel vm15, v22, v24;
	v58 =	vmul.u32 $0x41, v55  }
0x1b8: {  	(xrf1) =	vsort.ascd.msk.f32 $0xffff, v56, v57;
	v59 =	vld.idx.msk [tilespmem:v20+s16+$0x0], $0xffff;
	v20 =	vadd.s32 $0x3F, v12  }
0x1b9: {  	v60 =	vadd.s32 $0x3F, v58;
	_ =	sdelay $0x3  }
0x1ba: {  	[tilespmem:v20+s0+$0x0] =	vst.idx.msk $0xffff, v59  }
0x1bb: {  	v26 =	vld.idx.msk [tilespmem:v60+s21+$0x0], $0xffff;
	_ =	sdelay $0x3  }
0x1bc: {  	v25 =	vshll.u32 v55, $0x6  }
0x1bd: {  	v25 =	vadd.s32 v25, v26;
	_ =	sdelay $0x2  }
0x1be: {  	_, v61, _ =	vpop (xrf1)  }
0x1bf: {  	v21 =	vsel vm15, v23, v21;
	v22 =	vsel vm15, v24, v22;
	v23 =	vmul.u32 $0x41, v61  }
0x1c0: {  	(xrf1) =	vsort.ascd.msk.f32 $0xffff, v21, v22;
	v21 =	vadd.s32 $0x4BF, v12;
	v22 =	vld.idx.msk [tilespmem:v25+s16+$0x0], $0xffff  }
0x1c1: {  	v23 =	vadd.s32 $0x3F, v23;
	_ =	sdelay $0x3  }
0x1c2: {  	[tilespmem:v21+s0+$0x0] =	vst.idx.msk $0xffff, v22  }
0x1c3: {  	v22 =	vld.idx.msk [tilespmem:v23+s21+$0x0], $0xffff;
	_ =	sdelay $0x3  }
0x1c4: {  	v23 =	vshll.u32 v61, $0x6  }
0x1c5: {  	v22 =	vadd.s32 v23, v22;
	_ =	sdelay $0x2  }
0x1c6: {  	_, v23, _ =	vpop (xrf1)  }
0x1c7: {  	v62 =	vmul.u32 $0x41, v23  }
0x1c8: {  	v63 =	vld.idx.msk [tilespmem:v22+s16+$0x0], $0xffff;
	v22 =	vadd.s32 $0x93F, v12  }
0x1c9: {  	v24 =	vadd.s32 $0x3F, v62;
	_ =	sdelay $0x3  }
0x1ca: {  	[tilespmem:v22+s0+$0x0] =	vst.idx.msk $0xffff, v63  }
0x1cb: {  	v24 =	vld.idx.msk [tilespmem:v24+s21+$0x0], $0xffff;
	_ =	sdelay $0x3  }
0x1cc: {  	v23 =	vshll.u32 v23, $0x6  }
0x1cd: {  	v23 =	vadd.s32 v23, v24;
	_ =	sdelay $0x4  }
0x1ce: {  	v24 =	vld.idx.msk [tilespmem:v23+s16+$0x0], $0xffff;
	v23 =	vadd.s32 $0xDBF, v12;
	_ =	sdelay $0x4  }
0x1cf: {  	s1 =	simm.s32 $0x8;
	s4 =	sadd.s32 $0x0, s7;
	s3 =	simm.s32 $0x60C8;
	[tilespmem:v23+s0+$0x0] =	vst.idx.msk $0xffff, v24  }
.LBB2_6:
0x1d0: {  	[hbm4b:s4+s2] =	stream.linear.scatter [tilespmem:s0], [sflag:$0x3], $0x40, $0x38;
	[tilespmem:$0x8480] =	vst v63  }
0x1d1: {  	s4 =	smov.u32 s1;
	s0 =	smov.u32 s3;
	p0 =	sne.s32 s1, $0x1F8  }
.Ltmp2:
0x1d2: {  	s1 =	sadd.s32 $0x8, s1;
	(pc) =	sbr.rel @p0 .LBB2_6-.Ltmp2, $2  }
0x1d3: {  	_ =	sdelay $0x2  }
0x1d4: {  	s3 =	sadd.s32 $0x48, s3;
	s4 =	sadd.s32 s4, s7  }
0x1d5: {  	[hbm4b:s4+s2] =	stream.linear.scatter [tilespmem:s0], [sflag:$0x3], $0x40, $0x38;
	[tilespmem:$0x8480] =	vst v63  }
0x1d6: {  	s1 =	simm.s32 $0x0;
	s8 =	rddreg [dreg:$0x7]  }
0x1d7: {  	[tilespmem:s1], [sflag:$0x1] =	stream.linear.gather [hbm4b:s8+s1], $0x1000, $0x38;
	[tilespmem:$0x8480] =	vst v63  }
0x1d8: {  	s9 =	rddreg [dreg:$0x8]  }
0x1d9: {  	[tilespmem:s16], [sflag:$0x1] =	stream.linear.gather [hbm4b:s9+s1], $0x1000, $0x38;
	[tilespmem:$0x8480] =	vst v63  }
0x1da: {  	_ =	swait.ge [sflag:s23], $0x1000  }
0x1db: {  	[sflag:s23] =	ssyncset.done $0x0  }
0x1dc: {  	[sflag:s23] =	ssyncadd.s32 $0xFFFFF000  }
0x1dd: {  	_ =	swait.ge [sflag:s23], $0x1000  }
0x1de: {  	[sflag:s23] =	ssyncset.done $0x0  }
0x1df: {  	[sflag:s23] =	ssyncadd.s32 $0xFFFFF000  }
0x1e0: {  	v24 =	vld [tilespmem:$0x1000]  }
0x1e1: {  	v25 =	vld [tilespmem:$0x1010]  }
0x1e2: {  	v26 =	vld [tilespmem:$0x1020]  }
0x1e3: {  	v27 =	vld [tilespmem:$0x1030];
	_ =	sdelay $0x1  }
0x1e4: {  	(xrf1) =	vsort.ascd.msk.f32 $0xffff, v24, v0  }
0x1e5: {  	(xrf1) =	vsort.dscd.msk.f32 $0xffff, v25, v2  }
0x1e6: {  	(xrf1) =	vsort.ascd.msk.f32 $0xffff, v26, v3  }
0x1e7: {  	(xrf1) =	vsort.dscd.msk.f32 $0xffff, v27, v4;
	_ =	sdelay $0xa  }
0x1e8: {  	v29, v28, _ =	vpop (xrf1)  }
0x1e9: {  	v31, v30, _ =	vpop (xrf1)  }
0x1ea: {  	v33, v32, _ =	vpop (xrf1)  }
0x1eb: {  	v35, v34, _ =	vpop (xrf1)  }
0x1ec: {  	vm0 =	vle.f32 v33, v35  }
0x1ed: {  	[tilespmem:$0x4000] =	vst v24;
	vm1 =	vle.f32 v29, v31;
	v24 =	vsel vm0, v34, v32;
	v36 =	vsel vm0, v35, v33  }
0x1ee: {  	[tilespmem:$0x4010] =	vst v25;
	v25 =	vsel vm1, v29, v31;
	(xrf1) =	vsort.dscd.msk.f32 $0xffff, v36, v24;
	v24 =	vsel vm1, v28, v30  }
0x1ef: {  	[tilespmem:$0x4020] =	vst v26;
	v26 =	vsel vm0, v32, v34;
	v55 =	vsel vm0, v33, v35;
	(xrf1) =	vsort.ascd.msk.f32 $0xffff, v25, v24  }
0x1f0: {  	v24 =	vsel vm1, v30, v28;
	v25 =	vsel vm1, v31, v29;
	(xrf1) =	vsort.dscd.msk.f32 $0xffff, v55, v26  }
0x1f1: {  	(xrf1) =	vsort.ascd.msk.f32 $0xffff, v25, v24;
	_ =	sdelay $0x3  }
0x1f2: {  	s11 =	simm.s32 $0x1070;
	[tilespmem:$0x4030] =	vst v27  }
0x1f3: {  	v27 =	vld [tilespmem:s11+$0xFFFFFFF0]  }
0x1f4: {  	v28 =	vld [tilespmem:s11+$0x0]  }
0x1f5: {  	v25 =	vld [tilespmem:s11+$0xFFFFFFE0]  }
0x1f6: {  	v24 =	vld [tilespmem:s11+$0xFFFFFFD0];
	_ =	sdelay $0x1  }
0x1f7: {  	(xrf1) =	vsort.ascd.msk.f32 $0xffff, v27, v3  }
0x1f8: {  	(xrf1) =	vsort.dscd.msk.f32 $0xffff, v28, v4;
	v26, v29, _ =	vpop (xrf1)  }
0x1f9: {  	(xrf1) =	vsort.dscd.msk.f32 $0xffff, v25, v2;
	v30, v31, _ =	vpop (xrf1)  }
0x1fa: {  	(xrf1) =	vsort.ascd.msk.f32 $0xffff, v24, v0;
	vm0 =	vle.f32 v30, v26;
	v32, v33, _ =	vpop (xrf1)  }
0x1fb: {  	v56 =	vsel vm0, v31, v29;
	v58, v57, _ =	vpop (xrf1)  }
0x1fc: {  	v37 =	vsel vm0, v26, v30;
	v29 =	vsel vm0, v29, v31;
	vm1 =	vle.f32 v58, v32  }
0x1fd: {  	v26 =	vsel vm0, v30, v26;
	v30 =	vsel vm1, v58, v32;
	v31 =	vsel vm1, v57, v33  }
0x1fe: {  	v32 =	vsel vm1, v32, v58;
	v33 =	vsel vm1, v33, v57;
	vm0 =	vle.f32 v26, v30  }
0x1ff: {  	vm1 =	vle.f32 v37, v32;
	v59 =	vsel vm0, v26, v30;
	v60 =	vsel vm0, v56, v31  }
0x200: {  	v31 =	vsel vm0, v31, v56;
	v26 =	vsel vm0, v30, v26;
	(xrf1) =	vsort.ascd.msk.f32 $0xffff, v59, v60  }
0x201: {  	v62 =	vsel vm1, v37, v32;
	v63 =	vsel vm1, v29, v33;
	(xrf1) =	vsort.ascd.msk.f32 $0xffff, v26, v31  }
0x202: {  	v32 =	vsel vm1, v32, v37;
	v29 =	vsel vm1, v33, v29;
	(xrf1) =	vsort.ascd.msk.f32 $0xffff, v62, v63  }
0x203: {  	(xrf1) =	vsort.ascd.msk.f32 $0xffff, v32, v29;
	_ =	sdelay $0x1  }
0x204: {  	v61, v30, _ =	vpop (xrf1)  }
0x205: {  	s12 =	simm.s32 $0x4041;
	s17 =	simm.s32 $0x41;
	v38, v31, _ =	vpop (xrf1)  }
0x206: {  	s29 =	simm.s32 $0x82;
	s30 =	simm.s32 $0x5081;
	s15 =	sand.u32 $0x3FFF, s17;
	[tilespmem:s12+$0x0] =	vst v24;
	v24, v26, _ =	vpop (xrf1)  }
0x207: {  	s31 =	simm.s32 $0x4082;
	s3 =	simm.s32 $0x10B0;
	s4 =	simm.s32 $0x5081;
	[tilespmem:s15+$0x4010] =	vst v25;
	vm1 =	vle.f32 v61, v38;
	v25, v29, _ =	vpop (xrf1)  }
0x208: {  	s5 =	simm.s32 $0x4082;
	s6 =	simm.s32 $0x82;
	s0 =	simm.s32 $0xC3;
	[tilespmem:s15+$0x4020] =	vst v27;
	v27 =	vsel vm1, v30, v31;
	v31 =	vsel vm1, v31, v30;
	vm0 =	vle.f32 v25, v24  }
0x209: {  	s8 =	simm.s32 $0x5040;
	s9 =	simm.s32 $0x10B0;
	s11 =	simm.s32 $0xC3;
	[tilespmem:s15+$0x4030] =	vst v28;
	v30 =	vsel vm1, v61, v38;
	v32 =	vsel vm1, v38, v61;
	v28 =	vsel vm0, v26, v29  }
.LBB2_8:
0x20a: {  	v33 =	vsel vm0, v25, v24;
	v26 =	vsel vm0, v29, v26;
	s30 =	sadd.s32 $0x41, s30;
	s31 =	sadd.s32 $0x41, s31;
	s3 =	sadd.s32 $0x40, s3;
	(xrf1) =	vsort.dscd.msk.f32 $0xffff, v32, v31  }
0x20b: {  	p0 =	sne.s32 s11, $0xFBE;
	s12 =	smov.u32 s11;
	s11 =	sadd.s32 $0x41, s11;
	(xrf1) =	vsort.ascd.msk.f32 $0xffff, v33, v26  }
0x20c: {  	v25 =	vsel vm0, v24, v25;
	(xrf1) =	vsort.dscd.msk.f32 $0xffff, v30, v27  }
0x20d: {  	(xrf1) =	vsort.ascd.msk.f32 $0xffff, v25, v28;
	_, v24, _ =	vpop (xrf1)  }
0x20e: {  	s15 =	sand.u32 $0xFFF, s1;
	[tilespmem:s8+$0x0] =	vst v24;
	_, v24, _ =	vpop (xrf1);
	s8 =	smov.u32 s4;
	s4 =	smov.u32 s30  }
0x20f: {  	s1 =	smov.u32 s17;
	s17 =	smov.u32 s29;
	s29 =	smov.u32 s12;
	[tilespmem:s15+$0x5050] =	vst v24;
	_, v24, _ =	vpop (xrf1)  }
0x210: {  	[tilespmem:s15+$0x5060] =	vst v24;
	_, v24, _ =	vpop (xrf1)  }
0x211: {  	[tilespmem:s15+$0x5070] =	vst v24  }
0x212: {  	v24 =	vld [tilespmem:s9+$0xFFFFFFF0]  }
0x213: {  	v25 =	vld [tilespmem:s9+$0x0]  }
0x214: {  	v26 =	vld [tilespmem:s9+$0xFFFFFFE0]  }
0x215: {  	v27 =	vld [tilespmem:s9+$0xFFFFFFD0];
	s9 =	smov.u32 s3;
	_ =	sdelay $0x1  }
0x216: {  	(xrf1) =	vsort.ascd.msk.f32 $0xffff, v24, v3  }
0x217: {  	(xrf1) =	vsort.dscd.msk.f32 $0xffff, v25, v4;
	v28, v29, _ =	vpop (xrf1)  }
0x218: {  	(xrf1) =	vsort.dscd.msk.f32 $0xffff, v26, v2;
	v30, v31, _ =	vpop (xrf1)  }
0x219: {  	s12 =	sand.u32 $0x3FFF, s6;
	s6 =	smov.u32 s0;
	[tilespmem:s5+$0x0] =	vst v27;
	vm0 =	vle.f32 v30, v28;
	(xrf1) =	vsort.ascd.msk.f32 $0xffff, v27, v0;
	v27, v32, _ =	vpop (xrf1);
	s5 =	smov.u32 s31  }
0x21a: {  	s0 =	smov.u32 s11;
	[tilespmem:s12+$0x4010] =	vst v26;
	v26 =	vsel vm0, v31, v29;
	v33 =	vsel vm0, v28, v30;
	v29 =	vsel vm0, v29, v31;
	v31, v34, _ =	vpop (xrf1)  }
0x21b: {  	[tilespmem:s12+$0x4020] =	vst v24;
	v24 =	vsel vm0, v30, v28;
	vm0 =	vle.f32 v31, v27  }
0x21c: {  	[tilespmem:s12+$0x4030] =	vst v25;
	v25 =	vsel vm0, v31, v27;
	v28 =	vsel vm0, v34, v32;
	v27 =	vsel vm0, v27, v31  }
0x21d: {  	v30 =	vsel vm0, v32, v34;
	vm0 =	vle.f32 v24, v25;
	vm1 =	vle.f32 v33, v27  }
0x21e: {  	v31 =	vsel vm0, v24, v25;
	v32 =	vsel vm0, v26, v28;
	v26 =	vsel vm0, v28, v26  }
0x21f: {  	v24 =	vsel vm0, v25, v24;
	v25 =	vsel vm1, v33, v27;
	(xrf1) =	vsort.ascd.msk.f32 $0xffff, v31, v32  }
0x220: {  	v28 =	vsel vm1, v29, v30;
	v27 =	vsel vm1, v27, v33;
	(xrf1) =	vsort.ascd.msk.f32 $0xffff, v24, v26  }
0x221: {  	v24 =	vsel vm1, v30, v29;
	(xrf1) =	vsort.ascd.msk.f32 $0xffff, v25, v28  }
0x222: {  	(xrf1) =	vsort.ascd.msk.f32 $0xffff, v27, v24;
	_ =	sdelay $0x1  }
0x223: {  	v32, v28, _ =	vpop (xrf1)  }
.Ltmp3:
0x224: {  	v33, v30, _ =	vpop (xrf1);
	(pc) =	sbr.rel @p0 .LBB2_8-.Ltmp3, $4  }
0x225: {  	v24, v26, _ =	vpop (xrf1)  }
0x226: {  	vm1 =	vle.f32 v32, v33;
	v25, v29, _ =	vpop (xrf1)  }
0x227: {  	v27 =	vsel vm1, v28, v30;
	v31 =	vsel vm1, v30, v28;
	vm0 =	vle.f32 v25, v24  }
0x228: {  	v30 =	vsel vm1, v32, v33;
	v32 =	vsel vm1, v33, v32;
	v28 =	vsel vm0, v26, v29  }
0x229: {  	v33 =	vsel vm0, v25, v24  }
0x22a: {  	v26 =	vsel vm0, v29, v26;
	(xrf1) =	vsort.dscd.msk.f32 $0xffff, v32, v31;
	v24 =	vsel vm0, v24, v25  }
0x22b: {  	(xrf1) =	vsort.ascd.msk.f32 $0xffff, v33, v26  }
0x22c: {  	(xrf1) =	vsort.dscd.msk.f32 $0xffff, v30, v27  }
0x22d: {  	(xrf1) =	vsort.ascd.msk.f32 $0xffff, v24, v28  }
0x22e: {  	_, v24, _ =	vpop (xrf1)  }
0x22f: {  	s1 =	sand.u32 $0xFFF, s1;
	[tilespmem:s8+$0x0] =	vst v24;
	_, v24, _ =	vpop (xrf1)  }
0x230: {  	[tilespmem:s1+$0x5050] =	vst v24;
	_, v24, _ =	vpop (xrf1)  }
0x231: {  	[tilespmem:s1+$0x5060] =	vst v24;
	_, v24, _ =	vpop (xrf1)  }
0x232: {  	[tilespmem:s1+$0x5070] =	vst v24  }
0x233: {  	v24 =	vld [tilespmem:s9+$0xFFFFFFF0]  }
0x234: {  	v25 =	vld [tilespmem:s9+$0x0]  }
0x235: {  	v26 =	vld [tilespmem:s9+$0xFFFFFFE0]  }
0x236: {  	v27 =	vld [tilespmem:s9+$0xFFFFFFD0];
	_ =	sdelay $0x1  }
0x237: {  	(xrf1) =	vsort.ascd.msk.f32 $0xffff, v24, v3;
	v28, v29, _ =	vpop (xrf1)  }
0x238: {  	(xrf1) =	vsort.dscd.msk.f32 $0xffff, v25, v4;
	v30, v31, _ =	vpop (xrf1)  }
0x239: {  	(xrf1) =	vsort.dscd.msk.f32 $0xffff, v26, v2;
	vm14 =	vle.f32 v30, v28;
	v48, v49, _ =	vpop (xrf1)  }
0x23a: {  	(xrf1) =	vsort.ascd.msk.f32 $0xffff, v27, v0;
	v34 =	vsel vm14, v31, v29;
	v35, v36, _ =	vpop (xrf1)  }
0x23b: {  	v37 =	vsel vm14, v28, v30;
	v29 =	vsel vm14, v29, v31;
	vm1 =	vle.f32 v35, v48  }
0x23c: {  	v28 =	vsel vm14, v30, v28;
	v30 =	vsel vm1, v35, v48;
	v31 =	vsel vm1, v36, v49  }
0x23d: {  	v32 =	vsel vm1, v48, v35;
	v33 =	vsel vm1, v49, v36;
	vm0 =	vle.f32 v28, v30  }
0x23e: {  	vm15 =	vle.f32 v37, v32;
	v50 =	vsel vm0, v28, v30;
	v51 =	vsel vm0, v34, v31  }
0x23f: {  	v31 =	vsel vm0, v31, v34;
	v28 =	vsel vm0, v30, v28;
	(xrf1) =	vsort.ascd.msk.f32 $0xffff, v50, v51  }
0x240: {  	v30 =	vsel vm15, v37, v32;
	v52 =	vsel vm15, v29, v33;
	(xrf1) =	vsort.ascd.msk.f32 $0xffff, v28, v31  }
0x241: {  	v29 =	vsel vm15, v33, v29;
	v28 =	vsel vm15, v32, v37;
	(xrf1) =	vsort.ascd.msk.f32 $0xffff, v30, v52  }
0x242: {  	(xrf1) =	vsort.ascd.msk.f32 $0xffff, v28, v29;
	_ =	sdelay $0x6  }
0x243: {  	v28, v29, _ =	vpop (xrf1)  }
0x244: {  	s11 =	sand.u32 $0x3FFF, s6;
	[tilespmem:s5+$0x0] =	vst v27;
	v27, v30, _ =	vpop (xrf1)  }
0x245: {  	[tilespmem:s11+$0x4010] =	vst v26;
	v26, v31, _ =	vpop (xrf1)  }
0x246: {  	[tilespmem:s11+$0x4020] =	vst v24;
	v24, v53, _ =	vpop (xrf1)  }
0x247: {  	[tilespmem:s11+$0x4030] =	vst v25;
	vm4 =	vle.f32 v28, v27;
	_, v25, _ =	vpop (xrf1)  }
0x248: {  	s12 =	sand.u32 $0xFFF, s17;
	v54 =	vsel vm4, v30, v29;
	v55 =	vsel vm4, v27, v28;
	vm5 =	vle.f32 v24, v26;
	[tilespmem:s4+$0x0] =	vst v25;
	_, v25, _ =	vpop (xrf1)  }
0x249: {  	(xrf1) =	vsort.dscd.msk.f32 $0xffff, v55, v54;
	v56 =	vsel vm5, v24, v26;
	v57 =	vsel vm5, v53, v31;
	[tilespmem:s12+$0x5050] =	vst v25;
	_, v25, _ =	vpop (xrf1)  }
0x24a: {  	v29 =	vsel vm4, v29, v30;
	v27 =	vsel vm4, v28, v27;
	(xrf1) =	vsort.ascd.msk.f32 $0xffff, v56, v57;
	[tilespmem:s12+$0x5060] =	vst v25;
	_, v25, _ =	vpop (xrf1)  }
0x24b: {  	v24 =	vsel vm5, v26, v24;
	(xrf1) =	vsort.dscd.msk.f32 $0xffff, v27, v29;
	[tilespmem:s12+$0x5070] =	vst v25;
	v25 =	vsel vm5, v31, v53  }
0x24c: {  	s3 =	sadd.s32 $0x40, s3;
	(xrf1) =	vsort.ascd.msk.f32 $0xffff, v24, v25  }
0x24d: {  	v26 =	vld [tilespmem:s3+$0xFFFFFFF0]  }
0x24e: {  	v24 =	vld [tilespmem:s3+$0x0]  }
0x24f: {  	v25 =	vld [tilespmem:s3+$0xFFFFFFE0]  }
0x250: {  	v27 =	vld [tilespmem:s3+$0xFFFFFFD0];
	_ =	sdelay $0x1  }
0x251: {  	(xrf1) =	vsort.ascd.msk.f32 $0xffff, v26, v3  }
0x252: {  	(xrf1) =	vsort.dscd.msk.f32 $0xffff, v24, v4  }
0x253: {  	(xrf1) =	vsort.dscd.msk.f32 $0xffff, v25, v2  }
0x254: {  	(xrf1) =	vsort.ascd.msk.f32 $0xffff, v27, v0;
	_ =	sdelay $0x1  }
0x255: {  	v28, v29, _ =	vpop (xrf1)  }
0x256: {  	v30, v31, _ =	vpop (xrf1)  }
0x257: {  	v59, v58, _ =	vpop (xrf1)  }
0x258: {  	vm6 =	vle.f32 v30, v28;
	v35, v36, _ =	vpop (xrf1)  }
0x259: {  	v60 =	vsel vm6, v31, v29;
	vm7 =	vle.f32 v35, v59  }
0x25a: {  	v61 =	vsel vm6, v28, v30;
	v28 =	vsel vm6, v30, v28;
	v30 =	vsel vm7, v35, v59  }
0x25b: {  	v29 =	vsel vm6, v29, v31;
	v31 =	vsel vm7, v36, v58;
	vm0 =	vle.f32 v28, v30  }
0x25c: {  	v63 =	vsel vm0, v60, v31;
	v31 =	vsel vm0, v31, v60  }
0x25d: {  	v62 =	vsel vm0, v28, v30;
	v28 =	vsel vm0, v30, v28  }
0x25e: {  	v32 =	vsel vm7, v59, v35;
	v38, v39, _ =	vpop (xrf1)  }
0x25f: {  	vm8 =	vle.f32 v61, v32;
	(xrf1) =	vsort.ascd.msk.f32 $0xffff, v62, v63;
	v30, v41, _ =	vpop (xrf1)  }
0x260: {  	v33 =	vsel vm7, v58, v36;
	v42 =	vsel vm8, v61, v32;
	(xrf1) =	vsort.ascd.msk.f32 $0xffff, v28, v31;
	v28, v31, _ =	vpop (xrf1)  }
0x261: {  	v43 =	vsel vm8, v29, v33;
	v32 =	vsel vm8, v32, v61;
	v29 =	vsel vm8, v33, v29;
	v44, v45, _ =	vpop (xrf1)  }
0x262: {  	(xrf1) =	vsort.ascd.msk.f32 $0xffff, v42, v43;
	vm10 =	vle.f32 v38, v30;
	vm9 =	vle.f32 v44, v28  }
0x263: {  	(xrf1) =	vsort.ascd.msk.f32 $0xffff, v32, v29;
	v29 =	vsel vm9, v44, v28;
	v46 =	vsel vm9, v45, v31  }
0x264: {  	v28 =	vsel vm9, v28, v44;
	v31 =	vsel vm9, v31, v45;
	(xrf1) =	vsort.ascd.msk.f32 $0xffff, v29, v46  }
0x265: {  	v29 =	vsel vm10, v41, v39;
	(xrf1) =	vsort.ascd.msk.f32 $0xffff, v28, v31;
	v28 =	vsel vm10, v30, v38  }
0x266: {  	(xrf1) =	vsort.dscd.msk.f32 $0xffff, v28, v29  }
0x267: {  	v28 =	vsel vm10, v38, v30;
	v29 =	vsel vm10, v39, v41  }
0x268: {  	(xrf1) =	vsort.dscd.msk.f32 $0xffff, v28, v29;
	_ =	sdelay $0x5  }
0x269: {  	_, v28, _ =	vpop (xrf1)  }
0x26a: {  	_, v29, _ =	vpop (xrf1)  }
0x26b: {  	_, v30, _ =	vpop (xrf1)  }
0x26c: {  	_, v31, _ =	vpop (xrf1)  }
0x26d: {  	v32, v47, _ =	vpop (xrf1)  }
0x26e: {  	v49, v48, _ =	vpop (xrf1)  }
0x26f: {  	v51, v50, _ =	vpop (xrf1)  }
0x270: {  	vm11 =	vle.f32 v32, v51  }
0x271: {  	v52, v53, _ =	vpop (xrf1);
	v40 =	vsel vm11, v32, v51  }
0x272: {  	v41 =	vsel vm11, v47, v50;
	v32 =	vsel vm11, v51, v32;
	vm12 =	vle.f32 v49, v52  }
0x273: {  	v33 =	vsel vm11, v50, v47;
	v54 =	vsel vm12, v49, v52;
	v55 =	vsel vm12, v48, v53  }
0x274: {  	v34 =	vsel vm12, v52, v49;
	v35 =	vsel vm12, v53, v48;
	vm13 =	vle.f32 v40, v54  }
0x275: {  	vm14 =	vle.f32 v32, v34;
	v56 =	vsel vm13, v40, v54;
	v57 =	vsel vm13, v41, v55  }
0x276: {  	v36 =	vsel vm13, v54, v40;
	v37 =	vsel vm13, v55, v41;
	(xrf1) =	vsort.ascd.msk.f32 $0xffff, v56, v57  }
0x277: {  	v58 =	vsel vm14, v32, v34;
	v59 =	vsel vm14, v33, v35;
	(xrf1) =	vsort.ascd.msk.f32 $0xffff, v36, v37  }
0x278: {  	v32 =	vsel vm14, v34, v32;
	v33 =	vsel vm14, v35, v33;
	(xrf1) =	vsort.ascd.msk.f32 $0xffff, v58, v59  }
0x279: {  	(xrf1) =	vsort.ascd.msk.f32 $0xffff, v32, v33;
	_ =	sdelay $0x2  }
0x27a: {  	s15 =	sadd.s32 $0x41, s31  }
0x27b: {  	s0 =	sand.u32 $0x3FFF, s0;
	[tilespmem:s15+$0x0] =	vst v27  }
0x27c: {  	[tilespmem:s0+$0x4010] =	vst v25  }
0x27d: {  	[tilespmem:s0+$0x4020] =	vst v26  }
0x27e: {  	s17 =	sadd.s32 $0x41, s30;
	[tilespmem:s0+$0x4030] =	vst v24  }
0x27f: {  	s29 =	sand.u32 $0xFFF, s29;
	[tilespmem:s17+$0x0] =	vst v28  }
0x280: {  	[tilespmem:s29+$0x5050] =	vst v29  }
0x281: {  	[tilespmem:s29+$0x5060] =	vst v30  }
0x282: {  	[tilespmem:s29+$0x5070] =	vst v31;
	_, v24, _ =	vpop (xrf1)  }
0x283: {  	_, v25, _ =	vpop (xrf1);
	[tilespmem:$0x603F] =	vst v24  }
0x284: {  	_, v24, _ =	vpop (xrf1);
	[tilespmem:$0x604F] =	vst v25  }
0x285: {  	_, v25, _ =	vpop (xrf1);
	[tilespmem:$0x605F] =	vst v24  }
0x286: {  	[tilespmem:$0x606F] =	vst v25  }
0x287: {  	v24 =	vld.idx.msk [tilespmem:v5+s20+$0x0], $0xffff  }
0x288: {  	v25 =	vld.idx.msk [tilespmem:v6+s20+$0x0], $0xffff  }
0x289: {  	v26 =	vld.idx.msk [tilespmem:v7+s20+$0x0], $0xffff  }
0x28a: {  	v27 =	vld.idx.msk [tilespmem:v8+s20+$0x0], $0xffff  }
0x28b: {  	v28 =	vld.idx.msk [tilespmem:v1+s20+$0x0], $0xffff  }
0x28c: {  	(xrf1) =	vsort.ascd.msk.f32 $0xffff, v24, v0;
	v24 =	vld.idx.msk [tilespmem:v9+s20+$0x0], $0xffff  }
0x28d: {  	(xrf1) =	vsort.dscd.msk.f32 $0xffff, v25, v2;
	v25 =	vld.idx.msk [tilespmem:v10+s20+$0x0], $0xffff  }
0x28e: {  	(xrf1) =	vsort.ascd.msk.f32 $0xffff, v26, v3;
	v26 =	vld.idx.msk [tilespmem:v11+s20+$0x0], $0xffff  }
0x28f: {  	(xrf1) =	vsort.dscd.msk.f32 $0xffff, v27, v4  }
0x290: {  	(xrf1) =	vsort.ascd.msk.f32 $0xffff, v28, v0  }
0x291: {  	(xrf1) =	vsort.dscd.msk.f32 $0xffff, v24, v2  }
0x292: {  	(xrf1) =	vsort.ascd.msk.f32 $0xffff, v25, v3  }
0x293: {  	(xrf1) =	vsort.dscd.msk.f32 $0xffff, v26, v4;
	_ =	sdelay $0x6  }
0x294: {  	v25, v24, _ =	vpop (xrf1)  }
0x295: {  	v27, v26, _ =	vpop (xrf1)  }
0x296: {  	v29, v28, _ =	vpop (xrf1)  }
0x297: {  	v31, v30, _ =	vpop (xrf1)  }
0x298: {  	v32, v33, _ =	vpop (xrf1)  }
0x299: {  	v60, v61, _ =	vpop (xrf1)  }
0x29a: {  	v36, v37, _ =	vpop (xrf1);
	vm15 =	vle.f32 v32, v60  }
0x29b: {  	v38, v39, _ =	vpop (xrf1);
	v62 =	vsel vm15, v32, v60;
	v63 =	vsel vm15, v33, v61;
	v32 =	vsel vm15, v60, v32  }
0x29c: {  	v33 =	vsel vm15, v61, v33;
	(xrf1) =	vsort.ascd.msk.f32 $0xffff, v62, v63;
	vm4 =	vle.f32 v36, v38  }
0x29d: {  	(xrf1) =	vsort.ascd.msk.f32 $0xffff, v32, v33;
	v43 =	vsel vm4, v38, v36;
	v44 =	vsel vm4, v39, v37  }
0x29e: {  	v45 =	vsel vm4, v36, v38;
	v46 =	vsel vm4, v37, v39;
	(xrf1) =	vsort.dscd.msk.f32 $0xffff, v43, v44  }
0x29f: {  	(xrf1) =	vsort.dscd.msk.f32 $0xffff, v45, v46;
	_ =	sdelay $0x9  }
0x2a0: {  	vm6 =	vle.f32 v25, v27  }
0x2a1: {  	v49 =	vsel vm6, v25, v27;
	v33, v32, _ =	vpop (xrf1)  }
0x2a2: {  	v52 =	vsel vm6, v24, v26;
	v25 =	vsel vm6, v27, v25;
	vm5 =	vle.f32 v29, v31;
	v35, v34, _ =	vpop (xrf1)  }
0x2a3: {  	v24 =	vsel vm6, v26, v24;
	v47 =	vsel vm5, v29, v31;
	v48 =	vsel vm5, v28, v30;
	v50, v51, _ =	vpop (xrf1)  }
0x2a4: {  	v29 =	vsel vm5, v31, v29;
	v28 =	vsel vm5, v30, v28;
	(xrf1) =	vsort.ascd.msk.f32 $0xffff, v49, v52;
	v27, v26, _ =	vpop (xrf1)  }
0x2a5: {  	(xrf1) =	vsort.ascd.msk.f32 $0xffff, v25, v24;
	vm7 =	vle.f32 v33, v50;
	vm8 =	vle.f32 v35, v27  }
0x2a6: {  	(xrf1) =	vsort.dscd.msk.f32 $0xffff, v29, v28;
	v24 =	vsel vm7, v33, v50;
	v25 =	vsel vm8, v35, v27  }
0x2a7: {  	v28 =	vsel vm7, v32, v51;
	v29 =	vsel vm8, v34, v26;
	vm2 =	vle.f32 v24, v25  }
0x2a8: {  	(xrf1) =	vsort.dscd.msk.f32 $0xffff, v47, v48;
	v30 =	vsel vm2, v24, v25;
	v31 =	vsel vm2, v28, v29  }
0x2a9: {  	(xrf1) =	vsort.ascd.msk.f32 $0xffff, v30, v31;
	_ =	sdelay $0x9  }
0x2aa: {  	v30, v31, _ =	vpop (xrf1)  }
0x2ab: {  	v36, v37, _ =	vpop (xrf1)  }
0x2ac: {  	v38, v41, _ =	vpop (xrf1)  }
0x2ad: {  	v33 =	vsel vm7, v50, v33;
	v27 =	vsel vm8, v27, v35;
	v42, v43, _ =	vpop (xrf1)  }
0x2ae: {  	v32 =	vsel vm7, v51, v32;
	v26 =	vsel vm8, v26, v34;
	vm9 =	vle.f32 v33, v27;
	_, v44, _ =	vpop (xrf1)  }
0x2af: {  	v54 =	vsel vm9, v33, v27;
	v39 =	vsel vm9, v32, v26;
	v53 =	vmul.u32 $0x41, v44  }
0x2b0: {  	s30 =	simm.s32 $0x0;
	v24 =	vsel vm2, v25, v24;
	v25 =	vsel vm2, v29, v28;
	(xrf1) =	vsort.ascd.msk.f32 $0xffff, v54, v39  }
0x2b1: {  	(xrf1) =	vsort.ascd.msk.f32 $0xffff, v24, v25;
	v35 =	vadd.s32 s30, v53;
	_ =	sdelay $0x4  }
0x2b2: {  	v24 =	vld.idx.msk [tilespmem:v35+s21+$0x0], $0xffff;
	_ =	sdelay $0x2  }
0x2b3: {  	s31 =	simm.s32 $0x2  }
0x2b4: {  	v28 =	vadd.s32 s31, v10;
	v25 =	vshll.u32 v44, $0x6  }
0x2b5: {  	v24 =	vadd.s32 v25, v24;
	v25 =	vadd.s32 s31, v11;
	_ =	sdelay $0x1  }
0x2b6: {  	v29 =	vadd.s32 s31, v9  }
0x2b7: {  	v55 =	vadd.s32 s31, v1;
	_, v56, _ =	vpop (xrf1)  }
0x2b8: {  	v57 =	vmov s30;
	v28 =	vld.idx.msk [tilespmem:v28+s20+$0x0], $0xffff;
	_, v58, _ =	vpop (xrf1)  }
0x2b9: {  	v39 =	vand.u32 $0x3F, v57;
	v59 =	vmul.u32 $0x41, v58;
	v25 =	vld.idx.msk [tilespmem:v25+s20+$0x0], $0xffff  }
0x2ba: {  	v45 =	vadd.s32 v12, v39;
	v24 =	vld.idx.msk [tilespmem:v24+s18+$0x0], $0xffff  }
0x2bb: {  	v29 =	vld.idx.msk [tilespmem:v29+s20+$0x0], $0xffff;
	v60 =	vadd.s32 s30, v59  }
0x2bc: {  	v61 =	vld.idx.msk [tilespmem:v55+s20+$0x0], $0xffff;
	v27 =	vsel vm9, v27, v33;
	v26 =	vsel vm9, v26, v32  }
0x2bd: {  	(xrf1) =	vsort.ascd.msk.f32 $0xffff, v27, v26  }
0x2be: {  	(xrf1) =	vsort.dscd.msk.f32 $0xffff, v25, v4  }
0x2bf: {  	[tilespmem:v45+s24+$0x0] =	vst.idx.msk $0xffff, v24;
	(xrf1) =	vsort.ascd.msk.f32 $0xffff, v28, v3  }
0x2c0: {  	v24 =	vld.idx.msk [tilespmem:v60+s21+$0x0], $0xffff;
	(xrf1) =	vsort.dscd.msk.f32 $0xffff, v29, v2  }
0x2c1: {  	(xrf1) =	vsort.ascd.msk.f32 $0xffff, v61, v0;
	_ =	sdelay $0x2  }
0x2c2: {  	v25 =	vshll.u32 v58, $0x6  }
0x2c3: {  	v24 =	vadd.s32 v25, v24;
	_ =	sdelay $0x3  }
0x2c4: {  	v25 =	vmul.u32 $0x41, v56  }
0x2c5: {  	v26 =	vadd.s32 v13, v39;
	v24 =	vld.idx.msk [tilespmem:v24+s18+$0x0], $0xffff  }
0x2c6: {  	_, v28, _ =	vpop (xrf1);
	v25 =	vadd.s32 s30, v25  }
0x2c7: {  	v27, v29, _ =	vpop (xrf1)  }
0x2c8: {  	v62, v63, _ =	vpop (xrf1)  }
0x2c9: {  	v48, v49, _ =	vpop (xrf1)  }
0x2ca: {  	[tilespmem:v26+s24+$0x0] =	vst.idx.msk $0xffff, v24;
	v50, v51, _ =	vpop (xrf1)  }
0x2cb: {  	v57 =	vadd.s32 v14, v39;
	vm13 =	vle.f32 v36, v42;
	v24 =	vld.idx.msk [tilespmem:v25+s21+$0x0], $0xffff;
	vm10 =	vle.f32 v50, v48  }
0x2cc: {  	vm11 =	vle.f32 v62, v27;
	v25 =	vsel vm10, v50, v48;
	v26 =	vsel vm10, v51, v49  }
0x2cd: {  	v34 =	vsel vm10, v48, v50;
	v40 =	vsel vm10, v49, v51;
	(xrf1) =	vsort.ascd.msk.f32 $0xffff, v25, v26  }
0x2ce: {  	v25 =	vsel vm11, v27, v62;
	v26 =	vsel vm11, v29, v63;
	(xrf1) =	vsort.ascd.msk.f32 $0xffff, v34, v40  }
0x2cf: {  	vm12 =	vle.f32 v30, v38;
	v52 =	vsel vm13, v42, v36;
	(xrf1) =	vsort.dscd.msk.f32 $0xffff, v25, v26;
	v25 =	vshll.u32 v56, $0x6  }
0x2d0: {  	v27 =	vsel vm11, v62, v27;
	v29 =	vsel vm11, v63, v29;
	v24 =	vadd.s32 v25, v24  }
0x2d1: {  	v53 =	vsel vm13, v43, v37;
	v26 =	vsel vm12, v31, v41;
	v56 =	vmul.u32 $0x41, v28;
	(xrf1) =	vsort.dscd.msk.f32 $0xffff, v27, v29  }
0x2d2: {  	v25 =	vsel vm12, v30, v38;
	v27 =	vsel vm12, v38, v30;
	v30 =	vsel vm13, v36, v42  }
0x2d3: {  	v29 =	vsel vm12, v41, v31;
	v31 =	vsel vm13, v37, v43;
	vm14 =	vle.f32 v25, v30  }
0x2d4: {  	vm15 =	vle.f32 v27, v52;
	v54 =	vsel vm14, v25, v30;
	v55 =	vsel vm14, v26, v31  }
0x2d5: {  	v36 =	vsel vm15, v27, v52;
	v37 =	vsel vm15, v29, v53;
	(xrf1) =	vsort.ascd.msk.f32 $0xffff, v54, v55;
	v24 =	vld.idx.msk [tilespmem:v24+s18+$0x0], $0xffff  }
0x2d6: {  	v25 =	vsel vm14, v30, v25;
	v30 =	vadd.s32 s30, v56;
	(xrf1) =	vsort.ascd.msk.f32 $0xffff, v36, v37  }
0x2d7: {  	v26 =	vsel vm14, v31, v26  }
0x2d8: {  	v27 =	vsel vm15, v52, v27;
	v29 =	vsel vm15, v53, v29;
	(xrf1) =	vsort.ascd.msk.f32 $0xffff, v25, v26  }
0x2d9: {  	(xrf1) =	vsort.ascd.msk.f32 $0xffff, v27, v29  }
0x2da: {  	[tilespmem:v57+s24+$0x0] =	vst.idx.msk $0xffff, v24  }
0x2db: {  	v58 =	vld.idx.msk [tilespmem:v30+s21+$0x0], $0xffff;
	_ =	sdelay $0x3  }
0x2dc: {  	v59 =	vshll.u32 v28, $0x6;
	v27, v26, _ =	vpop (xrf1)  }
0x2dd: {  	v25, v24, _ =	vpop (xrf1);
	v32 =	vadd.s32 v59, v58  }
0x2de: {  	v31, v30, _ =	vpop (xrf1)  }
0x2df: {  	v29, v28, _ =	vpop (xrf1)  }
0x2e0: {  	_, v37, _ =	vpop (xrf1)  }
0x2e1: {  	v60 =	vmul.u32 $0x41, v37;
	_, v61, _ =	vpop (xrf1)  }
0x2e2: {  	s3 =	simm.s32 $0x1;
	v39 =	vadd.s32 v15, v39;
	v62 =	vmul.u32 $0x41, v61;
	v40 =	vld.idx.msk [tilespmem:v32+s18+$0x0], $0xffff  }
0x2e3: {  	v63 =	vmov s3;
	v34 =	vshll.u32 v61, $0x6;
	_, v36, _ =	vpop (xrf1);
	v41 =	vadd.s32 s3, v60  }
0x2e4: {  	s1 =	simm.s32 $0x4;
	s0 =	simm.s32 $0x3;
	v38 =	vmul.u32 $0x41, v36;
	_, v33, _ =	vpop (xrf1);
	v32 =	vand.u32 $0x3F, v63;
	v35 =	vadd.s32 s3, v62  }
.LBB2_10:
0x2e5: {  	_ = 	snop  }
0x2e6: {  	p0 =	sne.s32 s1, $0x3F;
	s4 =	smov.u32 s1;
	s1 =	sadd.s32 $0x1, s1  }
0x2e7: {  	[tilespmem:v39+s24+$0x0] =	vst.idx.msk $0xffff, v40  }
0x2e8: {  	v39 =	vld.idx.msk [tilespmem:v41+s21+$0x0], $0xffff;
	_ =	sdelay $0x3  }
0x2e9: {  	v37 =	vshll.u32 v37, $0x6;
	_ =	sdelay $0x1  }
0x2ea: {  	v37 =	vadd.s32 v37, v39  }
0x2eb: {  	v39 =	vadd.s32 s0, v11  }
0x2ec: {  	v40 =	vadd.s32 s0, v10  }
0x2ed: {  	v41 =	vadd.s32 s0, v9  }
0x2ee: {  	v42 =	vadd.s32 s0, v1;
	s0 =	smov.u32 s4  }
0x2ef: {  	v43 =	vadd.s32 v12, v32;
	v37 =	vld.idx.msk [tilespmem:v37+s18+$0x0], $0xffff  }
0x2f0: {  	v38 =	vadd.s32 s3, v38;
	v39 =	vld.idx.msk [tilespmem:v39+s20+$0x0], $0xffff  }
0x2f1: {  	v40 =	vld.idx.msk [tilespmem:v40+s20+$0x0], $0xffff  }
0x2f2: {  	v41 =	vld.idx.msk [tilespmem:v41+s20+$0x0], $0xffff  }
0x2f3: {  	v42 =	vld.idx.msk [tilespmem:v42+s20+$0x0], $0xffff;
	_ =	sdelay $0x1  }
0x2f4: {  	[tilespmem:v43+s24+$0x0] =	vst.idx.msk $0xffff, v37  }
0x2f5: {  	v37 =	vld.idx.msk [tilespmem:v38+s21+$0x0], $0xffff;
	(xrf1) =	vsort.dscd.msk.f32 $0xffff, v39, v4  }
0x2f6: {  	(xrf1) =	vsort.ascd.msk.f32 $0xffff, v40, v3  }
0x2f7: {  	(xrf1) =	vsort.dscd.msk.f32 $0xffff, v41, v2  }
0x2f8: {  	(xrf1) =	vsort.ascd.msk.f32 $0xffff, v42, v0  }
0x2f9: {  	v36 =	vshll.u32 v36, $0x6;
	_ =	sdelay $0x1  }
0x2fa: {  	v36 =	vadd.s32 v36, v37;
	_ =	sdelay $0x4  }
0x2fb: {  	v37 =	vadd.s32 v13, v32;
	v36 =	vld.idx.msk [tilespmem:v36+s18+$0x0], $0xffff;
	_ =	sdelay $0x2  }
0x2fc: {  	v39, v38, _ =	vpop (xrf1)  }
0x2fd: {  	v41, v40, _ =	vpop (xrf1)  }
0x2fe: {  	v43, v42, _ =	vpop (xrf1)  }
0x2ff: {  	vm0 =	vle.f32 v41, v39;
	[tilespmem:v37+s24+$0x0] =	vst.idx.msk $0xffff, v36;
	v37, v36, _ =	vpop (xrf1)  }
0x300: {  	v44 =	vsel vm0, v41, v39;
	v45 =	vsel vm0, v40, v38;
	vm1 =	vle.f32 v37, v43;
	v35 =	vld.idx.msk [tilespmem:v35+s21+$0x0], $0xffff  }
0x301: {  	v46 =	vsel vm1, v37, v43;
	v47 =	vsel vm1, v36, v42;
	v37 =	vsel vm1, v43, v37  }
0x302: {  	v39 =	vsel vm0, v39, v41;
	v36 =	vsel vm1, v42, v36;
	(xrf1) =	vsort.ascd.msk.f32 $0xffff, v46, v47  }
0x303: {  	v38 =	vsel vm0, v38, v40;
	(xrf1) =	vsort.ascd.msk.f32 $0xffff, v37, v36  }
0x304: {  	(xrf1) =	vsort.dscd.msk.f32 $0xffff, v39, v38  }
0x305: {  	(xrf1) =	vsort.dscd.msk.f32 $0xffff, v44, v45  }
0x306: {  	v34 =	vadd.s32 v34, v35  }
0x307: {  	v35 =	vmul.u32 $0x41, v33  }
0x308: {  	v36 =	vadd.s32 v14, v32  }
0x309: {  	vm0 =	vle.f32 v27, v31;
	vm1 =	vle.f32 v25, v29;
	v35 =	vadd.s32 s3, v35  }
0x30a: {  	v37 =	vsel vm0, v27, v31;
	v27 =	vsel vm0, v31, v27;
	v38 =	vsel vm0, v26, v30  }
0x30b: {  	v31 =	vsel vm1, v24, v28;
	v26 =	vsel vm0, v30, v26;
	v30 =	vsel vm1, v25, v29;
	v34 =	vld.idx.msk [tilespmem:v34+s18+$0x0], $0xffff  }
0x30c: {  	v24 =	vsel vm1, v28, v24;
	v25 =	vsel vm1, v29, v25;
	vm0 =	vle.f32 v37, v30  }
0x30d: {  	vm1 =	vle.f32 v27, v25;
	v28 =	vsel vm0, v37, v30;
	v29 =	vsel vm0, v38, v31  }
0x30e: {  	v39 =	vsel vm1, v27, v25;
	v40 =	vsel vm1, v26, v24;
	(xrf1) =	vsort.ascd.msk.f32 $0xffff, v28, v29  }
0x30f: {  	v28 =	vsel vm0, v30, v37;
	v29 =	vsel vm0, v31, v38;
	(xrf1) =	vsort.ascd.msk.f32 $0xffff, v39, v40  }
0x310: {  	v38 =	vsel vm1, v25, v27;
	v37 =	vsel vm1, v24, v26;
	v27, v26, _ =	vpop (xrf1);
	(xrf1) =	vsort.ascd.msk.f32 $0xffff, v28, v29  }
0x311: {  	v25, v24, _ =	vpop (xrf1);
	(xrf1) =	vsort.ascd.msk.f32 $0xffff, v38, v37;
	[tilespmem:v36+s24+$0x0] =	vst.idx.msk $0xffff, v34  }
0x312: {  	v31, v30, _ =	vpop (xrf1);
	v34 =	vld.idx.msk [tilespmem:v35+s21+$0x0], $0xffff  }
0x313: {  	v29, v28, _ =	vpop (xrf1);
	_ =	sdelay $0x2  }
0x314: {  	v33 =	vshll.u32 v33, $0x6;
	_ =	sdelay $0x1  }
0x315: {  	v33 =	vadd.s32 v33, v34;
	_ =	sdelay $0x3  }
.Ltmp4:
0x316: {  	_, v37, _ =	vpop (xrf1);
	(pc) =	sbr.rel @p0 .LBB2_10-.Ltmp4, $4  }
0x317: {  	s3 =	sadd.s32 $0xFFFFFFFE, s0;
	v39 =	vadd.s32 v15, v32;
	v35 =	vmul.u32 $0x41, v37;
	_, v34, _ =	vpop (xrf1);
	v40 =	vld.idx.msk [tilespmem:v33+s18+$0x0], $0xffff  }
0x318: {  	v32 =	vmov s3;
	v42 =	vmul.u32 $0x41, v34;
	v34 =	vshll.u32 v34, $0x6;
	_, v36, _ =	vpop (xrf1)  }
0x319: {  	v32 =	vand.u32 $0x3F, v32;
	v41 =	vadd.s32 s3, v35;
	v38 =	vmul.u32 $0x41, v36;
	_, v33, _ =	vpop (xrf1)  }
0x31a: {  	v35 =	vadd.s32 s3, v42  }
0x31b: {  	_ =	sdelay $0x3  }
0x31c: {  	[tilespmem:v39+s24+$0x0] =	vst.idx.msk $0xffff, v40  }
0x31d: {  	v39 =	vld.idx.msk [tilespmem:v41+s21+$0x0], $0xffff;
	_ =	sdelay $0x3  }
0x31e: {  	v37 =	vshll.u32 v37, $0x6  }
0x31f: {  	v37 =	vadd.s32 v37, v39;
	_ =	sdelay $0x1  }
0x320: {  	v55 =	vadd.s32 s0, v10  }
0x321: {  	v56 =	vadd.s32 s0, v9  }
0x322: {  	v42 =	vadd.s32 s0, v1  }
0x323: {  	v54 =	vadd.s32 s0, v11;
	v43 =	vadd.s32 v12, v32;
	v37 =	vld.idx.msk [tilespmem:v37+s18+$0x0], $0xffff  }
0x324: {  	v38 =	vadd.s32 s3, v38  }
0x325: {  	v40 =	vld.idx.msk [tilespmem:v55+s20+$0x0], $0xffff  }
0x326: {  	v41 =	vld.idx.msk [tilespmem:v56+s20+$0x0], $0xffff  }
0x327: {  	v42 =	vld.idx.msk [tilespmem:v42+s20+$0x0], $0xffff  }
0x328: {  	v39 =	vld.idx.msk [tilespmem:v54+s20+$0x0], $0xffff;
	[tilespmem:v43+s24+$0x0] =	vst.idx.msk $0xffff, v37  }
0x329: {  	v37 =	vld.idx.msk [tilespmem:v38+s21+$0x0], $0xffff;
	_ =	sdelay $0x3  }
0x32a: {  	v36 =	vshll.u32 v36, $0x6  }
0x32b: {  	v36 =	vadd.s32 v36, v37;
	_ =	sdelay $0x4  }
0x32c: {  	v57 =	vadd.s32 v13, v32;
	v36 =	vld.idx.msk [tilespmem:v36+s18+$0x0], $0xffff;
	_ =	sdelay $0x4  }
0x32d: {  	[tilespmem:v57+s24+$0x0] =	vst.idx.msk $0xffff, v36  }
0x32e: {  	v35 =	vld.idx.msk [tilespmem:v35+s21+$0x0], $0xffff;
	_ =	sdelay $0x4  }
0x32f: {  	vm1 =	vle.f32 v27, v31;
	v34 =	vadd.s32 v34, v35  }
0x330: {  	vm0 =	vle.f32 v25, v29;
	v58 =	vsel vm1, v27, v31;
	(xrf1) =	vsort.dscd.msk.f32 $0xffff, v39, v4  }
0x331: {  	v59 =	vsel vm0, v25, v29;
	v60 =	vsel vm1, v26, v30;
	(xrf1) =	vsort.ascd.msk.f32 $0xffff, v40, v3  }
0x332: {  	v61 =	vsel vm0, v24, v28;
	vm2 =	vle.f32 v58, v59;
	(xrf1) =	vsort.dscd.msk.f32 $0xffff, v41, v2  }
0x333: {  	v62 =	vmul.u32 $0x41, v33;
	v63 =	vsel vm2, v58, v59;
	v45 =	vsel vm2, v60, v61;
	(xrf1) =	vsort.ascd.msk.f32 $0xffff, v42, v0  }
0x334: {  	v46 =	vadd.s32 v14, v32;
	(xrf1) =	vsort.ascd.msk.f32 $0xffff, v63, v45;
	v34 =	vld.idx.msk [tilespmem:v34+s18+$0x0], $0xffff  }
0x335: {  	v39 =	vadd.s32 s3, v62;
	_ =	sdelay $0x3  }
0x336: {  	[tilespmem:v46+s24+$0x0] =	vst.idx.msk $0xffff, v34  }
0x337: {  	v34 =	vld.idx.msk [tilespmem:v39+s21+$0x0], $0xffff;
	_ =	sdelay $0x3  }
0x338: {  	v47 =	vshll.u32 v33, $0x6;
	v39, v40, _ =	vpop (xrf1)  }
0x339: {  	v41, v42, _ =	vpop (xrf1);
	v33 =	vadd.s32 v47, v34  }
0x33a: {  	v48, v43, _ =	vpop (xrf1)  }
0x33b: {  	v44, v45, _ =	vpop (xrf1)  }
0x33c: {  	_, v46, _ =	vpop (xrf1)  }
0x33d: {  	v49 =	vsel vm2, v61, v60;
	v35 =	vsel vm2, v59, v58;
	v50 =	vmul.u32 $0x41, v46  }
0x33e: {  	v51 =	vadd.s32 v15, v32;
	(xrf1) =	vsort.ascd.msk.f32 $0xffff, v35, v49;
	v33 =	vld.idx.msk [tilespmem:v33+s18+$0x0], $0xffff  }
0x33f: {  	v52 =	vadd.s32 $0x3E, v50;
	_ =	sdelay $0x3  }
0x340: {  	[tilespmem:v51+s24+$0x0] =	vst.idx.msk $0xffff, v33  }
0x341: {  	v32 =	vld.idx.msk [tilespmem:v52+s21+$0x0], $0xffff;
	_ =	sdelay $0x3  }
0x342: {  	v53 =	vshll.u32 v46, $0x6  }
0x343: {  	v32 =	vadd.s32 v53, v32;
	_ =	sdelay $0x1  }
0x344: {  	v56 =	vsel vm1, v31, v27;
	v58 =	vsel vm0, v29, v25  }
0x345: {  	v60 =	vsel vm0, v28, v24;
	v57 =	vsel vm1, v30, v26;
	vm9 =	vle.f32 v56, v58;
	_, v54, _ =	vpop (xrf1)  }
0x346: {  	v62 =	vsel vm9, v56, v58;
	v63 =	vsel vm9, v57, v60;
	v55 =	vmul.u32 $0x41, v54  }
0x347: {  	(xrf1) =	vsort.ascd.msk.f32 $0xffff, v62, v63;
	v59 =	vld.idx.msk [tilespmem:v32+s18+$0x0], $0xffff  }
0x348: {  	v61 =	vadd.s32 $0x3E, v55;
	_ =	sdelay $0x2  }
0x349: {  	s0 =	simm.s32 $0x7280  }
0x34a: {  	[tilespmem:v16+s0+$0x0] =	vst.idx.msk $0xffff, v59  }
0x34b: {  	v28 =	vld.idx.msk [tilespmem:v61+s21+$0x0], $0xffff  }
0x34c: {  	v25 =	vsel vm9, v58, v56;
	v24 =	vsel vm9, v60, v57  }
0x34d: {  	(xrf1) =	vsort.ascd.msk.f32 $0xffff, v25, v24;
	vm11 =	vle.f32 v41, v39;
	vm10 =	vle.f32 v44, v48  }
0x34e: {  	v36 =	vsel vm10, v44, v48;
	v37 =	vsel vm10, v45, v43;
	v38 =	vsel vm10, v48, v44  }
0x34f: {  	v44 =	vsel vm10, v43, v45;
	v45 =	vsel vm11, v39, v41;
	(xrf1) =	vsort.ascd.msk.f32 $0xffff, v36, v37;
	v33 =	vshll.u32 v54, $0x6  }
0x350: {  	v46 =	vsel vm11, v40, v42;
	(xrf1) =	vsort.ascd.msk.f32 $0xffff, v38, v44;
	v35 =	vadd.s32 v33, v28  }
0x351: {  	v47 =	vsel vm11, v41, v39;
	v48 =	vsel vm11, v42, v40;
	(xrf1) =	vsort.dscd.msk.f32 $0xffff, v45, v46  }
0x352: {  	(xrf1) =	vsort.dscd.msk.f32 $0xffff, v47, v48  }
0x353: {  	_, v49, _ =	vpop (xrf1)  }
0x354: {  	v50 =	vmul.u32 $0x41, v49  }
0x355: {  	v24 =	vld.idx.msk [tilespmem:v35+s18+$0x0], $0xffff  }
0x356: {  	v26 =	vadd.s32 $0x3E, v50;
	_ =	sdelay $0x3  }
0x357: {  	[tilespmem:v17+s0+$0x0] =	vst.idx.msk $0xffff, v24  }
0x358: {  	v24 =	vld.idx.msk [tilespmem:v26+s21+$0x0], $0xffff  }
0x359: {  	_, v51, _ =	vpop (xrf1)  }
0x35a: {  	v27, v28, _ =	vpop (xrf1)  }
0x35b: {  	v53, v52, _ =	vpop (xrf1)  }
0x35c: {  	v25 =	vshll.u32 v49, $0x6;
	v55, v54, _ =	vpop (xrf1)  }
0x35d: {  	v57, v56, _ =	vpop (xrf1);
	v24 =	vadd.s32 v25, v24  }
0x35e: {  	vm12 =	vle.f32 v27, v55;
	vm13 =	vle.f32 v53, v57  }
0x35f: {  	v58 =	vsel vm12, v27, v55;
	v59 =	vsel vm13, v53, v57  }
0x360: {  	v60 =	vsel vm12, v28, v54;
	v61 =	vsel vm13, v52, v56;
	vm14 =	vle.f32 v58, v59  }
0x361: {  	v62 =	vmul.u32 $0x41, v51;
	v63 =	vsel vm14, v58, v59;
	v44 =	vsel vm14, v60, v61  }
0x362: {  	(xrf1) =	vsort.ascd.msk.f32 $0xffff, v63, v44;
	v24 =	vld.idx.msk [tilespmem:v24+s18+$0x0], $0xffff  }
0x363: {  	v38 =	vadd.s32 $0x3E, v62;
	_ =	sdelay $0x3  }
0x364: {  	[tilespmem:v18+s0+$0x0] =	vst.idx.msk $0xffff, v24  }
0x365: {  	v24 =	vld.idx.msk [tilespmem:v38+s21+$0x0], $0xffff;
	_ =	sdelay $0x3  }
0x366: {  	v26 =	vshll.u32 v51, $0x6  }
0x367: {  	v24 =	vadd.s32 v26, v24;
	_ =	sdelay $0x2  }
0x368: {  	_, v45, _ =	vpop (xrf1)  }
0x369: {  	v34 =	vsel vm14, v59, v58;
	v46 =	vsel vm14, v61, v60;
	v47 =	vmul.u32 $0x41, v45  }
0x36a: {  	(xrf1) =	vsort.ascd.msk.f32 $0xffff, v34, v46;
	v24 =	vld.idx.msk [tilespmem:v24+s18+$0x0], $0xffff  }
0x36b: {  	v48 =	vadd.s32 $0x3F, v47;
	_ =	sdelay $0x3  }
0x36c: {  	[tilespmem:v19+s0+$0x0] =	vst.idx.msk $0xffff, v24  }
0x36d: {  	v24 =	vld.idx.msk [tilespmem:v48+s21+$0x0], $0xffff;
	_ =	sdelay $0x3  }
0x36e: {  	v26 =	vshll.u32 v45, $0x6  }
0x36f: {  	v24 =	vadd.s32 v26, v24;
	_ =	sdelay $0x1  }
0x370: {  	v49 =	vsel vm12, v55, v27;
	v25 =	vsel vm13, v57, v53  }
0x371: {  	v50 =	vsel vm12, v54, v28;
	v51 =	vsel vm13, v56, v52;
	vm15 =	vle.f32 v49, v25;
	_, v52, _ =	vpop (xrf1)  }
0x372: {  	v53 =	vsel vm15, v49, v25;
	v54 =	vsel vm15, v50, v51;
	v55 =	vmul.u32 $0x41, v52  }
0x373: {  	(xrf1) =	vsort.ascd.msk.f32 $0xffff, v53, v54;
	v24 =	vld.idx.msk [tilespmem:v24+s18+$0x0], $0xffff  }
0x374: {  	v56 =	vadd.s32 $0x3F, v55;
	_ =	sdelay $0x3  }
0x375: {  	[tilespmem:v20+s0+$0x0] =	vst.idx.msk $0xffff, v24  }
0x376: {  	v24 =	vld.idx.msk [tilespmem:v56+s21+$0x0], $0xffff;
	_ =	sdelay $0x3  }
0x377: {  	v29 =	vshll.u32 v52, $0x6  }
0x378: {  	v24 =	vadd.s32 v29, v24;
	_ =	sdelay $0x2  }
0x379: {  	_, v57, _ =	vpop (xrf1)  }
0x37a: {  	v25 =	vsel vm15, v25, v49;
	v58 =	vsel vm15, v51, v50;
	v59 =	vmul.u32 $0x41, v57  }
0x37b: {  	(xrf1) =	vsort.ascd.msk.f32 $0xffff, v25, v58;
	v24 =	vld.idx.msk [tilespmem:v24+s18+$0x0], $0xffff  }
0x37c: {  	v60 =	vadd.s32 $0x3F, v59;
	_ =	sdelay $0x3  }
0x37d: {  	[tilespmem:v21+s0+$0x0] =	vst.idx.msk $0xffff, v24  }
0x37e: {  	v24 =	vld.idx.msk [tilespmem:v60+s21+$0x0], $0xffff;
	_ =	sdelay $0x3  }
0x37f: {  	v61 =	vshll.u32 v57, $0x6  }
0x380: {  	v24 =	vadd.s32 v61, v24;
	_ =	sdelay $0x2  }
0x381: {  	_, v62, _ =	vpop (xrf1)  }
0x382: {  	v63 =	vmul.u32 $0x41, v62  }
0x383: {  	v24 =	vld.idx.msk [tilespmem:v24+s18+$0x0], $0xffff  }
0x384: {  	v26 =	vadd.s32 $0x3F, v63;
	_ =	sdelay $0x3  }
0x385: {  	[tilespmem:v22+s0+$0x0] =	vst.idx.msk $0xffff, v24  }
0x386: {  	v24 =	vld.idx.msk [tilespmem:v26+s21+$0x0], $0xffff;
	_ =	sdelay $0x3  }
0x387: {  	v25 =	vshll.u32 v62, $0x6  }
0x388: {  	v24 =	vadd.s32 v25, v24;
	_ =	sdelay $0x4  }
0x389: {  	v24 =	vld.idx.msk [tilespmem:v24+s18+$0x0], $0xffff;
	_ =	sdelay $0x4  }
0x38a: {  	s1 =	simm.s32 $0x8;
	s4 =	sadd.s32 $0x0, s10;
	s3 =	simm.s32 $0x72C8;
	[tilespmem:v23+s0+$0x0] =	vst.idx.msk $0xffff, v24  }
.LBB2_12:
0x38b: {  	[hbm4b:s4+s2] =	stream.linear.scatter [tilespmem:s0], [sflag:$0x4], $0x40, $0x38;
	[tilespmem:$0x8480] =	vst v63  }
0x38c: {  	s4 =	smov.u32 s1;
	s0 =	smov.u32 s3;
	p0 =	sne.s32 s1, $0x1F8  }
.Ltmp5:
0x38d: {  	s1 =	sadd.s32 $0x8, s1;
	(pc) =	sbr.rel @p0 .LBB2_12-.Ltmp5, $2  }
0x38e: {  	_ =	sdelay $0x2  }
0x38f: {  	s3 =	sadd.s32 $0x48, s3;
	s4 =	sadd.s32 s4, s10  }
0x390: {  	[hbm4b:s4+s2] =	stream.linear.scatter [tilespmem:s0], [sflag:$0x4], $0x40, $0x38;
	[tilespmem:$0x8480] =	vst v63  }
0x391: {  	s1 =	simm.s32 $0x0;
	s8 =	rddreg [dreg:$0x9];
	s3 =	simm.s32 $0x1000  }
0x392: {  	[tilespmem:s3], [sflag:$0x2] =	stream.linear.gather [hbm4b:s8+s1], $0x1000, $0x38;
	[tilespmem:$0x8480] =	vst v63  }
0x393: {  	s9 =	rddreg [dreg:$0xa]  }
0x394: {  	[tilespmem:s18], [sflag:$0x2] =	stream.linear.gather [hbm4b:s9+s1], $0x1000, $0x38;
	[tilespmem:$0x8480] =	vst v63  }
0x395: {  	_ =	swait.ge [sflag:s19], $0x1000  }
0x396: {  	[sflag:s19] =	ssyncset.done $0x0  }
0x397: {  	[sflag:s19] =	ssyncadd.s32 $0xFFFFF000  }
0x398: {  	_ =	swait.ge [sflag:s19], $0x1000  }
0x399: {  	[sflag:s19] =	ssyncset.done $0x0  }
0x39a: {  	[sflag:s19] =	ssyncadd.s32 $0xFFFFF000  }
0x39b: {  	_ =	swait.ge [sflag:s25], $0x1000  }
0x39c: {  	[sflag:s25] =	ssyncset.done $0x0  }
0x39d: {  	[sflag:s25] =	ssyncadd.s32 $0xFFFFF000  }
0x39e: {  	v24 =	vld [tilespmem:$0x0]  }
0x39f: {  	v25 =	vld [tilespmem:$0x10]  }
0x3a0: {  	v26 =	vld [tilespmem:$0x20]  }
0x3a1: {  	v27 =	vld [tilespmem:$0x30];
	_ =	sdelay $0x1  }
0x3a2: {  	(xrf1) =	vsort.ascd.msk.f32 $0xffff, v24, v0  }
0x3a3: {  	(xrf1) =	vsort.dscd.msk.f32 $0xffff, v25, v2  }
0x3a4: {  	(xrf1) =	vsort.ascd.msk.f32 $0xffff, v26, v3  }
0x3a5: {  	(xrf1) =	vsort.dscd.msk.f32 $0xffff, v27, v4;
	_ =	sdelay $0xa  }
0x3a6: {  	v29, v28, _ =	vpop (xrf1)  }
0x3a7: {  	v31, v30, _ =	vpop (xrf1)  }
0x3a8: {  	v33, v32, _ =	vpop (xrf1)  }
0x3a9: {  	v35, v34, _ =	vpop (xrf1)  }
0x3aa: {  	vm0 =	vle.f32 v33, v35  }
0x3ab: {  	[tilespmem:$0x4000] =	vst v24;
	vm1 =	vle.f32 v29, v31;
	v24 =	vsel vm0, v34, v32;
	v36 =	vsel vm0, v35, v33  }
0x3ac: {  	[tilespmem:$0x4010] =	vst v25;
	v25 =	vsel vm1, v29, v31;
	(xrf1) =	vsort.dscd.msk.f32 $0xffff, v36, v24;
	v24 =	vsel vm1, v28, v30  }
0x3ad: {  	[tilespmem:$0x4020] =	vst v26;
	v26 =	vsel vm0, v32, v34;
	v55 =	vsel vm0, v33, v35;
	(xrf1) =	vsort.ascd.msk.f32 $0xffff, v25, v24  }
0x3ae: {  	v24 =	vsel vm1, v30, v28;
	v25 =	vsel vm1, v31, v29;
	(xrf1) =	vsort.dscd.msk.f32 $0xffff, v55, v26  }
0x3af: {  	(xrf1) =	vsort.ascd.msk.f32 $0xffff, v25, v24;
	_ =	sdelay $0x3  }
0x3b0: {  	s11 =	simm.s32 $0x70;
	[tilespmem:$0x4030] =	vst v27  }
0x3b1: {  	v27 =	vld [tilespmem:s11+$0xFFFFFFF0]  }
0x3b2: {  	v28 =	vld [tilespmem:s11+$0x0]  }
0x3b3: {  	v25 =	vld [tilespmem:s11+$0xFFFFFFE0]  }
0x3b4: {  	v24 =	vld [tilespmem:s11+$0xFFFFFFD0];
	_ =	sdelay $0x1  }
0x3b5: {  	(xrf1) =	vsort.ascd.msk.f32 $0xffff, v27, v3  }
0x3b6: {  	(xrf1) =	vsort.dscd.msk.f32 $0xffff, v28, v4;
	v26, v29, _ =	vpop (xrf1)  }
0x3b7: {  	(xrf1) =	vsort.dscd.msk.f32 $0xffff, v25, v2;
	v30, v31, _ =	vpop (xrf1)  }
0x3b8: {  	(xrf1) =	vsort.ascd.msk.f32 $0xffff, v24, v0;
	vm0 =	vle.f32 v30, v26;
	v32, v33, _ =	vpop (xrf1)  }
0x3b9: {  	v56 =	vsel vm0, v31, v29;
	v58, v57, _ =	vpop (xrf1)  }
0x3ba: {  	v37 =	vsel vm0, v26, v30;
	v29 =	vsel vm0, v29, v31;
	vm1 =	vle.f32 v58, v32  }
0x3bb: {  	v26 =	vsel vm0, v30, v26;
	v30 =	vsel vm1, v58, v32;
	v31 =	vsel vm1, v57, v33  }
0x3bc: {  	v32 =	vsel vm1, v32, v58;
	v33 =	vsel vm1, v33, v57;
	vm0 =	vle.f32 v26, v30  }
0x3bd: {  	vm1 =	vle.f32 v37, v32;
	v59 =	vsel vm0, v26, v30;
	v60 =	vsel vm0, v56, v31  }
0x3be: {  	v31 =	vsel vm0, v31, v56;
	v26 =	vsel vm0, v30, v26;
	(xrf1) =	vsort.ascd.msk.f32 $0xffff, v59, v60  }
0x3bf: {  	v62 =	vsel vm1, v37, v32;
	v63 =	vsel vm1, v29, v33;
	(xrf1) =	vsort.ascd.msk.f32 $0xffff, v26, v31  }
0x3c0: {  	v32 =	vsel vm1, v32, v37;
	v29 =	vsel vm1, v33, v29;
	(xrf1) =	vsort.ascd.msk.f32 $0xffff, v62, v63  }
0x3c1: {  	(xrf1) =	vsort.ascd.msk.f32 $0xffff, v32, v29;
	_ =	sdelay $0x1  }
0x3c2: {  	v61, v30, _ =	vpop (xrf1)  }
0x3c3: {  	s12 =	simm.s32 $0x4041;
	s17 =	simm.s32 $0x41;
	v38, v31, _ =	vpop (xrf1)  }
0x3c4: {  	s29 =	simm.s32 $0x82;
	s30 =	simm.s32 $0x5081;
	s15 =	sand.u32 $0x3FFF, s17;
	[tilespmem:s12+$0x0] =	vst v24;
	v24, v26, _ =	vpop (xrf1)  }
0x3c5: {  	s31 =	simm.s32 $0x4082;
	s4 =	simm.s32 $0x5081;
	s5 =	simm.s32 $0x4082;
	[tilespmem:s15+$0x4010] =	vst v25;
	vm1 =	vle.f32 v61, v38;
	v25, v29, _ =	vpop (xrf1)  }
0x3c6: {  	s6 =	simm.s32 $0x82;
	s0 =	simm.s32 $0xC3;
	s8 =	simm.s32 $0x5040;
	[tilespmem:s15+$0x4020] =	vst v27;
	v27 =	vsel vm1, v30, v31;
	v31 =	vsel vm1, v31, v30;
	vm0 =	vle.f32 v25, v24  }
0x3c7: {  	s3 =	simm.s32 $0xB0;
	s9 =	simm.s32 $0xB0;
	s11 =	simm.s32 $0xC3;
	[tilespmem:s15+$0x4030] =	vst v28;
	v30 =	vsel vm1, v61, v38;
	v32 =	vsel vm1, v38, v61;
	v28 =	vsel vm0, v26, v29  }
.LBB2_14:
0x3c8: {  	v33 =	vsel vm0, v25, v24;
	v26 =	vsel vm0, v29, v26;
	s30 =	sadd.s32 $0x41, s30;
	s31 =	sadd.s32 $0x41, s31;
	s3 =	sadd.s32 $0x40, s3;
	(xrf1) =	vsort.dscd.msk.f32 $0xffff, v32, v31  }
0x3c9: {  	p0 =	sne.s32 s11, $0xFBE;
	s12 =	smov.u32 s11;
	s11 =	sadd.s32 $0x41, s11;
	(xrf1) =	vsort.ascd.msk.f32 $0xffff, v33, v26  }
0x3ca: {  	v25 =	vsel vm0, v24, v25;
	(xrf1) =	vsort.dscd.msk.f32 $0xffff, v30, v27  }
0x3cb: {  	(xrf1) =	vsort.ascd.msk.f32 $0xffff, v25, v28;
	_, v24, _ =	vpop (xrf1)  }
0x3cc: {  	s15 =	sand.u32 $0xFFF, s1;
	[tilespmem:s8+$0x0] =	vst v24;
	_, v24, _ =	vpop (xrf1);
	s8 =	smov.u32 s4;
	s4 =	smov.u32 s30  }
0x3cd: {  	s1 =	smov.u32 s17;
	s17 =	smov.u32 s29;
	s29 =	smov.u32 s12;
	[tilespmem:s15+$0x5050] =	vst v24;
	_, v24, _ =	vpop (xrf1)  }
0x3ce: {  	[tilespmem:s15+$0x5060] =	vst v24;
	_, v24, _ =	vpop (xrf1)  }
0x3cf: {  	[tilespmem:s15+$0x5070] =	vst v24  }
0x3d0: {  	v24 =	vld [tilespmem:s9+$0xFFFFFFF0]  }
0x3d1: {  	v25 =	vld [tilespmem:s9+$0x0]  }
0x3d2: {  	v26 =	vld [tilespmem:s9+$0xFFFFFFE0]  }
0x3d3: {  	v27 =	vld [tilespmem:s9+$0xFFFFFFD0];
	s9 =	smov.u32 s3;
	_ =	sdelay $0x1  }
0x3d4: {  	(xrf1) =	vsort.ascd.msk.f32 $0xffff, v24, v3  }
0x3d5: {  	(xrf1) =	vsort.dscd.msk.f32 $0xffff, v25, v4;
	v28, v29, _ =	vpop (xrf1)  }
0x3d6: {  	(xrf1) =	vsort.dscd.msk.f32 $0xffff, v26, v2;
	v30, v31, _ =	vpop (xrf1)  }
0x3d7: {  	s12 =	sand.u32 $0x3FFF, s6;
	s6 =	smov.u32 s0;
	[tilespmem:s5+$0x0] =	vst v27;
	vm0 =	vle.f32 v30, v28;
	(xrf1) =	vsort.ascd.msk.f32 $0xffff, v27, v0;
	v27, v32, _ =	vpop (xrf1);
	s5 =	smov.u32 s31  }
0x3d8: {  	s0 =	smov.u32 s11;
	[tilespmem:s12+$0x4010] =	vst v26;
	v26 =	vsel vm0, v31, v29;
	v33 =	vsel vm0, v28, v30;
	v29 =	vsel vm0, v29, v31;
	v31, v34, _ =	vpop (xrf1)  }
0x3d9: {  	[tilespmem:s12+$0x4020] =	vst v24;
	v24 =	vsel vm0, v30, v28;
	vm0 =	vle.f32 v31, v27  }
0x3da: {  	[tilespmem:s12+$0x4030] =	vst v25;
	v25 =	vsel vm0, v31, v27;
	v28 =	vsel vm0, v34, v32;
	v27 =	vsel vm0, v27, v31  }
0x3db: {  	v30 =	vsel vm0, v32, v34;
	vm0 =	vle.f32 v24, v25;
	vm1 =	vle.f32 v33, v27  }
0x3dc: {  	v31 =	vsel vm0, v24, v25;
	v32 =	vsel vm0, v26, v28;
	v26 =	vsel vm0, v28, v26  }
0x3dd: {  	v24 =	vsel vm0, v25, v24;
	v25 =	vsel vm1, v33, v27;
	(xrf1) =	vsort.ascd.msk.f32 $0xffff, v31, v32  }
0x3de: {  	v28 =	vsel vm1, v29, v30;
	v27 =	vsel vm1, v27, v33;
	(xrf1) =	vsort.ascd.msk.f32 $0xffff, v24, v26  }
0x3df: {  	v24 =	vsel vm1, v30, v29;
	(xrf1) =	vsort.ascd.msk.f32 $0xffff, v25, v28  }
0x3e0: {  	(xrf1) =	vsort.ascd.msk.f32 $0xffff, v27, v24;
	_ =	sdelay $0x1  }
0x3e1: {  	v32, v28, _ =	vpop (xrf1)  }
.Ltmp6:
0x3e2: {  	v33, v30, _ =	vpop (xrf1);
	(pc) =	sbr.rel @p0 .LBB2_14-.Ltmp6, $4  }
0x3e3: {  	v24, v26, _ =	vpop (xrf1)  }
0x3e4: {  	vm1 =	vle.f32 v32, v33;
	v25, v29, _ =	vpop (xrf1)  }
0x3e5: {  	v27 =	vsel vm1, v28, v30;
	v31 =	vsel vm1, v30, v28;
	vm0 =	vle.f32 v25, v24  }
0x3e6: {  	v30 =	vsel vm1, v32, v33;
	v32 =	vsel vm1, v33, v32;
	v28 =	vsel vm0, v26, v29  }
0x3e7: {  	v33 =	vsel vm0, v25, v24  }
0x3e8: {  	v26 =	vsel vm0, v29, v26;
	(xrf1) =	vsort.dscd.msk.f32 $0xffff, v32, v31;
	v24 =	vsel vm0, v24, v25  }
0x3e9: {  	(xrf1) =	vsort.ascd.msk.f32 $0xffff, v33, v26  }
0x3ea: {  	(xrf1) =	vsort.dscd.msk.f32 $0xffff, v30, v27  }
0x3eb: {  	(xrf1) =	vsort.ascd.msk.f32 $0xffff, v24, v28  }
0x3ec: {  	_, v24, _ =	vpop (xrf1)  }
0x3ed: {  	s1 =	sand.u32 $0xFFF, s1;
	[tilespmem:s8+$0x0] =	vst v24;
	_, v24, _ =	vpop (xrf1)  }
0x3ee: {  	[tilespmem:s1+$0x5050] =	vst v24;
	_, v24, _ =	vpop (xrf1)  }
0x3ef: {  	[tilespmem:s1+$0x5060] =	vst v24;
	_, v24, _ =	vpop (xrf1)  }
0x3f0: {  	[tilespmem:s1+$0x5070] =	vst v24  }
0x3f1: {  	v24 =	vld [tilespmem:s9+$0xFFFFFFF0]  }
0x3f2: {  	v25 =	vld [tilespmem:s9+$0x0]  }
0x3f3: {  	v26 =	vld [tilespmem:s9+$0xFFFFFFE0]  }
0x3f4: {  	v27 =	vld [tilespmem:s9+$0xFFFFFFD0];
	_ =	sdelay $0x1  }
0x3f5: {  	(xrf1) =	vsort.ascd.msk.f32 $0xffff, v24, v3;
	v28, v29, _ =	vpop (xrf1)  }
0x3f6: {  	(xrf1) =	vsort.dscd.msk.f32 $0xffff, v25, v4;
	v30, v31, _ =	vpop (xrf1)  }
0x3f7: {  	(xrf1) =	vsort.dscd.msk.f32 $0xffff, v26, v2;
	vm14 =	vle.f32 v30, v28;
	v48, v49, _ =	vpop (xrf1)  }
0x3f8: {  	(xrf1) =	vsort.ascd.msk.f32 $0xffff, v27, v0;
	v34 =	vsel vm14, v31, v29;
	v35, v36, _ =	vpop (xrf1)  }
0x3f9: {  	v37 =	vsel vm14, v28, v30;
	v29 =	vsel vm14, v29, v31;
	vm1 =	vle.f32 v35, v48  }
0x3fa: {  	v28 =	vsel vm14, v30, v28;
	v30 =	vsel vm1, v35, v48;
	v31 =	vsel vm1, v36, v49  }
0x3fb: {  	v32 =	vsel vm1, v48, v35;
	v33 =	vsel vm1, v49, v36;
	vm0 =	vle.f32 v28, v30  }
0x3fc: {  	vm15 =	vle.f32 v37, v32;
	v50 =	vsel vm0, v28, v30;
	v51 =	vsel vm0, v34, v31  }
0x3fd: {  	v31 =	vsel vm0, v31, v34;
	v28 =	vsel vm0, v30, v28;
	(xrf1) =	vsort.ascd.msk.f32 $0xffff, v50, v51  }
0x3fe: {  	v30 =	vsel vm15, v37, v32;
	v52 =	vsel vm15, v29, v33;
	(xrf1) =	vsort.ascd.msk.f32 $0xffff, v28, v31  }
0x3ff: {  	v29 =	vsel vm15, v33, v29;
	v28 =	vsel vm15, v32, v37;
	(xrf1) =	vsort.ascd.msk.f32 $0xffff, v30, v52  }
0x400: {  	(xrf1) =	vsort.ascd.msk.f32 $0xffff, v28, v29;
	_ =	sdelay $0x6  }
0x401: {  	v28, v29, _ =	vpop (xrf1)  }
0x402: {  	s11 =	sand.u32 $0x3FFF, s6;
	[tilespmem:s5+$0x0] =	vst v27;
	v27, v30, _ =	vpop (xrf1)  }
0x403: {  	[tilespmem:s11+$0x4010] =	vst v26;
	v26, v31, _ =	vpop (xrf1)  }
0x404: {  	[tilespmem:s11+$0x4020] =	vst v24;
	v24, v53, _ =	vpop (xrf1)  }
0x405: {  	[tilespmem:s11+$0x4030] =	vst v25;
	vm4 =	vle.f32 v28, v27;
	_, v25, _ =	vpop (xrf1)  }
0x406: {  	s12 =	sand.u32 $0xFFF, s17;
	v54 =	vsel vm4, v30, v29;
	v55 =	vsel vm4, v27, v28;
	vm5 =	vle.f32 v24, v26;
	[tilespmem:s4+$0x0] =	vst v25;
	_, v25, _ =	vpop (xrf1)  }
0x407: {  	(xrf1) =	vsort.dscd.msk.f32 $0xffff, v55, v54;
	v56 =	vsel vm5, v24, v26;
	v57 =	vsel vm5, v53, v31;
	[tilespmem:s12+$0x5050] =	vst v25;
	_, v25, _ =	vpop (xrf1)  }
0x408: {  	v29 =	vsel vm4, v29, v30;
	v27 =	vsel vm4, v28, v27;
	(xrf1) =	vsort.ascd.msk.f32 $0xffff, v56, v57;
	[tilespmem:s12+$0x5060] =	vst v25;
	_, v25, _ =	vpop (xrf1)  }
0x409: {  	v24 =	vsel vm5, v26, v24;
	(xrf1) =	vsort.dscd.msk.f32 $0xffff, v27, v29;
	[tilespmem:s12+$0x5070] =	vst v25;
	v25 =	vsel vm5, v31, v53  }
0x40a: {  	s3 =	sadd.s32 $0x40, s3;
	(xrf1) =	vsort.ascd.msk.f32 $0xffff, v24, v25  }
0x40b: {  	v26 =	vld [tilespmem:s3+$0xFFFFFFF0]  }
0x40c: {  	v24 =	vld [tilespmem:s3+$0x0]  }
0x40d: {  	v25 =	vld [tilespmem:s3+$0xFFFFFFE0]  }
0x40e: {  	v27 =	vld [tilespmem:s3+$0xFFFFFFD0];
	_ =	sdelay $0x1  }
0x40f: {  	(xrf1) =	vsort.ascd.msk.f32 $0xffff, v26, v3  }
0x410: {  	(xrf1) =	vsort.dscd.msk.f32 $0xffff, v24, v4  }
0x411: {  	(xrf1) =	vsort.dscd.msk.f32 $0xffff, v25, v2  }
0x412: {  	(xrf1) =	vsort.ascd.msk.f32 $0xffff, v27, v0;
	_ =	sdelay $0x1  }
0x413: {  	v28, v29, _ =	vpop (xrf1)  }
0x414: {  	v30, v31, _ =	vpop (xrf1)  }
0x415: {  	v59, v58, _ =	vpop (xrf1)  }
0x416: {  	vm6 =	vle.f32 v30, v28;
	v35, v36, _ =	vpop (xrf1)  }
0x417: {  	v60 =	vsel vm6, v31, v29;
	vm7 =	vle.f32 v35, v59  }
0x418: {  	v61 =	vsel vm6, v28, v30;
	v28 =	vsel vm6, v30, v28;
	v30 =	vsel vm7, v35, v59  }
0x419: {  	v29 =	vsel vm6, v29, v31;
	v31 =	vsel vm7, v36, v58;
	vm0 =	vle.f32 v28, v30  }
0x41a: {  	v63 =	vsel vm0, v60, v31;
	v31 =	vsel vm0, v31, v60  }
0x41b: {  	v62 =	vsel vm0, v28, v30;
	v28 =	vsel vm0, v30, v28  }
0x41c: {  	v32 =	vsel vm7, v59, v35;
	v38, v39, _ =	vpop (xrf1)  }
0x41d: {  	vm8 =	vle.f32 v61, v32;
	(xrf1) =	vsort.ascd.msk.f32 $0xffff, v62, v63;
	v30, v41, _ =	vpop (xrf1)  }
0x41e: {  	v33 =	vsel vm7, v58, v36;
	v42 =	vsel vm8, v61, v32;
	(xrf1) =	vsort.ascd.msk.f32 $0xffff, v28, v31;
	v28, v31, _ =	vpop (xrf1)  }
0x41f: {  	v43 =	vsel vm8, v29, v33;
	v32 =	vsel vm8, v32, v61;
	v29 =	vsel vm8, v33, v29;
	v44, v45, _ =	vpop (xrf1)  }
0x420: {  	(xrf1) =	vsort.ascd.msk.f32 $0xffff, v42, v43;
	vm10 =	vle.f32 v38, v30;
	vm9 =	vle.f32 v44, v28  }
0x421: {  	(xrf1) =	vsort.ascd.msk.f32 $0xffff, v32, v29;
	v29 =	vsel vm9, v44, v28;
	v46 =	vsel vm9, v45, v31  }
0x422: {  	v28 =	vsel vm9, v28, v44;
	v31 =	vsel vm9, v31, v45;
	(xrf1) =	vsort.ascd.msk.f32 $0xffff, v29, v46  }
0x423: {  	v29 =	vsel vm10, v41, v39;
	(xrf1) =	vsort.ascd.msk.f32 $0xffff, v28, v31;
	v28 =	vsel vm10, v30, v38  }
0x424: {  	(xrf1) =	vsort.dscd.msk.f32 $0xffff, v28, v29  }
0x425: {  	v28 =	vsel vm10, v38, v30;
	v29 =	vsel vm10, v39, v41  }
0x426: {  	(xrf1) =	vsort.dscd.msk.f32 $0xffff, v28, v29;
	_ =	sdelay $0x5  }
0x427: {  	_, v28, _ =	vpop (xrf1)  }
0x428: {  	_, v29, _ =	vpop (xrf1)  }
0x429: {  	_, v30, _ =	vpop (xrf1)  }
0x42a: {  	_, v31, _ =	vpop (xrf1)  }
0x42b: {  	v32, v47, _ =	vpop (xrf1)  }
0x42c: {  	v49, v48, _ =	vpop (xrf1)  }
0x42d: {  	v51, v50, _ =	vpop (xrf1)  }
0x42e: {  	vm11 =	vle.f32 v32, v51  }
0x42f: {  	v52, v53, _ =	vpop (xrf1);
	v40 =	vsel vm11, v32, v51  }
0x430: {  	v41 =	vsel vm11, v47, v50;
	v32 =	vsel vm11, v51, v32;
	vm12 =	vle.f32 v49, v52  }
0x431: {  	v33 =	vsel vm11, v50, v47;
	v54 =	vsel vm12, v49, v52;
	v55 =	vsel vm12, v48, v53  }
0x432: {  	v34 =	vsel vm12, v52, v49;
	v35 =	vsel vm12, v53, v48;
	vm13 =	vle.f32 v40, v54  }
0x433: {  	vm14 =	vle.f32 v32, v34;
	v56 =	vsel vm13, v40, v54;
	v57 =	vsel vm13, v41, v55  }
0x434: {  	v36 =	vsel vm13, v54, v40;
	v37 =	vsel vm13, v55, v41;
	(xrf1) =	vsort.ascd.msk.f32 $0xffff, v56, v57  }
0x435: {  	v58 =	vsel vm14, v32, v34;
	v59 =	vsel vm14, v33, v35;
	(xrf1) =	vsort.ascd.msk.f32 $0xffff, v36, v37  }
0x436: {  	v32 =	vsel vm14, v34, v32;
	v33 =	vsel vm14, v35, v33;
	(xrf1) =	vsort.ascd.msk.f32 $0xffff, v58, v59  }
0x437: {  	(xrf1) =	vsort.ascd.msk.f32 $0xffff, v32, v33;
	_ =	sdelay $0x2  }
0x438: {  	s15 =	sadd.s32 $0x41, s31  }
0x439: {  	s0 =	sand.u32 $0x3FFF, s0;
	[tilespmem:s15+$0x0] =	vst v27  }
0x43a: {  	[tilespmem:s0+$0x4010] =	vst v25  }
0x43b: {  	[tilespmem:s0+$0x4020] =	vst v26  }
0x43c: {  	s17 =	sadd.s32 $0x41, s30;
	[tilespmem:s0+$0x4030] =	vst v24  }
0x43d: {  	s29 =	sand.u32 $0xFFF, s29;
	[tilespmem:s17+$0x0] =	vst v28  }
0x43e: {  	[tilespmem:s29+$0x5050] =	vst v29  }
0x43f: {  	[tilespmem:s29+$0x5060] =	vst v30  }
0x440: {  	[tilespmem:s29+$0x5070] =	vst v31;
	_, v24, _ =	vpop (xrf1)  }
0x441: {  	_, v25, _ =	vpop (xrf1);
	[tilespmem:$0x603F] =	vst v24  }
0x442: {  	_, v24, _ =	vpop (xrf1);
	[tilespmem:$0x604F] =	vst v25  }
0x443: {  	_, v25, _ =	vpop (xrf1);
	[tilespmem:$0x605F] =	vst v24  }
0x444: {  	[tilespmem:$0x606F] =	vst v25  }
0x445: {  	v24 =	vld.idx.msk [tilespmem:v5+s20+$0x0], $0xffff  }
0x446: {  	v25 =	vld.idx.msk [tilespmem:v6+s20+$0x0], $0xffff  }
0x447: {  	v26 =	vld.idx.msk [tilespmem:v7+s20+$0x0], $0xffff  }
0x448: {  	v27 =	vld.idx.msk [tilespmem:v8+s20+$0x0], $0xffff  }
0x449: {  	v28 =	vld.idx.msk [tilespmem:v1+s20+$0x0], $0xffff  }
0x44a: {  	(xrf1) =	vsort.ascd.msk.f32 $0xffff, v24, v0;
	v24 =	vld.idx.msk [tilespmem:v9+s20+$0x0], $0xffff  }
0x44b: {  	(xrf1) =	vsort.dscd.msk.f32 $0xffff, v25, v2;
	v25 =	vld.idx.msk [tilespmem:v10+s20+$0x0], $0xffff  }
0x44c: {  	(xrf1) =	vsort.ascd.msk.f32 $0xffff, v26, v3;
	v26 =	vld.idx.msk [tilespmem:v11+s20+$0x0], $0xffff  }
0x44d: {  	(xrf1) =	vsort.dscd.msk.f32 $0xffff, v27, v4  }
0x44e: {  	(xrf1) =	vsort.ascd.msk.f32 $0xffff, v28, v0  }
0x44f: {  	(xrf1) =	vsort.dscd.msk.f32 $0xffff, v24, v2  }
0x450: {  	(xrf1) =	vsort.ascd.msk.f32 $0xffff, v25, v3  }
0x451: {  	(xrf1) =	vsort.dscd.msk.f32 $0xffff, v26, v4;
	_ =	sdelay $0x6  }
0x452: {  	v25, v24, _ =	vpop (xrf1)  }
0x453: {  	v27, v26, _ =	vpop (xrf1)  }
0x454: {  	v29, v28, _ =	vpop (xrf1)  }
0x455: {  	v31, v30, _ =	vpop (xrf1)  }
0x456: {  	v32, v33, _ =	vpop (xrf1)  }
0x457: {  	v60, v61, _ =	vpop (xrf1)  }
0x458: {  	v36, v37, _ =	vpop (xrf1);
	vm15 =	vle.f32 v32, v60  }
0x459: {  	v38, v39, _ =	vpop (xrf1);
	v62 =	vsel vm15, v32, v60;
	v63 =	vsel vm15, v33, v61;
	v32 =	vsel vm15, v60, v32  }
0x45a: {  	v33 =	vsel vm15, v61, v33;
	(xrf1) =	vsort.ascd.msk.f32 $0xffff, v62, v63;
	vm4 =	vle.f32 v36, v38  }
0x45b: {  	(xrf1) =	vsort.ascd.msk.f32 $0xffff, v32, v33;
	v43 =	vsel vm4, v38, v36;
	v44 =	vsel vm4, v39, v37  }
0x45c: {  	v45 =	vsel vm4, v36, v38;
	v46 =	vsel vm4, v37, v39;
	(xrf1) =	vsort.dscd.msk.f32 $0xffff, v43, v44  }
0x45d: {  	(xrf1) =	vsort.dscd.msk.f32 $0xffff, v45, v46;
	_ =	sdelay $0x9  }
0x45e: {  	vm6 =	vle.f32 v25, v27  }
0x45f: {  	v49 =	vsel vm6, v25, v27;
	v33, v32, _ =	vpop (xrf1)  }
0x460: {  	v52 =	vsel vm6, v24, v26;
	v25 =	vsel vm6, v27, v25;
	vm5 =	vle.f32 v29, v31;
	v35, v34, _ =	vpop (xrf1)  }
0x461: {  	v24 =	vsel vm6, v26, v24;
	v47 =	vsel vm5, v29, v31;
	v48 =	vsel vm5, v28, v30;
	v50, v51, _ =	vpop (xrf1)  }
0x462: {  	v29 =	vsel vm5, v31, v29;
	v28 =	vsel vm5, v30, v28;
	(xrf1) =	vsort.ascd.msk.f32 $0xffff, v49, v52;
	v27, v26, _ =	vpop (xrf1)  }
0x463: {  	(xrf1) =	vsort.ascd.msk.f32 $0xffff, v25, v24;
	vm7 =	vle.f32 v33, v50;
	vm8 =	vle.f32 v35, v27  }
0x464: {  	(xrf1) =	vsort.dscd.msk.f32 $0xffff, v29, v28;
	v24 =	vsel vm7, v33, v50;
	v25 =	vsel vm8, v35, v27  }
0x465: {  	v28 =	vsel vm7, v32, v51;
	v29 =	vsel vm8, v34, v26;
	vm2 =	vle.f32 v24, v25  }
0x466: {  	(xrf1) =	vsort.dscd.msk.f32 $0xffff, v47, v48;
	v30 =	vsel vm2, v24, v25;
	v31 =	vsel vm2, v28, v29  }
0x467: {  	(xrf1) =	vsort.ascd.msk.f32 $0xffff, v30, v31;
	_ =	sdelay $0x9  }
0x468: {  	v30, v31, _ =	vpop (xrf1)  }
0x469: {  	v36, v37, _ =	vpop (xrf1)  }
0x46a: {  	v38, v41, _ =	vpop (xrf1)  }
0x46b: {  	v33 =	vsel vm7, v50, v33;
	v27 =	vsel vm8, v27, v35;
	v42, v43, _ =	vpop (xrf1)  }
0x46c: {  	v32 =	vsel vm7, v51, v32;
	v26 =	vsel vm8, v26, v34;
	vm9 =	vle.f32 v33, v27;
	_, v44, _ =	vpop (xrf1)  }
0x46d: {  	v54 =	vsel vm9, v33, v27;
	v39 =	vsel vm9, v32, v26;
	v53 =	vmul.u32 $0x41, v44  }
0x46e: {  	s30 =	simm.s32 $0x0;
	v24 =	vsel vm2, v25, v24;
	v25 =	vsel vm2, v29, v28;
	(xrf1) =	vsort.ascd.msk.f32 $0xffff, v54, v39  }
0x46f: {  	(xrf1) =	vsort.ascd.msk.f32 $0xffff, v24, v25;
	v35 =	vadd.s32 s30, v53;
	_ =	sdelay $0x4  }
0x470: {  	v24 =	vld.idx.msk [tilespmem:v35+s21+$0x0], $0xffff;
	_ =	sdelay $0x2  }
0x471: {  	s31 =	simm.s32 $0x2  }
0x472: {  	v28 =	vadd.s32 s31, v10;
	v25 =	vshll.u32 v44, $0x6  }
0x473: {  	v24 =	vadd.s32 v25, v24;
	v25 =	vadd.s32 s31, v11;
	_ =	sdelay $0x1  }
0x474: {  	v29 =	vadd.s32 s31, v9  }
0x475: {  	v55 =	vadd.s32 s31, v1;
	_, v56, _ =	vpop (xrf1)  }
0x476: {  	v57 =	vmov s30;
	v28 =	vld.idx.msk [tilespmem:v28+s20+$0x0], $0xffff;
	_, v58, _ =	vpop (xrf1)  }
0x477: {  	v39 =	vand.u32 $0x3F, v57;
	v59 =	vmul.u32 $0x41, v58;
	v25 =	vld.idx.msk [tilespmem:v25+s20+$0x0], $0xffff  }
0x478: {  	v45 =	vadd.s32 v12, v39;
	v24 =	vld.idx.msk [tilespmem:v24+s16+$0x0], $0xffff  }
0x479: {  	v29 =	vld.idx.msk [tilespmem:v29+s20+$0x0], $0xffff;
	v60 =	vadd.s32 s30, v59  }
0x47a: {  	v61 =	vld.idx.msk [tilespmem:v55+s20+$0x0], $0xffff;
	v27 =	vsel vm9, v27, v33;
	v26 =	vsel vm9, v26, v32  }
0x47b: {  	(xrf1) =	vsort.ascd.msk.f32 $0xffff, v27, v26  }
0x47c: {  	(xrf1) =	vsort.dscd.msk.f32 $0xffff, v25, v4  }
0x47d: {  	[tilespmem:v45+s22+$0x0] =	vst.idx.msk $0xffff, v24;
	(xrf1) =	vsort.ascd.msk.f32 $0xffff, v28, v3  }
0x47e: {  	v24 =	vld.idx.msk [tilespmem:v60+s21+$0x0], $0xffff;
	(xrf1) =	vsort.dscd.msk.f32 $0xffff, v29, v2  }
0x47f: {  	(xrf1) =	vsort.ascd.msk.f32 $0xffff, v61, v0;
	_ =	sdelay $0x2  }
0x480: {  	v25 =	vshll.u32 v58, $0x6  }
0x481: {  	v24 =	vadd.s32 v25, v24;
	_ =	sdelay $0x3  }
0x482: {  	v25 =	vmul.u32 $0x41, v56  }
0x483: {  	v26 =	vadd.s32 v13, v39;
	v24 =	vld.idx.msk [tilespmem:v24+s16+$0x0], $0xffff  }
0x484: {  	_, v28, _ =	vpop (xrf1);
	v25 =	vadd.s32 s30, v25  }
0x485: {  	v27, v29, _ =	vpop (xrf1)  }
0x486: {  	v62, v63, _ =	vpop (xrf1)  }
0x487: {  	v48, v49, _ =	vpop (xrf1)  }
0x488: {  	[tilespmem:v26+s22+$0x0] =	vst.idx.msk $0xffff, v24;
	v50, v51, _ =	vpop (xrf1)  }
0x489: {  	v57 =	vadd.s32 v14, v39;
	vm13 =	vle.f32 v36, v42;
	v24 =	vld.idx.msk [tilespmem:v25+s21+$0x0], $0xffff;
	vm10 =	vle.f32 v50, v48  }
0x48a: {  	vm11 =	vle.f32 v62, v27;
	v25 =	vsel vm10, v50, v48;
	v26 =	vsel vm10, v51, v49  }
0x48b: {  	v34 =	vsel vm10, v48, v50;
	v40 =	vsel vm10, v49, v51;
	(xrf1) =	vsort.ascd.msk.f32 $0xffff, v25, v26  }
0x48c: {  	v25 =	vsel vm11, v27, v62;
	v26 =	vsel vm11, v29, v63;
	(xrf1) =	vsort.ascd.msk.f32 $0xffff, v34, v40  }
0x48d: {  	vm12 =	vle.f32 v30, v38;
	v52 =	vsel vm13, v42, v36;
	(xrf1) =	vsort.dscd.msk.f32 $0xffff, v25, v26;
	v25 =	vshll.u32 v56, $0x6  }
0x48e: {  	v27 =	vsel vm11, v62, v27;
	v29 =	vsel vm11, v63, v29;
	v24 =	vadd.s32 v25, v24  }
0x48f: {  	v53 =	vsel vm13, v43, v37;
	v26 =	vsel vm12, v31, v41;
	v56 =	vmul.u32 $0x41, v28;
	(xrf1) =	vsort.dscd.msk.f32 $0xffff, v27, v29  }
0x490: {  	v25 =	vsel vm12, v30, v38;
	v27 =	vsel vm12, v38, v30;
	v30 =	vsel vm13, v36, v42  }
0x491: {  	v29 =	vsel vm12, v41, v31;
	v31 =	vsel vm13, v37, v43;
	vm14 =	vle.f32 v25, v30  }
0x492: {  	vm15 =	vle.f32 v27, v52;
	v54 =	vsel vm14, v25, v30;
	v55 =	vsel vm14, v26, v31  }
0x493: {  	v36 =	vsel vm15, v27, v52;
	v37 =	vsel vm15, v29, v53;
	(xrf1) =	vsort.ascd.msk.f32 $0xffff, v54, v55;
	v24 =	vld.idx.msk [tilespmem:v24+s16+$0x0], $0xffff  }
0x494: {  	v25 =	vsel vm14, v30, v25;
	v30 =	vadd.s32 s30, v56;
	(xrf1) =	vsort.ascd.msk.f32 $0xffff, v36, v37  }
0x495: {  	v26 =	vsel vm14, v31, v26  }
0x496: {  	v27 =	vsel vm15, v52, v27;
	v29 =	vsel vm15, v53, v29;
	(xrf1) =	vsort.ascd.msk.f32 $0xffff, v25, v26  }
0x497: {  	(xrf1) =	vsort.ascd.msk.f32 $0xffff, v27, v29  }
0x498: {  	[tilespmem:v57+s22+$0x0] =	vst.idx.msk $0xffff, v24  }
0x499: {  	v58 =	vld.idx.msk [tilespmem:v30+s21+$0x0], $0xffff;
	_ =	sdelay $0x3  }
0x49a: {  	v59 =	vshll.u32 v28, $0x6;
	v27, v26, _ =	vpop (xrf1)  }
0x49b: {  	v25, v24, _ =	vpop (xrf1);
	v32 =	vadd.s32 v59, v58  }
0x49c: {  	v31, v30, _ =	vpop (xrf1)  }
0x49d: {  	v29, v28, _ =	vpop (xrf1)  }
0x49e: {  	_, v37, _ =	vpop (xrf1)  }
0x49f: {  	v60 =	vmul.u32 $0x41, v37;
	_, v61, _ =	vpop (xrf1)  }
0x4a0: {  	s3 =	simm.s32 $0x1;
	v39 =	vadd.s32 v15, v39;
	v62 =	vmul.u32 $0x41, v61;
	v40 =	vld.idx.msk [tilespmem:v32+s16+$0x0], $0xffff  }
0x4a1: {  	v63 =	vmov s3;
	v34 =	vshll.u32 v61, $0x6;
	_, v36, _ =	vpop (xrf1);
	v41 =	vadd.s32 s3, v60  }
0x4a2: {  	s1 =	simm.s32 $0x4;
	s0 =	simm.s32 $0x3;
	v38 =	vmul.u32 $0x41, v36;
	_, v33, _ =	vpop (xrf1);
	v32 =	vand.u32 $0x3F, v63;
	v35 =	vadd.s32 s3, v62  }
.LBB2_16:
0x4a3: {  	_ = 	snop  }
0x4a4: {  	p0 =	sne.s32 s1, $0x3F;
	s4 =	smov.u32 s1;
	s1 =	sadd.s32 $0x1, s1  }
0x4a5: {  	[tilespmem:v39+s22+$0x0] =	vst.idx.msk $0xffff, v40  }
0x4a6: {  	v39 =	vld.idx.msk [tilespmem:v41+s21+$0x0], $0xffff;
	_ =	sdelay $0x3  }
0x4a7: {  	v37 =	vshll.u32 v37, $0x6;
	_ =	sdelay $0x1  }
0x4a8: {  	v37 =	vadd.s32 v37, v39  }
0x4a9: {  	v39 =	vadd.s32 s0, v11  }
0x4aa: {  	v40 =	vadd.s32 s0, v10  }
0x4ab: {  	v41 =	vadd.s32 s0, v9  }
0x4ac: {  	v42 =	vadd.s32 s0, v1;
	s0 =	smov.u32 s4  }
0x4ad: {  	v43 =	vadd.s32 v12, v32;
	v37 =	vld.idx.msk [tilespmem:v37+s16+$0x0], $0xffff  }
0x4ae: {  	v38 =	vadd.s32 s3, v38;
	v39 =	vld.idx.msk [tilespmem:v39+s20+$0x0], $0xffff  }
0x4af: {  	v40 =	vld.idx.msk [tilespmem:v40+s20+$0x0], $0xffff  }
0x4b0: {  	v41 =	vld.idx.msk [tilespmem:v41+s20+$0x0], $0xffff  }
0x4b1: {  	v42 =	vld.idx.msk [tilespmem:v42+s20+$0x0], $0xffff;
	_ =	sdelay $0x1  }
0x4b2: {  	[tilespmem:v43+s22+$0x0] =	vst.idx.msk $0xffff, v37  }
0x4b3: {  	v37 =	vld.idx.msk [tilespmem:v38+s21+$0x0], $0xffff;
	(xrf1) =	vsort.dscd.msk.f32 $0xffff, v39, v4  }
0x4b4: {  	(xrf1) =	vsort.ascd.msk.f32 $0xffff, v40, v3  }
0x4b5: {  	(xrf1) =	vsort.dscd.msk.f32 $0xffff, v41, v2  }
0x4b6: {  	(xrf1) =	vsort.ascd.msk.f32 $0xffff, v42, v0  }
0x4b7: {  	v36 =	vshll.u32 v36, $0x6;
	_ =	sdelay $0x1  }
0x4b8: {  	v36 =	vadd.s32 v36, v37;
	_ =	sdelay $0x4  }
0x4b9: {  	v37 =	vadd.s32 v13, v32;
	v36 =	vld.idx.msk [tilespmem:v36+s16+$0x0], $0xffff;
	_ =	sdelay $0x2  }
0x4ba: {  	v39, v38, _ =	vpop (xrf1)  }
0x4bb: {  	v41, v40, _ =	vpop (xrf1)  }
0x4bc: {  	v43, v42, _ =	vpop (xrf1)  }
0x4bd: {  	vm0 =	vle.f32 v41, v39;
	[tilespmem:v37+s22+$0x0] =	vst.idx.msk $0xffff, v36;
	v37, v36, _ =	vpop (xrf1)  }
0x4be: {  	v44 =	vsel vm0, v41, v39;
	v45 =	vsel vm0, v40, v38;
	vm1 =	vle.f32 v37, v43;
	v35 =	vld.idx.msk [tilespmem:v35+s21+$0x0], $0xffff  }
0x4bf: {  	v46 =	vsel vm1, v37, v43;
	v47 =	vsel vm1, v36, v42;
	v37 =	vsel vm1, v43, v37  }
0x4c0: {  	v39 =	vsel vm0, v39, v41;
	v36 =	vsel vm1, v42, v36;
	(xrf1) =	vsort.ascd.msk.f32 $0xffff, v46, v47  }
0x4c1: {  	v38 =	vsel vm0, v38, v40;
	(xrf1) =	vsort.ascd.msk.f32 $0xffff, v37, v36  }
0x4c2: {  	(xrf1) =	vsort.dscd.msk.f32 $0xffff, v39, v38  }
0x4c3: {  	(xrf1) =	vsort.dscd.msk.f32 $0xffff, v44, v45  }
0x4c4: {  	v34 =	vadd.s32 v34, v35  }
0x4c5: {  	v35 =	vmul.u32 $0x41, v33  }
0x4c6: {  	v36 =	vadd.s32 v14, v32  }
0x4c7: {  	vm0 =	vle.f32 v27, v31;
	vm1 =	vle.f32 v25, v29;
	v35 =	vadd.s32 s3, v35  }
0x4c8: {  	v37 =	vsel vm0, v27, v31;
	v27 =	vsel vm0, v31, v27;
	v38 =	vsel vm0, v26, v30  }
0x4c9: {  	v31 =	vsel vm1, v24, v28;
	v26 =	vsel vm0, v30, v26;
	v30 =	vsel vm1, v25, v29;
	v34 =	vld.idx.msk [tilespmem:v34+s16+$0x0], $0xffff  }
0x4ca: {  	v24 =	vsel vm1, v28, v24;
	v25 =	vsel vm1, v29, v25;
	vm0 =	vle.f32 v37, v30  }
0x4cb: {  	vm1 =	vle.f32 v27, v25;
	v28 =	vsel vm0, v37, v30;
	v29 =	vsel vm0, v38, v31  }
0x4cc: {  	v39 =	vsel vm1, v27, v25;
	v40 =	vsel vm1, v26, v24;
	(xrf1) =	vsort.ascd.msk.f32 $0xffff, v28, v29  }
0x4cd: {  	v28 =	vsel vm0, v30, v37;
	v29 =	vsel vm0, v31, v38;
	(xrf1) =	vsort.ascd.msk.f32 $0xffff, v39, v40  }
0x4ce: {  	v38 =	vsel vm1, v25, v27;
	v37 =	vsel vm1, v24, v26;
	v27, v26, _ =	vpop (xrf1);
	(xrf1) =	vsort.ascd.msk.f32 $0xffff, v28, v29  }
0x4cf: {  	v25, v24, _ =	vpop (xrf1);
	(xrf1) =	vsort.ascd.msk.f32 $0xffff, v38, v37;
	[tilespmem:v36+s22+$0x0] =	vst.idx.msk $0xffff, v34  }
0x4d0: {  	v31, v30, _ =	vpop (xrf1);
	v34 =	vld.idx.msk [tilespmem:v35+s21+$0x0], $0xffff  }
0x4d1: {  	v29, v28, _ =	vpop (xrf1);
	_ =	sdelay $0x2  }
0x4d2: {  	v33 =	vshll.u32 v33, $0x6;
	_ =	sdelay $0x1  }
0x4d3: {  	v33 =	vadd.s32 v33, v34;
	_ =	sdelay $0x3  }
.Ltmp7:
0x4d4: {  	_, v37, _ =	vpop (xrf1);
	(pc) =	sbr.rel @p0 .LBB2_16-.Ltmp7, $4  }
0x4d5: {  	s3 =	sadd.s32 $0xFFFFFFFE, s0;
	v39 =	vadd.s32 v15, v32;
	v35 =	vmul.u32 $0x41, v37;
	_, v34, _ =	vpop (xrf1);
	v40 =	vld.idx.msk [tilespmem:v33+s16+$0x0], $0xffff  }
0x4d6: {  	v32 =	vmov s3;
	v42 =	vmul.u32 $0x41, v34;
	v34 =	vshll.u32 v34, $0x6;
	_, v36, _ =	vpop (xrf1)  }
0x4d7: {  	v32 =	vand.u32 $0x3F, v32;
	v41 =	vadd.s32 s3, v35;
	v38 =	vmul.u32 $0x41, v36;
	_, v33, _ =	vpop (xrf1)  }
0x4d8: {  	v35 =	vadd.s32 s3, v42  }
0x4d9: {  	_ =	sdelay $0x3  }
0x4da: {  	[tilespmem:v39+s22+$0x0] =	vst.idx.msk $0xffff, v40  }
0x4db: {  	v39 =	vld.idx.msk [tilespmem:v41+s21+$0x0], $0xffff;
	_ =	sdelay $0x3  }
0x4dc: {  	v37 =	vshll.u32 v37, $0x6  }
0x4dd: {  	v37 =	vadd.s32 v37, v39;
	_ =	sdelay $0x1  }
0x4de: {  	v55 =	vadd.s32 s0, v10  }
0x4df: {  	v56 =	vadd.s32 s0, v9  }
0x4e0: {  	v42 =	vadd.s32 s0, v1  }
0x4e1: {  	v54 =	vadd.s32 s0, v11;
	v43 =	vadd.s32 v12, v32;
	v37 =	vld.idx.msk [tilespmem:v37+s16+$0x0], $0xffff  }
0x4e2: {  	v38 =	vadd.s32 s3, v38  }
0x4e3: {  	v40 =	vld.idx.msk [tilespmem:v55+s20+$0x0], $0xffff  }
0x4e4: {  	v41 =	vld.idx.msk [tilespmem:v56+s20+$0x0], $0xffff  }
0x4e5: {  	v42 =	vld.idx.msk [tilespmem:v42+s20+$0x0], $0xffff  }
0x4e6: {  	v39 =	vld.idx.msk [tilespmem:v54+s20+$0x0], $0xffff;
	[tilespmem:v43+s22+$0x0] =	vst.idx.msk $0xffff, v37  }
0x4e7: {  	v37 =	vld.idx.msk [tilespmem:v38+s21+$0x0], $0xffff;
	_ =	sdelay $0x3  }
0x4e8: {  	v36 =	vshll.u32 v36, $0x6  }
0x4e9: {  	v36 =	vadd.s32 v36, v37;
	_ =	sdelay $0x4  }
0x4ea: {  	v57 =	vadd.s32 v13, v32;
	v36 =	vld.idx.msk [tilespmem:v36+s16+$0x0], $0xffff;
	_ =	sdelay $0x4  }
0x4eb: {  	[tilespmem:v57+s22+$0x0] =	vst.idx.msk $0xffff, v36  }
0x4ec: {  	v35 =	vld.idx.msk [tilespmem:v35+s21+$0x0], $0xffff;
	_ =	sdelay $0x4  }
0x4ed: {  	vm1 =	vle.f32 v27, v31;
	v34 =	vadd.s32 v34, v35  }
0x4ee: {  	vm0 =	vle.f32 v25, v29;
	v58 =	vsel vm1, v27, v31;
	(xrf1) =	vsort.dscd.msk.f32 $0xffff, v39, v4  }
0x4ef: {  	v59 =	vsel vm0, v25, v29;
	v60 =	vsel vm1, v26, v30;
	(xrf1) =	vsort.ascd.msk.f32 $0xffff, v40, v3  }
0x4f0: {  	v61 =	vsel vm0, v24, v28;
	vm2 =	vle.f32 v58, v59;
	(xrf1) =	vsort.dscd.msk.f32 $0xffff, v41, v2  }
0x4f1: {  	v62 =	vmul.u32 $0x41, v33;
	v63 =	vsel vm2, v58, v59;
	v45 =	vsel vm2, v60, v61;
	(xrf1) =	vsort.ascd.msk.f32 $0xffff, v42, v0  }
0x4f2: {  	v46 =	vadd.s32 v14, v32;
	(xrf1) =	vsort.ascd.msk.f32 $0xffff, v63, v45;
	v34 =	vld.idx.msk [tilespmem:v34+s16+$0x0], $0xffff  }
0x4f3: {  	v39 =	vadd.s32 s3, v62;
	_ =	sdelay $0x3  }
0x4f4: {  	[tilespmem:v46+s22+$0x0] =	vst.idx.msk $0xffff, v34  }
0x4f5: {  	v34 =	vld.idx.msk [tilespmem:v39+s21+$0x0], $0xffff;
	_ =	sdelay $0x3  }
0x4f6: {  	v47 =	vshll.u32 v33, $0x6;
	v39, v40, _ =	vpop (xrf1)  }
0x4f7: {  	v41, v42, _ =	vpop (xrf1);
	v33 =	vadd.s32 v47, v34  }
0x4f8: {  	v48, v43, _ =	vpop (xrf1)  }
0x4f9: {  	v44, v45, _ =	vpop (xrf1)  }
0x4fa: {  	_, v46, _ =	vpop (xrf1)  }
0x4fb: {  	v49 =	vsel vm2, v61, v60;
	v35 =	vsel vm2, v59, v58;
	v50 =	vmul.u32 $0x41, v46  }
0x4fc: {  	v51 =	vadd.s32 v15, v32;
	(xrf1) =	vsort.ascd.msk.f32 $0xffff, v35, v49;
	v33 =	vld.idx.msk [tilespmem:v33+s16+$0x0], $0xffff  }
0x4fd: {  	v52 =	vadd.s32 $0x3E, v50;
	_ =	sdelay $0x3  }
0x4fe: {  	[tilespmem:v51+s22+$0x0] =	vst.idx.msk $0xffff, v33  }
0x4ff: {  	v32 =	vld.idx.msk [tilespmem:v52+s21+$0x0], $0xffff;
	_ =	sdelay $0x3  }
0x500: {  	v53 =	vshll.u32 v46, $0x6  }
0x501: {  	v32 =	vadd.s32 v53, v32;
	_ =	sdelay $0x1  }
0x502: {  	v56 =	vsel vm1, v31, v27;
	v58 =	vsel vm0, v29, v25  }
0x503: {  	v60 =	vsel vm0, v28, v24;
	v57 =	vsel vm1, v30, v26;
	vm9 =	vle.f32 v56, v58;
	_, v54, _ =	vpop (xrf1)  }
0x504: {  	v62 =	vsel vm9, v56, v58;
	v63 =	vsel vm9, v57, v60;
	v55 =	vmul.u32 $0x41, v54  }
0x505: {  	(xrf1) =	vsort.ascd.msk.f32 $0xffff, v62, v63;
	v59 =	vld.idx.msk [tilespmem:v32+s16+$0x0], $0xffff  }
0x506: {  	v61 =	vadd.s32 $0x3E, v55;
	_ =	sdelay $0x2  }
0x507: {  	s0 =	simm.s32 $0x6080  }
0x508: {  	[tilespmem:v16+s0+$0x0] =	vst.idx.msk $0xffff, v59  }
0x509: {  	v28 =	vld.idx.msk [tilespmem:v61+s21+$0x0], $0xffff  }
0x50a: {  	v25 =	vsel vm9, v58, v56;
	v24 =	vsel vm9, v60, v57  }
0x50b: {  	(xrf1) =	vsort.ascd.msk.f32 $0xffff, v25, v24;
	vm11 =	vle.f32 v41, v39;
	vm10 =	vle.f32 v44, v48  }
0x50c: {  	v36 =	vsel vm10, v44, v48;
	v37 =	vsel vm10, v45, v43;
	v38 =	vsel vm10, v48, v44  }
0x50d: {  	v44 =	vsel vm10, v43, v45;
	v45 =	vsel vm11, v39, v41;
	(xrf1) =	vsort.ascd.msk.f32 $0xffff, v36, v37;
	v33 =	vshll.u32 v54, $0x6  }
0x50e: {  	v46 =	vsel vm11, v40, v42;
	(xrf1) =	vsort.ascd.msk.f32 $0xffff, v38, v44;
	v35 =	vadd.s32 v33, v28  }
0x50f: {  	v47 =	vsel vm11, v41, v39;
	v48 =	vsel vm11, v42, v40;
	(xrf1) =	vsort.dscd.msk.f32 $0xffff, v45, v46  }
0x510: {  	(xrf1) =	vsort.dscd.msk.f32 $0xffff, v47, v48  }
0x511: {  	_, v49, _ =	vpop (xrf1)  }
0x512: {  	v50 =	vmul.u32 $0x41, v49  }
0x513: {  	v24 =	vld.idx.msk [tilespmem:v35+s16+$0x0], $0xffff  }
0x514: {  	v26 =	vadd.s32 $0x3E, v50;
	_ =	sdelay $0x3  }
0x515: {  	[tilespmem:v17+s0+$0x0] =	vst.idx.msk $0xffff, v24  }
0x516: {  	v24 =	vld.idx.msk [tilespmem:v26+s21+$0x0], $0xffff  }
0x517: {  	_, v51, _ =	vpop (xrf1)  }
0x518: {  	v27, v28, _ =	vpop (xrf1)  }
0x519: {  	v53, v52, _ =	vpop (xrf1)  }
0x51a: {  	v25 =	vshll.u32 v49, $0x6;
	v55, v54, _ =	vpop (xrf1)  }
0x51b: {  	v57, v56, _ =	vpop (xrf1);
	v24 =	vadd.s32 v25, v24  }
0x51c: {  	vm12 =	vle.f32 v27, v55;
	vm13 =	vle.f32 v53, v57  }
0x51d: {  	v58 =	vsel vm12, v27, v55;
	v59 =	vsel vm13, v53, v57  }
0x51e: {  	v60 =	vsel vm12, v28, v54;
	v61 =	vsel vm13, v52, v56;
	vm14 =	vle.f32 v58, v59  }
0x51f: {  	v62 =	vmul.u32 $0x41, v51;
	v63 =	vsel vm14, v58, v59;
	v44 =	vsel vm14, v60, v61  }
0x520: {  	(xrf1) =	vsort.ascd.msk.f32 $0xffff, v63, v44;
	v24 =	vld.idx.msk [tilespmem:v24+s16+$0x0], $0xffff  }
0x521: {  	v38 =	vadd.s32 $0x3E, v62;
	_ =	sdelay $0x3  }
0x522: {  	[tilespmem:v18+s0+$0x0] =	vst.idx.msk $0xffff, v24  }
0x523: {  	v24 =	vld.idx.msk [tilespmem:v38+s21+$0x0], $0xffff;
	_ =	sdelay $0x3  }
0x524: {  	v26 =	vshll.u32 v51, $0x6  }
0x525: {  	v24 =	vadd.s32 v26, v24;
	_ =	sdelay $0x2  }
0x526: {  	_, v45, _ =	vpop (xrf1)  }
0x527: {  	v34 =	vsel vm14, v59, v58;
	v46 =	vsel vm14, v61, v60;
	v47 =	vmul.u32 $0x41, v45  }
0x528: {  	(xrf1) =	vsort.ascd.msk.f32 $0xffff, v34, v46;
	v24 =	vld.idx.msk [tilespmem:v24+s16+$0x0], $0xffff  }
0x529: {  	v48 =	vadd.s32 $0x3F, v47;
	_ =	sdelay $0x3  }
0x52a: {  	[tilespmem:v19+s0+$0x0] =	vst.idx.msk $0xffff, v24  }
0x52b: {  	v24 =	vld.idx.msk [tilespmem:v48+s21+$0x0], $0xffff;
	_ =	sdelay $0x3  }
0x52c: {  	v26 =	vshll.u32 v45, $0x6  }
0x52d: {  	v24 =	vadd.s32 v26, v24;
	_ =	sdelay $0x1  }
0x52e: {  	v49 =	vsel vm12, v55, v27;
	v25 =	vsel vm13, v57, v53  }
0x52f: {  	v50 =	vsel vm12, v54, v28;
	v51 =	vsel vm13, v56, v52;
	vm15 =	vle.f32 v49, v25;
	_, v52, _ =	vpop (xrf1)  }
0x530: {  	v53 =	vsel vm15, v49, v25;
	v54 =	vsel vm15, v50, v51;
	v55 =	vmul.u32 $0x41, v52  }
0x531: {  	(xrf1) =	vsort.ascd.msk.f32 $0xffff, v53, v54;
	v24 =	vld.idx.msk [tilespmem:v24+s16+$0x0], $0xffff  }
0x532: {  	v56 =	vadd.s32 $0x3F, v55;
	_ =	sdelay $0x3  }
0x533: {  	[tilespmem:v20+s0+$0x0] =	vst.idx.msk $0xffff, v24  }
0x534: {  	v24 =	vld.idx.msk [tilespmem:v56+s21+$0x0], $0xffff;
	_ =	sdelay $0x3  }
0x535: {  	v29 =	vshll.u32 v52, $0x6  }
0x536: {  	v24 =	vadd.s32 v29, v24;
	_ =	sdelay $0x2  }
0x537: {  	_, v57, _ =	vpop (xrf1)  }
0x538: {  	v25 =	vsel vm15, v25, v49;
	v58 =	vsel vm15, v51, v50;
	v59 =	vmul.u32 $0x41, v57  }
0x539: {  	(xrf1) =	vsort.ascd.msk.f32 $0xffff, v25, v58;
	v24 =	vld.idx.msk [tilespmem:v24+s16+$0x0], $0xffff  }
0x53a: {  	v60 =	vadd.s32 $0x3F, v59;
	_ =	sdelay $0x3  }
0x53b: {  	[tilespmem:v21+s0+$0x0] =	vst.idx.msk $0xffff, v24  }
0x53c: {  	v24 =	vld.idx.msk [tilespmem:v60+s21+$0x0], $0xffff;
	_ =	sdelay $0x3  }
0x53d: {  	v61 =	vshll.u32 v57, $0x6  }
0x53e: {  	v24 =	vadd.s32 v61, v24;
	_ =	sdelay $0x2  }
0x53f: {  	_, v62, _ =	vpop (xrf1)  }
0x540: {  	v63 =	vmul.u32 $0x41, v62  }
0x541: {  	v24 =	vld.idx.msk [tilespmem:v24+s16+$0x0], $0xffff  }
0x542: {  	v26 =	vadd.s32 $0x3F, v63;
	_ =	sdelay $0x3  }
0x543: {  	[tilespmem:v22+s0+$0x0] =	vst.idx.msk $0xffff, v24  }
0x544: {  	v24 =	vld.idx.msk [tilespmem:v26+s21+$0x0], $0xffff;
	_ =	sdelay $0x3  }
0x545: {  	v25 =	vshll.u32 v62, $0x6  }
0x546: {  	v24 =	vadd.s32 v25, v24;
	_ =	sdelay $0x4  }
0x547: {  	v24 =	vld.idx.msk [tilespmem:v24+s16+$0x0], $0xffff;
	_ =	sdelay $0x4  }
0x548: {  	s1 =	simm.s32 $0x8;
	s4 =	sadd.s32 $0x0, s13;
	s3 =	simm.s32 $0x60C8;
	[tilespmem:v23+s0+$0x0] =	vst.idx.msk $0xffff, v24  }
.LBB2_18:
0x549: {  	[hbm4b:s4+s2] =	stream.linear.scatter [tilespmem:s0], [sflag:$0x3], $0x40, $0x38;
	[tilespmem:$0x8480] =	vst v63  }
0x54a: {  	s4 =	smov.u32 s1;
	s0 =	smov.u32 s3;
	p0 =	sne.s32 s1, $0x1F8  }
.Ltmp8:
0x54b: {  	s1 =	sadd.s32 $0x8, s1;
	(pc) =	sbr.rel @p0 .LBB2_18-.Ltmp8, $2  }
0x54c: {  	_ =	sdelay $0x2  }
0x54d: {  	s3 =	sadd.s32 $0x48, s3;
	s4 =	sadd.s32 s4, s13  }
0x54e: {  	[hbm4b:s4+s2] =	stream.linear.scatter [tilespmem:s0], [sflag:$0x3], $0x40, $0x38;
	[tilespmem:$0x8480] =	vst v63  }
0x54f: {  	_ =	swait.ge [sflag:s23], $0x1000  }
0x550: {  	[sflag:s23] =	ssyncset.done $0x0  }
0x551: {  	[sflag:s23] =	ssyncadd.s32 $0xFFFFF000  }
0x552: {  	_ =	swait.ge [sflag:s23], $0x1000  }
0x553: {  	[sflag:s23] =	ssyncset.done $0x0  }
0x554: {  	[sflag:s23] =	ssyncadd.s32 $0xFFFFF000  }
0x555: {  	_ =	swait.ge [sflag:s26], $0x1000  }
0x556: {  	[sflag:s26] =	ssyncset.done $0x0  }
0x557: {  	[sflag:s26] =	ssyncadd.s32 $0xFFFFF000  }
0x558: {  	v24 =	vld [tilespmem:$0x1000]  }
0x559: {  	v25 =	vld [tilespmem:$0x1010]  }
0x55a: {  	v26 =	vld [tilespmem:$0x1020]  }
0x55b: {  	v27 =	vld [tilespmem:$0x1030];
	_ =	sdelay $0x1  }
0x55c: {  	(xrf1) =	vsort.ascd.msk.f32 $0xffff, v24, v0  }
0x55d: {  	(xrf1) =	vsort.dscd.msk.f32 $0xffff, v25, v2  }
0x55e: {  	(xrf1) =	vsort.ascd.msk.f32 $0xffff, v26, v3  }
0x55f: {  	(xrf1) =	vsort.dscd.msk.f32 $0xffff, v27, v4;
	_ =	sdelay $0xa  }
0x560: {  	v29, v28, _ =	vpop (xrf1)  }
0x561: {  	v31, v30, _ =	vpop (xrf1)  }
0x562: {  	v33, v32, _ =	vpop (xrf1)  }
0x563: {  	v35, v34, _ =	vpop (xrf1)  }
0x564: {  	vm0 =	vle.f32 v33, v35  }
0x565: {  	[tilespmem:$0x4000] =	vst v24;
	vm1 =	vle.f32 v29, v31;
	v24 =	vsel vm0, v34, v32;
	v36 =	vsel vm0, v35, v33  }
0x566: {  	[tilespmem:$0x4010] =	vst v25;
	v25 =	vsel vm1, v29, v31;
	(xrf1) =	vsort.dscd.msk.f32 $0xffff, v36, v24;
	v24 =	vsel vm1, v28, v30  }
0x567: {  	[tilespmem:$0x4020] =	vst v26;
	v26 =	vsel vm0, v32, v34;
	v55 =	vsel vm0, v33, v35;
	(xrf1) =	vsort.ascd.msk.f32 $0xffff, v25, v24  }
0x568: {  	v24 =	vsel vm1, v30, v28;
	v25 =	vsel vm1, v31, v29;
	(xrf1) =	vsort.dscd.msk.f32 $0xffff, v55, v26  }
0x569: {  	(xrf1) =	vsort.ascd.msk.f32 $0xffff, v25, v24;
	_ =	sdelay $0x3  }
0x56a: {  	s11 =	simm.s32 $0x1070;
	[tilespmem:$0x4030] =	vst v27  }
0x56b: {  	v27 =	vld [tilespmem:s11+$0xFFFFFFF0]  }
0x56c: {  	v28 =	vld [tilespmem:s11+$0x0]  }
0x56d: {  	v25 =	vld [tilespmem:s11+$0xFFFFFFE0]  }
0x56e: {  	v24 =	vld [tilespmem:s11+$0xFFFFFFD0];
	_ =	sdelay $0x1  }
0x56f: {  	(xrf1) =	vsort.ascd.msk.f32 $0xffff, v27, v3  }
0x570: {  	(xrf1) =	vsort.dscd.msk.f32 $0xffff, v28, v4;
	v26, v29, _ =	vpop (xrf1)  }
0x571: {  	(xrf1) =	vsort.dscd.msk.f32 $0xffff, v25, v2;
	v30, v31, _ =	vpop (xrf1)  }
0x572: {  	(xrf1) =	vsort.ascd.msk.f32 $0xffff, v24, v0;
	vm0 =	vle.f32 v30, v26;
	v32, v33, _ =	vpop (xrf1)  }
0x573: {  	v56 =	vsel vm0, v31, v29;
	v58, v57, _ =	vpop (xrf1)  }
0x574: {  	v37 =	vsel vm0, v26, v30;
	v29 =	vsel vm0, v29, v31;
	vm1 =	vle.f32 v58, v32  }
0x575: {  	v26 =	vsel vm0, v30, v26;
	v30 =	vsel vm1, v58, v32;
	v31 =	vsel vm1, v57, v33  }
0x576: {  	v32 =	vsel vm1, v32, v58;
	v33 =	vsel vm1, v33, v57;
	vm0 =	vle.f32 v26, v30  }
0x577: {  	vm1 =	vle.f32 v37, v32;
	v59 =	vsel vm0, v26, v30;
	v60 =	vsel vm0, v56, v31  }
0x578: {  	v31 =	vsel vm0, v31, v56;
	v26 =	vsel vm0, v30, v26;
	(xrf1) =	vsort.ascd.msk.f32 $0xffff, v59, v60  }
0x579: {  	v62 =	vsel vm1, v37, v32;
	v63 =	vsel vm1, v29, v33;
	(xrf1) =	vsort.ascd.msk.f32 $0xffff, v26, v31  }
0x57a: {  	v32 =	vsel vm1, v32, v37;
	v29 =	vsel vm1, v33, v29;
	(xrf1) =	vsort.ascd.msk.f32 $0xffff, v62, v63  }
0x57b: {  	(xrf1) =	vsort.ascd.msk.f32 $0xffff, v32, v29;
	_ =	sdelay $0x1  }
0x57c: {  	v61, v30, _ =	vpop (xrf1)  }
0x57d: {  	s17 =	simm.s32 $0x0;
	s12 =	simm.s32 $0x4041;
	s1 =	simm.s32 $0x41;
	v38, v31, _ =	vpop (xrf1)  }
0x57e: {  	s8 =	simm.s32 $0x5040;
	s29 =	simm.s32 $0x82;
	s15 =	sand.u32 $0x3FFF, s1;
	[tilespmem:s12+$0x0] =	vst v24;
	v24, v26, _ =	vpop (xrf1)  }
0x57f: {  	s30 =	simm.s32 $0x5081;
	s31 =	simm.s32 $0x4082;
	s3 =	simm.s32 $0x10B0;
	[tilespmem:s15+$0x4010] =	vst v25;
	vm1 =	vle.f32 v61, v38;
	v25, v29, _ =	vpop (xrf1)  }
0x580: {  	s4 =	simm.s32 $0x5081;
	s9 =	simm.s32 $0x10B0;
	s5 =	simm.s32 $0x4082;
	[tilespmem:s15+$0x4020] =	vst v27;
	v27 =	vsel vm1, v30, v31;
	v31 =	vsel vm1, v31, v30;
	vm0 =	vle.f32 v25, v24  }
0x581: {  	s6 =	simm.s32 $0x82;
	s0 =	simm.s32 $0xC3;
	s11 =	simm.s32 $0xC3;
	[tilespmem:s15+$0x4030] =	vst v28;
	v30 =	vsel vm1, v61, v38;
	v32 =	vsel vm1, v38, v61;
	v28 =	vsel vm0, v26, v29  }
.LBB2_20:
0x582: {  	v33 =	vsel vm0, v25, v24;
	v26 =	vsel vm0, v29, v26;
	s30 =	sadd.s32 $0x41, s30;
	s31 =	sadd.s32 $0x41, s31;
	s3 =	sadd.s32 $0x40, s3;
	(xrf1) =	vsort.dscd.msk.f32 $0xffff, v32, v31  }
0x583: {  	p0 =	sne.s32 s11, $0xFBE;
	s12 =	smov.u32 s11;
	s11 =	sadd.s32 $0x41, s11;
	(xrf1) =	vsort.ascd.msk.f32 $0xffff, v33, v26  }
0x584: {  	v25 =	vsel vm0, v24, v25;
	(xrf1) =	vsort.dscd.msk.f32 $0xffff, v30, v27  }
0x585: {  	(xrf1) =	vsort.ascd.msk.f32 $0xffff, v25, v28;
	_, v24, _ =	vpop (xrf1)  }
0x586: {  	s15 =	sand.u32 $0xFFF, s17;
	[tilespmem:s8+$0x0] =	vst v24;
	_, v24, _ =	vpop (xrf1);
	s8 =	smov.u32 s4;
	s4 =	smov.u32 s30  }
0x587: {  	s17 =	smov.u32 s1;
	s1 =	smov.u32 s29;
	s29 =	smov.u32 s12;
	[tilespmem:s15+$0x5050] =	vst v24;
	_, v24, _ =	vpop (xrf1)  }
0x588: {  	[tilespmem:s15+$0x5060] =	vst v24;
	_, v24, _ =	vpop (xrf1)  }
0x589: {  	[tilespmem:s15+$0x5070] =	vst v24  }
0x58a: {  	v24 =	vld [tilespmem:s9+$0xFFFFFFF0]  }
0x58b: {  	v25 =	vld [tilespmem:s9+$0x0]  }
0x58c: {  	v26 =	vld [tilespmem:s9+$0xFFFFFFE0]  }
0x58d: {  	v27 =	vld [tilespmem:s9+$0xFFFFFFD0];
	s9 =	smov.u32 s3;
	_ =	sdelay $0x1  }
0x58e: {  	(xrf1) =	vsort.ascd.msk.f32 $0xffff, v24, v3  }
0x58f: {  	(xrf1) =	vsort.dscd.msk.f32 $0xffff, v25, v4;
	v28, v29, _ =	vpop (xrf1)  }
0x590: {  	(xrf1) =	vsort.dscd.msk.f32 $0xffff, v26, v2;
	v30, v31, _ =	vpop (xrf1)  }
0x591: {  	s12 =	sand.u32 $0x3FFF, s6;
	s6 =	smov.u32 s0;
	[tilespmem:s5+$0x0] =	vst v27;
	vm0 =	vle.f32 v30, v28;
	(xrf1) =	vsort.ascd.msk.f32 $0xffff, v27, v0;
	v27, v32, _ =	vpop (xrf1);
	s5 =	smov.u32 s31  }
0x592: {  	s0 =	smov.u32 s11;
	[tilespmem:s12+$0x4010] =	vst v26;
	v26 =	vsel vm0, v31, v29;
	v33 =	vsel vm0, v28, v30;
	v29 =	vsel vm0, v29, v31;
	v31, v34, _ =	vpop (xrf1)  }
0x593: {  	[tilespmem:s12+$0x4020] =	vst v24;
	v24 =	vsel vm0, v30, v28;
	vm0 =	vle.f32 v31, v27  }
0x594: {  	[tilespmem:s12+$0x4030] =	vst v25;
	v25 =	vsel vm0, v31, v27;
	v28 =	vsel vm0, v34, v32;
	v27 =	vsel vm0, v27, v31  }
0x595: {  	v30 =	vsel vm0, v32, v34;
	vm0 =	vle.f32 v24, v25;
	vm1 =	vle.f32 v33, v27  }
0x596: {  	v31 =	vsel vm0, v24, v25;
	v32 =	vsel vm0, v26, v28;
	v26 =	vsel vm0, v28, v26  }
0x597: {  	v24 =	vsel vm0, v25, v24;
	v25 =	vsel vm1, v33, v27;
	(xrf1) =	vsort.ascd.msk.f32 $0xffff, v31, v32  }
0x598: {  	v28 =	vsel vm1, v29, v30;
	v27 =	vsel vm1, v27, v33;
	(xrf1) =	vsort.ascd.msk.f32 $0xffff, v24, v26  }
0x599: {  	v24 =	vsel vm1, v30, v29;
	(xrf1) =	vsort.ascd.msk.f32 $0xffff, v25, v28  }
0x59a: {  	(xrf1) =	vsort.ascd.msk.f32 $0xffff, v27, v24;
	_ =	sdelay $0x1  }
0x59b: {  	v32, v28, _ =	vpop (xrf1)  }
.Ltmp9:
0x59c: {  	v33, v30, _ =	vpop (xrf1);
	(pc) =	sbr.rel @p0 .LBB2_20-.Ltmp9, $4  }
0x59d: {  	v24, v26, _ =	vpop (xrf1)  }
0x59e: {  	vm1 =	vle.f32 v32, v33;
	v25, v29, _ =	vpop (xrf1)  }
0x59f: {  	v27 =	vsel vm1, v28, v30;
	v31 =	vsel vm1, v30, v28;
	vm0 =	vle.f32 v25, v24  }
0x5a0: {  	v30 =	vsel vm1, v32, v33;
	v32 =	vsel vm1, v33, v32;
	v28 =	vsel vm0, v26, v29  }
0x5a1: {  	v33 =	vsel vm0, v25, v24  }
0x5a2: {  	v26 =	vsel vm0, v29, v26;
	(xrf1) =	vsort.dscd.msk.f32 $0xffff, v32, v31;
	v24 =	vsel vm0, v24, v25  }
0x5a3: {  	(xrf1) =	vsort.ascd.msk.f32 $0xffff, v33, v26  }
0x5a4: {  	(xrf1) =	vsort.dscd.msk.f32 $0xffff, v30, v27  }
0x5a5: {  	(xrf1) =	vsort.ascd.msk.f32 $0xffff, v24, v28  }
0x5a6: {  	_, v24, _ =	vpop (xrf1)  }
0x5a7: {  	s11 =	sand.u32 $0xFFF, s17;
	[tilespmem:s8+$0x0] =	vst v24;
	_, v24, _ =	vpop (xrf1)  }
0x5a8: {  	[tilespmem:s11+$0x5050] =	vst v24;
	_, v24, _ =	vpop (xrf1)  }
0x5a9: {  	[tilespmem:s11+$0x5060] =	vst v24;
	_, v24, _ =	vpop (xrf1)  }
0x5aa: {  	[tilespmem:s11+$0x5070] =	vst v24  }
0x5ab: {  	v24 =	vld [tilespmem:s9+$0xFFFFFFF0]  }
0x5ac: {  	v25 =	vld [tilespmem:s9+$0x0]  }
0x5ad: {  	v26 =	vld [tilespmem:s9+$0xFFFFFFE0]  }
0x5ae: {  	v27 =	vld [tilespmem:s9+$0xFFFFFFD0];
	_ =	sdelay $0x1  }
0x5af: {  	(xrf1) =	vsort.ascd.msk.f32 $0xffff, v24, v3;
	v28, v29, _ =	vpop (xrf1)  }
0x5b0: {  	(xrf1) =	vsort.dscd.msk.f32 $0xffff, v25, v4;
	v30, v31, _ =	vpop (xrf1)  }
0x5b1: {  	(xrf1) =	vsort.dscd.msk.f32 $0xffff, v26, v2;
	vm14 =	vle.f32 v30, v28;
	v48, v49, _ =	vpop (xrf1)  }
0x5b2: {  	(xrf1) =	vsort.ascd.msk.f32 $0xffff, v27, v0;
	v34 =	vsel vm14, v31, v29;
	v35, v36, _ =	vpop (xrf1)  }
0x5b3: {  	v37 =	vsel vm14, v28, v30;
	v29 =	vsel vm14, v29, v31;
	vm1 =	vle.f32 v35, v48  }
0x5b4: {  	v28 =	vsel vm14, v30, v28;
	v30 =	vsel vm1, v35, v48;
	v31 =	vsel vm1, v36, v49  }
0x5b5: {  	v32 =	vsel vm1, v48, v35;
	v33 =	vsel vm1, v49, v36;
	vm0 =	vle.f32 v28, v30  }
0x5b6: {  	vm15 =	vle.f32 v37, v32;
	v50 =	vsel vm0, v28, v30;
	v51 =	vsel vm0, v34, v31  }
0x5b7: {  	v31 =	vsel vm0, v31, v34;
	v28 =	vsel vm0, v30, v28;
	(xrf1) =	vsort.ascd.msk.f32 $0xffff, v50, v51  }
0x5b8: {  	v30 =	vsel vm15, v37, v32;
	v52 =	vsel vm15, v29, v33;
	(xrf1) =	vsort.ascd.msk.f32 $0xffff, v28, v31  }
0x5b9: {  	v29 =	vsel vm15, v33, v29;
	v28 =	vsel vm15, v32, v37;
	(xrf1) =	vsort.ascd.msk.f32 $0xffff, v30, v52  }
0x5ba: {  	(xrf1) =	vsort.ascd.msk.f32 $0xffff, v28, v29;
	_ =	sdelay $0x6  }
0x5bb: {  	v28, v29, _ =	vpop (xrf1)  }
0x5bc: {  	s12 =	sand.u32 $0x3FFF, s6;
	[tilespmem:s5+$0x0] =	vst v27;
	v27, v30, _ =	vpop (xrf1)  }
0x5bd: {  	[tilespmem:s12+$0x4010] =	vst v26;
	v26, v31, _ =	vpop (xrf1)  }
0x5be: {  	[tilespmem:s12+$0x4020] =	vst v24;
	v24, v53, _ =	vpop (xrf1)  }
0x5bf: {  	[tilespmem:s12+$0x4030] =	vst v25;
	vm4 =	vle.f32 v28, v27;
	_, v25, _ =	vpop (xrf1)  }
0x5c0: {  	s1 =	sand.u32 $0xFFF, s1;
	v54 =	vsel vm4, v30, v29;
	v55 =	vsel vm4, v27, v28;
	vm5 =	vle.f32 v24, v26;
	[tilespmem:s4+$0x0] =	vst v25;
	_, v25, _ =	vpop (xrf1)  }
0x5c1: {  	(xrf1) =	vsort.dscd.msk.f32 $0xffff, v55, v54;
	v56 =	vsel vm5, v24, v26;
	v57 =	vsel vm5, v53, v31;
	[tilespmem:s1+$0x5050] =	vst v25;
	_, v25, _ =	vpop (xrf1)  }
0x5c2: {  	v29 =	vsel vm4, v29, v30;
	v27 =	vsel vm4, v28, v27;
	(xrf1) =	vsort.ascd.msk.f32 $0xffff, v56, v57;
	[tilespmem:s1+$0x5060] =	vst v25;
	_, v25, _ =	vpop (xrf1)  }
0x5c3: {  	v24 =	vsel vm5, v26, v24;
	(xrf1) =	vsort.dscd.msk.f32 $0xffff, v27, v29;
	[tilespmem:s1+$0x5070] =	vst v25;
	v25 =	vsel vm5, v31, v53  }
0x5c4: {  	s3 =	sadd.s32 $0x40, s3;
	(xrf1) =	vsort.ascd.msk.f32 $0xffff, v24, v25  }
0x5c5: {  	v26 =	vld [tilespmem:s3+$0xFFFFFFF0]  }
0x5c6: {  	v24 =	vld [tilespmem:s3+$0x0]  }
0x5c7: {  	v25 =	vld [tilespmem:s3+$0xFFFFFFE0]  }
0x5c8: {  	v27 =	vld [tilespmem:s3+$0xFFFFFFD0];
	_ =	sdelay $0x1  }
0x5c9: {  	(xrf1) =	vsort.ascd.msk.f32 $0xffff, v26, v3  }
0x5ca: {  	(xrf1) =	vsort.dscd.msk.f32 $0xffff, v24, v4  }
0x5cb: {  	(xrf1) =	vsort.dscd.msk.f32 $0xffff, v25, v2  }
0x5cc: {  	(xrf1) =	vsort.ascd.msk.f32 $0xffff, v27, v0;
	_ =	sdelay $0x1  }
0x5cd: {  	v28, v29, _ =	vpop (xrf1)  }
0x5ce: {  	v30, v31, _ =	vpop (xrf1)  }
0x5cf: {  	v59, v58, _ =	vpop (xrf1)  }
0x5d0: {  	vm6 =	vle.f32 v30, v28;
	v35, v36, _ =	vpop (xrf1)  }
0x5d1: {  	v60 =	vsel vm6, v31, v29;
	vm7 =	vle.f32 v35, v59  }
0x5d2: {  	v61 =	vsel vm6, v28, v30;
	v28 =	vsel vm6, v30, v28;
	v30 =	vsel vm7, v35, v59  }
0x5d3: {  	v29 =	vsel vm6, v29, v31;
	v31 =	vsel vm7, v36, v58;
	vm0 =	vle.f32 v28, v30  }
0x5d4: {  	v63 =	vsel vm0, v60, v31;
	v31 =	vsel vm0, v31, v60  }
0x5d5: {  	v62 =	vsel vm0, v28, v30;
	v28 =	vsel vm0, v30, v28  }
0x5d6: {  	v32 =	vsel vm7, v59, v35;
	v38, v39, _ =	vpop (xrf1)  }
0x5d7: {  	vm8 =	vle.f32 v61, v32;
	(xrf1) =	vsort.ascd.msk.f32 $0xffff, v62, v63;
	v30, v41, _ =	vpop (xrf1)  }
0x5d8: {  	v33 =	vsel vm7, v58, v36;
	v42 =	vsel vm8, v61, v32;
	(xrf1) =	vsort.ascd.msk.f32 $0xffff, v28, v31;
	v28, v31, _ =	vpop (xrf1)  }
0x5d9: {  	v43 =	vsel vm8, v29, v33;
	v32 =	vsel vm8, v32, v61;
	v29 =	vsel vm8, v33, v29;
	v44, v45, _ =	vpop (xrf1)  }
0x5da: {  	(xrf1) =	vsort.ascd.msk.f32 $0xffff, v42, v43;
	vm10 =	vle.f32 v38, v30;
	vm9 =	vle.f32 v44, v28  }
0x5db: {  	(xrf1) =	vsort.ascd.msk.f32 $0xffff, v32, v29;
	v29 =	vsel vm9, v44, v28;
	v46 =	vsel vm9, v45, v31  }
0x5dc: {  	v28 =	vsel vm9, v28, v44;
	v31 =	vsel vm9, v31, v45;
	(xrf1) =	vsort.ascd.msk.f32 $0xffff, v29, v46  }
0x5dd: {  	v29 =	vsel vm10, v41, v39;
	(xrf1) =	vsort.ascd.msk.f32 $0xffff, v28, v31;
	v28 =	vsel vm10, v30, v38  }
0x5de: {  	(xrf1) =	vsort.dscd.msk.f32 $0xffff, v28, v29  }
0x5df: {  	v28 =	vsel vm10, v38, v30;
	v29 =	vsel vm10, v39, v41  }
0x5e0: {  	(xrf1) =	vsort.dscd.msk.f32 $0xffff, v28, v29;
	_ =	sdelay $0x5  }
0x5e1: {  	_, v28, _ =	vpop (xrf1)  }
0x5e2: {  	_, v29, _ =	vpop (xrf1)  }
0x5e3: {  	_, v30, _ =	vpop (xrf1)  }
0x5e4: {  	_, v31, _ =	vpop (xrf1)  }
0x5e5: {  	v32, v47, _ =	vpop (xrf1)  }
0x5e6: {  	v49, v48, _ =	vpop (xrf1)  }
0x5e7: {  	v51, v50, _ =	vpop (xrf1)  }
0x5e8: {  	vm11 =	vle.f32 v32, v51  }
0x5e9: {  	v52, v53, _ =	vpop (xrf1);
	v40 =	vsel vm11, v32, v51  }
0x5ea: {  	v41 =	vsel vm11, v47, v50;
	v32 =	vsel vm11, v51, v32;
	vm12 =	vle.f32 v49, v52  }
0x5eb: {  	v33 =	vsel vm11, v50, v47;
	v54 =	vsel vm12, v49, v52;
	v55 =	vsel vm12, v48, v53  }
0x5ec: {  	v34 =	vsel vm12, v52, v49;
	v35 =	vsel vm12, v53, v48;
	vm13 =	vle.f32 v40, v54  }
0x5ed: {  	vm14 =	vle.f32 v32, v34;
	v56 =	vsel vm13, v40, v54;
	v57 =	vsel vm13, v41, v55  }
0x5ee: {  	v36 =	vsel vm13, v54, v40;
	v37 =	vsel vm13, v55, v41;
	(xrf1) =	vsort.ascd.msk.f32 $0xffff, v56, v57  }
0x5ef: {  	v58 =	vsel vm14, v32, v34;
	v59 =	vsel vm14, v33, v35;
	(xrf1) =	vsort.ascd.msk.f32 $0xffff, v36, v37  }
0x5f0: {  	v32 =	vsel vm14, v34, v32;
	v33 =	vsel vm14, v35, v33;
	(xrf1) =	vsort.ascd.msk.f32 $0xffff, v58, v59  }
0x5f1: {  	(xrf1) =	vsort.ascd.msk.f32 $0xffff, v32, v33;
	_ =	sdelay $0x2  }
0x5f2: {  	s15 =	sadd.s32 $0x41, s31  }
0x5f3: {  	s0 =	sand.u32 $0x3FFF, s0;
	[tilespmem:s15+$0x0] =	vst v27  }
0x5f4: {  	[tilespmem:s0+$0x4010] =	vst v25  }
0x5f5: {  	[tilespmem:s0+$0x4020] =	vst v26  }
0x5f6: {  	s17 =	sadd.s32 $0x41, s30;
	[tilespmem:s0+$0x4030] =	vst v24  }
0x5f7: {  	s29 =	sand.u32 $0xFFF, s29;
	[tilespmem:s17+$0x0] =	vst v28  }
0x5f8: {  	[tilespmem:s29+$0x5050] =	vst v29  }
0x5f9: {  	[tilespmem:s29+$0x5060] =	vst v30  }
0x5fa: {  	[tilespmem:s29+$0x5070] =	vst v31;
	_, v24, _ =	vpop (xrf1)  }
0x5fb: {  	_, v25, _ =	vpop (xrf1);
	[tilespmem:$0x603F] =	vst v24  }
0x5fc: {  	_, v24, _ =	vpop (xrf1);
	[tilespmem:$0x604F] =	vst v25  }
0x5fd: {  	_, v25, _ =	vpop (xrf1);
	[tilespmem:$0x605F] =	vst v24  }
0x5fe: {  	[tilespmem:$0x606F] =	vst v25  }
0x5ff: {  	v24 =	vld.idx.msk [tilespmem:v5+s20+$0x0], $0xffff  }
0x600: {  	v25 =	vld.idx.msk [tilespmem:v6+s20+$0x0], $0xffff  }
0x601: {  	v26 =	vld.idx.msk [tilespmem:v7+s20+$0x0], $0xffff  }
0x602: {  	v27 =	vld.idx.msk [tilespmem:v8+s20+$0x0], $0xffff  }
0x603: {  	v28 =	vld.idx.msk [tilespmem:v1+s20+$0x0], $0xffff  }
0x604: {  	(xrf1) =	vsort.ascd.msk.f32 $0xffff, v24, v0;
	v24 =	vld.idx.msk [tilespmem:v9+s20+$0x0], $0xffff  }
0x605: {  	(xrf1) =	vsort.dscd.msk.f32 $0xffff, v25, v2;
	v25 =	vld.idx.msk [tilespmem:v10+s20+$0x0], $0xffff  }
0x606: {  	(xrf1) =	vsort.ascd.msk.f32 $0xffff, v26, v3;
	v26 =	vld.idx.msk [tilespmem:v11+s20+$0x0], $0xffff  }
0x607: {  	(xrf1) =	vsort.dscd.msk.f32 $0xffff, v27, v4  }
0x608: {  	(xrf1) =	vsort.ascd.msk.f32 $0xffff, v28, v0  }
0x609: {  	(xrf1) =	vsort.dscd.msk.f32 $0xffff, v24, v2  }
0x60a: {  	(xrf1) =	vsort.ascd.msk.f32 $0xffff, v25, v3  }
0x60b: {  	(xrf1) =	vsort.dscd.msk.f32 $0xffff, v26, v4;
	_ =	sdelay $0x6  }
0x60c: {  	v25, v24, _ =	vpop (xrf1)  }
0x60d: {  	v27, v26, _ =	vpop (xrf1)  }
0x60e: {  	v29, v28, _ =	vpop (xrf1)  }
0x60f: {  	v31, v30, _ =	vpop (xrf1)  }
0x610: {  	v32, v33, _ =	vpop (xrf1)  }
0x611: {  	v60, v61, _ =	vpop (xrf1)  }
0x612: {  	v36, v37, _ =	vpop (xrf1);
	vm15 =	vle.f32 v32, v60  }
0x613: {  	v38, v39, _ =	vpop (xrf1);
	v62 =	vsel vm15, v32, v60;
	v63 =	vsel vm15, v33, v61;
	v32 =	vsel vm15, v60, v32  }
0x614: {  	v33 =	vsel vm15, v61, v33;
	(xrf1) =	vsort.ascd.msk.f32 $0xffff, v62, v63;
	vm4 =	vle.f32 v36, v38  }
0x615: {  	(xrf1) =	vsort.ascd.msk.f32 $0xffff, v32, v33;
	v43 =	vsel vm4, v38, v36;
	v44 =	vsel vm4, v39, v37  }
0x616: {  	v45 =	vsel vm4, v36, v38;
	v46 =	vsel vm4, v37, v39;
	(xrf1) =	vsort.dscd.msk.f32 $0xffff, v43, v44  }
0x617: {  	(xrf1) =	vsort.dscd.msk.f32 $0xffff, v45, v46;
	_ =	sdelay $0x9  }
0x618: {  	vm6 =	vle.f32 v25, v27  }
0x619: {  	v49 =	vsel vm6, v25, v27;
	v33, v32, _ =	vpop (xrf1)  }
0x61a: {  	v52 =	vsel vm6, v24, v26;
	v25 =	vsel vm6, v27, v25;
	vm5 =	vle.f32 v29, v31;
	v35, v34, _ =	vpop (xrf1)  }
0x61b: {  	v24 =	vsel vm6, v26, v24;
	v47 =	vsel vm5, v29, v31;
	v48 =	vsel vm5, v28, v30;
	v50, v51, _ =	vpop (xrf1)  }
0x61c: {  	v29 =	vsel vm5, v31, v29;
	v28 =	vsel vm5, v30, v28;
	(xrf1) =	vsort.ascd.msk.f32 $0xffff, v49, v52;
	v27, v26, _ =	vpop (xrf1)  }
0x61d: {  	(xrf1) =	vsort.ascd.msk.f32 $0xffff, v25, v24;
	vm7 =	vle.f32 v33, v50;
	vm8 =	vle.f32 v35, v27  }
0x61e: {  	(xrf1) =	vsort.dscd.msk.f32 $0xffff, v29, v28;
	v24 =	vsel vm7, v33, v50;
	v25 =	vsel vm8, v35, v27  }
0x61f: {  	v28 =	vsel vm7, v32, v51;
	v29 =	vsel vm8, v34, v26;
	vm2 =	vle.f32 v24, v25  }
0x620: {  	(xrf1) =	vsort.dscd.msk.f32 $0xffff, v47, v48;
	v30 =	vsel vm2, v24, v25;
	v31 =	vsel vm2, v28, v29  }
0x621: {  	(xrf1) =	vsort.ascd.msk.f32 $0xffff, v30, v31;
	_ =	sdelay $0x9  }
0x622: {  	v30, v31, _ =	vpop (xrf1)  }
0x623: {  	v36, v37, _ =	vpop (xrf1)  }
0x624: {  	v38, v41, _ =	vpop (xrf1)  }
0x625: {  	v33 =	vsel vm7, v50, v33;
	v27 =	vsel vm8, v27, v35;
	v42, v43, _ =	vpop (xrf1)  }
0x626: {  	v32 =	vsel vm7, v51, v32;
	v26 =	vsel vm8, v26, v34;
	vm9 =	vle.f32 v33, v27;
	_, v44, _ =	vpop (xrf1)  }
0x627: {  	v54 =	vsel vm9, v33, v27;
	v39 =	vsel vm9, v32, v26;
	v53 =	vmul.u32 $0x41, v44  }
0x628: {  	s30 =	simm.s32 $0x0;
	v24 =	vsel vm2, v25, v24;
	v25 =	vsel vm2, v29, v28;
	(xrf1) =	vsort.ascd.msk.f32 $0xffff, v54, v39  }
0x629: {  	(xrf1) =	vsort.ascd.msk.f32 $0xffff, v24, v25;
	v35 =	vadd.s32 s30, v53;
	_ =	sdelay $0x4  }
0x62a: {  	v24 =	vld.idx.msk [tilespmem:v35+s21+$0x0], $0xffff;
	_ =	sdelay $0x2  }
0x62b: {  	s31 =	simm.s32 $0x2  }
0x62c: {  	v28 =	vadd.s32 s31, v10;
	v25 =	vshll.u32 v44, $0x6  }
0x62d: {  	v24 =	vadd.s32 v25, v24;
	v25 =	vadd.s32 s31, v11;
	_ =	sdelay $0x1  }
0x62e: {  	v29 =	vadd.s32 s31, v9  }
0x62f: {  	v55 =	vadd.s32 s31, v1;
	_, v56, _ =	vpop (xrf1)  }
0x630: {  	v57 =	vmov s30;
	v28 =	vld.idx.msk [tilespmem:v28+s20+$0x0], $0xffff;
	_, v58, _ =	vpop (xrf1)  }
0x631: {  	v39 =	vand.u32 $0x3F, v57;
	v59 =	vmul.u32 $0x41, v58;
	v25 =	vld.idx.msk [tilespmem:v25+s20+$0x0], $0xffff  }
0x632: {  	v45 =	vadd.s32 v12, v39;
	v24 =	vld.idx.msk [tilespmem:v24+s18+$0x0], $0xffff  }
0x633: {  	v29 =	vld.idx.msk [tilespmem:v29+s20+$0x0], $0xffff;
	v60 =	vadd.s32 s30, v59  }
0x634: {  	v61 =	vld.idx.msk [tilespmem:v55+s20+$0x0], $0xffff;
	v27 =	vsel vm9, v27, v33;
	v26 =	vsel vm9, v26, v32  }
0x635: {  	(xrf1) =	vsort.ascd.msk.f32 $0xffff, v27, v26  }
0x636: {  	(xrf1) =	vsort.dscd.msk.f32 $0xffff, v25, v4  }
0x637: {  	[tilespmem:v45+s24+$0x0] =	vst.idx.msk $0xffff, v24;
	(xrf1) =	vsort.ascd.msk.f32 $0xffff, v28, v3  }
0x638: {  	v24 =	vld.idx.msk [tilespmem:v60+s21+$0x0], $0xffff;
	(xrf1) =	vsort.dscd.msk.f32 $0xffff, v29, v2  }
0x639: {  	(xrf1) =	vsort.ascd.msk.f32 $0xffff, v61, v0;
	_ =	sdelay $0x2  }
0x63a: {  	v25 =	vshll.u32 v58, $0x6  }
0x63b: {  	v24 =	vadd.s32 v25, v24;
	_ =	sdelay $0x3  }
0x63c: {  	v25 =	vmul.u32 $0x41, v56  }
0x63d: {  	v26 =	vadd.s32 v13, v39;
	v24 =	vld.idx.msk [tilespmem:v24+s18+$0x0], $0xffff  }
0x63e: {  	_, v28, _ =	vpop (xrf1);
	v25 =	vadd.s32 s30, v25  }
0x63f: {  	v27, v29, _ =	vpop (xrf1)  }
0x640: {  	v62, v63, _ =	vpop (xrf1)  }
0x641: {  	v48, v49, _ =	vpop (xrf1)  }
0x642: {  	[tilespmem:v26+s24+$0x0] =	vst.idx.msk $0xffff, v24;
	v50, v51, _ =	vpop (xrf1)  }
0x643: {  	v57 =	vadd.s32 v14, v39;
	vm13 =	vle.f32 v36, v42;
	v24 =	vld.idx.msk [tilespmem:v25+s21+$0x0], $0xffff;
	vm10 =	vle.f32 v50, v48  }
0x644: {  	vm11 =	vle.f32 v62, v27;
	v25 =	vsel vm10, v50, v48;
	v26 =	vsel vm10, v51, v49  }
0x645: {  	v34 =	vsel vm10, v48, v50;
	v40 =	vsel vm10, v49, v51;
	(xrf1) =	vsort.ascd.msk.f32 $0xffff, v25, v26  }
0x646: {  	v25 =	vsel vm11, v27, v62;
	v26 =	vsel vm11, v29, v63;
	(xrf1) =	vsort.ascd.msk.f32 $0xffff, v34, v40  }
0x647: {  	vm12 =	vle.f32 v30, v38;
	v52 =	vsel vm13, v42, v36;
	(xrf1) =	vsort.dscd.msk.f32 $0xffff, v25, v26;
	v25 =	vshll.u32 v56, $0x6  }
0x648: {  	v27 =	vsel vm11, v62, v27;
	v29 =	vsel vm11, v63, v29;
	v24 =	vadd.s32 v25, v24  }
0x649: {  	v53 =	vsel vm13, v43, v37;
	v26 =	vsel vm12, v31, v41;
	v56 =	vmul.u32 $0x41, v28;
	(xrf1) =	vsort.dscd.msk.f32 $0xffff, v27, v29  }
0x64a: {  	v25 =	vsel vm12, v30, v38;
	v27 =	vsel vm12, v38, v30;
	v30 =	vsel vm13, v36, v42  }
0x64b: {  	v29 =	vsel vm12, v41, v31;
	v31 =	vsel vm13, v37, v43;
	vm14 =	vle.f32 v25, v30  }
0x64c: {  	vm15 =	vle.f32 v27, v52;
	v54 =	vsel vm14, v25, v30;
	v55 =	vsel vm14, v26, v31  }
0x64d: {  	v36 =	vsel vm15, v27, v52;
	v37 =	vsel vm15, v29, v53;
	(xrf1) =	vsort.ascd.msk.f32 $0xffff, v54, v55;
	v24 =	vld.idx.msk [tilespmem:v24+s18+$0x0], $0xffff  }
0x64e: {  	v25 =	vsel vm14, v30, v25;
	v30 =	vadd.s32 s30, v56;
	(xrf1) =	vsort.ascd.msk.f32 $0xffff, v36, v37  }
0x64f: {  	v26 =	vsel vm14, v31, v26  }
0x650: {  	v27 =	vsel vm15, v52, v27;
	v29 =	vsel vm15, v53, v29;
	(xrf1) =	vsort.ascd.msk.f32 $0xffff, v25, v26  }
0x651: {  	(xrf1) =	vsort.ascd.msk.f32 $0xffff, v27, v29  }
0x652: {  	[tilespmem:v57+s24+$0x0] =	vst.idx.msk $0xffff, v24  }
0x653: {  	v58 =	vld.idx.msk [tilespmem:v30+s21+$0x0], $0xffff;
	_ =	sdelay $0x3  }
0x654: {  	v59 =	vshll.u32 v28, $0x6;
	v27, v26, _ =	vpop (xrf1)  }
0x655: {  	v25, v24, _ =	vpop (xrf1);
	v32 =	vadd.s32 v59, v58  }
0x656: {  	v31, v30, _ =	vpop (xrf1)  }
0x657: {  	v29, v28, _ =	vpop (xrf1)  }
0x658: {  	_, v37, _ =	vpop (xrf1)  }
0x659: {  	v60 =	vmul.u32 $0x41, v37;
	_, v61, _ =	vpop (xrf1)  }
0x65a: {  	s3 =	simm.s32 $0x1;
	v39 =	vadd.s32 v15, v39;
	v62 =	vmul.u32 $0x41, v61;
	v40 =	vld.idx.msk [tilespmem:v32+s18+$0x0], $0xffff  }
0x65b: {  	v63 =	vmov s3;
	v34 =	vshll.u32 v61, $0x6;
	_, v36, _ =	vpop (xrf1);
	v41 =	vadd.s32 s3, v60  }
0x65c: {  	s1 =	simm.s32 $0x4;
	s0 =	simm.s32 $0x3;
	v38 =	vmul.u32 $0x41, v36;
	_, v33, _ =	vpop (xrf1);
	v32 =	vand.u32 $0x3F, v63;
	v35 =	vadd.s32 s3, v62  }
.LBB2_22:
0x65d: {  	_ = 	snop  }
0x65e: {  	p0 =	sne.s32 s1, $0x3F;
	s4 =	smov.u32 s1;
	s1 =	sadd.s32 $0x1, s1  }
0x65f: {  	[tilespmem:v39+s24+$0x0] =	vst.idx.msk $0xffff, v40  }
0x660: {  	v39 =	vld.idx.msk [tilespmem:v41+s21+$0x0], $0xffff;
	_ =	sdelay $0x3  }
0x661: {  	v37 =	vshll.u32 v37, $0x6;
	_ =	sdelay $0x1  }
0x662: {  	v37 =	vadd.s32 v37, v39  }
0x663: {  	v39 =	vadd.s32 s0, v11  }
0x664: {  	v40 =	vadd.s32 s0, v10  }
0x665: {  	v41 =	vadd.s32 s0, v9  }
0x666: {  	v42 =	vadd.s32 s0, v1;
	s0 =	smov.u32 s4  }
0x667: {  	v43 =	vadd.s32 v12, v32;
	v37 =	vld.idx.msk [tilespmem:v37+s18+$0x0], $0xffff  }
0x668: {  	v38 =	vadd.s32 s3, v38;
	v39 =	vld.idx.msk [tilespmem:v39+s20+$0x0], $0xffff  }
0x669: {  	v40 =	vld.idx.msk [tilespmem:v40+s20+$0x0], $0xffff  }
0x66a: {  	v41 =	vld.idx.msk [tilespmem:v41+s20+$0x0], $0xffff  }
0x66b: {  	v42 =	vld.idx.msk [tilespmem:v42+s20+$0x0], $0xffff;
	_ =	sdelay $0x1  }
0x66c: {  	[tilespmem:v43+s24+$0x0] =	vst.idx.msk $0xffff, v37  }
0x66d: {  	v37 =	vld.idx.msk [tilespmem:v38+s21+$0x0], $0xffff;
	(xrf1) =	vsort.dscd.msk.f32 $0xffff, v39, v4  }
0x66e: {  	(xrf1) =	vsort.ascd.msk.f32 $0xffff, v40, v3  }
0x66f: {  	(xrf1) =	vsort.dscd.msk.f32 $0xffff, v41, v2  }
0x670: {  	(xrf1) =	vsort.ascd.msk.f32 $0xffff, v42, v0  }
0x671: {  	v36 =	vshll.u32 v36, $0x6;
	_ =	sdelay $0x1  }
0x672: {  	v36 =	vadd.s32 v36, v37;
	_ =	sdelay $0x4  }
0x673: {  	v37 =	vadd.s32 v13, v32;
	v36 =	vld.idx.msk [tilespmem:v36+s18+$0x0], $0xffff;
	_ =	sdelay $0x2  }
0x674: {  	v39, v38, _ =	vpop (xrf1)  }
0x675: {  	v41, v40, _ =	vpop (xrf1)  }
0x676: {  	v43, v42, _ =	vpop (xrf1)  }
0x677: {  	vm0 =	vle.f32 v41, v39;
	[tilespmem:v37+s24+$0x0] =	vst.idx.msk $0xffff, v36;
	v37, v36, _ =	vpop (xrf1)  }
0x678: {  	v44 =	vsel vm0, v41, v39;
	v45 =	vsel vm0, v40, v38;
	vm1 =	vle.f32 v37, v43;
	v35 =	vld.idx.msk [tilespmem:v35+s21+$0x0], $0xffff  }
0x679: {  	v46 =	vsel vm1, v37, v43;
	v47 =	vsel vm1, v36, v42;
	v37 =	vsel vm1, v43, v37  }
0x67a: {  	v39 =	vsel vm0, v39, v41;
	v36 =	vsel vm1, v42, v36;
	(xrf1) =	vsort.ascd.msk.f32 $0xffff, v46, v47  }
0x67b: {  	v38 =	vsel vm0, v38, v40;
	(xrf1) =	vsort.ascd.msk.f32 $0xffff, v37, v36  }
0x67c: {  	(xrf1) =	vsort.dscd.msk.f32 $0xffff, v39, v38  }
0x67d: {  	(xrf1) =	vsort.dscd.msk.f32 $0xffff, v44, v45  }
0x67e: {  	v34 =	vadd.s32 v34, v35  }
0x67f: {  	v35 =	vmul.u32 $0x41, v33  }
0x680: {  	v36 =	vadd.s32 v14, v32  }
0x681: {  	vm0 =	vle.f32 v27, v31;
	vm1 =	vle.f32 v25, v29;
	v35 =	vadd.s32 s3, v35  }
0x682: {  	v37 =	vsel vm0, v27, v31;
	v27 =	vsel vm0, v31, v27;
	v38 =	vsel vm0, v26, v30  }
0x683: {  	v31 =	vsel vm1, v24, v28;
	v26 =	vsel vm0, v30, v26;
	v30 =	vsel vm1, v25, v29;
	v34 =	vld.idx.msk [tilespmem:v34+s18+$0x0], $0xffff  }
0x684: {  	v24 =	vsel vm1, v28, v24;
	v25 =	vsel vm1, v29, v25;
	vm0 =	vle.f32 v37, v30  }
0x685: {  	vm1 =	vle.f32 v27, v25;
	v28 =	vsel vm0, v37, v30;
	v29 =	vsel vm0, v38, v31  }
0x686: {  	v39 =	vsel vm1, v27, v25;
	v40 =	vsel vm1, v26, v24;
	(xrf1) =	vsort.ascd.msk.f32 $0xffff, v28, v29  }
0x687: {  	v28 =	vsel vm0, v30, v37;
	v29 =	vsel vm0, v31, v38;
	(xrf1) =	vsort.ascd.msk.f32 $0xffff, v39, v40  }
0x688: {  	v38 =	vsel vm1, v25, v27;
	v37 =	vsel vm1, v24, v26;
	v27, v26, _ =	vpop (xrf1);
	(xrf1) =	vsort.ascd.msk.f32 $0xffff, v28, v29  }
0x689: {  	v25, v24, _ =	vpop (xrf1);
	(xrf1) =	vsort.ascd.msk.f32 $0xffff, v38, v37;
	[tilespmem:v36+s24+$0x0] =	vst.idx.msk $0xffff, v34  }
0x68a: {  	v31, v30, _ =	vpop (xrf1);
	v34 =	vld.idx.msk [tilespmem:v35+s21+$0x0], $0xffff  }
0x68b: {  	v29, v28, _ =	vpop (xrf1);
	_ =	sdelay $0x2  }
0x68c: {  	v33 =	vshll.u32 v33, $0x6;
	_ =	sdelay $0x1  }
0x68d: {  	v33 =	vadd.s32 v33, v34;
	_ =	sdelay $0x3  }
.Ltmp10:
0x68e: {  	_, v37, _ =	vpop (xrf1);
	(pc) =	sbr.rel @p0 .LBB2_22-.Ltmp10, $4  }
0x68f: {  	s3 =	sadd.s32 $0xFFFFFFFE, s0;
	v39 =	vadd.s32 v15, v32;
	v35 =	vmul.u32 $0x41, v37;
	_, v34, _ =	vpop (xrf1);
	v40 =	vld.idx.msk [tilespmem:v33+s18+$0x0], $0xffff  }
0x690: {  	v32 =	vmov s3;
	v42 =	vmul.u32 $0x41, v34;
	v34 =	vshll.u32 v34, $0x6;
	_, v36, _ =	vpop (xrf1)  }
0x691: {  	v32 =	vand.u32 $0x3F, v32;
	v41 =	vadd.s32 s3, v35;
	v38 =	vmul.u32 $0x41, v36;
	_, v33, _ =	vpop (xrf1)  }
0x692: {  	v35 =	vadd.s32 s3, v42  }
0x693: {  	_ =	sdelay $0x3  }
0x694: {  	[tilespmem:v39+s24+$0x0] =	vst.idx.msk $0xffff, v40  }
0x695: {  	v39 =	vld.idx.msk [tilespmem:v41+s21+$0x0], $0xffff;
	_ =	sdelay $0x3  }
0x696: {  	v37 =	vshll.u32 v37, $0x6  }
0x697: {  	v37 =	vadd.s32 v37, v39;
	_ =	sdelay $0x1  }
0x698: {  	v45 =	vadd.s32 s0, v10  }
0x699: {  	v46 =	vadd.s32 s0, v9  }
0x69a: {  	v42 =	vadd.s32 s0, v1  }
0x69b: {  	v63 =	vadd.s32 s0, v11;
	v12 =	vadd.s32 v12, v32;
	v37 =	vld.idx.msk [tilespmem:v37+s18+$0x0], $0xffff  }
0x69c: {  	v38 =	vadd.s32 s3, v38  }
0x69d: {  	v40 =	vld.idx.msk [tilespmem:v45+s20+$0x0], $0xffff  }
0x69e: {  	v41 =	vld.idx.msk [tilespmem:v46+s20+$0x0], $0xffff  }
0x69f: {  	v42 =	vld.idx.msk [tilespmem:v42+s20+$0x0], $0xffff  }
0x6a0: {  	v39 =	vld.idx.msk [tilespmem:v63+s20+$0x0], $0xffff;
	[tilespmem:v12+s24+$0x0] =	vst.idx.msk $0xffff, v37  }
0x6a1: {  	v12 =	vld.idx.msk [tilespmem:v38+s21+$0x0], $0xffff;
	_ =	sdelay $0x3  }
0x6a2: {  	v36 =	vshll.u32 v36, $0x6  }
0x6a3: {  	v12 =	vadd.s32 v36, v12;
	_ =	sdelay $0x4  }
0x6a4: {  	v13 =	vadd.s32 v13, v32;
	v12 =	vld.idx.msk [tilespmem:v12+s18+$0x0], $0xffff;
	_ =	sdelay $0x4  }
0x6a5: {  	[tilespmem:v13+s24+$0x0] =	vst.idx.msk $0xffff, v12  }
0x6a6: {  	v12 =	vld.idx.msk [tilespmem:v35+s21+$0x0], $0xffff;
	_ =	sdelay $0x4  }
0x6a7: {  	vm1 =	vle.f32 v27, v31;
	v12 =	vadd.s32 v34, v12  }
0x6a8: {  	vm0 =	vle.f32 v25, v29;
	v47 =	vsel vm1, v27, v31;
	(xrf1) =	vsort.dscd.msk.f32 $0xffff, v39, v4  }
0x6a9: {  	v48 =	vsel vm0, v25, v29;
	v49 =	vsel vm1, v26, v30;
	(xrf1) =	vsort.ascd.msk.f32 $0xffff, v40, v3  }
0x6aa: {  	v50 =	vsel vm0, v24, v28;
	vm2 =	vle.f32 v47, v48;
	(xrf1) =	vsort.dscd.msk.f32 $0xffff, v41, v2  }
0x6ab: {  	v51 =	vmul.u32 $0x41, v33;
	v52 =	vsel vm2, v47, v48;
	v53 =	vsel vm2, v49, v50;
	(xrf1) =	vsort.ascd.msk.f32 $0xffff, v42, v0  }
0x6ac: {  	v14 =	vadd.s32 v14, v32;
	(xrf1) =	vsort.ascd.msk.f32 $0xffff, v52, v53;
	v12 =	vld.idx.msk [tilespmem:v12+s18+$0x0], $0xffff  }
0x6ad: {  	v37 =	vadd.s32 s3, v51;
	_ =	sdelay $0x3  }
0x6ae: {  	[tilespmem:v14+s24+$0x0] =	vst.idx.msk $0xffff, v12  }
0x6af: {  	v12 =	vld.idx.msk [tilespmem:v37+s21+$0x0], $0xffff;
	_ =	sdelay $0x3  }
0x6b0: {  	v54 =	vshll.u32 v33, $0x6;
	v14, v37, _ =	vpop (xrf1)  }
0x6b1: {  	v38, v39, _ =	vpop (xrf1);
	v12 =	vadd.s32 v54, v12  }
0x6b2: {  	v56, v55, _ =	vpop (xrf1)  }
0x6b3: {  	v57, v42, _ =	vpop (xrf1)  }
0x6b4: {  	_, v43, _ =	vpop (xrf1)  }
0x6b5: {  	v58 =	vsel vm2, v50, v49;
	v13 =	vsel vm2, v48, v47;
	v59 =	vmul.u32 $0x41, v43  }
0x6b6: {  	v60 =	vadd.s32 v15, v32;
	(xrf1) =	vsort.ascd.msk.f32 $0xffff, v13, v58;
	v12 =	vld.idx.msk [tilespmem:v12+s18+$0x0], $0xffff  }
0x6b7: {  	v61 =	vadd.s32 $0x3E, v59;
	_ =	sdelay $0x3  }
0x6b8: {  	[tilespmem:v60+s24+$0x0] =	vst.idx.msk $0xffff, v12  }
0x6b9: {  	v12 =	vld.idx.msk [tilespmem:v61+s21+$0x0], $0xffff;
	_ =	sdelay $0x3  }
0x6ba: {  	v62 =	vshll.u32 v43, $0x6  }
0x6bb: {  	v12 =	vadd.s32 v62, v12;
	_ =	sdelay $0x1  }
0x6bc: {  	v36 =	vsel vm0, v29, v25;
	v34 =	vsel vm1, v31, v27  }
0x6bd: {  	v35 =	vsel vm1, v30, v26;
	vm9 =	vle.f32 v34, v36;
	_, v63, _ =	vpop (xrf1);
	v43 =	vsel vm0, v28, v24  }
0x6be: {  	v44 =	vsel vm9, v34, v36;
	v32 =	vmul.u32 $0x41, v63;
	v45 =	vsel vm9, v35, v43  }
0x6bf: {  	(xrf1) =	vsort.ascd.msk.f32 $0xffff, v44, v45;
	v12 =	vld.idx.msk [tilespmem:v12+s18+$0x0], $0xffff  }
0x6c0: {  	v15 =	vadd.s32 $0x3E, v32;
	_ =	sdelay $0x2  }
0x6c1: {  	s0 =	simm.s32 $0x7280  }
0x6c2: {  	[tilespmem:v16+s0+$0x0] =	vst.idx.msk $0xffff, v12  }
0x6c3: {  	v12 =	vld.idx.msk [tilespmem:v15+s21+$0x0], $0xffff  }
0x6c4: {  	v46 =	vsel vm9, v36, v34;
	vm11 =	vle.f32 v38, v14  }
0x6c5: {  	v52 =	vsel vm11, v14, v38;
	vm10 =	vle.f32 v57, v56;
	v47 =	vsel vm9, v43, v35  }
0x6c6: {  	v48 =	vsel vm10, v57, v56;
	v49 =	vsel vm10, v42, v55;
	(xrf1) =	vsort.ascd.msk.f32 $0xffff, v46, v47  }
0x6c7: {  	v50 =	vsel vm10, v56, v57;
	v51 =	vsel vm10, v55, v42;
	v13 =	vshll.u32 v63, $0x6;
	(xrf1) =	vsort.ascd.msk.f32 $0xffff, v48, v49  }
0x6c8: {  	v53 =	vsel vm11, v37, v39;
	(xrf1) =	vsort.ascd.msk.f32 $0xffff, v50, v51;
	v12 =	vadd.s32 v13, v12  }
0x6c9: {  	v14 =	vsel vm11, v38, v14;
	v54 =	vsel vm11, v39, v37;
	(xrf1) =	vsort.dscd.msk.f32 $0xffff, v52, v53  }
0x6ca: {  	(xrf1) =	vsort.dscd.msk.f32 $0xffff, v14, v54  }
0x6cb: {  	_, v55, _ =	vpop (xrf1)  }
0x6cc: {  	v56 =	vmul.u32 $0x41, v55  }
0x6cd: {  	v12 =	vld.idx.msk [tilespmem:v12+s18+$0x0], $0xffff  }
0x6ce: {  	v14 =	vadd.s32 $0x3E, v56;
	_ =	sdelay $0x3  }
0x6cf: {  	[tilespmem:v17+s0+$0x0] =	vst.idx.msk $0xffff, v12  }
0x6d0: {  	v12 =	vld.idx.msk [tilespmem:v14+s21+$0x0], $0xffff  }
0x6d1: {  	_, v57, _ =	vpop (xrf1)  }
0x6d2: {  	v58, v59, _ =	vpop (xrf1)  }
0x6d3: {  	v60, v24, _ =	vpop (xrf1)  }
0x6d4: {  	v61, v62, _ =	vpop (xrf1);
	v13 =	vshll.u32 v55, $0x6  }
0x6d5: {  	v36, v63, _ =	vpop (xrf1);
	v12 =	vadd.s32 v13, v12  }
0x6d6: {  	vm12 =	vle.f32 v58, v61;
	vm13 =	vle.f32 v60, v36  }
0x6d7: {  	v37 =	vsel vm12, v58, v61;
	v38 =	vsel vm13, v60, v36  }
0x6d8: {  	v39 =	vsel vm12, v59, v62;
	v40 =	vsel vm13, v24, v63;
	vm14 =	vle.f32 v37, v38  }
0x6d9: {  	v41 =	vmul.u32 $0x41, v57;
	v42 =	vsel vm14, v37, v38;
	v43 =	vsel vm14, v39, v40  }
0x6da: {  	(xrf1) =	vsort.ascd.msk.f32 $0xffff, v42, v43;
	v12 =	vld.idx.msk [tilespmem:v12+s18+$0x0], $0xffff  }
0x6db: {  	v32 =	vadd.s32 $0x3E, v41;
	_ =	sdelay $0x3  }
0x6dc: {  	[tilespmem:v18+s0+$0x0] =	vst.idx.msk $0xffff, v12  }
0x6dd: {  	v12 =	vld.idx.msk [tilespmem:v32+s21+$0x0], $0xffff;
	_ =	sdelay $0x3  }
0x6de: {  	v14 =	vshll.u32 v57, $0x6  }
0x6df: {  	v12 =	vadd.s32 v14, v12;
	_ =	sdelay $0x2  }
0x6e0: {  	_, v44, _ =	vpop (xrf1)  }
0x6e1: {  	v45 =	vsel vm14, v38, v37;
	v46 =	vsel vm14, v40, v39;
	v47 =	vmul.u32 $0x41, v44  }
0x6e2: {  	(xrf1) =	vsort.ascd.msk.f32 $0xffff, v45, v46;
	v12 =	vld.idx.msk [tilespmem:v12+s18+$0x0], $0xffff  }
0x6e3: {  	v48 =	vadd.s32 $0x3F, v47;
	_ =	sdelay $0x3  }
0x6e4: {  	[tilespmem:v19+s0+$0x0] =	vst.idx.msk $0xffff, v12  }
0x6e5: {  	v12 =	vld.idx.msk [tilespmem:v48+s21+$0x0], $0xffff;
	_ =	sdelay $0x3  }
0x6e6: {  	v14 =	vshll.u32 v44, $0x6  }
0x6e7: {  	v12 =	vadd.s32 v14, v12;
	_ =	sdelay $0x1  }
0x6e8: {  	v49 =	vsel vm12, v61, v58;
	v13 =	vsel vm13, v36, v60  }
0x6e9: {  	v50 =	vsel vm12, v62, v59;
	v51 =	vsel vm13, v63, v24;
	vm15 =	vle.f32 v49, v13;
	_, v52, _ =	vpop (xrf1)  }
0x6ea: {  	v53 =	vsel vm15, v49, v13;
	v54 =	vsel vm15, v50, v51;
	v55 =	vmul.u32 $0x41, v52  }
0x6eb: {  	(xrf1) =	vsort.ascd.msk.f32 $0xffff, v53, v54;
	v12 =	vld.idx.msk [tilespmem:v12+s18+$0x0], $0xffff  }
0x6ec: {  	v56 =	vadd.s32 $0x3F, v55;
	_ =	sdelay $0x3  }
0x6ed: {  	[tilespmem:v20+s0+$0x0] =	vst.idx.msk $0xffff, v12  }
0x6ee: {  	v12 =	vld.idx.msk [tilespmem:v56+s21+$0x0], $0xffff;
	_ =	sdelay $0x3  }
0x6ef: {  	v17 =	vshll.u32 v52, $0x6  }
0x6f0: {  	v12 =	vadd.s32 v17, v12;
	_ =	sdelay $0x2  }
0x6f1: {  	_, v57, _ =	vpop (xrf1)  }
0x6f2: {  	v13 =	vsel vm15, v13, v49;
	v58 =	vsel vm15, v51, v50;
	v59 =	vmul.u32 $0x41, v57  }
0x6f3: {  	(xrf1) =	vsort.ascd.msk.f32 $0xffff, v13, v58;
	v12 =	vld.idx.msk [tilespmem:v12+s18+$0x0], $0xffff  }
0x6f4: {  	v60 =	vadd.s32 $0x3F, v59;
	_ =	sdelay $0x3  }
0x6f5: {  	[tilespmem:v21+s0+$0x0] =	vst.idx.msk $0xffff, v12  }
0x6f6: {  	v12 =	vld.idx.msk [tilespmem:v60+s21+$0x0], $0xffff;
	_ =	sdelay $0x3  }
0x6f7: {  	v61 =	vshll.u32 v57, $0x6  }
0x6f8: {  	v12 =	vadd.s32 v61, v12;
	_ =	sdelay $0x2  }
0x6f9: {  	_, v62, _ =	vpop (xrf1)  }
0x6fa: {  	v63 =	vmul.u32 $0x41, v62  }
0x6fb: {  	v12 =	vld.idx.msk [tilespmem:v12+s18+$0x0], $0xffff  }
0x6fc: {  	v14 =	vadd.s32 $0x3F, v63;
	_ =	sdelay $0x3  }
0x6fd: {  	[tilespmem:v22+s0+$0x0] =	vst.idx.msk $0xffff, v12  }
0x6fe: {  	v12 =	vld.idx.msk [tilespmem:v14+s21+$0x0], $0xffff;
	_ =	sdelay $0x3  }
0x6ff: {  	v13 =	vshll.u32 v62, $0x6  }
0x700: {  	v12 =	vadd.s32 v13, v12;
	_ =	sdelay $0x4  }
0x701: {  	v12 =	vld.idx.msk [tilespmem:v12+s18+$0x0], $0xffff;
	_ =	sdelay $0x4  }
0x702: {  	s1 =	simm.s32 $0x8;
	s4 =	sadd.s32 $0x0, s14;
	s3 =	simm.s32 $0x72C8;
	[tilespmem:v23+s0+$0x0] =	vst.idx.msk $0xffff, v12  }
.LBB2_24:
0x703: {  	[hbm4b:s4+s2] =	stream.linear.scatter [tilespmem:s0], [sflag:$0x4], $0x40, $0x38;
	[tilespmem:$0x8480] =	vst v63  }
0x704: {  	s4 =	smov.u32 s1;
	s0 =	smov.u32 s3;
	p0 =	sne.s32 s1, $0x1F8  }
.Ltmp11:
0x705: {  	s1 =	sadd.s32 $0x8, s1;
	(pc) =	sbr.rel @p0 .LBB2_24-.Ltmp11, $2  }
0x706: {  	_ =	sdelay $0x2  }
0x707: {  	s3 =	sadd.s32 $0x48, s3;
	s4 =	sadd.s32 s4, s14  }
0x708: {  	[hbm4b:s4+s2] =	stream.linear.scatter [tilespmem:s0], [sflag:$0x4], $0x40, $0x38;
	[tilespmem:$0x8480] =	vst v63  }
0x709: {  	_ =	swait.ge [sflag:s25], $0x1000  }
0x70a: {  	[sflag:s25] =	ssyncset.done $0x0  }
0x70b: {  	[sflag:s25] =	ssyncadd.s32 $0xFFFFF000  }
0x70c: {  	_ =	swait.ge [sflag:s26], $0x1000  }
0x70d: {  	s28 =	sadd.s32 $0x1, s28;
	s31 =	rddreg [dreg:$0xb]  }
0x70e: {  	p0 =	sne.s32 s28, s31  }
.Ltmp12:
0x70f: {  	_ = 	snop;
	(pc) =	sbr.rel @p0 .LBB2_1-.Ltmp12, $3  }
0x710: {  	_ =	sdelay $0x1  }
0x711: {  	[sflag:s26] =	ssyncset.done $0x0  }
0x712: {  	[sflag:s26] =	ssyncadd.s32 $0xFFFFF000  }
0x713: {  	_ =	sfence.sel $0x180000  }
0x714: {  	[bflag:$0x0] =	sbarrier.arrive $0xFFFF  }
0x715: {  	_ =	strace $0x90000047  }
0x716: {  	s0 =	stileid.u32;
	[bflag:$0x2] =	sbarrier.arrive $0xFFFF  }
0x717: {  	p0 =	sne.s32 s0, $0x0;
	s0 =	rddreg [dreg:$0x2]  }
0x718: {  	s0 =	sadd.s32 @!p0 $0x100000, s0  }
0x719: {  	[sflag:s0] =	ssyncadd.tile.s32 @!p0 $0x1;
	_ =	shalt  }
.Lfunc_end2:
_tile_overlayer_lowered:
.L_overlay_start_2:
0x71a: {  	(tag) =	ssettag $0x2  }
0x71b: {  	s0 =	rddreg [dreg:$0x0];
	s2 =	stileid.u32  }
0x71c: {  	s1 =	rddreg [dreg:$0x1];
	p0 =	sne.s32 s2, $0x0  }
0x71d: {  	s3 =	rddreg [dreg:$0x2];
	[bflag:$0x3] =	sbarrier.arrive $0xFFFF;
	s2 =	simm.s32 @!p0 $0x1C05  }
0x71e: {  	[timem:s3], [sflag:s2] =	dma.local @!p0 [hbm:s0], s1  }
0x71f: {  	s0 =	simm.s32 @!p0 $0x5  }
0x720: {  	_ =	swait.ge @!p0 [sflag:s0], s1  }
0x721: {  	s1 =	ssub.s32 @!p0 $0x0, s1;
	[sflag:s0] =	ssyncset.done @!p0 $0x0  }
0x722: {  	[sflag:s0] =	ssyncadd.s32 @!p0 s1  }
0x723: {  	[bflag:$0x3] =	sbarrier.arrive $0xFFFF  }
0x724: {  	_ =	shalt  }

</sc_bundles>
